<compile_context>
chip_gen: v7x
topology: tpu7x:2x2x1
jax: 0.10.2.dev20260603
libtpu: 0.0.44.dev20260713+nightly
codegen_flags: <defaults>
</compile_context>

<pallas_src>
import functools

import jax
import jax.numpy as jnp
from jax import lax
from jax.experimental import pallas as pl
from jax.experimental.pallas import tpu as pltpu
from jax.experimental.pallas import tpu_sc as plsc

N = 10000
NPAD = 10240
DIN = 128
DHID = 256
NCLS = 40
EL = 288000
ER = 32000
NC = 2
NS = 16

CH = 48
SB = 24
ELP = NC * NS * 8 * SB * CH
ERP = NC * NS * 1 * SB * CH
LBH = ELP // (NS * SB * CH)
RBH = ERP // (NS * SB * CH)
PAD_DST = 10016


def _mesh():
    return plsc.VectorSubcoreMesh(core_axis_name="c", subcore_axis_name="s",
                                  num_cores=NC, num_subcores=NS)


def _newton_rsqrt(d):
    i = lax.bitcast_convert_type(d, jnp.int32)
    seed = jnp.full((16,), 0x5F3759DF, jnp.int32) - lax.shift_right_logical(i, 1)
    y = lax.bitcast_convert_type(seed, jnp.float32)
    for _ in range(3):
        y = y * (1.5 - 0.5 * d * y * y)
    return y


def _zero_fill(sbuf):
    def zf(r, _):
        for k in range(8):
            sbuf[r, pl.ds(16 * k, 16)] = jnp.zeros((16,), jnp.float32)
        return ()
    lax.fori_loop(0, 80, zf, ())


def _zero_acc(sid, sbuf, ag_sh):
    def zero(c, _):
        pltpu.sync_copy(sbuf, ag_sh.at[pl.ds(640 * sid + 80 * c, 80)])
        return ()
    lax.fori_loop(0, 8, zero, ())


def _edge_blocks(cid, sid, tab_h, ag_sh, ls_h, ld_h, rs_h, rd_h,
                 sidx, didx, idx1s, idx1d, rows, idx1s2, idx1d2, rows2,
                 sem, sem2):
    def blk(b, _):
        @pl.when(b < 8)
        def _():
            pltpu.sync_copy(ls_h.at[cid, sid, b], sidx)
            pltpu.sync_copy(ld_h.at[cid, sid, b], didx)

        @pl.when(b == 8)
        def _():
            pltpu.sync_copy(rs_h.at[cid, sid, 0], sidx)
            pltpu.sync_copy(rd_h.at[cid, sid, 0], didx)

        def body(j, _):
            i0 = 2 * j
            i1 = 2 * j + 1
            for k in range(CH // 16):
                idx1s[pl.ds(16 * k, 16)] = sidx[i0, pl.ds(16 * k, 16)]
                idx1d[pl.ds(16 * k, 16)] = didx[i0, pl.ds(16 * k, 16)]
                idx1s2[pl.ds(16 * k, 16)] = sidx[i1, pl.ds(16 * k, 16)]
                idx1d2[pl.ds(16 * k, 16)] = didx[i1, pl.ds(16 * k, 16)]
            d0 = pltpu.async_copy(tab_h.at[idx1s], rows, sem)
            d1 = pltpu.async_copy(tab_h.at[idx1s2], rows2, sem2)
            d0.wait()
            pltpu.sync_copy(rows, ag_sh.at[idx1d], add=True)
            d1.wait()
            pltpu.sync_copy(rows2, ag_sh.at[idx1d2], add=True)
            return ()
        lax.fori_loop(0, SB // 2, body, ())
        return ()

    lax.fori_loop(0, 9, blk, ())


def _write_out(cid, sid, ag_sh, sbuf, out_h):
    lim = jnp.minimum(640 * (sid + 1), N) - 640 * sid
    nch = lim // 80

    def wout(c, _):
        r0 = 640 * sid + 80 * c
        pltpu.sync_copy(ag_sh.at[pl.ds(r0, 80)], sbuf)
        pltpu.sync_copy(sbuf, out_h.at[cid, pl.ds(r0, 80)])
        return ()
    lax.fori_loop(0, nch, wout, ())


@functools.lru_cache(maxsize=None)
def _build_sc_layer1():
  return pl.kernel(
    _sc_layer1_body,
    out_type=(
        jax.ShapeDtypeStruct((N, DIN), jnp.float32),
        jax.ShapeDtypeStruct((NC, N, DIN), jnp.float32),
        jax.ShapeDtypeStruct((NPAD,), jnp.float32),
    ),
    mesh=_mesh(),
    compiler_params=pltpu.CompilerParams(needs_layout_passes=False),
    scratch_types=[
        pltpu.VMEM_SHARED((NPAD, DIN), jnp.float32),
        pltpu.VMEM_SHARED((NPAD,), jnp.float32),
        pltpu.VMEM_SHARED((NPAD,), jnp.float32),
        pltpu.VMEM((SB, CH), jnp.int32),
        pltpu.VMEM((SB, CH), jnp.int32),
        pltpu.VMEM((CH,), jnp.int32),
        pltpu.VMEM((CH,), jnp.int32),
        pltpu.VMEM((CH, DIN), jnp.float32),
        pltpu.VMEM((CH,), jnp.int32),
        pltpu.VMEM((CH,), jnp.int32),
        pltpu.VMEM((CH, DIN), jnp.float32),
        pltpu.SemaphoreType.DMA,
        pltpu.SemaphoreType.DMA,
        pltpu.VMEM((80, DIN), jnp.float32),
        pltpu.VMEM((16, DIN), jnp.float32),
        pltpu.VMEM((16, DIN), jnp.float32),
        pltpu.VMEM((640,), jnp.float32),
        pltpu.VMEM((640,), jnp.float32),
        pltpu.VMEM((16,), jnp.float32),
        pltpu.VMEM((CH,), jnp.float32),
    ],
  )


def _sc_layer1_body(x_h, ldh_h, rdh_h, ls_h, ld_h, rs_h, rd_h,
                    xs_h, t1_h, dinv_h,
                    ag_sh, deg_sh, dinv_sh,
                    sidx, didx, idx1s, idx1d, rows, idx1s2, idx1d2, rows2,
                    sem, sem2, sbuf, xbuf, xsbuf,
                    degb, dinb, dvb, ones):
    cid = lax.axis_index("c")
    sid = lax.axis_index("s")

    _zero_fill(sbuf)
    _zero_acc(sid, sbuf, ag_sh)

    for k in range(CH // 16):
        ones[pl.ds(16 * k, 16)] = jnp.full((16,), 1.0, jnp.float32)
    for k in range(40):
        degb[pl.ds(16 * k, 16)] = jnp.full((16,), 1.0, jnp.float32)
    pltpu.sync_copy(degb, deg_sh.at[pl.ds(640 * sid, 640)])
    plsc.subcore_barrier()

    def hist(idx4_h, nblk):
        def blk(b, _):
            pltpu.sync_copy(idx4_h.at[sid, b], didx)

            def body(i, _):
                for k in range(CH // 16):
                    idx1d[pl.ds(16 * k, 16)] = didx[i, pl.ds(16 * k, 16)]
                pltpu.sync_copy(ones, deg_sh.at[idx1d], add=True)
                return ()
            lax.fori_loop(0, SB, body, ())
            return ()
        lax.fori_loop(0, nblk, blk, ())

    hist(ldh_h, LBH)
    hist(rdh_h, RBH)
    plsc.subcore_barrier()

    pltpu.sync_copy(deg_sh.at[pl.ds(640 * sid, 640)], degb)
    for k in range(40):
        dinb[pl.ds(16 * k, 16)] = _newton_rsqrt(degb[pl.ds(16 * k, 16)])
    pltpu.sync_copy(dinb, dinv_sh.at[pl.ds(640 * sid, 640)])

    @pl.when(cid == 0)
    def _():
        pltpu.sync_copy(dinb, dinv_h.at[pl.ds(640 * sid, 640)])

    plsc.subcore_barrier()

    def b_body(i, _):
        g = sid + NS * i

        @pl.when(g < 625)
        def _():
            r0 = g * 16
            pltpu.sync_copy(x_h.at[pl.ds(r0, 16)], xbuf)
            pltpu.sync_copy(dinv_sh.at[pl.ds(r0, 16)], dvb)
            for j in range(16):
                dv = plsc.load_gather(dvb, [jnp.full((16,), j, jnp.int32)])
                for k in range(DIN // 16):
                    xsbuf[j, pl.ds(16 * k, 16)] = (
                        xbuf[j, pl.ds(16 * k, 16)] * dv)
            pltpu.sync_copy(xsbuf, xs_h.at[pl.ds(r0, 16)])
        return ()

    lax.fori_loop(0, 40, b_body, ())
    plsc.subcore_barrier()

    _edge_blocks(cid, sid, xs_h, ag_sh, ls_h, ld_h, rs_h, rd_h,
                 sidx, didx, idx1s, idx1d, rows, idx1s2, idx1d2, rows2,
                 sem, sem2)
    plsc.subcore_barrier()

    _write_out(cid, sid, ag_sh, sbuf, t1_h)


@functools.lru_cache(maxsize=None)
def _build_sc_layer2():
  return pl.kernel(
    _sc_layer2_body,
    out_type=jax.ShapeDtypeStruct((NC, N, DIN), jnp.float32),
    mesh=_mesh(),
    compiler_params=pltpu.CompilerParams(needs_layout_passes=False),
    scratch_types=[
        pltpu.VMEM_SHARED((NPAD, DIN), jnp.float32),
        pltpu.VMEM((SB, CH), jnp.int32),
        pltpu.VMEM((SB, CH), jnp.int32),
        pltpu.VMEM((CH,), jnp.int32),
        pltpu.VMEM((CH,), jnp.int32),
        pltpu.VMEM((CH, DIN), jnp.float32),
        pltpu.VMEM((CH,), jnp.int32),
        pltpu.VMEM((CH,), jnp.int32),
        pltpu.VMEM((CH, DIN), jnp.float32),
        pltpu.SemaphoreType.DMA,
        pltpu.SemaphoreType.DMA,
        pltpu.VMEM((80, DIN), jnp.float32),
    ],
  )


def _sc_layer2_body(xs2_h, ls_h, ld_h, rs_h, rd_h, t2_h,
                    ag_sh, sidx, didx, idx1s, idx1d, rows,
                    idx1s2, idx1d2, rows2, sem, sem2, sbuf):
    cid = lax.axis_index("c")
    sid = lax.axis_index("s")

    _zero_fill(sbuf)
    _zero_acc(sid, sbuf, ag_sh)
    plsc.subcore_barrier()

    _edge_blocks(cid, sid, xs2_h, ag_sh, ls_h, ld_h, rs_h, rd_h,
                 sidx, didx, idx1s, idx1d, rows, idx1s2, idx1d2, rows2,
                 sem, sem2)
    plsc.subcore_barrier()

    _write_out(cid, sid, ag_sh, sbuf, t2_h)


def _tc_mlp_body(ta_ref, tb_ref, x_ref, dv_ref, w1_ref, b1_ref, w2_ref, o_ref):
    dv = dv_ref[...]
    a = (ta_ref[...] + tb_ref[...] + dv * x_ref[...]) * dv
    h = jnp.dot(a, w1_ref[...], preferred_element_type=jnp.float32)
    h = jnp.maximum(h + b1_ref[...], 0.0)
    g = jnp.dot(h, w2_ref[...], preferred_element_type=jnp.float32)
    o_ref[...] = g * dv


def _tc_out_body(ta_ref, tb_ref, xs2_ref, dv_ref, b2_ref, o_ref):
    s = (ta_ref[...] + tb_ref[...] + xs2_ref[...])[:, :NCLS]
    o = s * dv_ref[...] + b2_ref[...]
    m = jnp.max(o, axis=1, keepdims=True)
    e = o - m
    o_ref[...] = e - jnp.log(jnp.sum(jnp.exp(e), axis=1, keepdims=True))


_BM = 2000


def _pad_edges(row, fill, total):
    return jnp.concatenate(
        [row, jnp.full((total - row.shape[0],), fill, jnp.int32)])


def kernel(x, local_edges_list, remote_edges_list, W1, b1, W2, b2):
    lsp = _pad_edges(local_edges_list[0], 0, ELP)
    ldp = _pad_edges(local_edges_list[1], PAD_DST, ELP)
    rsp = _pad_edges(remote_edges_list[0], 0, ERP)
    rdp = _pad_edges(remote_edges_list[1], PAD_DST, ERP)

    ls2 = lsp.reshape(NC, NS, 8, SB, CH)
    ld2 = ldp.reshape(NC, NS, 8, SB, CH)
    rs2 = rsp.reshape(NC, NS, 1, SB, CH)
    rd2 = rdp.reshape(NC, NS, 1, SB, CH)
    ldh = ldp.reshape(NS, LBH, SB, CH)
    rdh = rdp.reshape(NS, RBH, SB, CH)

    xs1, t1, dinv_pad = _build_sc_layer1()(x, ldh, rdh, ls2, ld2, rs2, rd2)
    dinv = dinv_pad[:N].reshape(N, 1)

    xs2 = pl.pallas_call(
        _tc_mlp_body,
        grid=(N // _BM,),
        in_specs=[
            pl.BlockSpec((_BM, DIN), lambda i: (i, 0)),
            pl.BlockSpec((_BM, DIN), lambda i: (i, 0)),
            pl.BlockSpec((_BM, DIN), lambda i: (i, 0)),
            pl.BlockSpec((_BM, 1), lambda i: (i, 0)),
            pl.BlockSpec((DIN, DHID), lambda i: (0, 0)),
            pl.BlockSpec((1, DHID), lambda i: (0, 0)),
            pl.BlockSpec((DHID, DIN), lambda i: (0, 0)),
        ],
        out_specs=pl.BlockSpec((_BM, DIN), lambda i: (i, 0)),
        out_shape=jax.ShapeDtypeStruct((N, DIN), jnp.float32),
    )(t1[0], t1[1], x, dinv, W1, b1.reshape(1, DHID),
      jnp.pad(W2, ((0, 0), (0, DIN - NCLS))))

    t2 = _build_sc_layer2()(xs2, ls2, ld2, rs2, rd2)

    out = pl.pallas_call(
        _tc_out_body,
        grid=(N // _BM,),
        in_specs=[
            pl.BlockSpec((_BM, DIN), lambda i: (i, 0)),
            pl.BlockSpec((_BM, DIN), lambda i: (i, 0)),
            pl.BlockSpec((_BM, DIN), lambda i: (i, 0)),
            pl.BlockSpec((_BM, 1), lambda i: (i, 0)),
            pl.BlockSpec((1, NCLS), lambda i: (0, 0)),
        ],
        out_specs=pl.BlockSpec((_BM, NCLS), lambda i: (i, 0)),
        out_shape=jax.ShapeDtypeStruct((N, NCLS), jnp.float32),
    )(t2[0], t2[1], xs2, dinv, b2.reshape(1, NCLS))
    return out

# --- scband reference (transcript-rebuilt; emitter-appended) ---
"""Pipeline reference for scband-dist-gcngrad-29575144800295 (READ-ONLY COPY).

The authoritative reference and input builder live on the scoring server;
editing this copy changes nothing except your own understanding.
"""

import jax, jax.numpy as jnp
import numpy as np

N_NODES = 10000
D_IN = 128
D_HID = 256
N_CLS = 40


def _gcn_conv(x, W, b, src, dst, n_nodes):
    # linear transform
    h = x @ W
    # degree with self loops (GCN symmetric normalization)
    deg = jnp.zeros((n_nodes,), dtype=x.dtype).at[dst].add(1.0) + 1.0
    dinv = jax.lax.rsqrt(deg)
    norm = dinv[src] * dinv[dst]
    msgs = h[src] * norm[:, None]
    agg = jnp.zeros_like(h).at[dst].add(msgs)
    # self-loop contribution: dinv[i]*dinv[i]*h[i]
    agg = agg + h * (dinv * dinv)[:, None]
    return agg + b


def setup_inputs(seed: int = 0) -> dict:
    key = jax.random.key(seed)
    k1, k2, k3, k4, k5, k6, k7 = jax.random.split(key, 7)
    x = jax.random.normal(k1, (N_NODES, D_IN), dtype=jnp.float32)
    local_edges_list = jax.random.randint(k2, (2, 288000), 0, N_NODES, dtype=jnp.int64 if jax.config.jax_enable_x64 else jnp.int32).astype(jnp.int32)
    remote_edges_list = jax.random.randint(k3, (2, 32000), 0, N_NODES, dtype=jnp.int32)
    W1 = jax.random.normal(k4, (D_IN, D_HID), dtype=jnp.float32) * (1.0 / np.sqrt(D_IN))
    b1 = jnp.zeros((D_HID,), dtype=jnp.float32)
    W2 = jax.random.normal(k5, (D_HID, N_CLS), dtype=jnp.float32) * (1.0 / np.sqrt(D_HID))
    b2 = jnp.zeros((N_CLS,), dtype=jnp.float32)
    return {
        'x': x,
        'local_edges_list': local_edges_list,
        'remote_edges_list': remote_edges_list,
        'W1': W1, 'b1': b1, 'W2': W2, 'b2': b2,
    }


def reference(x, local_edges_list, remote_edges_list, W1, b1, W2, b2):
    # combine local and remote (halo) edges into one edge set for this partition
    edges = jnp.concatenate([local_edges_list, remote_edges_list], axis=1)
    src, dst = edges[0], edges[1]
    h = _gcn_conv(x, W1, b1, src, dst, N_NODES)
    h = jax.nn.relu(h)
    # dropout is identity in eval mode
    out = _gcn_conv(h, W2, b2, src, dst, N_NODES)
    return jax.nn.log_softmax(out, axis=1)

if __name__ == "__main__":
    import jax
    _d = setup_inputs()
    print(jax.jit(kernel)(*tuple(_d.values())))

</pallas_src>

<mosaic_0001>
#map = affine_map<(d0, d1) -> (0, 0)>
#map1 = affine_map<(d0, d1) -> (0, 0, 0, 0)>
#map2 = affine_map<(d0, d1) -> (0, 0, 0, 0, 0)>
#map3 = affine_map<(d0, d1) -> (0, 0, 0)>
#map4 = affine_map<(d0, d1) -> (0)>
module attributes {stable_mosaic.version = 14 : i64} {
  func.func @_sc_layer1_body(%arg0: i32, %arg1: i32, %arg2: memref<10000x128xf32, #tpu.memory_space<hbm>>, %arg3: memref<16x16x24x48xi32, #tpu.memory_space<hbm>>, %arg4: memref<16x2x24x48xi32, #tpu.memory_space<hbm>>, %arg5: memref<2x16x8x24x48xi32, #tpu.memory_space<hbm>>, %arg6: memref<2x16x8x24x48xi32, #tpu.memory_space<hbm>>, %arg7: memref<2x16x1x24x48xi32, #tpu.memory_space<hbm>>, %arg8: memref<2x16x1x24x48xi32, #tpu.memory_space<hbm>>, %arg9: memref<10000x128xf32, #tpu.memory_space<hbm>>, %arg10: memref<2x10000x128xf32, #tpu.memory_space<hbm>>, %arg11: memref<10240xf32, #tpu.memory_space<hbm>>, %arg12: memref<10240x128xf32, #tpu.memory_space<vmem_shared>>, %arg13: memref<10240xf32, #tpu.memory_space<vmem_shared>>, %arg14: memref<10240xf32, #tpu.memory_space<vmem_shared>>, %arg15: memref<24x48xi32, #tpu.memory_space<vmem>>, %arg16: memref<24x48xi32, #tpu.memory_space<vmem>>, %arg17: memref<48xi32, #tpu.memory_space<vmem>>, %arg18: memref<48xi32, #tpu.memory_space<vmem>>, %arg19: memref<48x128xf32, #tpu.memory_space<vmem>>, %arg20: memref<48xi32, #tpu.memory_space<vmem>>, %arg21: memref<48xi32, #tpu.memory_space<vmem>>, %arg22: memref<48x128xf32, #tpu.memory_space<vmem>>, %arg23: memref<!tpu.dma_semaphore, #tpu.memory_space<semaphore_mem>>, %arg24: memref<!tpu.dma_semaphore, #tpu.memory_space<semaphore_mem>>, %arg25: memref<80x128xf32, #tpu.memory_space<vmem>>, %arg26: memref<16x128xf32, #tpu.memory_space<vmem>>, %arg27: memref<16x128xf32, #tpu.memory_space<vmem>>, %arg28: memref<640xf32, #tpu.memory_space<vmem>>, %arg29: memref<640xf32, #tpu.memory_space<vmem>>, %arg30: memref<16xf32, #tpu.memory_space<vmem>>, %arg31: memref<48xf32, #tpu.memory_space<vmem>>) attributes {dimension_semantics = [#tpu.dimension_semantics<core_parallel>, #tpu.dimension_semantics<subcore_parallel>], iteration_bounds = array<i64: 2, 16>, scalar_prefetch = 0 : i64, scratch_operands = 20 : i64, tpu.core_type = #tpu.core_type<sc_vector_subcore>, window_params = [{transform_indices = #map}, {transform_indices = #map1}, {transform_indices = #map1}, {transform_indices = #map2}, {transform_indices = #map2}, {transform_indices = #map2}, {transform_indices = #map2}, {transform_indices = #map}, {transform_indices = #map3}, {transform_indices = #map4}]} {
    %scan3A = arith.constant 0 : i32
    %scan3A_0 = arith.constant 80 : i32
    %scan3A_1 = arith.addi %scan3A, %scan3A_0 : i32
    %scan3A_2 = arith.constant 1 : i32
    scf.for %scan3A_1798 = %scan3A to %scan3A_1 step %scan3A_2  : i32 {
      %broadcast_in_dim3A_1799 = arith.constant 0.000000e+00 : f32
      %broadcast_in_dim3A_1800 = vector.broadcast %broadcast_in_dim3A_1799 : f32 to vector<16xf32>
      %swap3A_1801 = arith.index_cast %scan3A_1798 : i32 to index
      %swap3A_1802 = arith.constant 0 : index
      %swap3A_1803 = tpu.vector_load %arg25[%swap3A_1801, %swap3A_1802] {strides = array<i32>} : memref<80x128xf32, #tpu.memory_space<vmem>>, vector<16xf32>,
      tpu.vector_store %arg25[%swap3A_1801, %swap3A_1802], %broadcast_in_dim3A_1800 {strides = array<i32>} : memref<80x128xf32, #tpu.memory_space<vmem>>, vector<16xf32>,
      %broadcast_in_dim3A_1804 = arith.constant 0.000000e+00 : f32
      %broadcast_in_dim3A_1805 = vector.broadcast %broadcast_in_dim3A_1804 : f32 to vector<16xf32>
      %swap3A_1806 = arith.index_cast %scan3A_1798 : i32 to index
      %swap3A_1807 = arith.constant 16 : index
      %swap3A_1808 = tpu.vector_load %arg25[%swap3A_1806, %swap3A_1807] {strides = array<i32>} : memref<80x128xf32, #tpu.memory_space<vmem>>, vector<16xf32>,
      tpu.vector_store %arg25[%swap3A_1806, %swap3A_1807], %broadcast_in_dim3A_1805 {strides = array<i32>} : memref<80x128xf32, #tpu.memory_space<vmem>>, vector<16xf32>,
      %broadcast_in_dim3A_1809 = arith.constant 0.000000e+00 : f32
      %broadcast_in_dim3A_1810 = vector.broadcast %broadcast_in_dim3A_1809 : f32 to vector<16xf32>
      %swap3A_1811 = arith.index_cast %scan3A_1798 : i32 to index
      %swap3A_1812 = arith.constant 32 : index
      %swap3A_1813 = tpu.vector_load %arg25[%swap3A_1811, %swap3A_1812] {strides = array<i32>} : memref<80x128xf32, #tpu.memory_space<vmem>>, vector<16xf32>,
      tpu.vector_store %arg25[%swap3A_1811, %swap3A_1812], %broadcast_in_dim3A_1810 {strides = array<i32>} : memref<80x128xf32, #tpu.memory_space<vmem>>, vector<16xf32>,
      %broadcast_in_dim3A_1814 = arith.constant 0.000000e+00 : f32
      %broadcast_in_dim3A_1815 = vector.broadcast %broadcast_in_dim3A_1814 : f32 to vector<16xf32>
      %swap3A_1816 = arith.index_cast %scan3A_1798 : i32 to index
      %swap3A_1817 = arith.constant 48 : index
      %swap3A_1818 = tpu.vector_load %arg25[%swap3A_1816, %swap3A_1817] {strides = array<i32>} : memref<80x128xf32, #tpu.memory_space<vmem>>, vector<16xf32>,
      tpu.vector_store %arg25[%swap3A_1816, %swap3A_1817], %broadcast_in_dim3A_1815 {strides = array<i32>} : memref<80x128xf32, #tpu.memory_space<vmem>>, vector<16xf32>,
      %broadcast_in_dim3A_1819 = arith.constant 0.000000e+00 : f32
      %broadcast_in_dim3A_1820 = vector.broadcast %broadcast_in_dim3A_1819 : f32 to vector<16xf32>
      %swap3A_1821 = arith.index_cast %scan3A_1798 : i32 to index
      %swap3A_1822 = arith.constant 64 : index
      %swap3A_1823 = tpu.vector_load %arg25[%swap3A_1821, %swap3A_1822] {strides = array<i32>} : memref<80x128xf32, #tpu.memory_space<vmem>>, vector<16xf32>,
      tpu.vector_store %arg25[%swap3A_1821, %swap3A_1822], %broadcast_in_dim3A_1820 {strides = array<i32>} : memref<80x128xf32, #tpu.memory_space<vmem>>, vector<16xf32>,
      %broadcast_in_dim3A_1824 = arith.constant 0.000000e+00 : f32
      %broadcast_in_dim3A_1825 = vector.broadcast %broadcast_in_dim3A_1824 : f32 to vector<16xf32>
      %swap3A_1826 = arith.index_cast %scan3A_1798 : i32 to index
      %swap3A_1827 = arith.constant 80 : index
      %swap3A_1828 = tpu.vector_load %arg25[%swap3A_1826, %swap3A_1827] {strides = array<i32>} : memref<80x128xf32, #tpu.memory_space<vmem>>, vector<16xf32>,
      tpu.vector_store %arg25[%swap3A_1826, %swap3A_1827], %broadcast_in_dim3A_1825 {strides = array<i32>} : memref<80x128xf32, #tpu.memory_space<vmem>>, vector<16xf32>,
      %broadcast_in_dim3A_1829 = arith.constant 0.000000e+00 : f32
      %broadcast_in_dim3A_1830 = vector.broadcast %broadcast_in_dim3A_1829 : f32 to vector<16xf32>
      %swap3A_1831 = arith.index_cast %scan3A_1798 : i32 to index
      %swap3A_1832 = arith.constant 96 : index
      %swap3A_1833 = tpu.vector_load %arg25[%swap3A_1831, %swap3A_1832] {strides = array<i32>} : memref<80x128xf32, #tpu.memory_space<vmem>>, vector<16xf32>,
      tpu.vector_store %arg25[%swap3A_1831, %swap3A_1832], %broadcast_in_dim3A_1830 {strides = array<i32>} : memref<80x128xf32, #tpu.memory_space<vmem>>, vector<16xf32>,
      %broadcast_in_dim3A_1834 = arith.constant 0.000000e+00 : f32
      %broadcast_in_dim3A_1835 = vector.broadcast %broadcast_in_dim3A_1834 : f32 to vector<16xf32>
      %swap3A_1836 = arith.index_cast %scan3A_1798 : i32 to index
      %swap3A_1837 = arith.constant 112 : index
      %swap3A_1838 = tpu.vector_load %arg25[%swap3A_1836, %swap3A_1837] {strides = array<i32>} : memref<80x128xf32, #tpu.memory_space<vmem>>, vector<16xf32>,
      tpu.vector_store %arg25[%swap3A_1836, %swap3A_1837], %broadcast_in_dim3A_1835 {strides = array<i32>} : memref<80x128xf32, #tpu.memory_space<vmem>>, vector<16xf32>,
    }
    %scan3A_3 = arith.constant 80 : i32
    %scan3A_4 = arith.constant 0 : i32
    %scan3A_5 = arith.constant 8 : i32
    %scan3A_6 = arith.addi %scan3A_4, %scan3A_5 : i32
    %scan3A_7 = arith.constant 1 : i32
    scf.for %scan3A_1798 = %scan3A_4 to %scan3A_6 step %scan3A_7  : i32 {
      %mul3A_1799 = arith.constant 640 : i32
      %mul3A_1800 = arith.muli %mul3A_1799, %arg1 : i32
      %mul3A_1801 = arith.constant 80 : i32
      %mul3A_1802 = arith.muli %mul3A_1801, %scan3A_1798 : i32
      %add3A_1803 = arith.addi %mul3A_1800, %mul3A_1802 : i32
      "tpu.region"() ({
        %run_scoped3A = tpu.sem_alloc : memref<!tpu.dma_semaphore, #tpu.memory_space<semaphore_mem>>
        %dma_start3A = arith.constant 0 : i32
        %dma_start3A_1804 = tpu.memref_slice %arg12[%add3A_1803, %dma_start3A] : memref<10240x128xf32, #tpu.memory_space<vmem_shared>> -> memref<80x128xf32, #tpu.memory_space<vmem_shared>>
        %dma_start3A_1805 = arith.constant 0 : i32
        %dma_start3A_1806 = tpu.memref_slice %arg12[%add3A_1803, %dma_start3A_1805] : memref<10240x128xf32, #tpu.memory_space<vmem_shared>> -> memref<80x128xf32, #tpu.memory_space<vmem_shared>>
        tpu.enqueue_dma source(%arg25 : memref<80x128xf32, #tpu.memory_space<vmem>>) target(%dma_start3A_1806 : memref<80x128xf32, #tpu.memory_space<vmem_shared>>) target_semaphore(%run_scoped3A : memref<!tpu.dma_semaphore, #tpu.memory_space<semaphore_mem>>)
        %dma_wait3A = arith.constant 0 : i32
        %dma_wait3A_1807 = tpu.memref_slice %arg12[%add3A_1803, %dma_wait3A] : memref<10240x128xf32, #tpu.memory_space<vmem_shared>> -> memref<80x128xf32, #tpu.memory_space<vmem_shared>>
        %dma_wait3A_1808 = arith.constant 0 : i32
        %dma_wait3A_1809 = tpu.memref_slice %arg12[%add3A_1803, %dma_wait3A_1808] : memref<10240x128xf32, #tpu.memory_space<vmem_shared>> -> memref<80x128xf32, #tpu.memory_space<vmem_shared>>
        tpu.wait_dma2 semaphore(%run_scoped3A : memref<!tpu.dma_semaphore, #tpu.memory_space<semaphore_mem>>) src(%arg25 : memref<80x128xf32, #tpu.memory_space<vmem>>) dst(%dma_wait3A_1809 : memref<80x128xf32, #tpu.memory_space<vmem_shared>>)
        tpu.yield
      }) : () -> ()
    }
    %scan3A_8 = arith.constant 8 : i32
    %broadcast_in_dim3A = arith.constant 1.000000e+00 : f32
    %broadcast_in_dim3A_9 = vector.broadcast %broadcast_in_dim3A : f32 to vector<16xf32>
    %swap3A = arith.constant 0 : index
    %swap3A_10 = tpu.vector_load %arg31[%swap3A] {strides = array<i32>} : memref<48xf32, #tpu.memory_space<vmem>>, vector<16xf32>,
    tpu.vector_store %arg31[%swap3A], %broadcast_in_dim3A_9 {strides = array<i32>} : memref<48xf32, #tpu.memory_space<vmem>>, vector<16xf32>,
    %broadcast_in_dim3A_11 = arith.constant 1.000000e+00 : f32
    %broadcast_in_dim3A_12 = vector.broadcast %broadcast_in_dim3A_11 : f32 to vector<16xf32>
    %swap3A_13 = arith.constant 16 : index
    %swap3A_14 = tpu.vector_load %arg31[%swap3A_13] {strides = array<i32>} : memref<48xf32, #tpu.memory_space<vmem>>, vector<16xf32>,
    tpu.vector_store %arg31[%swap3A_13], %broadcast_in_dim3A_12 {strides = array<i32>} : memref<48xf32, #tpu.memory_space<vmem>>, vector<16xf32>,
    %broadcast_in_dim3A_15 = arith.constant 1.000000e+00 : f32
    %broadcast_in_dim3A_16 = vector.broadcast %broadcast_in_dim3A_15 : f32 to vector<16xf32>
    %swap3A_17 = arith.constant 32 : index
    %swap3A_18 = tpu.vector_load %arg31[%swap3A_17] {strides = array<i32>} : memref<48xf32, #tpu.memory_space<vmem>>, vector<16xf32>,
    tpu.vector_store %arg31[%swap3A_17], %broadcast_in_dim3A_16 {strides = array<i32>} : memref<48xf32, #tpu.memory_space<vmem>>, vector<16xf32>,
    %broadcast_in_dim3A_19 = arith.constant 1.000000e+00 : f32
    %broadcast_in_dim3A_20 = vector.broadcast %broadcast_in_dim3A_19 : f32 to vector<16xf32>
    %swap3A_21 = arith.constant 0 : index
    %swap3A_22 = tpu.vector_load %arg28[%swap3A_21] {strides = array<i32>} : memref<640xf32, #tpu.memory_space<vmem>>, vector<16xf32>,
    tpu.vector_store %arg28[%swap3A_21], %broadcast_in_dim3A_20 {strides = array<i32>} : memref<640xf32, #tpu.memory_space<vmem>>, vector<16xf32>,
    %broadcast_in_dim3A_23 = arith.constant 1.000000e+00 : f32
    %broadcast_in_dim3A_24 = vector.broadcast %broadcast_in_dim3A_23 : f32 to vector<16xf32>
    %swap3A_25 = arith.constant 16 : index
    %swap3A_26 = tpu.vector_load %arg28[%swap3A_25] {strides = array<i32>} : memref<640xf32, #tpu.memory_space<vmem>>, vector<16xf32>,
    tpu.vector_store %arg28[%swap3A_25], %broadcast_in_dim3A_24 {strides = array<i32>} : memref<640xf32, #tpu.memory_space<vmem>>, vector<16xf32>,
    %broadcast_in_dim3A_27 = arith.constant 1.000000e+00 : f32
    %broadcast_in_dim3A_28 = vector.broadcast %broadcast_in_dim3A_27 : f32 to vector<16xf32>
    %swap3A_29 = arith.constant 32 : index
    %swap3A_30 = tpu.vector_load %arg28[%swap3A_29] {strides = array<i32>} : memref<640xf32, #tpu.memory_space<vmem>>, vector<16xf32>,
    tpu.vector_store %arg28[%swap3A_29], %broadcast_in_dim3A_28 {strides = array<i32>} : memref<640xf32, #tpu.memory_space<vmem>>, vector<16xf32>,
    %broadcast_in_dim3A_31 = arith.constant 1.000000e+00 : f32
    %broadcast_in_dim3A_32 = vector.broadcast %broadcast_in_dim3A_31 : f32 to vector<16xf32>
    %swap3A_33 = arith.constant 48 : index
    %swap3A_34 = tpu.vector_load %arg28[%swap3A_33] {strides = array<i32>} : memref<640xf32, #tpu.memory_space<vmem>>, vector<16xf32>,
    tpu.vector_store %arg28[%swap3A_33], %broadcast_in_dim3A_32 {strides = array<i32>} : memref<640xf32, #tpu.memory_space<vmem>>, vector<16xf32>,
    %broadcast_in_dim3A_35 = arith.constant 1.000000e+00 : f32
    %broadcast_in_dim3A_36 = vector.broadcast %broadcast_in_dim3A_35 : f32 to vector<16xf32>
    %swap3A_37 = arith.constant 64 : index
    %swap3A_38 = tpu.vector_load %arg28[%swap3A_37] {strides = array<i32>} : memref<640xf32, #tpu.memory_space<vmem>>, vector<16xf32>,
    tpu.vector_store %arg28[%swap3A_37], %broadcast_in_dim3A_36 {strides = array<i32>} : memref<640xf32, #tpu.memory_space<vmem>>, vector<16xf32>,
    %broadcast_in_dim3A_39 = arith.constant 1.000000e+00 : f32
    %broadcast_in_dim3A_40 = vector.broadcast %broadcast_in_dim3A_39 : f32 to vector<16xf32>
    %swap3A_41 = arith.constant 80 : index
    %swap3A_42 = tpu.vector_load %arg28[%swap3A_41] {strides = array<i32>} : memref<640xf32, #tpu.memory_space<vmem>>, vector<16xf32>,
    tpu.vector_store %arg28[%swap3A_41], %broadcast_in_dim3A_40 {strides = array<i32>} : memref<640xf32, #tpu.memory_space<vmem>>, vector<16xf32>,
    %broadcast_in_dim3A_43 = arith.constant 1.000000e+00 : f32
    %broadcast_in_dim3A_44 = vector.broadcast %broadcast_in_dim3A_43 : f32 to vector<16xf32>
    %swap3A_45 = arith.constant 96 : index
    %swap3A_46 = tpu.vector_load %arg28[%swap3A_45] {strides = array<i32>} : memref<640xf32, #tpu.memory_space<vmem>>, vector<16xf32>,
    tpu.vector_store %arg28[%swap3A_45], %broadcast_in_dim3A_44 {strides = array<i32>} : memref<640xf32, #tpu.memory_space<vmem>>, vector<16xf32>,
    %broadcast_in_dim3A_47 = arith.constant 1.000000e+00 : f32
    %broadcast_in_dim3A_48 = vector.broadcast %broadcast_in_dim3A_47 : f32 to vector<16xf32>
    %swap3A_49 = arith.constant 112 : index
    %swap3A_50 = tpu.vector_load %arg28[%swap3A_49] {strides = array<i32>} : memref<640xf32, #tpu.memory_space<vmem>>, vector<16xf32>,
    tpu.vector_store %arg28[%swap3A_49], %broadcast_in_dim3A_48 {strides = array<i32>} : memref<640xf32, #tpu.memory_space<vmem>>, vector<16xf32>,
    %broadcast_in_dim3A_51 = arith.constant 1.000000e+00 : f32
    %broadcast_in_dim3A_52 = vector.broadcast %broadcast_in_dim3A_51 : f32 to vector<16xf32>
    %swap3A_53 = arith.constant 128 : index
    %swap3A_54 = tpu.vector_load %arg28[%swap3A_53] {strides = array<i32>} : memref<640xf32, #tpu.memory_space<vmem>>, vector<16xf32>,
    tpu.vector_store %arg28[%swap3A_53], %broadcast_in_dim3A_52 {strides = array<i32>} : memref<640xf32, #tpu.memory_space<vmem>>, vector<16xf32>,
    %broadcast_in_dim3A_55 = arith.constant 1.000000e+00 : f32
    %broadcast_in_dim3A_56 = vector.broadcast %broadcast_in_dim3A_55 : f32 to vector<16xf32>
    %swap3A_57 = arith.constant 144 : index
    %swap3A_58 = tpu.vector_load %arg28[%swap3A_57] {strides = array<i32>} : memref<640xf32, #tpu.memory_space<vmem>>, vector<16xf32>,
    tpu.vector_store %arg28[%swap3A_57], %broadcast_in_dim3A_56 {strides = array<i32>} : memref<640xf32, #tpu.memory_space<vmem>>, vector<16xf32>,
    %broadcast_in_dim3A_59 = arith.constant 1.000000e+00 : f32
    %broadcast_in_dim3A_60 = vector.broadcast %broadcast_in_dim3A_59 : f32 to vector<16xf32>
    %swap3A_61 = arith.constant 160 : index
    %swap3A_62 = tpu.vector_load %arg28[%swap3A_61] {strides = array<i32>} : memref<640xf32, #tpu.memory_space<vmem>>, vector<16xf32>,
    tpu.vector_store %arg28[%swap3A_61], %broadcast_in_dim3A_60 {strides = array<i32>} : memref<640xf32, #tpu.memory_space<vmem>>, vector<16xf32>,
    %broadcast_in_dim3A_63 = arith.constant 1.000000e+00 : f32
    %broadcast_in_dim3A_64 = vector.broadcast %broadcast_in_dim3A_63 : f32 to vector<16xf32>
    %swap3A_65 = arith.constant 176 : index
    %swap3A_66 = tpu.vector_load %arg28[%swap3A_65] {strides = array<i32>} : memref<640xf32, #tpu.memory_space<vmem>>, vector<16xf32>,
    tpu.vector_store %arg28[%swap3A_65], %broadcast_in_dim3A_64 {strides = array<i32>} : memref<640xf32, #tpu.memory_space<vmem>>, vector<16xf32>,
    %broadcast_in_dim3A_67 = arith.constant 1.000000e+00 : f32
    %broadcast_in_dim3A_68 = vector.broadcast %broadcast_in_dim3A_67 : f32 to vector<16xf32>
    %swap3A_69 = arith.constant 192 : index
    %swap3A_70 = tpu.vector_load %arg28[%swap3A_69] {strides = array<i32>} : memref<640xf32, #tpu.memory_space<vmem>>, vector<16xf32>,
    tpu.vector_store %arg28[%swap3A_69], %broadcast_in_dim3A_68 {strides = array<i32>} : memref<640xf32, #tpu.memory_space<vmem>>, vector<16xf32>,
    %broadcast_in_dim3A_71 = arith.constant 1.000000e+00 : f32
    %broadcast_in_dim3A_72 = vector.broadcast %broadcast_in_dim3A_71 : f32 to vector<16xf32>
    %swap3A_73 = arith.constant 208 : index
    %swap3A_74 = tpu.vector_load %arg28[%swap3A_73] {strides = array<i32>} : memref<640xf32, #tpu.memory_space<vmem>>, vector<16xf32>,
    tpu.vector_store %arg28[%swap3A_73], %broadcast_in_dim3A_72 {strides = array<i32>} : memref<640xf32, #tpu.memory_space<vmem>>, vector<16xf32>,
    %broadcast_in_dim3A_75 = arith.constant 1.000000e+00 : f32
    %broadcast_in_dim3A_76 = vector.broadcast %broadcast_in_dim3A_75 : f32 to vector<16xf32>
    %swap3A_77 = arith.constant 224 : index
    %swap3A_78 = tpu.vector_load %arg28[%swap3A_77] {strides = array<i32>} : memref<640xf32, #tpu.memory_space<vmem>>, vector<16xf32>,
    tpu.vector_store %arg28[%swap3A_77], %broadcast_in_dim3A_76 {strides = array<i32>} : memref<640xf32, #tpu.memory_space<vmem>>, vector<16xf32>,
    %broadcast_in_dim3A_79 = arith.constant 1.000000e+00 : f32
    %broadcast_in_dim3A_80 = vector.broadcast %broadcast_in_dim3A_79 : f32 to vector<16xf32>
    %swap3A_81 = arith.constant 240 : index
    %swap3A_82 = tpu.vector_load %arg28[%swap3A_81] {strides = array<i32>} : memref<640xf32, #tpu.memory_space<vmem>>, vector<16xf32>,
    tpu.vector_store %arg28[%swap3A_81], %broadcast_in_dim3A_80 {strides = array<i32>} : memref<640xf32, #tpu.memory_space<vmem>>, vector<16xf32>,
    %broadcast_in_dim3A_83 = arith.constant 1.000000e+00 : f32
    %broadcast_in_dim3A_84 = vector.broadcast %broadcast_in_dim3A_83 : f32 to vector<16xf32>
    %swap3A_85 = arith.constant 256 : index
    %swap3A_86 = tpu.vector_load %arg28[%swap3A_85] {strides = array<i32>} : memref<640xf32, #tpu.memory_space<vmem>>, vector<16xf32>,
    tpu.vector_store %arg28[%swap3A_85], %broadcast_in_dim3A_84 {strides = array<i32>} : memref<640xf32, #tpu.memory_space<vmem>>, vector<16xf32>,
    %broadcast_in_dim3A_87 = arith.constant 1.000000e+00 : f32
    %broadcast_in_dim3A_88 = vector.broadcast %broadcast_in_dim3A_87 : f32 to vector<16xf32>
    %swap3A_89 = arith.constant 272 : index
    %swap3A_90 = tpu.vector_load %arg28[%swap3A_89] {strides = array<i32>} : memref<640xf32, #tpu.memory_space<vmem>>, vector<16xf32>,
    tpu.vector_store %arg28[%swap3A_89], %broadcast_in_dim3A_88 {strides = array<i32>} : memref<640xf32, #tpu.memory_space<vmem>>, vector<16xf32>,
    %broadcast_in_dim3A_91 = arith.constant 1.000000e+00 : f32
    %broadcast_in_dim3A_92 = vector.broadcast %broadcast_in_dim3A_91 : f32 to vector<16xf32>
    %swap3A_93 = arith.constant 288 : index
    %swap3A_94 = tpu.vector_load %arg28[%swap3A_93] {strides = array<i32>} : memref<640xf32, #tpu.memory_space<vmem>>, vector<16xf32>,
    tpu.vector_store %arg28[%swap3A_93], %broadcast_in_dim3A_92 {strides = array<i32>} : memref<640xf32, #tpu.memory_space<vmem>>, vector<16xf32>,
    %broadcast_in_dim3A_95 = arith.constant 1.000000e+00 : f32
    %broadcast_in_dim3A_96 = vector.broadcast %broadcast_in_dim3A_95 : f32 to vector<16xf32>
    %swap3A_97 = arith.constant 304 : index
    %swap3A_98 = tpu.vector_load %arg28[%swap3A_97] {strides = array<i32>} : memref<640xf32, #tpu.memory_space<vmem>>, vector<16xf32>,
    tpu.vector_store %arg28[%swap3A_97], %broadcast_in_dim3A_96 {strides = array<i32>} : memref<640xf32, #tpu.memory_space<vmem>>, vector<16xf32>,
    %broadcast_in_dim3A_99 = arith.constant 1.000000e+00 : f32
    %broadcast_in_dim3A_100 = vector.broadcast %broadcast_in_dim3A_99 : f32 to vector<16xf32>
    %swap3A_101 = arith.constant 320 : index
    %swap3A_102 = tpu.vector_load %arg28[%swap3A_101] {strides = array<i32>} : memref<640xf32, #tpu.memory_space<vmem>>, vector<16xf32>,
    tpu.vector_store %arg28[%swap3A_101], %broadcast_in_dim3A_100 {strides = array<i32>} : memref<640xf32, #tpu.memory_space<vmem>>, vector<16xf32>,
    %broadcast_in_dim3A_103 = arith.constant 1.000000e+00 : f32
    %broadcast_in_dim3A_104 = vector.broadcast %broadcast_in_dim3A_103 : f32 to vector<16xf32>
    %swap3A_105 = arith.constant 336 : index
    %swap3A_106 = tpu.vector_load %arg28[%swap3A_105] {strides = array<i32>} : memref<640xf32, #tpu.memory_space<vmem>>, vector<16xf32>,
    tpu.vector_store %arg28[%swap3A_105], %broadcast_in_dim3A_104 {strides = array<i32>} : memref<640xf32, #tpu.memory_space<vmem>>, vector<16xf32>,
    %broadcast_in_dim3A_107 = arith.constant 1.000000e+00 : f32
    %broadcast_in_dim3A_108 = vector.broadcast %broadcast_in_dim3A_107 : f32 to vector<16xf32>
    %swap3A_109 = arith.constant 352 : index
    %swap3A_110 = tpu.vector_load %arg28[%swap3A_109] {strides = array<i32>} : memref<640xf32, #tpu.memory_space<vmem>>, vector<16xf32>,
    tpu.vector_store %arg28[%swap3A_109], %broadcast_in_dim3A_108 {strides = array<i32>} : memref<640xf32, #tpu.memory_space<vmem>>, vector<16xf32>,
    %broadcast_in_dim3A_111 = arith.constant 1.000000e+00 : f32
    %broadcast_in_dim3A_112 = vector.broadcast %broadcast_in_dim3A_111 : f32 to vector<16xf32>
    %swap3A_113 = arith.constant 368 : index
    %swap3A_114 = tpu.vector_load %arg28[%swap3A_113] {strides = array<i32>} : memref<640xf32, #tpu.memory_space<vmem>>, vector<16xf32>,
    tpu.vector_store %arg28[%swap3A_113], %broadcast_in_dim3A_112 {strides = array<i32>} : memref<640xf32, #tpu.memory_space<vmem>>, vector<16xf32>,
    %broadcast_in_dim3A_115 = arith.constant 1.000000e+00 : f32
    %broadcast_in_dim3A_116 = vector.broadcast %broadcast_in_dim3A_115 : f32 to vector<16xf32>
    %swap3A_117 = arith.constant 384 : index
    %swap3A_118 = tpu.vector_load %arg28[%swap3A_117] {strides = array<i32>} : memref<640xf32, #tpu.memory_space<vmem>>, vector<16xf32>,
    tpu.vector_store %arg28[%swap3A_117], %broadcast_in_dim3A_116 {strides = array<i32>} : memref<640xf32, #tpu.memory_space<vmem>>, vector<16xf32>,
    %broadcast_in_dim3A_119 = arith.constant 1.000000e+00 : f32
    %broadcast_in_dim3A_120 = vector.broadcast %broadcast_in_dim3A_119 : f32 to vector<16xf32>
    %swap3A_121 = arith.constant 400 : index
    %swap3A_122 = tpu.vector_load %arg28[%swap3A_121] {strides = array<i32>} : memref<640xf32, #tpu.memory_space<vmem>>, vector<16xf32>,
    tpu.vector_store %arg28[%swap3A_121], %broadcast_in_dim3A_120 {strides = array<i32>} : memref<640xf32, #tpu.memory_space<vmem>>, vector<16xf32>,
    %broadcast_in_dim3A_123 = arith.constant 1.000000e+00 : f32
    %broadcast_in_dim3A_124 = vector.broadcast %broadcast_in_dim3A_123 : f32 to vector<16xf32>
    %swap3A_125 = arith.constant 416 : index
    %swap3A_126 = tpu.vector_load %arg28[%swap3A_125] {strides = array<i32>} : memref<640xf32, #tpu.memory_space<vmem>>, vector<16xf32>,
    tpu.vector_store %arg28[%swap3A_125], %broadcast_in_dim3A_124 {strides = array<i32>} : memref<640xf32, #tpu.memory_space<vmem>>, vector<16xf32>,
    %broadcast_in_dim3A_127 = arith.constant 1.000000e+00 : f32
    %broadcast_in_dim3A_128 = vector.broadcast %broadcast_in_dim3A_127 : f32 to vector<16xf32>
    %swap3A_129 = arith.constant 432 : index
    %swap3A_130 = tpu.vector_load %arg28[%swap3A_129] {strides = array<i32>} : memref<640xf32, #tpu.memory_space<vmem>>, vector<16xf32>,
    tpu.vector_store %arg28[%swap3A_129], %broadcast_in_dim3A_128 {strides = array<i32>} : memref<640xf32, #tpu.memory_space<vmem>>, vector<16xf32>,
    %broadcast_in_dim3A_131 = arith.constant 1.000000e+00 : f32
    %broadcast_in_dim3A_132 = vector.broadcast %broadcast_in_dim3A_131 : f32 to vector<16xf32>
    %swap3A_133 = arith.constant 448 : index
    %swap3A_134 = tpu.vector_load %arg28[%swap3A_133] {strides = array<i32>} : memref<640xf32, #tpu.memory_space<vmem>>, vector<16xf32>,
    tpu.vector_store %arg28[%swap3A_133], %broadcast_in_dim3A_132 {strides = array<i32>} : memref<640xf32, #tpu.memory_space<vmem>>, vector<16xf32>,
    %broadcast_in_dim3A_135 = arith.constant 1.000000e+00 : f32
    %broadcast_in_dim3A_136 = vector.broadcast %broadcast_in_dim3A_135 : f32 to vector<16xf32>
    %swap3A_137 = arith.constant 464 : index
    %swap3A_138 = tpu.vector_load %arg28[%swap3A_137] {strides = array<i32>} : memref<640xf32, #tpu.memory_space<vmem>>, vector<16xf32>,
    tpu.vector_store %arg28[%swap3A_137], %broadcast_in_dim3A_136 {strides = array<i32>} : memref<640xf32, #tpu.memory_space<vmem>>, vector<16xf32>,
    %broadcast_in_dim3A_139 = arith.constant 1.000000e+00 : f32
    %broadcast_in_dim3A_140 = vector.broadcast %broadcast_in_dim3A_139 : f32 to vector<16xf32>
    %swap3A_141 = arith.constant 480 : index
    %swap3A_142 = tpu.vector_load %arg28[%swap3A_141] {strides = array<i32>} : memref<640xf32, #tpu.memory_space<vmem>>, vector<16xf32>,
    tpu.vector_store %arg28[%swap3A_141], %broadcast_in_dim3A_140 {strides = array<i32>} : memref<640xf32, #tpu.memory_space<vmem>>, vector<16xf32>,
    %broadcast_in_dim3A_143 = arith.constant 1.000000e+00 : f32
    %broadcast_in_dim3A_144 = vector.broadcast %broadcast_in_dim3A_143 : f32 to vector<16xf32>
    %swap3A_145 = arith.constant 496 : index
    %swap3A_146 = tpu.vector_load %arg28[%swap3A_145] {strides = array<i32>} : memref<640xf32, #tpu.memory_space<vmem>>, vector<16xf32>,
    tpu.vector_store %arg28[%swap3A_145], %broadcast_in_dim3A_144 {strides = array<i32>} : memref<640xf32, #tpu.memory_space<vmem>>, vector<16xf32>,
    %broadcast_in_dim3A_147 = arith.constant 1.000000e+00 : f32
    %broadcast_in_dim3A_148 = vector.broadcast %broadcast_in_dim3A_147 : f32 to vector<16xf32>
    %swap3A_149 = arith.constant 512 : index
    %swap3A_150 = tpu.vector_load %arg28[%swap3A_149] {strides = array<i32>} : memref<640xf32, #tpu.memory_space<vmem>>, vector<16xf32>,
    tpu.vector_store %arg28[%swap3A_149], %broadcast_in_dim3A_148 {strides = array<i32>} : memref<640xf32, #tpu.memory_space<vmem>>, vector<16xf32>,
    %broadcast_in_dim3A_151 = arith.constant 1.000000e+00 : f32
    %broadcast_in_dim3A_152 = vector.broadcast %broadcast_in_dim3A_151 : f32 to vector<16xf32>
    %swap3A_153 = arith.constant 528 : index
    %swap3A_154 = tpu.vector_load %arg28[%swap3A_153] {strides = array<i32>} : memref<640xf32, #tpu.memory_space<vmem>>, vector<16xf32>,
    tpu.vector_store %arg28[%swap3A_153], %broadcast_in_dim3A_152 {strides = array<i32>} : memref<640xf32, #tpu.memory_space<vmem>>, vector<16xf32>,
    %broadcast_in_dim3A_155 = arith.constant 1.000000e+00 : f32
    %broadcast_in_dim3A_156 = vector.broadcast %broadcast_in_dim3A_155 : f32 to vector<16xf32>
    %swap3A_157 = arith.constant 544 : index
    %swap3A_158 = tpu.vector_load %arg28[%swap3A_157] {strides = array<i32>} : memref<640xf32, #tpu.memory_space<vmem>>, vector<16xf32>,
    tpu.vector_store %arg28[%swap3A_157], %broadcast_in_dim3A_156 {strides = array<i32>} : memref<640xf32, #tpu.memory_space<vmem>>, vector<16xf32>,
    %broadcast_in_dim3A_159 = arith.constant 1.000000e+00 : f32
    %broadcast_in_dim3A_160 = vector.broadcast %broadcast_in_dim3A_159 : f32 to vector<16xf32>
    %swap3A_161 = arith.constant 560 : index
    %swap3A_162 = tpu.vector_load %arg28[%swap3A_161] {strides = array<i32>} : memref<640xf32, #tpu.memory_space<vmem>>, vector<16xf32>,
    tpu.vector_store %arg28[%swap3A_161], %broadcast_in_dim3A_160 {strides = array<i32>} : memref<640xf32, #tpu.memory_space<vmem>>, vector<16xf32>,
    %broadcast_in_dim3A_163 = arith.constant 1.000000e+00 : f32
    %broadcast_in_dim3A_164 = vector.broadcast %broadcast_in_dim3A_163 : f32 to vector<16xf32>
    %swap3A_165 = arith.constant 576 : index
    %swap3A_166 = tpu.vector_load %arg28[%swap3A_165] {strides = array<i32>} : memref<640xf32, #tpu.memory_space<vmem>>, vector<16xf32>,
    tpu.vector_store %arg28[%swap3A_165], %broadcast_in_dim3A_164 {strides = array<i32>} : memref<640xf32, #tpu.memory_space<vmem>>, vector<16xf32>,
    %broadcast_in_dim3A_167 = arith.constant 1.000000e+00 : f32
    %broadcast_in_dim3A_168 = vector.broadcast %broadcast_in_dim3A_167 : f32 to vector<16xf32>
    %swap3A_169 = arith.constant 592 : index
    %swap3A_170 = tpu.vector_load %arg28[%swap3A_169] {strides = array<i32>} : memref<640xf32, #tpu.memory_space<vmem>>, vector<16xf32>,
    tpu.vector_store %arg28[%swap3A_169], %broadcast_in_dim3A_168 {strides = array<i32>} : memref<640xf32, #tpu.memory_space<vmem>>, vector<16xf32>,
    %broadcast_in_dim3A_171 = arith.constant 1.000000e+00 : f32
    %broadcast_in_dim3A_172 = vector.broadcast %broadcast_in_dim3A_171 : f32 to vector<16xf32>
    %swap3A_173 = arith.constant 608 : index
    %swap3A_174 = tpu.vector_load %arg28[%swap3A_173] {strides = array<i32>} : memref<640xf32, #tpu.memory_space<vmem>>, vector<16xf32>,
    tpu.vector_store %arg28[%swap3A_173], %broadcast_in_dim3A_172 {strides = array<i32>} : memref<640xf32, #tpu.memory_space<vmem>>, vector<16xf32>,
    %broadcast_in_dim3A_175 = arith.constant 1.000000e+00 : f32
    %broadcast_in_dim3A_176 = vector.broadcast %broadcast_in_dim3A_175 : f32 to vector<16xf32>
    %swap3A_177 = arith.constant 624 : index
    %swap3A_178 = tpu.vector_load %arg28[%swap3A_177] {strides = array<i32>} : memref<640xf32, #tpu.memory_space<vmem>>, vector<16xf32>,
    tpu.vector_store %arg28[%swap3A_177], %broadcast_in_dim3A_176 {strides = array<i32>} : memref<640xf32, #tpu.memory_space<vmem>>, vector<16xf32>,
    %mul3A = arith.constant 640 : i32
    %mul3A_179 = arith.muli %mul3A, %arg1 : i32
    "tpu.region"() ({
      %run_scoped3A = tpu.sem_alloc : memref<!tpu.dma_semaphore, #tpu.memory_space<semaphore_mem>>
      %dma_start3A = tpu.memref_slice %arg13[%mul3A_179] : memref<10240xf32, #tpu.memory_space<vmem_shared>> -> memref<640xf32, #tpu.memory_space<vmem_shared>>
      %dma_start3A_1798 = tpu.memref_slice %arg13[%mul3A_179] : memref<10240xf32, #tpu.memory_space<vmem_shared>> -> memref<640xf32, #tpu.memory_space<vmem_shared>>
      tpu.enqueue_dma source(%arg28 : memref<640xf32, #tpu.memory_space<vmem>>) target(%dma_start3A_1798 : memref<640xf32, #tpu.memory_space<vmem_shared>>) target_semaphore(%run_scoped3A : memref<!tpu.dma_semaphore, #tpu.memory_space<semaphore_mem>>)
      %dma_wait3A = tpu.memref_slice %arg13[%mul3A_179] : memref<10240xf32, #tpu.memory_space<vmem_shared>> -> memref<640xf32, #tpu.memory_space<vmem_shared>>
      %dma_wait3A_1799 = tpu.memref_slice %arg13[%mul3A_179] : memref<10240xf32, #tpu.memory_space<vmem_shared>> -> memref<640xf32, #tpu.memory_space<vmem_shared>>
      tpu.wait_dma2 semaphore(%run_scoped3A : memref<!tpu.dma_semaphore, #tpu.memory_space<semaphore_mem>>) src(%arg28 : memref<640xf32, #tpu.memory_space<vmem>>) dst(%dma_wait3A_1799 : memref<640xf32, #tpu.memory_space<vmem_shared>>)
      tpu.yield
    }) : () -> ()
    %barrier3A = arith.constant 0 : index
    tpu.barrier barrier_id(%barrier3A)
    %scan3A_180 = arith.constant 0 : i32
    %scan3A_181 = arith.constant 16 : i32
    %scan3A_182 = arith.addi %scan3A_180, %scan3A_181 : i32
    %scan3A_183 = arith.constant 1 : i32
    scf.for %scan3A_1798 = %scan3A_180 to %scan3A_182 step %scan3A_183  : i32 {
      "tpu.region"() ({
        %run_scoped3A = tpu.sem_alloc : memref<!tpu.dma_semaphore, #tpu.memory_space<semaphore_mem>>
        %dma_start3A = arith.constant 0 : i32
        %dma_start3A_1804 = arith.constant 0 : i32
        %dma_start3A_1805 = tpu.memref_slice %arg3[%arg1, %scan3A_1798, %dma_start3A, %dma_start3A_1804] : memref<16x16x24x48xi32, #tpu.memory_space<hbm>> -> memref<1x1x24x48xi32, #tpu.memory_space<hbm>>
        %dma_start3A_1806 = tpu.memref_squeeze %dma_start3A_1805 : memref<1x1x24x48xi32, #tpu.memory_space<hbm>> -> memref<24x48xi32, #tpu.memory_space<hbm>>
        %dma_start3A_1807 = arith.constant 0 : i32
        %dma_start3A_1808 = arith.constant 0 : i32
        %dma_start3A_1809 = tpu.memref_slice %arg3[%arg1, %scan3A_1798, %dma_start3A_1807, %dma_start3A_1808] : memref<16x16x24x48xi32, #tpu.memory_space<hbm>> -> memref<1x1x24x48xi32, #tpu.memory_space<hbm>>
        %dma_start3A_1810 = tpu.memref_squeeze %dma_start3A_1809 : memref<1x1x24x48xi32, #tpu.memory_space<hbm>> -> memref<24x48xi32, #tpu.memory_space<hbm>>
        tpu.enqueue_dma source(%dma_start3A_1810 : memref<24x48xi32, #tpu.memory_space<hbm>>) target(%arg16 : memref<24x48xi32, #tpu.memory_space<vmem>>) target_semaphore(%run_scoped3A : memref<!tpu.dma_semaphore, #tpu.memory_space<semaphore_mem>>)
        %dma_wait3A = arith.constant 0 : i32
        %dma_wait3A_1811 = arith.constant 0 : i32
        %dma_wait3A_1812 = tpu.memref_slice %arg3[%arg1, %scan3A_1798, %dma_wait3A, %dma_wait3A_1811] : memref<16x16x24x48xi32, #tpu.memory_space<hbm>> -> memref<1x1x24x48xi32, #tpu.memory_space<hbm>>
        %dma_wait3A_1813 = tpu.memref_squeeze %dma_wait3A_1812 : memref<1x1x24x48xi32, #tpu.memory_space<hbm>> -> memref<24x48xi32, #tpu.memory_space<hbm>>
        %dma_wait3A_1814 = arith.constant 0 : i32
        %dma_wait3A_1815 = arith.constant 0 : i32
        %dma_wait3A_1816 = tpu.memref_slice %arg3[%arg1, %scan3A_1798, %dma_wait3A_1814, %dma_wait3A_1815] : memref<16x16x24x48xi32, #tpu.memory_space<hbm>> -> memref<1x1x24x48xi32, #tpu.memory_space<hbm>>
        %dma_wait3A_1817 = tpu.memref_squeeze %dma_wait3A_1816 : memref<1x1x24x48xi32, #tpu.memory_space<hbm>> -> memref<24x48xi32, #tpu.memory_space<hbm>>
        tpu.wait_dma2 semaphore(%run_scoped3A : memref<!tpu.dma_semaphore, #tpu.memory_space<semaphore_mem>>) src(%dma_wait3A_1817 : memref<24x48xi32, #tpu.memory_space<hbm>>) dst(%arg16 : memref<24x48xi32, #tpu.memory_space<vmem>>)
        tpu.yield
      }) : () -> ()
      %scan3A_1799 = arith.constant 0 : i32
      %scan3A_1800 = arith.constant 24 : i32
      %scan3A_1801 = arith.addi %scan3A_1799, %scan3A_1800 : i32
      %scan3A_1802 = arith.constant 1 : i32
      scf.for %scan3A_1804 = %scan3A_1799 to %scan3A_1801 step %scan3A_1802  : i32 {
        %get3A_1805 = arith.index_cast %scan3A_1804 : i32 to index
        %get3A_1806 = arith.constant 0 : index
        %get3A_1807 = tpu.vector_load %arg16[%get3A_1805, %get3A_1806] {strides = array<i32>} : memref<24x48xi32, #tpu.memory_space<vmem>>, vector<16xi32>,
        %swap3A_1808 = arith.constant 0 : index
        %swap3A_1809 = tpu.vector_load %arg18[%swap3A_1808] {strides = array<i32>} : memref<48xi32, #tpu.memory_space<vmem>>, vector<16xi32>,
        tpu.vector_store %arg18[%swap3A_1808], %get3A_1807 {strides = array<i32>} : memref<48xi32, #tpu.memory_space<vmem>>, vector<16xi32>,
        %get3A_1810 = arith.index_cast %scan3A_1804 : i32 to index
        %get3A_1811 = arith.constant 16 : index
        %get3A_1812 = tpu.vector_load %arg16[%get3A_1810, %get3A_1811] {strides = array<i32>} : memref<24x48xi32, #tpu.memory_space<vmem>>, vector<16xi32>,
        %swap3A_1813 = arith.constant 16 : index
        %swap3A_1814 = tpu.vector_load %arg18[%swap3A_1813] {strides = array<i32>} : memref<48xi32, #tpu.memory_space<vmem>>, vector<16xi32>,
        tpu.vector_store %arg18[%swap3A_1813], %get3A_1812 {strides = array<i32>} : memref<48xi32, #tpu.memory_space<vmem>>, vector<16xi32>,
        %get3A_1815 = arith.index_cast %scan3A_1804 : i32 to index
        %get3A_1816 = arith.constant 32 : index
        %get3A_1817 = tpu.vector_load %arg16[%get3A_1815, %get3A_1816] {strides = array<i32>} : memref<24x48xi32, #tpu.memory_space<vmem>>, vector<16xi32>,
        %swap3A_1818 = arith.constant 32 : index
        %swap3A_1819 = tpu.vector_load %arg18[%swap3A_1818] {strides = array<i32>} : memref<48xi32, #tpu.memory_space<vmem>>, vector<16xi32>,
        tpu.vector_store %arg18[%swap3A_1818], %get3A_1817 {strides = array<i32>} : memref<48xi32, #tpu.memory_space<vmem>>, vector<16xi32>,
        "tpu.region"() ({
          %run_scoped3A = tpu.sem_alloc : memref<!tpu.dma_semaphore, #tpu.memory_space<semaphore_mem>>
          %dma_start3A = arith.constant 0 : i32
          %dma_start3A_1820 = tpu.memref_slice %arg13[%dma_start3A] : memref<10240xf32, #tpu.memory_space<vmem_shared>> -> memref<10240xf32, #tpu.memory_space<vmem_shared>>
          tpu.enqueue_indirect_dma source(%arg31 : memref<48xf32, #tpu.memory_space<vmem>>) target(%dma_start3A_1820 : memref<10240xf32, #tpu.memory_space<vmem_shared>>) offsets(%arg18 : memref<48xi32, #tpu.memory_space<vmem>>) semaphore(%run_scoped3A : memref<!tpu.dma_semaphore, #tpu.memory_space<semaphore_mem>>) {add = true}
          %dma_wait3A = arith.constant 0 : i32
          %dma_wait3A_1821 = tpu.memref_slice %arg13[%dma_wait3A] : memref<10240xf32, #tpu.memory_space<vmem_shared>> -> memref<10240xf32, #tpu.memory_space<vmem_shared>>
          tpu.wait_indirect_dma semaphore(%run_scoped3A : memref<!tpu.dma_semaphore, #tpu.memory_space<semaphore_mem>>) src(%arg31 : memref<48xf32, #tpu.memory_space<vmem>>) dst(%dma_wait3A_1821 : memref<10240xf32, #tpu.memory_space<vmem_shared>>)
          tpu.yield
        }) : () -> ()
      }
      %scan3A_1803 = arith.constant 24 : i32
    }
    %scan3A_184 = arith.constant 16 : i32
    %scan3A_185 = arith.constant 0 : i32
    %scan3A_186 = arith.constant 2 : i32
    %scan3A_187 = arith.addi %scan3A_185, %scan3A_186 : i32
    %scan3A_188 = arith.constant 1 : i32
    scf.for %scan3A_1798 = %scan3A_185 to %scan3A_187 step %scan3A_188  : i32 {
      "tpu.region"() ({
        %run_scoped3A = tpu.sem_alloc : memref<!tpu.dma_semaphore, #tpu.memory_space<semaphore_mem>>
        %dma_start3A = arith.constant 0 : i32
        %dma_start3A_1804 = arith.constant 0 : i32
        %dma_start3A_1805 = tpu.memref_slice %arg4[%arg1, %scan3A_1798, %dma_start3A, %dma_start3A_1804] : memref<16x2x24x48xi32, #tpu.memory_space<hbm>> -> memref<1x1x24x48xi32, #tpu.memory_space<hbm>>
        %dma_start3A_1806 = tpu.memref_squeeze %dma_start3A_1805 : memref<1x1x24x48xi32, #tpu.memory_space<hbm>> -> memref<24x48xi32, #tpu.memory_space<hbm>>
        %dma_start3A_1807 = arith.constant 0 : i32
        %dma_start3A_1808 = arith.constant 0 : i32
        %dma_start3A_1809 = tpu.memref_slice %arg4[%arg1, %scan3A_1798, %dma_start3A_1807, %dma_start3A_1808] : memref<16x2x24x48xi32, #tpu.memory_space<hbm>> -> memref<1x1x24x48xi32, #tpu.memory_space<hbm>>
        %dma_start3A_1810 = tpu.memref_squeeze %dma_start3A_1809 : memref<1x1x24x48xi32, #tpu.memory_space<hbm>> -> memref<24x48xi32, #tpu.memory_space<hbm>>
        tpu.enqueue_dma source(%dma_start3A_1810 : memref<24x48xi32, #tpu.memory_space<hbm>>) target(%arg16 : memref<24x48xi32, #tpu.memory_space<vmem>>) target_semaphore(%run_scoped3A : memref<!tpu.dma_semaphore, #tpu.memory_space<semaphore_mem>>)
        %dma_wait3A = arith.constant 0 : i32
        %dma_wait3A_1811 = arith.constant 0 : i32
        %dma_wait3A_1812 = tpu.memref_slice %arg4[%arg1, %scan3A_1798, %dma_wait3A, %dma_wait3A_1811] : memref<16x2x24x48xi32, #tpu.memory_space<hbm>> -> memref<1x1x24x48xi32, #tpu.memory_space<hbm>>
        %dma_wait3A_1813 = tpu.memref_squeeze %dma_wait3A_1812 : memref<1x1x24x48xi32, #tpu.memory_space<hbm>> -> memref<24x48xi32, #tpu.memory_space<hbm>>
        %dma_wait3A_1814 = arith.constant 0 : i32
        %dma_wait3A_1815 = arith.constant 0 : i32
        %dma_wait3A_1816 = tpu.memref_slice %arg4[%arg1, %scan3A_1798, %dma_wait3A_1814, %dma_wait3A_1815] : memref<16x2x24x48xi32, #tpu.memory_space<hbm>> -> memref<1x1x24x48xi32, #tpu.memory_space<hbm>>
        %dma_wait3A_1817 = tpu.memref_squeeze %dma_wait3A_1816 : memref<1x1x24x48xi32, #tpu.memory_space<hbm>> -> memref<24x48xi32, #tpu.memory_space<hbm>>
        tpu.wait_dma2 semaphore(%run_scoped3A : memref<!tpu.dma_semaphore, #tpu.memory_space<semaphore_mem>>) src(%dma_wait3A_1817 : memref<24x48xi32, #tpu.memory_space<hbm>>) dst(%arg16 : memref<24x48xi32, #tpu.memory_space<vmem>>)
        tpu.yield
      }) : () -> ()
      %scan3A_1799 = arith.constant 0 : i32
      %scan3A_1800 = arith.constant 24 : i32
      %scan3A_1801 = arith.addi %scan3A_1799, %scan3A_1800 : i32
      %scan3A_1802 = arith.constant 1 : i32
      scf.for %scan3A_1804 = %scan3A_1799 to %scan3A_1801 step %scan3A_1802  : i32 {
        %get3A_1805 = arith.index_cast %scan3A_1804 : i32 to index
        %get3A_1806 = arith.constant 0 : index
        %get3A_1807 = tpu.vector_load %arg16[%get3A_1805, %get3A_1806] {strides = array<i32>} : memref<24x48xi32, #tpu.memory_space<vmem>>, vector<16xi32>,
        %swap3A_1808 = arith.constant 0 : index
        %swap3A_1809 = tpu.vector_load %arg18[%swap3A_1808] {strides = array<i32>} : memref<48xi32, #tpu.memory_space<vmem>>, vector<16xi32>,
        tpu.vector_store %arg18[%swap3A_1808], %get3A_1807 {strides = array<i32>} : memref<48xi32, #tpu.memory_space<vmem>>, vector<16xi32>,
        %get3A_1810 = arith.index_cast %scan3A_1804 : i32 to index
        %get3A_1811 = arith.constant 16 : index
        %get3A_1812 = tpu.vector_load %arg16[%get3A_1810, %get3A_1811] {strides = array<i32>} : memref<24x48xi32, #tpu.memory_space<vmem>>, vector<16xi32>,
        %swap3A_1813 = arith.constant 16 : index
        %swap3A_1814 = tpu.vector_load %arg18[%swap3A_1813] {strides = array<i32>} : memref<48xi32, #tpu.memory_space<vmem>>, vector<16xi32>,
        tpu.vector_store %arg18[%swap3A_1813], %get3A_1812 {strides = array<i32>} : memref<48xi32, #tpu.memory_space<vmem>>, vector<16xi32>,
        %get3A_1815 = arith.index_cast %scan3A_1804 : i32 to index
        %get3A_1816 = arith.constant 32 : index
        %get3A_1817 = tpu.vector_load %arg16[%get3A_1815, %get3A_1816] {strides = array<i32>} : memref<24x48xi32, #tpu.memory_space<vmem>>, vector<16xi32>,
        %swap3A_1818 = arith.constant 32 : index
        %swap3A_1819 = tpu.vector_load %arg18[%swap3A_1818] {strides = array<i32>} : memref<48xi32, #tpu.memory_space<vmem>>, vector<16xi32>,
        tpu.vector_store %arg18[%swap3A_1818], %get3A_1817 {strides = array<i32>} : memref<48xi32, #tpu.memory_space<vmem>>, vector<16xi32>,
        "tpu.region"() ({
          %run_scoped3A = tpu.sem_alloc : memref<!tpu.dma_semaphore, #tpu.memory_space<semaphore_mem>>
          %dma_start3A = arith.constant 0 : i32
          %dma_start3A_1820 = tpu.memref_slice %arg13[%dma_start3A] : memref<10240xf32, #tpu.memory_space<vmem_shared>> -> memref<10240xf32, #tpu.memory_space<vmem_shared>>
          tpu.enqueue_indirect_dma source(%arg31 : memref<48xf32, #tpu.memory_space<vmem>>) target(%dma_start3A_1820 : memref<10240xf32, #tpu.memory_space<vmem_shared>>) offsets(%arg18 : memref<48xi32, #tpu.memory_space<vmem>>) semaphore(%run_scoped3A : memref<!tpu.dma_semaphore, #tpu.memory_space<semaphore_mem>>) {add = true}
          %dma_wait3A = arith.constant 0 : i32
          %dma_wait3A_1821 = tpu.memref_slice %arg13[%dma_wait3A] : memref<10240xf32, #tpu.memory_space<vmem_shared>> -> memref<10240xf32, #tpu.memory_space<vmem_shared>>
          tpu.wait_indirect_dma semaphore(%run_scoped3A : memref<!tpu.dma_semaphore, #tpu.memory_space<semaphore_mem>>) src(%arg31 : memref<48xf32, #tpu.memory_space<vmem>>) dst(%dma_wait3A_1821 : memref<10240xf32, #tpu.memory_space<vmem_shared>>)
          tpu.yield
        }) : () -> ()
      }
      %scan3A_1803 = arith.constant 24 : i32
    }
    %scan3A_189 = arith.constant 2 : i32
    %barrier3A_190 = arith.constant 0 : index
    tpu.barrier barrier_id(%barrier3A_190)
    %mul3A_191 = arith.constant 640 : i32
    %mul3A_192 = arith.muli %mul3A_191, %arg1 : i32
    "tpu.region"() ({
      %run_scoped3A = tpu.sem_alloc : memref<!tpu.dma_semaphore, #tpu.memory_space<semaphore_mem>>
      %dma_start3A = tpu.memref_slice %arg13[%mul3A_192] : memref<10240xf32, #tpu.memory_space<vmem_shared>> -> memref<640xf32, #tpu.memory_space<vmem_shared>>
      %dma_start3A_1798 = tpu.memref_slice %arg13[%mul3A_192] : memref<10240xf32, #tpu.memory_space<vmem_shared>> -> memref<640xf32, #tpu.memory_space<vmem_shared>>
      tpu.enqueue_dma source(%dma_start3A_1798 : memref<640xf32, #tpu.memory_space<vmem_shared>>) target(%arg28 : memref<640xf32, #tpu.memory_space<vmem>>) target_semaphore(%run_scoped3A : memref<!tpu.dma_semaphore, #tpu.memory_space<semaphore_mem>>)
      %dma_wait3A = tpu.memref_slice %arg13[%mul3A_192] : memref<10240xf32, #tpu.memory_space<vmem_shared>> -> memref<640xf32, #tpu.memory_space<vmem_shared>>
      %dma_wait3A_1799 = tpu.memref_slice %arg13[%mul3A_192] : memref<10240xf32, #tpu.memory_space<vmem_shared>> -> memref<640xf32, #tpu.memory_space<vmem_shared>>
      tpu.wait_dma2 semaphore(%run_scoped3A : memref<!tpu.dma_semaphore, #tpu.memory_space<semaphore_mem>>) src(%dma_wait3A_1799 : memref<640xf32, #tpu.memory_space<vmem_shared>>) dst(%arg28 : memref<640xf32, #tpu.memory_space<vmem>>)
      tpu.yield
    }) : () -> ()
    %get3A = arith.constant 0 : index
    %get3A_193 = tpu.vector_load %arg28[%get3A] {strides = array<i32>} : memref<640xf32, #tpu.memory_space<vmem>>, vector<16xf32>,
    %bitcast_convert_type3A = tpu.bitcast %get3A_193 : vector<16xf32> -> vector<16xi32>
    %broadcast_in_dim3A_194 = arith.constant 1597463007 : i32
    %broadcast_in_dim3A_195 = vector.broadcast %broadcast_in_dim3A_194 : i32 to vector<16xi32>
    %shift_right_logical3A = arith.constant 1 : i32
    %shift_right_logical3A_196 = vector.broadcast %shift_right_logical3A : i32 to vector<16xi32>
    %shift_right_logical3A_197 = arith.shrui %bitcast_convert_type3A, %shift_right_logical3A_196 : vector<16xi32>
    %sub3A = arith.subi %broadcast_in_dim3A_195, %shift_right_logical3A_197 : vector<16xi32>
    %bitcast_convert_type3A_198 = tpu.bitcast %sub3A : vector<16xi32> -> vector<16xf32>
    %mul3A_199 = arith.constant 5.000000e-01 : f32
    %mul3A_200 = vector.broadcast %mul3A_199 : f32 to vector<16xf32>
    %mul3A_201 = arith.mulf %mul3A_200, %get3A_193 : vector<16xf32>
    %mul3A_202 = arith.mulf %mul3A_201, %bitcast_convert_type3A_198 : vector<16xf32>
    %mul3A_203 = arith.mulf %mul3A_202, %bitcast_convert_type3A_198 : vector<16xf32>
    %sub3A_204 = arith.constant 1.500000e+00 : f32
    %sub3A_205 = vector.broadcast %sub3A_204 : f32 to vector<16xf32>
    %sub3A_206 = arith.subf %sub3A_205, %mul3A_203 : vector<16xf32>
    %mul3A_207 = arith.mulf %bitcast_convert_type3A_198, %sub3A_206 : vector<16xf32>
    %mul3A_208 = arith.constant 5.000000e-01 : f32
    %mul3A_209 = vector.broadcast %mul3A_208 : f32 to vector<16xf32>
    %mul3A_210 = arith.mulf %mul3A_209, %get3A_193 : vector<16xf32>
    %mul3A_211 = arith.mulf %mul3A_210, %mul3A_207 : vector<16xf32>
    %mul3A_212 = arith.mulf %mul3A_211, %mul3A_207 : vector<16xf32>
    %sub3A_213 = arith.constant 1.500000e+00 : f32
    %sub3A_214 = vector.broadcast %sub3A_213 : f32 to vector<16xf32>
    %sub3A_215 = arith.subf %sub3A_214, %mul3A_212 : vector<16xf32>
    %mul3A_216 = arith.mulf %mul3A_207, %sub3A_215 : vector<16xf32>
    %mul3A_217 = arith.constant 5.000000e-01 : f32
    %mul3A_218 = vector.broadcast %mul3A_217 : f32 to vector<16xf32>
    %mul3A_219 = arith.mulf %mul3A_218, %get3A_193 : vector<16xf32>
    %mul3A_220 = arith.mulf %mul3A_219, %mul3A_216 : vector<16xf32>
    %mul3A_221 = arith.mulf %mul3A_220, %mul3A_216 : vector<16xf32>
    %sub3A_222 = arith.constant 1.500000e+00 : f32
    %sub3A_223 = vector.broadcast %sub3A_222 : f32 to vector<16xf32>
    %sub3A_224 = arith.subf %sub3A_223, %mul3A_221 : vector<16xf32>
    %mul3A_225 = arith.mulf %mul3A_216, %sub3A_224 : vector<16xf32>
    %swap3A_226 = arith.constant 0 : index
    %swap3A_227 = tpu.vector_load %arg29[%swap3A_226] {strides = array<i32>} : memref<640xf32, #tpu.memory_space<vmem>>, vector<16xf32>,
    tpu.vector_store %arg29[%swap3A_226], %mul3A_225 {strides = array<i32>} : memref<640xf32, #tpu.memory_space<vmem>>, vector<16xf32>,
    %get3A_228 = arith.constant 16 : index
    %get3A_229 = tpu.vector_load %arg28[%get3A_228] {strides = array<i32>} : memref<640xf32, #tpu.memory_space<vmem>>, vector<16xf32>,
    %bitcast_convert_type3A_230 = tpu.bitcast %get3A_229 : vector<16xf32> -> vector<16xi32>
    %broadcast_in_dim3A_231 = arith.constant 1597463007 : i32
    %broadcast_in_dim3A_232 = vector.broadcast %broadcast_in_dim3A_231 : i32 to vector<16xi32>
    %shift_right_logical3A_233 = arith.constant 1 : i32
    %shift_right_logical3A_234 = vector.broadcast %shift_right_logical3A_233 : i32 to vector<16xi32>
    %shift_right_logical3A_235 = arith.shrui %bitcast_convert_type3A_230, %shift_right_logical3A_234 : vector<16xi32>
    %sub3A_236 = arith.subi %broadcast_in_dim3A_232, %shift_right_logical3A_235 : vector<16xi32>
    %bitcast_convert_type3A_237 = tpu.bitcast %sub3A_236 : vector<16xi32> -> vector<16xf32>
    %mul3A_238 = arith.constant 5.000000e-01 : f32
    %mul3A_239 = vector.broadcast %mul3A_238 : f32 to vector<16xf32>
    %mul3A_240 = arith.mulf %mul3A_239, %get3A_229 : vector<16xf32>
    %mul3A_241 = arith.mulf %mul3A_240, %bitcast_convert_type3A_237 : vector<16xf32>
    %mul3A_242 = arith.mulf %mul3A_241, %bitcast_convert_type3A_237 : vector<16xf32>
    %sub3A_243 = arith.constant 1.500000e+00 : f32
    %sub3A_244 = vector.broadcast %sub3A_243 : f32 to vector<16xf32>
    %sub3A_245 = arith.subf %sub3A_244, %mul3A_242 : vector<16xf32>
    %mul3A_246 = arith.mulf %bitcast_convert_type3A_237, %sub3A_245 : vector<16xf32>
    %mul3A_247 = arith.constant 5.000000e-01 : f32
    %mul3A_248 = vector.broadcast %mul3A_247 : f32 to vector<16xf32>
    %mul3A_249 = arith.mulf %mul3A_248, %get3A_229 : vector<16xf32>
    %mul3A_250 = arith.mulf %mul3A_249, %mul3A_246 : vector<16xf32>
    %mul3A_251 = arith.mulf %mul3A_250, %mul3A_246 : vector<16xf32>
    %sub3A_252 = arith.constant 1.500000e+00 : f32
    %sub3A_253 = vector.broadcast %sub3A_252 : f32 to vector<16xf32>
    %sub3A_254 = arith.subf %sub3A_253, %mul3A_251 : vector<16xf32>
    %mul3A_255 = arith.mulf %mul3A_246, %sub3A_254 : vector<16xf32>
    %mul3A_256 = arith.constant 5.000000e-01 : f32
    %mul3A_257 = vector.broadcast %mul3A_256 : f32 to vector<16xf32>
    %mul3A_258 = arith.mulf %mul3A_257, %get3A_229 : vector<16xf32>
    %mul3A_259 = arith.mulf %mul3A_258, %mul3A_255 : vector<16xf32>
    %mul3A_260 = arith.mulf %mul3A_259, %mul3A_255 : vector<16xf32>
    %sub3A_261 = arith.constant 1.500000e+00 : f32
    %sub3A_262 = vector.broadcast %sub3A_261 : f32 to vector<16xf32>
    %sub3A_263 = arith.subf %sub3A_262, %mul3A_260 : vector<16xf32>
    %mul3A_264 = arith.mulf %mul3A_255, %sub3A_263 : vector<16xf32>
    %swap3A_265 = arith.constant 16 : index
    %swap3A_266 = tpu.vector_load %arg29[%swap3A_265] {strides = array<i32>} : memref<640xf32, #tpu.memory_space<vmem>>, vector<16xf32>,
    tpu.vector_store %arg29[%swap3A_265], %mul3A_264 {strides = array<i32>} : memref<640xf32, #tpu.memory_space<vmem>>, vector<16xf32>,
    %get3A_267 = arith.constant 32 : index
    %get3A_268 = tpu.vector_load %arg28[%get3A_267] {strides = array<i32>} : memref<640xf32, #tpu.memory_space<vmem>>, vector<16xf32>,
    %bitcast_convert_type3A_269 = tpu.bitcast %get3A_268 : vector<16xf32> -> vector<16xi32>
    %broadcast_in_dim3A_270 = arith.constant 1597463007 : i32
    %broadcast_in_dim3A_271 = vector.broadcast %broadcast_in_dim3A_270 : i32 to vector<16xi32>
    %shift_right_logical3A_272 = arith.constant 1 : i32
    %shift_right_logical3A_273 = vector.broadcast %shift_right_logical3A_272 : i32 to vector<16xi32>
    %shift_right_logical3A_274 = arith.shrui %bitcast_convert_type3A_269, %shift_right_logical3A_273 : vector<16xi32>
    %sub3A_275 = arith.subi %broadcast_in_dim3A_271, %shift_right_logical3A_274 : vector<16xi32>
    %bitcast_convert_type3A_276 = tpu.bitcast %sub3A_275 : vector<16xi32> -> vector<16xf32>
    %mul3A_277 = arith.constant 5.000000e-01 : f32
    %mul3A_278 = vector.broadcast %mul3A_277 : f32 to vector<16xf32>
    %mul3A_279 = arith.mulf %mul3A_278, %get3A_268 : vector<16xf32>
    %mul3A_280 = arith.mulf %mul3A_279, %bitcast_convert_type3A_276 : vector<16xf32>
    %mul3A_281 = arith.mulf %mul3A_280, %bitcast_convert_type3A_276 : vector<16xf32>
    %sub3A_282 = arith.constant 1.500000e+00 : f32
    %sub3A_283 = vector.broadcast %sub3A_282 : f32 to vector<16xf32>
    %sub3A_284 = arith.subf %sub3A_283, %mul3A_281 : vector<16xf32>
    %mul3A_285 = arith.mulf %bitcast_convert_type3A_276, %sub3A_284 : vector<16xf32>
    %mul3A_286 = arith.constant 5.000000e-01 : f32
    %mul3A_287 = vector.broadcast %mul3A_286 : f32 to vector<16xf32>
    %mul3A_288 = arith.mulf %mul3A_287, %get3A_268 : vector<16xf32>
    %mul3A_289 = arith.mulf %mul3A_288, %mul3A_285 : vector<16xf32>
    %mul3A_290 = arith.mulf %mul3A_289, %mul3A_285 : vector<16xf32>
    %sub3A_291 = arith.constant 1.500000e+00 : f32
    %sub3A_292 = vector.broadcast %sub3A_291 : f32 to vector<16xf32>
    %sub3A_293 = arith.subf %sub3A_292, %mul3A_290 : vector<16xf32>
    %mul3A_294 = arith.mulf %mul3A_285, %sub3A_293 : vector<16xf32>
    %mul3A_295 = arith.constant 5.000000e-01 : f32
    %mul3A_296 = vector.broadcast %mul3A_295 : f32 to vector<16xf32>
    %mul3A_297 = arith.mulf %mul3A_296, %get3A_268 : vector<16xf32>
    %mul3A_298 = arith.mulf %mul3A_297, %mul3A_294 : vector<16xf32>
    %mul3A_299 = arith.mulf %mul3A_298, %mul3A_294 : vector<16xf32>
    %sub3A_300 = arith.constant 1.500000e+00 : f32
    %sub3A_301 = vector.broadcast %sub3A_300 : f32 to vector<16xf32>
    %sub3A_302 = arith.subf %sub3A_301, %mul3A_299 : vector<16xf32>
    %mul3A_303 = arith.mulf %mul3A_294, %sub3A_302 : vector<16xf32>
    %swap3A_304 = arith.constant 32 : index
    %swap3A_305 = tpu.vector_load %arg29[%swap3A_304] {strides = array<i32>} : memref<640xf32, #tpu.memory_space<vmem>>, vector<16xf32>,
    tpu.vector_store %arg29[%swap3A_304], %mul3A_303 {strides = array<i32>} : memref<640xf32, #tpu.memory_space<vmem>>, vector<16xf32>,
    %get3A_306 = arith.constant 48 : index
    %get3A_307 = tpu.vector_load %arg28[%get3A_306] {strides = array<i32>} : memref<640xf32, #tpu.memory_space<vmem>>, vector<16xf32>,
    %bitcast_convert_type3A_308 = tpu.bitcast %get3A_307 : vector<16xf32> -> vector<16xi32>
    %broadcast_in_dim3A_309 = arith.constant 1597463007 : i32
    %broadcast_in_dim3A_310 = vector.broadcast %broadcast_in_dim3A_309 : i32 to vector<16xi32>
    %shift_right_logical3A_311 = arith.constant 1 : i32
    %shift_right_logical3A_312 = vector.broadcast %shift_right_logical3A_311 : i32 to vector<16xi32>
    %shift_right_logical3A_313 = arith.shrui %bitcast_convert_type3A_308, %shift_right_logical3A_312 : vector<16xi32>
    %sub3A_314 = arith.subi %broadcast_in_dim3A_310, %shift_right_logical3A_313 : vector<16xi32>
    %bitcast_convert_type3A_315 = tpu.bitcast %sub3A_314 : vector<16xi32> -> vector<16xf32>
    %mul3A_316 = arith.constant 5.000000e-01 : f32
    %mul3A_317 = vector.broadcast %mul3A_316 : f32 to vector<16xf32>
    %mul3A_318 = arith.mulf %mul3A_317, %get3A_307 : vector<16xf32>
    %mul3A_319 = arith.mulf %mul3A_318, %bitcast_convert_type3A_315 : vector<16xf32>
    %mul3A_320 = arith.mulf %mul3A_319, %bitcast_convert_type3A_315 : vector<16xf32>
    %sub3A_321 = arith.constant 1.500000e+00 : f32
    %sub3A_322 = vector.broadcast %sub3A_321 : f32 to vector<16xf32>
    %sub3A_323 = arith.subf %sub3A_322, %mul3A_320 : vector<16xf32>
    %mul3A_324 = arith.mulf %bitcast_convert_type3A_315, %sub3A_323 : vector<16xf32>
    %mul3A_325 = arith.constant 5.000000e-01 : f32
    %mul3A_326 = vector.broadcast %mul3A_325 : f32 to vector<16xf32>
    %mul3A_327 = arith.mulf %mul3A_326, %get3A_307 : vector<16xf32>
    %mul3A_328 = arith.mulf %mul3A_327, %mul3A_324 : vector<16xf32>
    %mul3A_329 = arith.mulf %mul3A_328, %mul3A_324 : vector<16xf32>
    %sub3A_330 = arith.constant 1.500000e+00 : f32
    %sub3A_331 = vector.broadcast %sub3A_330 : f32 to vector<16xf32>
    %sub3A_332 = arith.subf %sub3A_331, %mul3A_329 : vector<16xf32>
    %mul3A_333 = arith.mulf %mul3A_324, %sub3A_332 : vector<16xf32>
    %mul3A_334 = arith.constant 5.000000e-01 : f32
    %mul3A_335 = vector.broadcast %mul3A_334 : f32 to vector<16xf32>
    %mul3A_336 = arith.mulf %mul3A_335, %get3A_307 : vector<16xf32>
    %mul3A_337 = arith.mulf %mul3A_336, %mul3A_333 : vector<16xf32>
    %mul3A_338 = arith.mulf %mul3A_337, %mul3A_333 : vector<16xf32>
    %sub3A_339 = arith.constant 1.500000e+00 : f32
    %sub3A_340 = vector.broadcast %sub3A_339 : f32 to vector<16xf32>
    %sub3A_341 = arith.subf %sub3A_340, %mul3A_338 : vector<16xf32>
    %mul3A_342 = arith.mulf %mul3A_333, %sub3A_341 : vector<16xf32>
    %swap3A_343 = arith.constant 48 : index
    %swap3A_344 = tpu.vector_load %arg29[%swap3A_343] {strides = array<i32>} : memref<640xf32, #tpu.memory_space<vmem>>, vector<16xf32>,
    tpu.vector_store %arg29[%swap3A_343], %mul3A_342 {strides = array<i32>} : memref<640xf32, #tpu.memory_space<vmem>>, vector<16xf32>,
    %get3A_345 = arith.constant 64 : index
    %get3A_346 = tpu.vector_load %arg28[%get3A_345] {strides = array<i32>} : memref<640xf32, #tpu.memory_space<vmem>>, vector<16xf32>,
    %bitcast_convert_type3A_347 = tpu.bitcast %get3A_346 : vector<16xf32> -> vector<16xi32>
    %broadcast_in_dim3A_348 = arith.constant 1597463007 : i32
    %broadcast_in_dim3A_349 = vector.broadcast %broadcast_in_dim3A_348 : i32 to vector<16xi32>
    %shift_right_logical3A_350 = arith.constant 1 : i32
    %shift_right_logical3A_351 = vector.broadcast %shift_right_logical3A_350 : i32 to vector<16xi32>
    %shift_right_logical3A_352 = arith.shrui %bitcast_convert_type3A_347, %shift_right_logical3A_351 : vector<16xi32>
    %sub3A_353 = arith.subi %broadcast_in_dim3A_349, %shift_right_logical3A_352 : vector<16xi32>
    %bitcast_convert_type3A_354 = tpu.bitcast %sub3A_353 : vector<16xi32> -> vector<16xf32>
    %mul3A_355 = arith.constant 5.000000e-01 : f32
    %mul3A_356 = vector.broadcast %mul3A_355 : f32 to vector<16xf32>
    %mul3A_357 = arith.mulf %mul3A_356, %get3A_346 : vector<16xf32>
    %mul3A_358 = arith.mulf %mul3A_357, %bitcast_convert_type3A_354 : vector<16xf32>
    %mul3A_359 = arith.mulf %mul3A_358, %bitcast_convert_type3A_354 : vector<16xf32>
    %sub3A_360 = arith.constant 1.500000e+00 : f32
    %sub3A_361 = vector.broadcast %sub3A_360 : f32 to vector<16xf32>
    %sub3A_362 = arith.subf %sub3A_361, %mul3A_359 : vector<16xf32>
    %mul3A_363 = arith.mulf %bitcast_convert_type3A_354, %sub3A_362 : vector<16xf32>
    %mul3A_364 = arith.constant 5.000000e-01 : f32
    %mul3A_365 = vector.broadcast %mul3A_364 : f32 to vector<16xf32>
    %mul3A_366 = arith.mulf %mul3A_365, %get3A_346 : vector<16xf32>
    %mul3A_367 = arith.mulf %mul3A_366, %mul3A_363 : vector<16xf32>
    %mul3A_368 = arith.mulf %mul3A_367, %mul3A_363 : vector<16xf32>
    %sub3A_369 = arith.constant 1.500000e+00 : f32
    %sub3A_370 = vector.broadcast %sub3A_369 : f32 to vector<16xf32>
    %sub3A_371 = arith.subf %sub3A_370, %mul3A_368 : vector<16xf32>
    %mul3A_372 = arith.mulf %mul3A_363, %sub3A_371 : vector<16xf32>
    %mul3A_373 = arith.constant 5.000000e-01 : f32
    %mul3A_374 = vector.broadcast %mul3A_373 : f32 to vector<16xf32>
    %mul3A_375 = arith.mulf %mul3A_374, %get3A_346 : vector<16xf32>
    %mul3A_376 = arith.mulf %mul3A_375, %mul3A_372 : vector<16xf32>
    %mul3A_377 = arith.mulf %mul3A_376, %mul3A_372 : vector<16xf32>
    %sub3A_378 = arith.constant 1.500000e+00 : f32
    %sub3A_379 = vector.broadcast %sub3A_378 : f32 to vector<16xf32>
    %sub3A_380 = arith.subf %sub3A_379, %mul3A_377 : vector<16xf32>
    %mul3A_381 = arith.mulf %mul3A_372, %sub3A_380 : vector<16xf32>
    %swap3A_382 = arith.constant 64 : index
    %swap3A_383 = tpu.vector_load %arg29[%swap3A_382] {strides = array<i32>} : memref<640xf32, #tpu.memory_space<vmem>>, vector<16xf32>,
    tpu.vector_store %arg29[%swap3A_382], %mul3A_381 {strides = array<i32>} : memref<640xf32, #tpu.memory_space<vmem>>, vector<16xf32>,
    %get3A_384 = arith.constant 80 : index
    %get3A_385 = tpu.vector_load %arg28[%get3A_384] {strides = array<i32>} : memref<640xf32, #tpu.memory_space<vmem>>, vector<16xf32>,
    %bitcast_convert_type3A_386 = tpu.bitcast %get3A_385 : vector<16xf32> -> vector<16xi32>
    %broadcast_in_dim3A_387 = arith.constant 1597463007 : i32
    %broadcast_in_dim3A_388 = vector.broadcast %broadcast_in_dim3A_387 : i32 to vector<16xi32>
    %shift_right_logical3A_389 = arith.constant 1 : i32
    %shift_right_logical3A_390 = vector.broadcast %shift_right_logical3A_389 : i32 to vector<16xi32>
    %shift_right_logical3A_391 = arith.shrui %bitcast_convert_type3A_386, %shift_right_logical3A_390 : vector<16xi32>
    %sub3A_392 = arith.subi %broadcast_in_dim3A_388, %shift_right_logical3A_391 : vector<16xi32>
    %bitcast_convert_type3A_393 = tpu.bitcast %sub3A_392 : vector<16xi32> -> vector<16xf32>
    %mul3A_394 = arith.constant 5.000000e-01 : f32
    %mul3A_395 = vector.broadcast %mul3A_394 : f32 to vector<16xf32>
    %mul3A_396 = arith.mulf %mul3A_395, %get3A_385 : vector<16xf32>
    %mul3A_397 = arith.mulf %mul3A_396, %bitcast_convert_type3A_393 : vector<16xf32>
    %mul3A_398 = arith.mulf %mul3A_397, %bitcast_convert_type3A_393 : vector<16xf32>
    %sub3A_399 = arith.constant 1.500000e+00 : f32
    %sub3A_400 = vector.broadcast %sub3A_399 : f32 to vector<16xf32>
    %sub3A_401 = arith.subf %sub3A_400, %mul3A_398 : vector<16xf32>
    %mul3A_402 = arith.mulf %bitcast_convert_type3A_393, %sub3A_401 : vector<16xf32>
    %mul3A_403 = arith.constant 5.000000e-01 : f32
    %mul3A_404 = vector.broadcast %mul3A_403 : f32 to vector<16xf32>
    %mul3A_405 = arith.mulf %mul3A_404, %get3A_385 : vector<16xf32>
    %mul3A_406 = arith.mulf %mul3A_405, %mul3A_402 : vector<16xf32>
    %mul3A_407 = arith.mulf %mul3A_406, %mul3A_402 : vector<16xf32>
    %sub3A_408 = arith.constant 1.500000e+00 : f32
    %sub3A_409 = vector.broadcast %sub3A_408 : f32 to vector<16xf32>
    %sub3A_410 = arith.subf %sub3A_409, %mul3A_407 : vector<16xf32>
    %mul3A_411 = arith.mulf %mul3A_402, %sub3A_410 : vector<16xf32>
    %mul3A_412 = arith.constant 5.000000e-01 : f32
    %mul3A_413 = vector.broadcast %mul3A_412 : f32 to vector<16xf32>
    %mul3A_414 = arith.mulf %mul3A_413, %get3A_385 : vector<16xf32>
    %mul3A_415 = arith.mulf %mul3A_414, %mul3A_411 : vector<16xf32>
    %mul3A_416 = arith.mulf %mul3A_415, %mul3A_411 : vector<16xf32>
    %sub3A_417 = arith.constant 1.500000e+00 : f32
    %sub3A_418 = vector.broadcast %sub3A_417 : f32 to vector<16xf32>
    %sub3A_419 = arith.subf %sub3A_418, %mul3A_416 : vector<16xf32>
    %mul3A_420 = arith.mulf %mul3A_411, %sub3A_419 : vector<16xf32>
    %swap3A_421 = arith.constant 80 : index
    %swap3A_422 = tpu.vector_load %arg29[%swap3A_421] {strides = array<i32>} : memref<640xf32, #tpu.memory_space<vmem>>, vector<16xf32>,
    tpu.vector_store %arg29[%swap3A_421], %mul3A_420 {strides = array<i32>} : memref<640xf32, #tpu.memory_space<vmem>>, vector<16xf32>,
    %get3A_423 = arith.constant 96 : index
    %get3A_424 = tpu.vector_load %arg28[%get3A_423] {strides = array<i32>} : memref<640xf32, #tpu.memory_space<vmem>>, vector<16xf32>,
    %bitcast_convert_type3A_425 = tpu.bitcast %get3A_424 : vector<16xf32> -> vector<16xi32>
    %broadcast_in_dim3A_426 = arith.constant 1597463007 : i32
    %broadcast_in_dim3A_427 = vector.broadcast %broadcast_in_dim3A_426 : i32 to vector<16xi32>
    %shift_right_logical3A_428 = arith.constant 1 : i32
    %shift_right_logical3A_429 = vector.broadcast %shift_right_logical3A_428 : i32 to vector<16xi32>
    %shift_right_logical3A_430 = arith.shrui %bitcast_convert_type3A_425, %shift_right_logical3A_429 : vector<16xi32>
    %sub3A_431 = arith.subi %broadcast_in_dim3A_427, %shift_right_logical3A_430 : vector<16xi32>
    %bitcast_convert_type3A_432 = tpu.bitcast %sub3A_431 : vector<16xi32> -> vector<16xf32>
    %mul3A_433 = arith.constant 5.000000e-01 : f32
    %mul3A_434 = vector.broadcast %mul3A_433 : f32 to vector<16xf32>
    %mul3A_435 = arith.mulf %mul3A_434, %get3A_424 : vector<16xf32>
    %mul3A_436 = arith.mulf %mul3A_435, %bitcast_convert_type3A_432 : vector<16xf32>
    %mul3A_437 = arith.mulf %mul3A_436, %bitcast_convert_type3A_432 : vector<16xf32>
    %sub3A_438 = arith.constant 1.500000e+00 : f32
    %sub3A_439 = vector.broadcast %sub3A_438 : f32 to vector<16xf32>
    %sub3A_440 = arith.subf %sub3A_439, %mul3A_437 : vector<16xf32>
    %mul3A_441 = arith.mulf %bitcast_convert_type3A_432, %sub3A_440 : vector<16xf32>
    %mul3A_442 = arith.constant 5.000000e-01 : f32
    %mul3A_443 = vector.broadcast %mul3A_442 : f32 to vector<16xf32>
    %mul3A_444 = arith.mulf %mul3A_443, %get3A_424 : vector<16xf32>
    %mul3A_445 = arith.mulf %mul3A_444, %mul3A_441 : vector<16xf32>
    %mul3A_446 = arith.mulf %mul3A_445, %mul3A_441 : vector<16xf32>
    %sub3A_447 = arith.constant 1.500000e+00 : f32
    %sub3A_448 = vector.broadcast %sub3A_447 : f32 to vector<16xf32>
    %sub3A_449 = arith.subf %sub3A_448, %mul3A_446 : vector<16xf32>
    %mul3A_450 = arith.mulf %mul3A_441, %sub3A_449 : vector<16xf32>
    %mul3A_451 = arith.constant 5.000000e-01 : f32
    %mul3A_452 = vector.broadcast %mul3A_451 : f32 to vector<16xf32>
    %mul3A_453 = arith.mulf %mul3A_452, %get3A_424 : vector<16xf32>
    %mul3A_454 = arith.mulf %mul3A_453, %mul3A_450 : vector<16xf32>
    %mul3A_455 = arith.mulf %mul3A_454, %mul3A_450 : vector<16xf32>
    %sub3A_456 = arith.constant 1.500000e+00 : f32
    %sub3A_457 = vector.broadcast %sub3A_456 : f32 to vector<16xf32>
    %sub3A_458 = arith.subf %sub3A_457, %mul3A_455 : vector<16xf32>
    %mul3A_459 = arith.mulf %mul3A_450, %sub3A_458 : vector<16xf32>
    %swap3A_460 = arith.constant 96 : index
    %swap3A_461 = tpu.vector_load %arg29[%swap3A_460] {strides = array<i32>} : memref<640xf32, #tpu.memory_space<vmem>>, vector<16xf32>,
    tpu.vector_store %arg29[%swap3A_460], %mul3A_459 {strides = array<i32>} : memref<640xf32, #tpu.memory_space<vmem>>, vector<16xf32>,
    %get3A_462 = arith.constant 112 : index
    %get3A_463 = tpu.vector_load %arg28[%get3A_462] {strides = array<i32>} : memref<640xf32, #tpu.memory_space<vmem>>, vector<16xf32>,
    %bitcast_convert_type3A_464 = tpu.bitcast %get3A_463 : vector<16xf32> -> vector<16xi32>
    %broadcast_in_dim3A_465 = arith.constant 1597463007 : i32
    %broadcast_in_dim3A_466 = vector.broadcast %broadcast_in_dim3A_465 : i32 to vector<16xi32>
    %shift_right_logical3A_467 = arith.constant 1 : i32
    %shift_right_logical3A_468 = vector.broadcast %shift_right_logical3A_467 : i32 to vector<16xi32>
    %shift_right_logical3A_469 = arith.shrui %bitcast_convert_type3A_464, %shift_right_logical3A_468 : vector<16xi32>
    %sub3A_470 = arith.subi %broadcast_in_dim3A_466, %shift_right_logical3A_469 : vector<16xi32>
    %bitcast_convert_type3A_471 = tpu.bitcast %sub3A_470 : vector<16xi32> -> vector<16xf32>
    %mul3A_472 = arith.constant 5.000000e-01 : f32
    %mul3A_473 = vector.broadcast %mul3A_472 : f32 to vector<16xf32>
    %mul3A_474 = arith.mulf %mul3A_473, %get3A_463 : vector<16xf32>
    %mul3A_475 = arith.mulf %mul3A_474, %bitcast_convert_type3A_471 : vector<16xf32>
    %mul3A_476 = arith.mulf %mul3A_475, %bitcast_convert_type3A_471 : vector<16xf32>
    %sub3A_477 = arith.constant 1.500000e+00 : f32
    %sub3A_478 = vector.broadcast %sub3A_477 : f32 to vector<16xf32>
    %sub3A_479 = arith.subf %sub3A_478, %mul3A_476 : vector<16xf32>
    %mul3A_480 = arith.mulf %bitcast_convert_type3A_471, %sub3A_479 : vector<16xf32>
    %mul3A_481 = arith.constant 5.000000e-01 : f32
    %mul3A_482 = vector.broadcast %mul3A_481 : f32 to vector<16xf32>
    %mul3A_483 = arith.mulf %mul3A_482, %get3A_463 : vector<16xf32>
    %mul3A_484 = arith.mulf %mul3A_483, %mul3A_480 : vector<16xf32>
    %mul3A_485 = arith.mulf %mul3A_484, %mul3A_480 : vector<16xf32>
    %sub3A_486 = arith.constant 1.500000e+00 : f32
    %sub3A_487 = vector.broadcast %sub3A_486 : f32 to vector<16xf32>
    %sub3A_488 = arith.subf %sub3A_487, %mul3A_485 : vector<16xf32>
    %mul3A_489 = arith.mulf %mul3A_480, %sub3A_488 : vector<16xf32>
    %mul3A_490 = arith.constant 5.000000e-01 : f32
    %mul3A_491 = vector.broadcast %mul3A_490 : f32 to vector<16xf32>
    %mul3A_492 = arith.mulf %mul3A_491, %get3A_463 : vector<16xf32>
    %mul3A_493 = arith.mulf %mul3A_492, %mul3A_489 : vector<16xf32>
    %mul3A_494 = arith.mulf %mul3A_493, %mul3A_489 : vector<16xf32>
    %sub3A_495 = arith.constant 1.500000e+00 : f32
    %sub3A_496 = vector.broadcast %sub3A_495 : f32 to vector<16xf32>
    %sub3A_497 = arith.subf %sub3A_496, %mul3A_494 : vector<16xf32>
    %mul3A_498 = arith.mulf %mul3A_489, %sub3A_497 : vector<16xf32>
    %swap3A_499 = arith.constant 112 : index
    %swap3A_500 = tpu.vector_load %arg29[%swap3A_499] {strides = array<i32>} : memref<640xf32, #tpu.memory_space<vmem>>, vector<16xf32>,
    tpu.vector_store %arg29[%swap3A_499], %mul3A_498 {strides = array<i32>} : memref<640xf32, #tpu.memory_space<vmem>>, vector<16xf32>,
    %get3A_501 = arith.constant 128 : index
    %get3A_502 = tpu.vector_load %arg28[%get3A_501] {strides = array<i32>} : memref<640xf32, #tpu.memory_space<vmem>>, vector<16xf32>,
    %bitcast_convert_type3A_503 = tpu.bitcast %get3A_502 : vector<16xf32> -> vector<16xi32>
    %broadcast_in_dim3A_504 = arith.constant 1597463007 : i32
    %broadcast_in_dim3A_505 = vector.broadcast %broadcast_in_dim3A_504 : i32 to vector<16xi32>
    %shift_right_logical3A_506 = arith.constant 1 : i32
    %shift_right_logical3A_507 = vector.broadcast %shift_right_logical3A_506 : i32 to vector<16xi32>
    %shift_right_logical3A_508 = arith.shrui %bitcast_convert_type3A_503, %shift_right_logical3A_507 : vector<16xi32>
    %sub3A_509 = arith.subi %broadcast_in_dim3A_505, %shift_right_logical3A_508 : vector<16xi32>
    %bitcast_convert_type3A_510 = tpu.bitcast %sub3A_509 : vector<16xi32> -> vector<16xf32>
    %mul3A_511 = arith.constant 5.000000e-01 : f32
    %mul3A_512 = vector.broadcast %mul3A_511 : f32 to vector<16xf32>
    %mul3A_513 = arith.mulf %mul3A_512, %get3A_502 : vector<16xf32>
    %mul3A_514 = arith.mulf %mul3A_513, %bitcast_convert_type3A_510 : vector<16xf32>
    %mul3A_515 = arith.mulf %mul3A_514, %bitcast_convert_type3A_510 : vector<16xf32>
    %sub3A_516 = arith.constant 1.500000e+00 : f32
    %sub3A_517 = vector.broadcast %sub3A_516 : f32 to vector<16xf32>
    %sub3A_518 = arith.subf %sub3A_517, %mul3A_515 : vector<16xf32>
    %mul3A_519 = arith.mulf %bitcast_convert_type3A_510, %sub3A_518 : vector<16xf32>
    %mul3A_520 = arith.constant 5.000000e-01 : f32
    %mul3A_521 = vector.broadcast %mul3A_520 : f32 to vector<16xf32>
    %mul3A_522 = arith.mulf %mul3A_521, %get3A_502 : vector<16xf32>
    %mul3A_523 = arith.mulf %mul3A_522, %mul3A_519 : vector<16xf32>
    %mul3A_524 = arith.mulf %mul3A_523, %mul3A_519 : vector<16xf32>
    %sub3A_525 = arith.constant 1.500000e+00 : f32
    %sub3A_526 = vector.broadcast %sub3A_525 : f32 to vector<16xf32>
    %sub3A_527 = arith.subf %sub3A_526, %mul3A_524 : vector<16xf32>
    %mul3A_528 = arith.mulf %mul3A_519, %sub3A_527 : vector<16xf32>
    %mul3A_529 = arith.constant 5.000000e-01 : f32
    %mul3A_530 = vector.broadcast %mul3A_529 : f32 to vector<16xf32>
    %mul3A_531 = arith.mulf %mul3A_530, %get3A_502 : vector<16xf32>
    %mul3A_532 = arith.mulf %mul3A_531, %mul3A_528 : vector<16xf32>
    %mul3A_533 = arith.mulf %mul3A_532, %mul3A_528 : vector<16xf32>
    %sub3A_534 = arith.constant 1.500000e+00 : f32
    %sub3A_535 = vector.broadcast %sub3A_534 : f32 to vector<16xf32>
    %sub3A_536 = arith.subf %sub3A_535, %mul3A_533 : vector<16xf32>
    %mul3A_537 = arith.mulf %mul3A_528, %sub3A_536 : vector<16xf32>
    %swap3A_538 = arith.constant 128 : index
    %swap3A_539 = tpu.vector_load %arg29[%swap3A_538] {strides = array<i32>} : memref<640xf32, #tpu.memory_space<vmem>>, vector<16xf32>,
    tpu.vector_store %arg29[%swap3A_538], %mul3A_537 {strides = array<i32>} : memref<640xf32, #tpu.memory_space<vmem>>, vector<16xf32>,
    %get3A_540 = arith.constant 144 : index
    %get3A_541 = tpu.vector_load %arg28[%get3A_540] {strides = array<i32>} : memref<640xf32, #tpu.memory_space<vmem>>, vector<16xf32>,
    %bitcast_convert_type3A_542 = tpu.bitcast %get3A_541 : vector<16xf32> -> vector<16xi32>
    %broadcast_in_dim3A_543 = arith.constant 1597463007 : i32
    %broadcast_in_dim3A_544 = vector.broadcast %broadcast_in_dim3A_543 : i32 to vector<16xi32>
    %shift_right_logical3A_545 = arith.constant 1 : i32
    %shift_right_logical3A_546 = vector.broadcast %shift_right_logical3A_545 : i32 to vector<16xi32>
    %shift_right_logical3A_547 = arith.shrui %bitcast_convert_type3A_542, %shift_right_logical3A_546 : vector<16xi32>
    %sub3A_548 = arith.subi %broadcast_in_dim3A_544, %shift_right_logical3A_547 : vector<16xi32>
    %bitcast_convert_type3A_549 = tpu.bitcast %sub3A_548 : vector<16xi32> -> vector<16xf32>
    %mul3A_550 = arith.constant 5.000000e-01 : f32
    %mul3A_551 = vector.broadcast %mul3A_550 : f32 to vector<16xf32>
    %mul3A_552 = arith.mulf %mul3A_551, %get3A_541 : vector<16xf32>
    %mul3A_553 = arith.mulf %mul3A_552, %bitcast_convert_type3A_549 : vector<16xf32>
    %mul3A_554 = arith.mulf %mul3A_553, %bitcast_convert_type3A_549 : vector<16xf32>
    %sub3A_555 = arith.constant 1.500000e+00 : f32
    %sub3A_556 = vector.broadcast %sub3A_555 : f32 to vector<16xf32>
    %sub3A_557 = arith.subf %sub3A_556, %mul3A_554 : vector<16xf32>
    %mul3A_558 = arith.mulf %bitcast_convert_type3A_549, %sub3A_557 : vector<16xf32>
    %mul3A_559 = arith.constant 5.000000e-01 : f32
    %mul3A_560 = vector.broadcast %mul3A_559 : f32 to vector<16xf32>
    %mul3A_561 = arith.mulf %mul3A_560, %get3A_541 : vector<16xf32>
    %mul3A_562 = arith.mulf %mul3A_561, %mul3A_558 : vector<16xf32>
    %mul3A_563 = arith.mulf %mul3A_562, %mul3A_558 : vector<16xf32>
    %sub3A_564 = arith.constant 1.500000e+00 : f32
    %sub3A_565 = vector.broadcast %sub3A_564 : f32 to vector<16xf32>
    %sub3A_566 = arith.subf %sub3A_565, %mul3A_563 : vector<16xf32>
    %mul3A_567 = arith.mulf %mul3A_558, %sub3A_566 : vector<16xf32>
    %mul3A_568 = arith.constant 5.000000e-01 : f32
    %mul3A_569 = vector.broadcast %mul3A_568 : f32 to vector<16xf32>
    %mul3A_570 = arith.mulf %mul3A_569, %get3A_541 : vector<16xf32>
    %mul3A_571 = arith.mulf %mul3A_570, %mul3A_567 : vector<16xf32>
    %mul3A_572 = arith.mulf %mul3A_571, %mul3A_567 : vector<16xf32>
    %sub3A_573 = arith.constant 1.500000e+00 : f32
    %sub3A_574 = vector.broadcast %sub3A_573 : f32 to vector<16xf32>
    %sub3A_575 = arith.subf %sub3A_574, %mul3A_572 : vector<16xf32>
    %mul3A_576 = arith.mulf %mul3A_567, %sub3A_575 : vector<16xf32>
    %swap3A_577 = arith.constant 144 : index
    %swap3A_578 = tpu.vector_load %arg29[%swap3A_577] {strides = array<i32>} : memref<640xf32, #tpu.memory_space<vmem>>, vector<16xf32>,
    tpu.vector_store %arg29[%swap3A_577], %mul3A_576 {strides = array<i32>} : memref<640xf32, #tpu.memory_space<vmem>>, vector<16xf32>,
    %get3A_579 = arith.constant 160 : index
    %get3A_580 = tpu.vector_load %arg28[%get3A_579] {strides = array<i32>} : memref<640xf32, #tpu.memory_space<vmem>>, vector<16xf32>,
    %bitcast_convert_type3A_581 = tpu.bitcast %get3A_580 : vector<16xf32> -> vector<16xi32>
    %broadcast_in_dim3A_582 = arith.constant 1597463007 : i32
    %broadcast_in_dim3A_583 = vector.broadcast %broadcast_in_dim3A_582 : i32 to vector<16xi32>
    %shift_right_logical3A_584 = arith.constant 1 : i32
    %shift_right_logical3A_585 = vector.broadcast %shift_right_logical3A_584 : i32 to vector<16xi32>
    %shift_right_logical3A_586 = arith.shrui %bitcast_convert_type3A_581, %shift_right_logical3A_585 : vector<16xi32>
    %sub3A_587 = arith.subi %broadcast_in_dim3A_583, %shift_right_logical3A_586 : vector<16xi32>
    %bitcast_convert_type3A_588 = tpu.bitcast %sub3A_587 : vector<16xi32> -> vector<16xf32>
    %mul3A_589 = arith.constant 5.000000e-01 : f32
    %mul3A_590 = vector.broadcast %mul3A_589 : f32 to vector<16xf32>
    %mul3A_591 = arith.mulf %mul3A_590, %get3A_580 : vector<16xf32>
    %mul3A_592 = arith.mulf %mul3A_591, %bitcast_convert_type3A_588 : vector<16xf32>
    %mul3A_593 = arith.mulf %mul3A_592, %bitcast_convert_type3A_588 : vector<16xf32>
    %sub3A_594 = arith.constant 1.500000e+00 : f32
    %sub3A_595 = vector.broadcast %sub3A_594 : f32 to vector<16xf32>
    %sub3A_596 = arith.subf %sub3A_595, %mul3A_593 : vector<16xf32>
    %mul3A_597 = arith.mulf %bitcast_convert_type3A_588, %sub3A_596 : vector<16xf32>
    %mul3A_598 = arith.constant 5.000000e-01 : f32
    %mul3A_599 = vector.broadcast %mul3A_598 : f32 to vector<16xf32>
    %mul3A_600 = arith.mulf %mul3A_599, %get3A_580 : vector<16xf32>
    %mul3A_601 = arith.mulf %mul3A_600, %mul3A_597 : vector<16xf32>
    %mul3A_602 = arith.mulf %mul3A_601, %mul3A_597 : vector<16xf32>
    %sub3A_603 = arith.constant 1.500000e+00 : f32
    %sub3A_604 = vector.broadcast %sub3A_603 : f32 to vector<16xf32>
    %sub3A_605 = arith.subf %sub3A_604, %mul3A_602 : vector<16xf32>
    %mul3A_606 = arith.mulf %mul3A_597, %sub3A_605 : vector<16xf32>
    %mul3A_607 = arith.constant 5.000000e-01 : f32
    %mul3A_608 = vector.broadcast %mul3A_607 : f32 to vector<16xf32>
    %mul3A_609 = arith.mulf %mul3A_608, %get3A_580 : vector<16xf32>
    %mul3A_610 = arith.mulf %mul3A_609, %mul3A_606 : vector<16xf32>
    %mul3A_611 = arith.mulf %mul3A_610, %mul3A_606 : vector<16xf32>
    %sub3A_612 = arith.constant 1.500000e+00 : f32
    %sub3A_613 = vector.broadcast %sub3A_612 : f32 to vector<16xf32>
    %sub3A_614 = arith.subf %sub3A_613, %mul3A_611 : vector<16xf32>
    %mul3A_615 = arith.mulf %mul3A_606, %sub3A_614 : vector<16xf32>
    %swap3A_616 = arith.constant 160 : index
    %swap3A_617 = tpu.vector_load %arg29[%swap3A_616] {strides = array<i32>} : memref<640xf32, #tpu.memory_space<vmem>>, vector<16xf32>,
    tpu.vector_store %arg29[%swap3A_616], %mul3A_615 {strides = array<i32>} : memref<640xf32, #tpu.memory_space<vmem>>, vector<16xf32>,
    %get3A_618 = arith.constant 176 : index
    %get3A_619 = tpu.vector_load %arg28[%get3A_618] {strides = array<i32>} : memref<640xf32, #tpu.memory_space<vmem>>, vector<16xf32>,
    %bitcast_convert_type3A_620 = tpu.bitcast %get3A_619 : vector<16xf32> -> vector<16xi32>
    %broadcast_in_dim3A_621 = arith.constant 1597463007 : i32
    %broadcast_in_dim3A_622 = vector.broadcast %broadcast_in_dim3A_621 : i32 to vector<16xi32>
    %shift_right_logical3A_623 = arith.constant 1 : i32
    %shift_right_logical3A_624 = vector.broadcast %shift_right_logical3A_623 : i32 to vector<16xi32>
    %shift_right_logical3A_625 = arith.shrui %bitcast_convert_type3A_620, %shift_right_logical3A_624 : vector<16xi32>
    %sub3A_626 = arith.subi %broadcast_in_dim3A_622, %shift_right_logical3A_625 : vector<16xi32>
    %bitcast_convert_type3A_627 = tpu.bitcast %sub3A_626 : vector<16xi32> -> vector<16xf32>
    %mul3A_628 = arith.constant 5.000000e-01 : f32
    %mul3A_629 = vector.broadcast %mul3A_628 : f32 to vector<16xf32>
    %mul3A_630 = arith.mulf %mul3A_629, %get3A_619 : vector<16xf32>
    %mul3A_631 = arith.mulf %mul3A_630, %bitcast_convert_type3A_627 : vector<16xf32>
    %mul3A_632 = arith.mulf %mul3A_631, %bitcast_convert_type3A_627 : vector<16xf32>
    %sub3A_633 = arith.constant 1.500000e+00 : f32
    %sub3A_634 = vector.broadcast %sub3A_633 : f32 to vector<16xf32>
    %sub3A_635 = arith.subf %sub3A_634, %mul3A_632 : vector<16xf32>
    %mul3A_636 = arith.mulf %bitcast_convert_type3A_627, %sub3A_635 : vector<16xf32>
    %mul3A_637 = arith.constant 5.000000e-01 : f32
    %mul3A_638 = vector.broadcast %mul3A_637 : f32 to vector<16xf32>
    %mul3A_639 = arith.mulf %mul3A_638, %get3A_619 : vector<16xf32>
    %mul3A_640 = arith.mulf %mul3A_639, %mul3A_636 : vector<16xf32>
    %mul3A_641 = arith.mulf %mul3A_640, %mul3A_636 : vector<16xf32>
    %sub3A_642 = arith.constant 1.500000e+00 : f32
    %sub3A_643 = vector.broadcast %sub3A_642 : f32 to vector<16xf32>
    %sub3A_644 = arith.subf %sub3A_643, %mul3A_641 : vector<16xf32>
    %mul3A_645 = arith.mulf %mul3A_636, %sub3A_644 : vector<16xf32>
    %mul3A_646 = arith.constant 5.000000e-01 : f32
    %mul3A_647 = vector.broadcast %mul3A_646 : f32 to vector<16xf32>
    %mul3A_648 = arith.mulf %mul3A_647, %get3A_619 : vector<16xf32>
    %mul3A_649 = arith.mulf %mul3A_648, %mul3A_645 : vector<16xf32>
    %mul3A_650 = arith.mulf %mul3A_649, %mul3A_645 : vector<16xf32>
    %sub3A_651 = arith.constant 1.500000e+00 : f32
    %sub3A_652 = vector.broadcast %sub3A_651 : f32 to vector<16xf32>
    %sub3A_653 = arith.subf %sub3A_652, %mul3A_650 : vector<16xf32>
    %mul3A_654 = arith.mulf %mul3A_645, %sub3A_653 : vector<16xf32>
    %swap3A_655 = arith.constant 176 : index
    %swap3A_656 = tpu.vector_load %arg29[%swap3A_655] {strides = array<i32>} : memref<640xf32, #tpu.memory_space<vmem>>, vector<16xf32>,
    tpu.vector_store %arg29[%swap3A_655], %mul3A_654 {strides = array<i32>} : memref<640xf32, #tpu.memory_space<vmem>>, vector<16xf32>,
    %get3A_657 = arith.constant 192 : index
    %get3A_658 = tpu.vector_load %arg28[%get3A_657] {strides = array<i32>} : memref<640xf32, #tpu.memory_space<vmem>>, vector<16xf32>,
    %bitcast_convert_type3A_659 = tpu.bitcast %get3A_658 : vector<16xf32> -> vector<16xi32>
    %broadcast_in_dim3A_660 = arith.constant 1597463007 : i32
    %broadcast_in_dim3A_661 = vector.broadcast %broadcast_in_dim3A_660 : i32 to vector<16xi32>
    %shift_right_logical3A_662 = arith.constant 1 : i32
    %shift_right_logical3A_663 = vector.broadcast %shift_right_logical3A_662 : i32 to vector<16xi32>
    %shift_right_logical3A_664 = arith.shrui %bitcast_convert_type3A_659, %shift_right_logical3A_663 : vector<16xi32>
    %sub3A_665 = arith.subi %broadcast_in_dim3A_661, %shift_right_logical3A_664 : vector<16xi32>
    %bitcast_convert_type3A_666 = tpu.bitcast %sub3A_665 : vector<16xi32> -> vector<16xf32>
    %mul3A_667 = arith.constant 5.000000e-01 : f32
    %mul3A_668 = vector.broadcast %mul3A_667 : f32 to vector<16xf32>
    %mul3A_669 = arith.mulf %mul3A_668, %get3A_658 : vector<16xf32>
    %mul3A_670 = arith.mulf %mul3A_669, %bitcast_convert_type3A_666 : vector<16xf32>
    %mul3A_671 = arith.mulf %mul3A_670, %bitcast_convert_type3A_666 : vector<16xf32>
    %sub3A_672 = arith.constant 1.500000e+00 : f32
    %sub3A_673 = vector.broadcast %sub3A_672 : f32 to vector<16xf32>
    %sub3A_674 = arith.subf %sub3A_673, %mul3A_671 : vector<16xf32>
    %mul3A_675 = arith.mulf %bitcast_convert_type3A_666, %sub3A_674 : vector<16xf32>
    %mul3A_676 = arith.constant 5.000000e-01 : f32
    %mul3A_677 = vector.broadcast %mul3A_676 : f32 to vector<16xf32>
    %mul3A_678 = arith.mulf %mul3A_677, %get3A_658 : vector<16xf32>
    %mul3A_679 = arith.mulf %mul3A_678, %mul3A_675 : vector<16xf32>
    %mul3A_680 = arith.mulf %mul3A_679, %mul3A_675 : vector<16xf32>
    %sub3A_681 = arith.constant 1.500000e+00 : f32
    %sub3A_682 = vector.broadcast %sub3A_681 : f32 to vector<16xf32>
    %sub3A_683 = arith.subf %sub3A_682, %mul3A_680 : vector<16xf32>
    %mul3A_684 = arith.mulf %mul3A_675, %sub3A_683 : vector<16xf32>
    %mul3A_685 = arith.constant 5.000000e-01 : f32
    %mul3A_686 = vector.broadcast %mul3A_685 : f32 to vector<16xf32>
    %mul3A_687 = arith.mulf %mul3A_686, %get3A_658 : vector<16xf32>
    %mul3A_688 = arith.mulf %mul3A_687, %mul3A_684 : vector<16xf32>
    %mul3A_689 = arith.mulf %mul3A_688, %mul3A_684 : vector<16xf32>
    %sub3A_690 = arith.constant 1.500000e+00 : f32
    %sub3A_691 = vector.broadcast %sub3A_690 : f32 to vector<16xf32>
    %sub3A_692 = arith.subf %sub3A_691, %mul3A_689 : vector<16xf32>
    %mul3A_693 = arith.mulf %mul3A_684, %sub3A_692 : vector<16xf32>
    %swap3A_694 = arith.constant 192 : index
    %swap3A_695 = tpu.vector_load %arg29[%swap3A_694] {strides = array<i32>} : memref<640xf32, #tpu.memory_space<vmem>>, vector<16xf32>,
    tpu.vector_store %arg29[%swap3A_694], %mul3A_693 {strides = array<i32>} : memref<640xf32, #tpu.memory_space<vmem>>, vector<16xf32>,
    %get3A_696 = arith.constant 208 : index
    %get3A_697 = tpu.vector_load %arg28[%get3A_696] {strides = array<i32>} : memref<640xf32, #tpu.memory_space<vmem>>, vector<16xf32>,
    %bitcast_convert_type3A_698 = tpu.bitcast %get3A_697 : vector<16xf32> -> vector<16xi32>
    %broadcast_in_dim3A_699 = arith.constant 1597463007 : i32
    %broadcast_in_dim3A_700 = vector.broadcast %broadcast_in_dim3A_699 : i32 to vector<16xi32>
    %shift_right_logical3A_701 = arith.constant 1 : i32
    %shift_right_logical3A_702 = vector.broadcast %shift_right_logical3A_701 : i32 to vector<16xi32>
    %shift_right_logical3A_703 = arith.shrui %bitcast_convert_type3A_698, %shift_right_logical3A_702 : vector<16xi32>
    %sub3A_704 = arith.subi %broadcast_in_dim3A_700, %shift_right_logical3A_703 : vector<16xi32>
    %bitcast_convert_type3A_705 = tpu.bitcast %sub3A_704 : vector<16xi32> -> vector<16xf32>
    %mul3A_706 = arith.constant 5.000000e-01 : f32
    %mul3A_707 = vector.broadcast %mul3A_706 : f32 to vector<16xf32>
    %mul3A_708 = arith.mulf %mul3A_707, %get3A_697 : vector<16xf32>
    %mul3A_709 = arith.mulf %mul3A_708, %bitcast_convert_type3A_705 : vector<16xf32>
    %mul3A_710 = arith.mulf %mul3A_709, %bitcast_convert_type3A_705 : vector<16xf32>
    %sub3A_711 = arith.constant 1.500000e+00 : f32
    %sub3A_712 = vector.broadcast %sub3A_711 : f32 to vector<16xf32>
    %sub3A_713 = arith.subf %sub3A_712, %mul3A_710 : vector<16xf32>
    %mul3A_714 = arith.mulf %bitcast_convert_type3A_705, %sub3A_713 : vector<16xf32>
    %mul3A_715 = arith.constant 5.000000e-01 : f32
    %mul3A_716 = vector.broadcast %mul3A_715 : f32 to vector<16xf32>
    %mul3A_717 = arith.mulf %mul3A_716, %get3A_697 : vector<16xf32>
    %mul3A_718 = arith.mulf %mul3A_717, %mul3A_714 : vector<16xf32>
    %mul3A_719 = arith.mulf %mul3A_718, %mul3A_714 : vector<16xf32>
    %sub3A_720 = arith.constant 1.500000e+00 : f32
    %sub3A_721 = vector.broadcast %sub3A_720 : f32 to vector<16xf32>
    %sub3A_722 = arith.subf %sub3A_721, %mul3A_719 : vector<16xf32>
    %mul3A_723 = arith.mulf %mul3A_714, %sub3A_722 : vector<16xf32>
    %mul3A_724 = arith.constant 5.000000e-01 : f32
    %mul3A_725 = vector.broadcast %mul3A_724 : f32 to vector<16xf32>
    %mul3A_726 = arith.mulf %mul3A_725, %get3A_697 : vector<16xf32>
    %mul3A_727 = arith.mulf %mul3A_726, %mul3A_723 : vector<16xf32>
    %mul3A_728 = arith.mulf %mul3A_727, %mul3A_723 : vector<16xf32>
    %sub3A_729 = arith.constant 1.500000e+00 : f32
    %sub3A_730 = vector.broadcast %sub3A_729 : f32 to vector<16xf32>
    %sub3A_731 = arith.subf %sub3A_730, %mul3A_728 : vector<16xf32>
    %mul3A_732 = arith.mulf %mul3A_723, %sub3A_731 : vector<16xf32>
    %swap3A_733 = arith.constant 208 : index
    %swap3A_734 = tpu.vector_load %arg29[%swap3A_733] {strides = array<i32>} : memref<640xf32, #tpu.memory_space<vmem>>, vector<16xf32>,
    tpu.vector_store %arg29[%swap3A_733], %mul3A_732 {strides = array<i32>} : memref<640xf32, #tpu.memory_space<vmem>>, vector<16xf32>,
    %get3A_735 = arith.constant 224 : index
    %get3A_736 = tpu.vector_load %arg28[%get3A_735] {strides = array<i32>} : memref<640xf32, #tpu.memory_space<vmem>>, vector<16xf32>,
    %bitcast_convert_type3A_737 = tpu.bitcast %get3A_736 : vector<16xf32> -> vector<16xi32>
    %broadcast_in_dim3A_738 = arith.constant 1597463007 : i32
    %broadcast_in_dim3A_739 = vector.broadcast %broadcast_in_dim3A_738 : i32 to vector<16xi32>
    %shift_right_logical3A_740 = arith.constant 1 : i32
    %shift_right_logical3A_741 = vector.broadcast %shift_right_logical3A_740 : i32 to vector<16xi32>
    %shift_right_logical3A_742 = arith.shrui %bitcast_convert_type3A_737, %shift_right_logical3A_741 : vector<16xi32>
    %sub3A_743 = arith.subi %broadcast_in_dim3A_739, %shift_right_logical3A_742 : vector<16xi32>
    %bitcast_convert_type3A_744 = tpu.bitcast %sub3A_743 : vector<16xi32> -> vector<16xf32>
    %mul3A_745 = arith.constant 5.000000e-01 : f32
    %mul3A_746 = vector.broadcast %mul3A_745 : f32 to vector<16xf32>
    %mul3A_747 = arith.mulf %mul3A_746, %get3A_736 : vector<16xf32>
    %mul3A_748 = arith.mulf %mul3A_747, %bitcast_convert_type3A_744 : vector<16xf32>
    %mul3A_749 = arith.mulf %mul3A_748, %bitcast_convert_type3A_744 : vector<16xf32>
    %sub3A_750 = arith.constant 1.500000e+00 : f32
    %sub3A_751 = vector.broadcast %sub3A_750 : f32 to vector<16xf32>
    %sub3A_752 = arith.subf %sub3A_751, %mul3A_749 : vector<16xf32>
    %mul3A_753 = arith.mulf %bitcast_convert_type3A_744, %sub3A_752 : vector<16xf32>
    %mul3A_754 = arith.constant 5.000000e-01 : f32
    %mul3A_755 = vector.broadcast %mul3A_754 : f32 to vector<16xf32>
    %mul3A_756 = arith.mulf %mul3A_755, %get3A_736 : vector<16xf32>
    %mul3A_757 = arith.mulf %mul3A_756, %mul3A_753 : vector<16xf32>
    %mul3A_758 = arith.mulf %mul3A_757, %mul3A_753 : vector<16xf32>
    %sub3A_759 = arith.constant 1.500000e+00 : f32
    %sub3A_760 = vector.broadcast %sub3A_759 : f32 to vector<16xf32>
    %sub3A_761 = arith.subf %sub3A_760, %mul3A_758 : vector<16xf32>
    %mul3A_762 = arith.mulf %mul3A_753, %sub3A_761 : vector<16xf32>
    %mul3A_763 = arith.constant 5.000000e-01 : f32
    %mul3A_764 = vector.broadcast %mul3A_763 : f32 to vector<16xf32>
    %mul3A_765 = arith.mulf %mul3A_764, %get3A_736 : vector<16xf32>
    %mul3A_766 = arith.mulf %mul3A_765, %mul3A_762 : vector<16xf32>
    %mul3A_767 = arith.mulf %mul3A_766, %mul3A_762 : vector<16xf32>
    %sub3A_768 = arith.constant 1.500000e+00 : f32
    %sub3A_769 = vector.broadcast %sub3A_768 : f32 to vector<16xf32>
    %sub3A_770 = arith.subf %sub3A_769, %mul3A_767 : vector<16xf32>
    %mul3A_771 = arith.mulf %mul3A_762, %sub3A_770 : vector<16xf32>
    %swap3A_772 = arith.constant 224 : index
    %swap3A_773 = tpu.vector_load %arg29[%swap3A_772] {strides = array<i32>} : memref<640xf32, #tpu.memory_space<vmem>>, vector<16xf32>,
    tpu.vector_store %arg29[%swap3A_772], %mul3A_771 {strides = array<i32>} : memref<640xf32, #tpu.memory_space<vmem>>, vector<16xf32>,
    %get3A_774 = arith.constant 240 : index
    %get3A_775 = tpu.vector_load %arg28[%get3A_774] {strides = array<i32>} : memref<640xf32, #tpu.memory_space<vmem>>, vector<16xf32>,
    %bitcast_convert_type3A_776 = tpu.bitcast %get3A_775 : vector<16xf32> -> vector<16xi32>
    %broadcast_in_dim3A_777 = arith.constant 1597463007 : i32
    %broadcast_in_dim3A_778 = vector.broadcast %broadcast_in_dim3A_777 : i32 to vector<16xi32>
    %shift_right_logical3A_779 = arith.constant 1 : i32
    %shift_right_logical3A_780 = vector.broadcast %shift_right_logical3A_779 : i32 to vector<16xi32>
    %shift_right_logical3A_781 = arith.shrui %bitcast_convert_type3A_776, %shift_right_logical3A_780 : vector<16xi32>
    %sub3A_782 = arith.subi %broadcast_in_dim3A_778, %shift_right_logical3A_781 : vector<16xi32>
    %bitcast_convert_type3A_783 = tpu.bitcast %sub3A_782 : vector<16xi32> -> vector<16xf32>
    %mul3A_784 = arith.constant 5.000000e-01 : f32
    %mul3A_785 = vector.broadcast %mul3A_784 : f32 to vector<16xf32>
    %mul3A_786 = arith.mulf %mul3A_785, %get3A_775 : vector<16xf32>
    %mul3A_787 = arith.mulf %mul3A_786, %bitcast_convert_type3A_783 : vector<16xf32>
    %mul3A_788 = arith.mulf %mul3A_787, %bitcast_convert_type3A_783 : vector<16xf32>
    %sub3A_789 = arith.constant 1.500000e+00 : f32
    %sub3A_790 = vector.broadcast %sub3A_789 : f32 to vector<16xf32>
    %sub3A_791 = arith.subf %sub3A_790, %mul3A_788 : vector<16xf32>
    %mul3A_792 = arith.mulf %bitcast_convert_type3A_783, %sub3A_791 : vector<16xf32>
    %mul3A_793 = arith.constant 5.000000e-01 : f32
    %mul3A_794 = vector.broadcast %mul3A_793 : f32 to vector<16xf32>
    %mul3A_795 = arith.mulf %mul3A_794, %get3A_775 : vector<16xf32>
    %mul3A_796 = arith.mulf %mul3A_795, %mul3A_792 : vector<16xf32>
    %mul3A_797 = arith.mulf %mul3A_796, %mul3A_792 : vector<16xf32>
    %sub3A_798 = arith.constant 1.500000e+00 : f32
    %sub3A_799 = vector.broadcast %sub3A_798 : f32 to vector<16xf32>
    %sub3A_800 = arith.subf %sub3A_799, %mul3A_797 : vector<16xf32>
    %mul3A_801 = arith.mulf %mul3A_792, %sub3A_800 : vector<16xf32>
    %mul3A_802 = arith.constant 5.000000e-01 : f32
    %mul3A_803 = vector.broadcast %mul3A_802 : f32 to vector<16xf32>
    %mul3A_804 = arith.mulf %mul3A_803, %get3A_775 : vector<16xf32>
    %mul3A_805 = arith.mulf %mul3A_804, %mul3A_801 : vector<16xf32>
    %mul3A_806 = arith.mulf %mul3A_805, %mul3A_801 : vector<16xf32>
    %sub3A_807 = arith.constant 1.500000e+00 : f32
    %sub3A_808 = vector.broadcast %sub3A_807 : f32 to vector<16xf32>
    %sub3A_809 = arith.subf %sub3A_808, %mul3A_806 : vector<16xf32>
    %mul3A_810 = arith.mulf %mul3A_801, %sub3A_809 : vector<16xf32>
    %swap3A_811 = arith.constant 240 : index
    %swap3A_812 = tpu.vector_load %arg29[%swap3A_811] {strides = array<i32>} : memref<640xf32, #tpu.memory_space<vmem>>, vector<16xf32>,
    tpu.vector_store %arg29[%swap3A_811], %mul3A_810 {strides = array<i32>} : memref<640xf32, #tpu.memory_space<vmem>>, vector<16xf32>,
    %get3A_813 = arith.constant 256 : index
    %get3A_814 = tpu.vector_load %arg28[%get3A_813] {strides = array<i32>} : memref<640xf32, #tpu.memory_space<vmem>>, vector<16xf32>,
    %bitcast_convert_type3A_815 = tpu.bitcast %get3A_814 : vector<16xf32> -> vector<16xi32>
    %broadcast_in_dim3A_816 = arith.constant 1597463007 : i32
    %broadcast_in_dim3A_817 = vector.broadcast %broadcast_in_dim3A_816 : i32 to vector<16xi32>
    %shift_right_logical3A_818 = arith.constant 1 : i32
    %shift_right_logical3A_819 = vector.broadcast %shift_right_logical3A_818 : i32 to vector<16xi32>
    %shift_right_logical3A_820 = arith.shrui %bitcast_convert_type3A_815, %shift_right_logical3A_819 : vector<16xi32>
    %sub3A_821 = arith.subi %broadcast_in_dim3A_817, %shift_right_logical3A_820 : vector<16xi32>
    %bitcast_convert_type3A_822 = tpu.bitcast %sub3A_821 : vector<16xi32> -> vector<16xf32>
    %mul3A_823 = arith.constant 5.000000e-01 : f32
    %mul3A_824 = vector.broadcast %mul3A_823 : f32 to vector<16xf32>
    %mul3A_825 = arith.mulf %mul3A_824, %get3A_814 : vector<16xf32>
    %mul3A_826 = arith.mulf %mul3A_825, %bitcast_convert_type3A_822 : vector<16xf32>
    %mul3A_827 = arith.mulf %mul3A_826, %bitcast_convert_type3A_822 : vector<16xf32>
    %sub3A_828 = arith.constant 1.500000e+00 : f32
    %sub3A_829 = vector.broadcast %sub3A_828 : f32 to vector<16xf32>
    %sub3A_830 = arith.subf %sub3A_829, %mul3A_827 : vector<16xf32>
    %mul3A_831 = arith.mulf %bitcast_convert_type3A_822, %sub3A_830 : vector<16xf32>
    %mul3A_832 = arith.constant 5.000000e-01 : f32
    %mul3A_833 = vector.broadcast %mul3A_832 : f32 to vector<16xf32>
    %mul3A_834 = arith.mulf %mul3A_833, %get3A_814 : vector<16xf32>
    %mul3A_835 = arith.mulf %mul3A_834, %mul3A_831 : vector<16xf32>
    %mul3A_836 = arith.mulf %mul3A_835, %mul3A_831 : vector<16xf32>
    %sub3A_837 = arith.constant 1.500000e+00 : f32
    %sub3A_838 = vector.broadcast %sub3A_837 : f32 to vector<16xf32>
    %sub3A_839 = arith.subf %sub3A_838, %mul3A_836 : vector<16xf32>
    %mul3A_840 = arith.mulf %mul3A_831, %sub3A_839 : vector<16xf32>
    %mul3A_841 = arith.constant 5.000000e-01 : f32
    %mul3A_842 = vector.broadcast %mul3A_841 : f32 to vector<16xf32>
    %mul3A_843 = arith.mulf %mul3A_842, %get3A_814 : vector<16xf32>
    %mul3A_844 = arith.mulf %mul3A_843, %mul3A_840 : vector<16xf32>
    %mul3A_845 = arith.mulf %mul3A_844, %mul3A_840 : vector<16xf32>
    %sub3A_846 = arith.constant 1.500000e+00 : f32
    %sub3A_847 = vector.broadcast %sub3A_846 : f32 to vector<16xf32>
    %sub3A_848 = arith.subf %sub3A_847, %mul3A_845 : vector<16xf32>
    %mul3A_849 = arith.mulf %mul3A_840, %sub3A_848 : vector<16xf32>
    %swap3A_850 = arith.constant 256 : index
    %swap3A_851 = tpu.vector_load %arg29[%swap3A_850] {strides = array<i32>} : memref<640xf32, #tpu.memory_space<vmem>>, vector<16xf32>,
    tpu.vector_store %arg29[%swap3A_850], %mul3A_849 {strides = array<i32>} : memref<640xf32, #tpu.memory_space<vmem>>, vector<16xf32>,
    %get3A_852 = arith.constant 272 : index
    %get3A_853 = tpu.vector_load %arg28[%get3A_852] {strides = array<i32>} : memref<640xf32, #tpu.memory_space<vmem>>, vector<16xf32>,
    %bitcast_convert_type3A_854 = tpu.bitcast %get3A_853 : vector<16xf32> -> vector<16xi32>
    %broadcast_in_dim3A_855 = arith.constant 1597463007 : i32
    %broadcast_in_dim3A_856 = vector.broadcast %broadcast_in_dim3A_855 : i32 to vector<16xi32>
    %shift_right_logical3A_857 = arith.constant 1 : i32
    %shift_right_logical3A_858 = vector.broadcast %shift_right_logical3A_857 : i32 to vector<16xi32>
    %shift_right_logical3A_859 = arith.shrui %bitcast_convert_type3A_854, %shift_right_logical3A_858 : vector<16xi32>
    %sub3A_860 = arith.subi %broadcast_in_dim3A_856, %shift_right_logical3A_859 : vector<16xi32>
    %bitcast_convert_type3A_861 = tpu.bitcast %sub3A_860 : vector<16xi32> -> vector<16xf32>
    %mul3A_862 = arith.constant 5.000000e-01 : f32
    %mul3A_863 = vector.broadcast %mul3A_862 : f32 to vector<16xf32>
    %mul3A_864 = arith.mulf %mul3A_863, %get3A_853 : vector<16xf32>
    %mul3A_865 = arith.mulf %mul3A_864, %bitcast_convert_type3A_861 : vector<16xf32>
    %mul3A_866 = arith.mulf %mul3A_865, %bitcast_convert_type3A_861 : vector<16xf32>
    %sub3A_867 = arith.constant 1.500000e+00 : f32
    %sub3A_868 = vector.broadcast %sub3A_867 : f32 to vector<16xf32>
    %sub3A_869 = arith.subf %sub3A_868, %mul3A_866 : vector<16xf32>
    %mul3A_870 = arith.mulf %bitcast_convert_type3A_861, %sub3A_869 : vector<16xf32>
    %mul3A_871 = arith.constant 5.000000e-01 : f32
    %mul3A_872 = vector.broadcast %mul3A_871 : f32 to vector<16xf32>
    %mul3A_873 = arith.mulf %mul3A_872, %get3A_853 : vector<16xf32>
    %mul3A_874 = arith.mulf %mul3A_873, %mul3A_870 : vector<16xf32>
    %mul3A_875 = arith.mulf %mul3A_874, %mul3A_870 : vector<16xf32>
    %sub3A_876 = arith.constant 1.500000e+00 : f32
    %sub3A_877 = vector.broadcast %sub3A_876 : f32 to vector<16xf32>
    %sub3A_878 = arith.subf %sub3A_877, %mul3A_875 : vector<16xf32>
    %mul3A_879 = arith.mulf %mul3A_870, %sub3A_878 : vector<16xf32>
    %mul3A_880 = arith.constant 5.000000e-01 : f32
    %mul3A_881 = vector.broadcast %mul3A_880 : f32 to vector<16xf32>
    %mul3A_882 = arith.mulf %mul3A_881, %get3A_853 : vector<16xf32>
    %mul3A_883 = arith.mulf %mul3A_882, %mul3A_879 : vector<16xf32>
    %mul3A_884 = arith.mulf %mul3A_883, %mul3A_879 : vector<16xf32>
    %sub3A_885 = arith.constant 1.500000e+00 : f32
    %sub3A_886 = vector.broadcast %sub3A_885 : f32 to vector<16xf32>
    %sub3A_887 = arith.subf %sub3A_886, %mul3A_884 : vector<16xf32>
    %mul3A_888 = arith.mulf %mul3A_879, %sub3A_887 : vector<16xf32>
    %swap3A_889 = arith.constant 272 : index
    %swap3A_890 = tpu.vector_load %arg29[%swap3A_889] {strides = array<i32>} : memref<640xf32, #tpu.memory_space<vmem>>, vector<16xf32>,
    tpu.vector_store %arg29[%swap3A_889], %mul3A_888 {strides = array<i32>} : memref<640xf32, #tpu.memory_space<vmem>>, vector<16xf32>,
    %get3A_891 = arith.constant 288 : index
    %get3A_892 = tpu.vector_load %arg28[%get3A_891] {strides = array<i32>} : memref<640xf32, #tpu.memory_space<vmem>>, vector<16xf32>,
    %bitcast_convert_type3A_893 = tpu.bitcast %get3A_892 : vector<16xf32> -> vector<16xi32>
    %broadcast_in_dim3A_894 = arith.constant 1597463007 : i32
    %broadcast_in_dim3A_895 = vector.broadcast %broadcast_in_dim3A_894 : i32 to vector<16xi32>
    %shift_right_logical3A_896 = arith.constant 1 : i32
    %shift_right_logical3A_897 = vector.broadcast %shift_right_logical3A_896 : i32 to vector<16xi32>
    %shift_right_logical3A_898 = arith.shrui %bitcast_convert_type3A_893, %shift_right_logical3A_897 : vector<16xi32>
    %sub3A_899 = arith.subi %broadcast_in_dim3A_895, %shift_right_logical3A_898 : vector<16xi32>
    %bitcast_convert_type3A_900 = tpu.bitcast %sub3A_899 : vector<16xi32> -> vector<16xf32>
    %mul3A_901 = arith.constant 5.000000e-01 : f32
    %mul3A_902 = vector.broadcast %mul3A_901 : f32 to vector<16xf32>
    %mul3A_903 = arith.mulf %mul3A_902, %get3A_892 : vector<16xf32>
    %mul3A_904 = arith.mulf %mul3A_903, %bitcast_convert_type3A_900 : vector<16xf32>
    %mul3A_905 = arith.mulf %mul3A_904, %bitcast_convert_type3A_900 : vector<16xf32>
    %sub3A_906 = arith.constant 1.500000e+00 : f32
    %sub3A_907 = vector.broadcast %sub3A_906 : f32 to vector<16xf32>
    %sub3A_908 = arith.subf %sub3A_907, %mul3A_905 : vector<16xf32>
    %mul3A_909 = arith.mulf %bitcast_convert_type3A_900, %sub3A_908 : vector<16xf32>
    %mul3A_910 = arith.constant 5.000000e-01 : f32
    %mul3A_911 = vector.broadcast %mul3A_910 : f32 to vector<16xf32>
    %mul3A_912 = arith.mulf %mul3A_911, %get3A_892 : vector<16xf32>
    %mul3A_913 = arith.mulf %mul3A_912, %mul3A_909 : vector<16xf32>
    %mul3A_914 = arith.mulf %mul3A_913, %mul3A_909 : vector<16xf32>
    %sub3A_915 = arith.constant 1.500000e+00 : f32
    %sub3A_916 = vector.broadcast %sub3A_915 : f32 to vector<16xf32>
    %sub3A_917 = arith.subf %sub3A_916, %mul3A_914 : vector<16xf32>
    %mul3A_918 = arith.mulf %mul3A_909, %sub3A_917 : vector<16xf32>
    %mul3A_919 = arith.constant 5.000000e-01 : f32
    %mul3A_920 = vector.broadcast %mul3A_919 : f32 to vector<16xf32>
    %mul3A_921 = arith.mulf %mul3A_920, %get3A_892 : vector<16xf32>
    %mul3A_922 = arith.mulf %mul3A_921, %mul3A_918 : vector<16xf32>
    %mul3A_923 = arith.mulf %mul3A_922, %mul3A_918 : vector<16xf32>
    %sub3A_924 = arith.constant 1.500000e+00 : f32
    %sub3A_925 = vector.broadcast %sub3A_924 : f32 to vector<16xf32>
    %sub3A_926 = arith.subf %sub3A_925, %mul3A_923 : vector<16xf32>
    %mul3A_927 = arith.mulf %mul3A_918, %sub3A_926 : vector<16xf32>
    %swap3A_928 = arith.constant 288 : index
    %swap3A_929 = tpu.vector_load %arg29[%swap3A_928] {strides = array<i32>} : memref<640xf32, #tpu.memory_space<vmem>>, vector<16xf32>,
    tpu.vector_store %arg29[%swap3A_928], %mul3A_927 {strides = array<i32>} : memref<640xf32, #tpu.memory_space<vmem>>, vector<16xf32>,
    %get3A_930 = arith.constant 304 : index
    %get3A_931 = tpu.vector_load %arg28[%get3A_930] {strides = array<i32>} : memref<640xf32, #tpu.memory_space<vmem>>, vector<16xf32>,
    %bitcast_convert_type3A_932 = tpu.bitcast %get3A_931 : vector<16xf32> -> vector<16xi32>
    %broadcast_in_dim3A_933 = arith.constant 1597463007 : i32
    %broadcast_in_dim3A_934 = vector.broadcast %broadcast_in_dim3A_933 : i32 to vector<16xi32>
    %shift_right_logical3A_935 = arith.constant 1 : i32
    %shift_right_logical3A_936 = vector.broadcast %shift_right_logical3A_935 : i32 to vector<16xi32>
    %shift_right_logical3A_937 = arith.shrui %bitcast_convert_type3A_932, %shift_right_logical3A_936 : vector<16xi32>
    %sub3A_938 = arith.subi %broadcast_in_dim3A_934, %shift_right_logical3A_937 : vector<16xi32>
    %bitcast_convert_type3A_939 = tpu.bitcast %sub3A_938 : vector<16xi32> -> vector<16xf32>
    %mul3A_940 = arith.constant 5.000000e-01 : f32
    %mul3A_941 = vector.broadcast %mul3A_940 : f32 to vector<16xf32>
    %mul3A_942 = arith.mulf %mul3A_941, %get3A_931 : vector<16xf32>
    %mul3A_943 = arith.mulf %mul3A_942, %bitcast_convert_type3A_939 : vector<16xf32>
    %mul3A_944 = arith.mulf %mul3A_943, %bitcast_convert_type3A_939 : vector<16xf32>
    %sub3A_945 = arith.constant 1.500000e+00 : f32
    %sub3A_946 = vector.broadcast %sub3A_945 : f32 to vector<16xf32>
    %sub3A_947 = arith.subf %sub3A_946, %mul3A_944 : vector<16xf32>
    %mul3A_948 = arith.mulf %bitcast_convert_type3A_939, %sub3A_947 : vector<16xf32>
    %mul3A_949 = arith.constant 5.000000e-01 : f32
    %mul3A_950 = vector.broadcast %mul3A_949 : f32 to vector<16xf32>
    %mul3A_951 = arith.mulf %mul3A_950, %get3A_931 : vector<16xf32>
    %mul3A_952 = arith.mulf %mul3A_951, %mul3A_948 : vector<16xf32>
    %mul3A_953 = arith.mulf %mul3A_952, %mul3A_948 : vector<16xf32>
    %sub3A_954 = arith.constant 1.500000e+00 : f32
    %sub3A_955 = vector.broadcast %sub3A_954 : f32 to vector<16xf32>
    %sub3A_956 = arith.subf %sub3A_955, %mul3A_953 : vector<16xf32>
    %mul3A_957 = arith.mulf %mul3A_948, %sub3A_956 : vector<16xf32>
    %mul3A_958 = arith.constant 5.000000e-01 : f32
    %mul3A_959 = vector.broadcast %mul3A_958 : f32 to vector<16xf32>
    %mul3A_960 = arith.mulf %mul3A_959, %get3A_931 : vector<16xf32>
    %mul3A_961 = arith.mulf %mul3A_960, %mul3A_957 : vector<16xf32>
    %mul3A_962 = arith.mulf %mul3A_961, %mul3A_957 : vector<16xf32>
    %sub3A_963 = arith.constant 1.500000e+00 : f32
    %sub3A_964 = vector.broadcast %sub3A_963 : f32 to vector<16xf32>
    %sub3A_965 = arith.subf %sub3A_964, %mul3A_962 : vector<16xf32>
    %mul3A_966 = arith.mulf %mul3A_957, %sub3A_965 : vector<16xf32>
    %swap3A_967 = arith.constant 304 : index
    %swap3A_968 = tpu.vector_load %arg29[%swap3A_967] {strides = array<i32>} : memref<640xf32, #tpu.memory_space<vmem>>, vector<16xf32>,
    tpu.vector_store %arg29[%swap3A_967], %mul3A_966 {strides = array<i32>} : memref<640xf32, #tpu.memory_space<vmem>>, vector<16xf32>,
    %get3A_969 = arith.constant 320 : index
    %get3A_970 = tpu.vector_load %arg28[%get3A_969] {strides = array<i32>} : memref<640xf32, #tpu.memory_space<vmem>>, vector<16xf32>,
    %bitcast_convert_type3A_971 = tpu.bitcast %get3A_970 : vector<16xf32> -> vector<16xi32>
    %broadcast_in_dim3A_972 = arith.constant 1597463007 : i32
    %broadcast_in_dim3A_973 = vector.broadcast %broadcast_in_dim3A_972 : i32 to vector<16xi32>
    %shift_right_logical3A_974 = arith.constant 1 : i32
    %shift_right_logical3A_975 = vector.broadcast %shift_right_logical3A_974 : i32 to vector<16xi32>
    %shift_right_logical3A_976 = arith.shrui %bitcast_convert_type3A_971, %shift_right_logical3A_975 : vector<16xi32>
    %sub3A_977 = arith.subi %broadcast_in_dim3A_973, %shift_right_logical3A_976 : vector<16xi32>
    %bitcast_convert_type3A_978 = tpu.bitcast %sub3A_977 : vector<16xi32> -> vector<16xf32>
    %mul3A_979 = arith.constant 5.000000e-01 : f32
    %mul3A_980 = vector.broadcast %mul3A_979 : f32 to vector<16xf32>
    %mul3A_981 = arith.mulf %mul3A_980, %get3A_970 : vector<16xf32>
    %mul3A_982 = arith.mulf %mul3A_981, %bitcast_convert_type3A_978 : vector<16xf32>
    %mul3A_983 = arith.mulf %mul3A_982, %bitcast_convert_type3A_978 : vector<16xf32>
    %sub3A_984 = arith.constant 1.500000e+00 : f32
    %sub3A_985 = vector.broadcast %sub3A_984 : f32 to vector<16xf32>
    %sub3A_986 = arith.subf %sub3A_985, %mul3A_983 : vector<16xf32>
    %mul3A_987 = arith.mulf %bitcast_convert_type3A_978, %sub3A_986 : vector<16xf32>
    %mul3A_988 = arith.constant 5.000000e-01 : f32
    %mul3A_989 = vector.broadcast %mul3A_988 : f32 to vector<16xf32>
    %mul3A_990 = arith.mulf %mul3A_989, %get3A_970 : vector<16xf32>
    %mul3A_991 = arith.mulf %mul3A_990, %mul3A_987 : vector<16xf32>
    %mul3A_992 = arith.mulf %mul3A_991, %mul3A_987 : vector<16xf32>
    %sub3A_993 = arith.constant 1.500000e+00 : f32
    %sub3A_994 = vector.broadcast %sub3A_993 : f32 to vector<16xf32>
    %sub3A_995 = arith.subf %sub3A_994, %mul3A_992 : vector<16xf32>
    %mul3A_996 = arith.mulf %mul3A_987, %sub3A_995 : vector<16xf32>
    %mul3A_997 = arith.constant 5.000000e-01 : f32
    %mul3A_998 = vector.broadcast %mul3A_997 : f32 to vector<16xf32>
    %mul3A_999 = arith.mulf %mul3A_998, %get3A_970 : vector<16xf32>
    %mul3A_1000 = arith.mulf %mul3A_999, %mul3A_996 : vector<16xf32>
    %mul3A_1001 = arith.mulf %mul3A_1000, %mul3A_996 : vector<16xf32>
    %sub3A_1002 = arith.constant 1.500000e+00 : f32
    %sub3A_1003 = vector.broadcast %sub3A_1002 : f32 to vector<16xf32>
    %sub3A_1004 = arith.subf %sub3A_1003, %mul3A_1001 : vector<16xf32>
    %mul3A_1005 = arith.mulf %mul3A_996, %sub3A_1004 : vector<16xf32>
    %swap3A_1006 = arith.constant 320 : index
    %swap3A_1007 = tpu.vector_load %arg29[%swap3A_1006] {strides = array<i32>} : memref<640xf32, #tpu.memory_space<vmem>>, vector<16xf32>,
    tpu.vector_store %arg29[%swap3A_1006], %mul3A_1005 {strides = array<i32>} : memref<640xf32, #tpu.memory_space<vmem>>, vector<16xf32>,
    %get3A_1008 = arith.constant 336 : index
    %get3A_1009 = tpu.vector_load %arg28[%get3A_1008] {strides = array<i32>} : memref<640xf32, #tpu.memory_space<vmem>>, vector<16xf32>,
    %bitcast_convert_type3A_1010 = tpu.bitcast %get3A_1009 : vector<16xf32> -> vector<16xi32>
    %broadcast_in_dim3A_1011 = arith.constant 1597463007 : i32
    %broadcast_in_dim3A_1012 = vector.broadcast %broadcast_in_dim3A_1011 : i32 to vector<16xi32>
    %shift_right_logical3A_1013 = arith.constant 1 : i32
    %shift_right_logical3A_1014 = vector.broadcast %shift_right_logical3A_1013 : i32 to vector<16xi32>
    %shift_right_logical3A_1015 = arith.shrui %bitcast_convert_type3A_1010, %shift_right_logical3A_1014 : vector<16xi32>
    %sub3A_1016 = arith.subi %broadcast_in_dim3A_1012, %shift_right_logical3A_1015 : vector<16xi32>
    %bitcast_convert_type3A_1017 = tpu.bitcast %sub3A_1016 : vector<16xi32> -> vector<16xf32>
    %mul3A_1018 = arith.constant 5.000000e-01 : f32
    %mul3A_1019 = vector.broadcast %mul3A_1018 : f32 to vector<16xf32>
    %mul3A_1020 = arith.mulf %mul3A_1019, %get3A_1009 : vector<16xf32>
    %mul3A_1021 = arith.mulf %mul3A_1020, %bitcast_convert_type3A_1017 : vector<16xf32>
    %mul3A_1022 = arith.mulf %mul3A_1021, %bitcast_convert_type3A_1017 : vector<16xf32>
    %sub3A_1023 = arith.constant 1.500000e+00 : f32
    %sub3A_1024 = vector.broadcast %sub3A_1023 : f32 to vector<16xf32>
    %sub3A_1025 = arith.subf %sub3A_1024, %mul3A_1022 : vector<16xf32>
    %mul3A_1026 = arith.mulf %bitcast_convert_type3A_1017, %sub3A_1025 : vector<16xf32>
    %mul3A_1027 = arith.constant 5.000000e-01 : f32
    %mul3A_1028 = vector.broadcast %mul3A_1027 : f32 to vector<16xf32>
    %mul3A_1029 = arith.mulf %mul3A_1028, %get3A_1009 : vector<16xf32>
    %mul3A_1030 = arith.mulf %mul3A_1029, %mul3A_1026 : vector<16xf32>
    %mul3A_1031 = arith.mulf %mul3A_1030, %mul3A_1026 : vector<16xf32>
    %sub3A_1032 = arith.constant 1.500000e+00 : f32
    %sub3A_1033 = vector.broadcast %sub3A_1032 : f32 to vector<16xf32>
    %sub3A_1034 = arith.subf %sub3A_1033, %mul3A_1031 : vector<16xf32>
    %mul3A_1035 = arith.mulf %mul3A_1026, %sub3A_1034 : vector<16xf32>
    %mul3A_1036 = arith.constant 5.000000e-01 : f32
    %mul3A_1037 = vector.broadcast %mul3A_1036 : f32 to vector<16xf32>
    %mul3A_1038 = arith.mulf %mul3A_1037, %get3A_1009 : vector<16xf32>
    %mul3A_1039 = arith.mulf %mul3A_1038, %mul3A_1035 : vector<16xf32>
    %mul3A_1040 = arith.mulf %mul3A_1039, %mul3A_1035 : vector<16xf32>
    %sub3A_1041 = arith.constant 1.500000e+00 : f32
    %sub3A_1042 = vector.broadcast %sub3A_1041 : f32 to vector<16xf32>
    %sub3A_1043 = arith.subf %sub3A_1042, %mul3A_1040 : vector<16xf32>
    %mul3A_1044 = arith.mulf %mul3A_1035, %sub3A_1043 : vector<16xf32>
    %swap3A_1045 = arith.constant 336 : index
    %swap3A_1046 = tpu.vector_load %arg29[%swap3A_1045] {strides = array<i32>} : memref<640xf32, #tpu.memory_space<vmem>>, vector<16xf32>,
    tpu.vector_store %arg29[%swap3A_1045], %mul3A_1044 {strides = array<i32>} : memref<640xf32, #tpu.memory_space<vmem>>, vector<16xf32>,
    %get3A_1047 = arith.constant 352 : index
    %get3A_1048 = tpu.vector_load %arg28[%get3A_1047] {strides = array<i32>} : memref<640xf32, #tpu.memory_space<vmem>>, vector<16xf32>,
    %bitcast_convert_type3A_1049 = tpu.bitcast %get3A_1048 : vector<16xf32> -> vector<16xi32>
    %broadcast_in_dim3A_1050 = arith.constant 1597463007 : i32
    %broadcast_in_dim3A_1051 = vector.broadcast %broadcast_in_dim3A_1050 : i32 to vector<16xi32>
    %shift_right_logical3A_1052 = arith.constant 1 : i32
    %shift_right_logical3A_1053 = vector.broadcast %shift_right_logical3A_1052 : i32 to vector<16xi32>
    %shift_right_logical3A_1054 = arith.shrui %bitcast_convert_type3A_1049, %shift_right_logical3A_1053 : vector<16xi32>
    %sub3A_1055 = arith.subi %broadcast_in_dim3A_1051, %shift_right_logical3A_1054 : vector<16xi32>
    %bitcast_convert_type3A_1056 = tpu.bitcast %sub3A_1055 : vector<16xi32> -> vector<16xf32>
    %mul3A_1057 = arith.constant 5.000000e-01 : f32
    %mul3A_1058 = vector.broadcast %mul3A_1057 : f32 to vector<16xf32>
    %mul3A_1059 = arith.mulf %mul3A_1058, %get3A_1048 : vector<16xf32>
    %mul3A_1060 = arith.mulf %mul3A_1059, %bitcast_convert_type3A_1056 : vector<16xf32>
    %mul3A_1061 = arith.mulf %mul3A_1060, %bitcast_convert_type3A_1056 : vector<16xf32>
    %sub3A_1062 = arith.constant 1.500000e+00 : f32
    %sub3A_1063 = vector.broadcast %sub3A_1062 : f32 to vector<16xf32>
    %sub3A_1064 = arith.subf %sub3A_1063, %mul3A_1061 : vector<16xf32>
    %mul3A_1065 = arith.mulf %bitcast_convert_type3A_1056, %sub3A_1064 : vector<16xf32>
    %mul3A_1066 = arith.constant 5.000000e-01 : f32
    %mul3A_1067 = vector.broadcast %mul3A_1066 : f32 to vector<16xf32>
    %mul3A_1068 = arith.mulf %mul3A_1067, %get3A_1048 : vector<16xf32>
    %mul3A_1069 = arith.mulf %mul3A_1068, %mul3A_1065 : vector<16xf32>
    %mul3A_1070 = arith.mulf %mul3A_1069, %mul3A_1065 : vector<16xf32>
    %sub3A_1071 = arith.constant 1.500000e+00 : f32
    %sub3A_1072 = vector.broadcast %sub3A_1071 : f32 to vector<16xf32>
    %sub3A_1073 = arith.subf %sub3A_1072, %mul3A_1070 : vector<16xf32>
    %mul3A_1074 = arith.mulf %mul3A_1065, %sub3A_1073 : vector<16xf32>
    %mul3A_1075 = arith.constant 5.000000e-01 : f32
    %mul3A_1076 = vector.broadcast %mul3A_1075 : f32 to vector<16xf32>
    %mul3A_1077 = arith.mulf %mul3A_1076, %get3A_1048 : vector<16xf32>
    %mul3A_1078 = arith.mulf %mul3A_1077, %mul3A_1074 : vector<16xf32>
    %mul3A_1079 = arith.mulf %mul3A_1078, %mul3A_1074 : vector<16xf32>
    %sub3A_1080 = arith.constant 1.500000e+00 : f32
    %sub3A_1081 = vector.broadcast %sub3A_1080 : f32 to vector<16xf32>
    %sub3A_1082 = arith.subf %sub3A_1081, %mul3A_1079 : vector<16xf32>
    %mul3A_1083 = arith.mulf %mul3A_1074, %sub3A_1082 : vector<16xf32>
    %swap3A_1084 = arith.constant 352 : index
    %swap3A_1085 = tpu.vector_load %arg29[%swap3A_1084] {strides = array<i32>} : memref<640xf32, #tpu.memory_space<vmem>>, vector<16xf32>,
    tpu.vector_store %arg29[%swap3A_1084], %mul3A_1083 {strides = array<i32>} : memref<640xf32, #tpu.memory_space<vmem>>, vector<16xf32>,
    %get3A_1086 = arith.constant 368 : index
    %get3A_1087 = tpu.vector_load %arg28[%get3A_1086] {strides = array<i32>} : memref<640xf32, #tpu.memory_space<vmem>>, vector<16xf32>,
    %bitcast_convert_type3A_1088 = tpu.bitcast %get3A_1087 : vector<16xf32> -> vector<16xi32>
    %broadcast_in_dim3A_1089 = arith.constant 1597463007 : i32
    %broadcast_in_dim3A_1090 = vector.broadcast %broadcast_in_dim3A_1089 : i32 to vector<16xi32>
    %shift_right_logical3A_1091 = arith.constant 1 : i32
    %shift_right_logical3A_1092 = vector.broadcast %shift_right_logical3A_1091 : i32 to vector<16xi32>
    %shift_right_logical3A_1093 = arith.shrui %bitcast_convert_type3A_1088, %shift_right_logical3A_1092 : vector<16xi32>
    %sub3A_1094 = arith.subi %broadcast_in_dim3A_1090, %shift_right_logical3A_1093 : vector<16xi32>
    %bitcast_convert_type3A_1095 = tpu.bitcast %sub3A_1094 : vector<16xi32> -> vector<16xf32>
    %mul3A_1096 = arith.constant 5.000000e-01 : f32
    %mul3A_1097 = vector.broadcast %mul3A_1096 : f32 to vector<16xf32>
    %mul3A_1098 = arith.mulf %mul3A_1097, %get3A_1087 : vector<16xf32>
    %mul3A_1099 = arith.mulf %mul3A_1098, %bitcast_convert_type3A_1095 : vector<16xf32>
    %mul3A_1100 = arith.mulf %mul3A_1099, %bitcast_convert_type3A_1095 : vector<16xf32>
    %sub3A_1101 = arith.constant 1.500000e+00 : f32
    %sub3A_1102 = vector.broadcast %sub3A_1101 : f32 to vector<16xf32>
    %sub3A_1103 = arith.subf %sub3A_1102, %mul3A_1100 : vector<16xf32>
    %mul3A_1104 = arith.mulf %bitcast_convert_type3A_1095, %sub3A_1103 : vector<16xf32>
    %mul3A_1105 = arith.constant 5.000000e-01 : f32
    %mul3A_1106 = vector.broadcast %mul3A_1105 : f32 to vector<16xf32>
    %mul3A_1107 = arith.mulf %mul3A_1106, %get3A_1087 : vector<16xf32>
    %mul3A_1108 = arith.mulf %mul3A_1107, %mul3A_1104 : vector<16xf32>
    %mul3A_1109 = arith.mulf %mul3A_1108, %mul3A_1104 : vector<16xf32>
    %sub3A_1110 = arith.constant 1.500000e+00 : f32
    %sub3A_1111 = vector.broadcast %sub3A_1110 : f32 to vector<16xf32>
    %sub3A_1112 = arith.subf %sub3A_1111, %mul3A_1109 : vector<16xf32>
    %mul3A_1113 = arith.mulf %mul3A_1104, %sub3A_1112 : vector<16xf32>
    %mul3A_1114 = arith.constant 5.000000e-01 : f32
    %mul3A_1115 = vector.broadcast %mul3A_1114 : f32 to vector<16xf32>
    %mul3A_1116 = arith.mulf %mul3A_1115, %get3A_1087 : vector<16xf32>
    %mul3A_1117 = arith.mulf %mul3A_1116, %mul3A_1113 : vector<16xf32>
    %mul3A_1118 = arith.mulf %mul3A_1117, %mul3A_1113 : vector<16xf32>
    %sub3A_1119 = arith.constant 1.500000e+00 : f32
    %sub3A_1120 = vector.broadcast %sub3A_1119 : f32 to vector<16xf32>
    %sub3A_1121 = arith.subf %sub3A_1120, %mul3A_1118 : vector<16xf32>
    %mul3A_1122 = arith.mulf %mul3A_1113, %sub3A_1121 : vector<16xf32>
    %swap3A_1123 = arith.constant 368 : index
    %swap3A_1124 = tpu.vector_load %arg29[%swap3A_1123] {strides = array<i32>} : memref<640xf32, #tpu.memory_space<vmem>>, vector<16xf32>,
    tpu.vector_store %arg29[%swap3A_1123], %mul3A_1122 {strides = array<i32>} : memref<640xf32, #tpu.memory_space<vmem>>, vector<16xf32>,
    %get3A_1125 = arith.constant 384 : index
    %get3A_1126 = tpu.vector_load %arg28[%get3A_1125] {strides = array<i32>} : memref<640xf32, #tpu.memory_space<vmem>>, vector<16xf32>,
    %bitcast_convert_type3A_1127 = tpu.bitcast %get3A_1126 : vector<16xf32> -> vector<16xi32>
    %broadcast_in_dim3A_1128 = arith.constant 1597463007 : i32
    %broadcast_in_dim3A_1129 = vector.broadcast %broadcast_in_dim3A_1128 : i32 to vector<16xi32>
    %shift_right_logical3A_1130 = arith.constant 1 : i32
    %shift_right_logical3A_1131 = vector.broadcast %shift_right_logical3A_1130 : i32 to vector<16xi32>
    %shift_right_logical3A_1132 = arith.shrui %bitcast_convert_type3A_1127, %shift_right_logical3A_1131 : vector<16xi32>
    %sub3A_1133 = arith.subi %broadcast_in_dim3A_1129, %shift_right_logical3A_1132 : vector<16xi32>
    %bitcast_convert_type3A_1134 = tpu.bitcast %sub3A_1133 : vector<16xi32> -> vector<16xf32>
    %mul3A_1135 = arith.constant 5.000000e-01 : f32
    %mul3A_1136 = vector.broadcast %mul3A_1135 : f32 to vector<16xf32>
    %mul3A_1137 = arith.mulf %mul3A_1136, %get3A_1126 : vector<16xf32>
    %mul3A_1138 = arith.mulf %mul3A_1137, %bitcast_convert_type3A_1134 : vector<16xf32>
    %mul3A_1139 = arith.mulf %mul3A_1138, %bitcast_convert_type3A_1134 : vector<16xf32>
    %sub3A_1140 = arith.constant 1.500000e+00 : f32
    %sub3A_1141 = vector.broadcast %sub3A_1140 : f32 to vector<16xf32>
    %sub3A_1142 = arith.subf %sub3A_1141, %mul3A_1139 : vector<16xf32>
    %mul3A_1143 = arith.mulf %bitcast_convert_type3A_1134, %sub3A_1142 : vector<16xf32>
    %mul3A_1144 = arith.constant 5.000000e-01 : f32
    %mul3A_1145 = vector.broadcast %mul3A_1144 : f32 to vector<16xf32>
    %mul3A_1146 = arith.mulf %mul3A_1145, %get3A_1126 : vector<16xf32>
    %mul3A_1147 = arith.mulf %mul3A_1146, %mul3A_1143 : vector<16xf32>
    %mul3A_1148 = arith.mulf %mul3A_1147, %mul3A_1143 : vector<16xf32>
    %sub3A_1149 = arith.constant 1.500000e+00 : f32
    %sub3A_1150 = vector.broadcast %sub3A_1149 : f32 to vector<16xf32>
    %sub3A_1151 = arith.subf %sub3A_1150, %mul3A_1148 : vector<16xf32>
    %mul3A_1152 = arith.mulf %mul3A_1143, %sub3A_1151 : vector<16xf32>
    %mul3A_1153 = arith.constant 5.000000e-01 : f32
    %mul3A_1154 = vector.broadcast %mul3A_1153 : f32 to vector<16xf32>
    %mul3A_1155 = arith.mulf %mul3A_1154, %get3A_1126 : vector<16xf32>
    %mul3A_1156 = arith.mulf %mul3A_1155, %mul3A_1152 : vector<16xf32>
    %mul3A_1157 = arith.mulf %mul3A_1156, %mul3A_1152 : vector<16xf32>
    %sub3A_1158 = arith.constant 1.500000e+00 : f32
    %sub3A_1159 = vector.broadcast %sub3A_1158 : f32 to vector<16xf32>
    %sub3A_1160 = arith.subf %sub3A_1159, %mul3A_1157 : vector<16xf32>
    %mul3A_1161 = arith.mulf %mul3A_1152, %sub3A_1160 : vector<16xf32>
    %swap3A_1162 = arith.constant 384 : index
    %swap3A_1163 = tpu.vector_load %arg29[%swap3A_1162] {strides = array<i32>} : memref<640xf32, #tpu.memory_space<vmem>>, vector<16xf32>,
    tpu.vector_store %arg29[%swap3A_1162], %mul3A_1161 {strides = array<i32>} : memref<640xf32, #tpu.memory_space<vmem>>, vector<16xf32>,
    %get3A_1164 = arith.constant 400 : index
    %get3A_1165 = tpu.vector_load %arg28[%get3A_1164] {strides = array<i32>} : memref<640xf32, #tpu.memory_space<vmem>>, vector<16xf32>,
    %bitcast_convert_type3A_1166 = tpu.bitcast %get3A_1165 : vector<16xf32> -> vector<16xi32>
    %broadcast_in_dim3A_1167 = arith.constant 1597463007 : i32
    %broadcast_in_dim3A_1168 = vector.broadcast %broadcast_in_dim3A_1167 : i32 to vector<16xi32>
    %shift_right_logical3A_1169 = arith.constant 1 : i32
    %shift_right_logical3A_1170 = vector.broadcast %shift_right_logical3A_1169 : i32 to vector<16xi32>
    %shift_right_logical3A_1171 = arith.shrui %bitcast_convert_type3A_1166, %shift_right_logical3A_1170 : vector<16xi32>
    %sub3A_1172 = arith.subi %broadcast_in_dim3A_1168, %shift_right_logical3A_1171 : vector<16xi32>
    %bitcast_convert_type3A_1173 = tpu.bitcast %sub3A_1172 : vector<16xi32> -> vector<16xf32>
    %mul3A_1174 = arith.constant 5.000000e-01 : f32
    %mul3A_1175 = vector.broadcast %mul3A_1174 : f32 to vector<16xf32>
    %mul3A_1176 = arith.mulf %mul3A_1175, %get3A_1165 : vector<16xf32>
    %mul3A_1177 = arith.mulf %mul3A_1176, %bitcast_convert_type3A_1173 : vector<16xf32>
    %mul3A_1178 = arith.mulf %mul3A_1177, %bitcast_convert_type3A_1173 : vector<16xf32>
    %sub3A_1179 = arith.constant 1.500000e+00 : f32
    %sub3A_1180 = vector.broadcast %sub3A_1179 : f32 to vector<16xf32>
    %sub3A_1181 = arith.subf %sub3A_1180, %mul3A_1178 : vector<16xf32>
    %mul3A_1182 = arith.mulf %bitcast_convert_type3A_1173, %sub3A_1181 : vector<16xf32>
    %mul3A_1183 = arith.constant 5.000000e-01 : f32
    %mul3A_1184 = vector.broadcast %mul3A_1183 : f32 to vector<16xf32>
    %mul3A_1185 = arith.mulf %mul3A_1184, %get3A_1165 : vector<16xf32>
    %mul3A_1186 = arith.mulf %mul3A_1185, %mul3A_1182 : vector<16xf32>
    %mul3A_1187 = arith.mulf %mul3A_1186, %mul3A_1182 : vector<16xf32>
    %sub3A_1188 = arith.constant 1.500000e+00 : f32
    %sub3A_1189 = vector.broadcast %sub3A_1188 : f32 to vector<16xf32>
    %sub3A_1190 = arith.subf %sub3A_1189, %mul3A_1187 : vector<16xf32>
    %mul3A_1191 = arith.mulf %mul3A_1182, %sub3A_1190 : vector<16xf32>
    %mul3A_1192 = arith.constant 5.000000e-01 : f32
    %mul3A_1193 = vector.broadcast %mul3A_1192 : f32 to vector<16xf32>
    %mul3A_1194 = arith.mulf %mul3A_1193, %get3A_1165 : vector<16xf32>
    %mul3A_1195 = arith.mulf %mul3A_1194, %mul3A_1191 : vector<16xf32>
    %mul3A_1196 = arith.mulf %mul3A_1195, %mul3A_1191 : vector<16xf32>
    %sub3A_1197 = arith.constant 1.500000e+00 : f32
    %sub3A_1198 = vector.broadcast %sub3A_1197 : f32 to vector<16xf32>
    %sub3A_1199 = arith.subf %sub3A_1198, %mul3A_1196 : vector<16xf32>
    %mul3A_1200 = arith.mulf %mul3A_1191, %sub3A_1199 : vector<16xf32>
    %swap3A_1201 = arith.constant 400 : index
    %swap3A_1202 = tpu.vector_load %arg29[%swap3A_1201] {strides = array<i32>} : memref<640xf32, #tpu.memory_space<vmem>>, vector<16xf32>,
    tpu.vector_store %arg29[%swap3A_1201], %mul3A_1200 {strides = array<i32>} : memref<640xf32, #tpu.memory_space<vmem>>, vector<16xf32>,
    %get3A_1203 = arith.constant 416 : index
    %get3A_1204 = tpu.vector_load %arg28[%get3A_1203] {strides = array<i32>} : memref<640xf32, #tpu.memory_space<vmem>>, vector<16xf32>,
    %bitcast_convert_type3A_1205 = tpu.bitcast %get3A_1204 : vector<16xf32> -> vector<16xi32>
    %broadcast_in_dim3A_1206 = arith.constant 1597463007 : i32
    %broadcast_in_dim3A_1207 = vector.broadcast %broadcast_in_dim3A_1206 : i32 to vector<16xi32>
    %shift_right_logical3A_1208 = arith.constant 1 : i32
    %shift_right_logical3A_1209 = vector.broadcast %shift_right_logical3A_1208 : i32 to vector<16xi32>
    %shift_right_logical3A_1210 = arith.shrui %bitcast_convert_type3A_1205, %shift_right_logical3A_1209 : vector<16xi32>
    %sub3A_1211 = arith.subi %broadcast_in_dim3A_1207, %shift_right_logical3A_1210 : vector<16xi32>
    %bitcast_convert_type3A_1212 = tpu.bitcast %sub3A_1211 : vector<16xi32> -> vector<16xf32>
    %mul3A_1213 = arith.constant 5.000000e-01 : f32
    %mul3A_1214 = vector.broadcast %mul3A_1213 : f32 to vector<16xf32>
    %mul3A_1215 = arith.mulf %mul3A_1214, %get3A_1204 : vector<16xf32>
    %mul3A_1216 = arith.mulf %mul3A_1215, %bitcast_convert_type3A_1212 : vector<16xf32>
    %mul3A_1217 = arith.mulf %mul3A_1216, %bitcast_convert_type3A_1212 : vector<16xf32>
    %sub3A_1218 = arith.constant 1.500000e+00 : f32
    %sub3A_1219 = vector.broadcast %sub3A_1218 : f32 to vector<16xf32>
    %sub3A_1220 = arith.subf %sub3A_1219, %mul3A_1217 : vector<16xf32>
    %mul3A_1221 = arith.mulf %bitcast_convert_type3A_1212, %sub3A_1220 : vector<16xf32>
    %mul3A_1222 = arith.constant 5.000000e-01 : f32
    %mul3A_1223 = vector.broadcast %mul3A_1222 : f32 to vector<16xf32>
    %mul3A_1224 = arith.mulf %mul3A_1223, %get3A_1204 : vector<16xf32>
    %mul3A_1225 = arith.mulf %mul3A_1224, %mul3A_1221 : vector<16xf32>
    %mul3A_1226 = arith.mulf %mul3A_1225, %mul3A_1221 : vector<16xf32>
    %sub3A_1227 = arith.constant 1.500000e+00 : f32
    %sub3A_1228 = vector.broadcast %sub3A_1227 : f32 to vector<16xf32>
    %sub3A_1229 = arith.subf %sub3A_1228, %mul3A_1226 : vector<16xf32>
    %mul3A_1230 = arith.mulf %mul3A_1221, %sub3A_1229 : vector<16xf32>
    %mul3A_1231 = arith.constant 5.000000e-01 : f32
    %mul3A_1232 = vector.broadcast %mul3A_1231 : f32 to vector<16xf32>
    %mul3A_1233 = arith.mulf %mul3A_1232, %get3A_1204 : vector<16xf32>
    %mul3A_1234 = arith.mulf %mul3A_1233, %mul3A_1230 : vector<16xf32>
    %mul3A_1235 = arith.mulf %mul3A_1234, %mul3A_1230 : vector<16xf32>
    %sub3A_1236 = arith.constant 1.500000e+00 : f32
    %sub3A_1237 = vector.broadcast %sub3A_1236 : f32 to vector<16xf32>
    %sub3A_1238 = arith.subf %sub3A_1237, %mul3A_1235 : vector<16xf32>
    %mul3A_1239 = arith.mulf %mul3A_1230, %sub3A_1238 : vector<16xf32>
    %swap3A_1240 = arith.constant 416 : index
    %swap3A_1241 = tpu.vector_load %arg29[%swap3A_1240] {strides = array<i32>} : memref<640xf32, #tpu.memory_space<vmem>>, vector<16xf32>,
    tpu.vector_store %arg29[%swap3A_1240], %mul3A_1239 {strides = array<i32>} : memref<640xf32, #tpu.memory_space<vmem>>, vector<16xf32>,
    %get3A_1242 = arith.constant 432 : index
    %get3A_1243 = tpu.vector_load %arg28[%get3A_1242] {strides = array<i32>} : memref<640xf32, #tpu.memory_space<vmem>>, vector<16xf32>,
    %bitcast_convert_type3A_1244 = tpu.bitcast %get3A_1243 : vector<16xf32> -> vector<16xi32>
    %broadcast_in_dim3A_1245 = arith.constant 1597463007 : i32
    %broadcast_in_dim3A_1246 = vector.broadcast %broadcast_in_dim3A_1245 : i32 to vector<16xi32>
    %shift_right_logical3A_1247 = arith.constant 1 : i32
    %shift_right_logical3A_1248 = vector.broadcast %shift_right_logical3A_1247 : i32 to vector<16xi32>
    %shift_right_logical3A_1249 = arith.shrui %bitcast_convert_type3A_1244, %shift_right_logical3A_1248 : vector<16xi32>
    %sub3A_1250 = arith.subi %broadcast_in_dim3A_1246, %shift_right_logical3A_1249 : vector<16xi32>
    %bitcast_convert_type3A_1251 = tpu.bitcast %sub3A_1250 : vector<16xi32> -> vector<16xf32>
    %mul3A_1252 = arith.constant 5.000000e-01 : f32
    %mul3A_1253 = vector.broadcast %mul3A_1252 : f32 to vector<16xf32>
    %mul3A_1254 = arith.mulf %mul3A_1253, %get3A_1243 : vector<16xf32>
    %mul3A_1255 = arith.mulf %mul3A_1254, %bitcast_convert_type3A_1251 : vector<16xf32>
    %mul3A_1256 = arith.mulf %mul3A_1255, %bitcast_convert_type3A_1251 : vector<16xf32>
    %sub3A_1257 = arith.constant 1.500000e+00 : f32
    %sub3A_1258 = vector.broadcast %sub3A_1257 : f32 to vector<16xf32>
    %sub3A_1259 = arith.subf %sub3A_1258, %mul3A_1256 : vector<16xf32>
    %mul3A_1260 = arith.mulf %bitcast_convert_type3A_1251, %sub3A_1259 : vector<16xf32>
    %mul3A_1261 = arith.constant 5.000000e-01 : f32
    %mul3A_1262 = vector.broadcast %mul3A_1261 : f32 to vector<16xf32>
    %mul3A_1263 = arith.mulf %mul3A_1262, %get3A_1243 : vector<16xf32>
    %mul3A_1264 = arith.mulf %mul3A_1263, %mul3A_1260 : vector<16xf32>
    %mul3A_1265 = arith.mulf %mul3A_1264, %mul3A_1260 : vector<16xf32>
    %sub3A_1266 = arith.constant 1.500000e+00 : f32
    %sub3A_1267 = vector.broadcast %sub3A_1266 : f32 to vector<16xf32>
    %sub3A_1268 = arith.subf %sub3A_1267, %mul3A_1265 : vector<16xf32>
    %mul3A_1269 = arith.mulf %mul3A_1260, %sub3A_1268 : vector<16xf32>
    %mul3A_1270 = arith.constant 5.000000e-01 : f32
    %mul3A_1271 = vector.broadcast %mul3A_1270 : f32 to vector<16xf32>
    %mul3A_1272 = arith.mulf %mul3A_1271, %get3A_1243 : vector<16xf32>
    %mul3A_1273 = arith.mulf %mul3A_1272, %mul3A_1269 : vector<16xf32>
    %mul3A_1274 = arith.mulf %mul3A_1273, %mul3A_1269 : vector<16xf32>
    %sub3A_1275 = arith.constant 1.500000e+00 : f32
    %sub3A_1276 = vector.broadcast %sub3A_1275 : f32 to vector<16xf32>
    %sub3A_1277 = arith.subf %sub3A_1276, %mul3A_1274 : vector<16xf32>
    %mul3A_1278 = arith.mulf %mul3A_1269, %sub3A_1277 : vector<16xf32>
    %swap3A_1279 = arith.constant 432 : index
    %swap3A_1280 = tpu.vector_load %arg29[%swap3A_1279] {strides = array<i32>} : memref<640xf32, #tpu.memory_space<vmem>>, vector<16xf32>,
    tpu.vector_store %arg29[%swap3A_1279], %mul3A_1278 {strides = array<i32>} : memref<640xf32, #tpu.memory_space<vmem>>, vector<16xf32>,
    %get3A_1281 = arith.constant 448 : index
    %get3A_1282 = tpu.vector_load %arg28[%get3A_1281] {strides = array<i32>} : memref<640xf32, #tpu.memory_space<vmem>>, vector<16xf32>,
    %bitcast_convert_type3A_1283 = tpu.bitcast %get3A_1282 : vector<16xf32> -> vector<16xi32>
    %broadcast_in_dim3A_1284 = arith.constant 1597463007 : i32
    %broadcast_in_dim3A_1285 = vector.broadcast %broadcast_in_dim3A_1284 : i32 to vector<16xi32>
    %shift_right_logical3A_1286 = arith.constant 1 : i32
    %shift_right_logical3A_1287 = vector.broadcast %shift_right_logical3A_1286 : i32 to vector<16xi32>
    %shift_right_logical3A_1288 = arith.shrui %bitcast_convert_type3A_1283, %shift_right_logical3A_1287 : vector<16xi32>
    %sub3A_1289 = arith.subi %broadcast_in_dim3A_1285, %shift_right_logical3A_1288 : vector<16xi32>
    %bitcast_convert_type3A_1290 = tpu.bitcast %sub3A_1289 : vector<16xi32> -> vector<16xf32>
    %mul3A_1291 = arith.constant 5.000000e-01 : f32
    %mul3A_1292 = vector.broadcast %mul3A_1291 : f32 to vector<16xf32>
    %mul3A_1293 = arith.mulf %mul3A_1292, %get3A_1282 : vector<16xf32>
    %mul3A_1294 = arith.mulf %mul3A_1293, %bitcast_convert_type3A_1290 : vector<16xf32>
    %mul3A_1295 = arith.mulf %mul3A_1294, %bitcast_convert_type3A_1290 : vector<16xf32>
    %sub3A_1296 = arith.constant 1.500000e+00 : f32
    %sub3A_1297 = vector.broadcast %sub3A_1296 : f32 to vector<16xf32>
    %sub3A_1298 = arith.subf %sub3A_1297, %mul3A_1295 : vector<16xf32>
    %mul3A_1299 = arith.mulf %bitcast_convert_type3A_1290, %sub3A_1298 : vector<16xf32>
    %mul3A_1300 = arith.constant 5.000000e-01 : f32
    %mul3A_1301 = vector.broadcast %mul3A_1300 : f32 to vector<16xf32>
    %mul3A_1302 = arith.mulf %mul3A_1301, %get3A_1282 : vector<16xf32>
    %mul3A_1303 = arith.mulf %mul3A_1302, %mul3A_1299 : vector<16xf32>
    %mul3A_1304 = arith.mulf %mul3A_1303, %mul3A_1299 : vector<16xf32>
    %sub3A_1305 = arith.constant 1.500000e+00 : f32
    %sub3A_1306 = vector.broadcast %sub3A_1305 : f32 to vector<16xf32>
    %sub3A_1307 = arith.subf %sub3A_1306, %mul3A_1304 : vector<16xf32>
    %mul3A_1308 = arith.mulf %mul3A_1299, %sub3A_1307 : vector<16xf32>
    %mul3A_1309 = arith.constant 5.000000e-01 : f32
    %mul3A_1310 = vector.broadcast %mul3A_1309 : f32 to vector<16xf32>
    %mul3A_1311 = arith.mulf %mul3A_1310, %get3A_1282 : vector<16xf32>
    %mul3A_1312 = arith.mulf %mul3A_1311, %mul3A_1308 : vector<16xf32>
    %mul3A_1313 = arith.mulf %mul3A_1312, %mul3A_1308 : vector<16xf32>
    %sub3A_1314 = arith.constant 1.500000e+00 : f32
    %sub3A_1315 = vector.broadcast %sub3A_1314 : f32 to vector<16xf32>
    %sub3A_1316 = arith.subf %sub3A_1315, %mul3A_1313 : vector<16xf32>
    %mul3A_1317 = arith.mulf %mul3A_1308, %sub3A_1316 : vector<16xf32>
    %swap3A_1318 = arith.constant 448 : index
    %swap3A_1319 = tpu.vector_load %arg29[%swap3A_1318] {strides = array<i32>} : memref<640xf32, #tpu.memory_space<vmem>>, vector<16xf32>,
    tpu.vector_store %arg29[%swap3A_1318], %mul3A_1317 {strides = array<i32>} : memref<640xf32, #tpu.memory_space<vmem>>, vector<16xf32>,
    %get3A_1320 = arith.constant 464 : index
    %get3A_1321 = tpu.vector_load %arg28[%get3A_1320] {strides = array<i32>} : memref<640xf32, #tpu.memory_space<vmem>>, vector<16xf32>,
    %bitcast_convert_type3A_1322 = tpu.bitcast %get3A_1321 : vector<16xf32> -> vector<16xi32>
    %broadcast_in_dim3A_1323 = arith.constant 1597463007 : i32
    %broadcast_in_dim3A_1324 = vector.broadcast %broadcast_in_dim3A_1323 : i32 to vector<16xi32>
    %shift_right_logical3A_1325 = arith.constant 1 : i32
    %shift_right_logical3A_1326 = vector.broadcast %shift_right_logical3A_1325 : i32 to vector<16xi32>
    %shift_right_logical3A_1327 = arith.shrui %bitcast_convert_type3A_1322, %shift_right_logical3A_1326 : vector<16xi32>
    %sub3A_1328 = arith.subi %broadcast_in_dim3A_1324, %shift_right_logical3A_1327 : vector<16xi32>
    %bitcast_convert_type3A_1329 = tpu.bitcast %sub3A_1328 : vector<16xi32> -> vector<16xf32>
    %mul3A_1330 = arith.constant 5.000000e-01 : f32
    %mul3A_1331 = vector.broadcast %mul3A_1330 : f32 to vector<16xf32>
    %mul3A_1332 = arith.mulf %mul3A_1331, %get3A_1321 : vector<16xf32>
    %mul3A_1333 = arith.mulf %mul3A_1332, %bitcast_convert_type3A_1329 : vector<16xf32>
    %mul3A_1334 = arith.mulf %mul3A_1333, %bitcast_convert_type3A_1329 : vector<16xf32>
    %sub3A_1335 = arith.constant 1.500000e+00 : f32
    %sub3A_1336 = vector.broadcast %sub3A_1335 : f32 to vector<16xf32>
    %sub3A_1337 = arith.subf %sub3A_1336, %mul3A_1334 : vector<16xf32>
    %mul3A_1338 = arith.mulf %bitcast_convert_type3A_1329, %sub3A_1337 : vector<16xf32>
    %mul3A_1339 = arith.constant 5.000000e-01 : f32
    %mul3A_1340 = vector.broadcast %mul3A_1339 : f32 to vector<16xf32>
    %mul3A_1341 = arith.mulf %mul3A_1340, %get3A_1321 : vector<16xf32>
    %mul3A_1342 = arith.mulf %mul3A_1341, %mul3A_1338 : vector<16xf32>
    %mul3A_1343 = arith.mulf %mul3A_1342, %mul3A_1338 : vector<16xf32>
    %sub3A_1344 = arith.constant 1.500000e+00 : f32
    %sub3A_1345 = vector.broadcast %sub3A_1344 : f32 to vector<16xf32>
    %sub3A_1346 = arith.subf %sub3A_1345, %mul3A_1343 : vector<16xf32>
    %mul3A_1347 = arith.mulf %mul3A_1338, %sub3A_1346 : vector<16xf32>
    %mul3A_1348 = arith.constant 5.000000e-01 : f32
    %mul3A_1349 = vector.broadcast %mul3A_1348 : f32 to vector<16xf32>
    %mul3A_1350 = arith.mulf %mul3A_1349, %get3A_1321 : vector<16xf32>
    %mul3A_1351 = arith.mulf %mul3A_1350, %mul3A_1347 : vector<16xf32>
    %mul3A_1352 = arith.mulf %mul3A_1351, %mul3A_1347 : vector<16xf32>
    %sub3A_1353 = arith.constant 1.500000e+00 : f32
    %sub3A_1354 = vector.broadcast %sub3A_1353 : f32 to vector<16xf32>
    %sub3A_1355 = arith.subf %sub3A_1354, %mul3A_1352 : vector<16xf32>
    %mul3A_1356 = arith.mulf %mul3A_1347, %sub3A_1355 : vector<16xf32>
    %swap3A_1357 = arith.constant 464 : index
    %swap3A_1358 = tpu.vector_load %arg29[%swap3A_1357] {strides = array<i32>} : memref<640xf32, #tpu.memory_space<vmem>>, vector<16xf32>,
    tpu.vector_store %arg29[%swap3A_1357], %mul3A_1356 {strides = array<i32>} : memref<640xf32, #tpu.memory_space<vmem>>, vector<16xf32>,
    %get3A_1359 = arith.constant 480 : index
    %get3A_1360 = tpu.vector_load %arg28[%get3A_1359] {strides = array<i32>} : memref<640xf32, #tpu.memory_space<vmem>>, vector<16xf32>,
    %bitcast_convert_type3A_1361 = tpu.bitcast %get3A_1360 : vector<16xf32> -> vector<16xi32>
    %broadcast_in_dim3A_1362 = arith.constant 1597463007 : i32
    %broadcast_in_dim3A_1363 = vector.broadcast %broadcast_in_dim3A_1362 : i32 to vector<16xi32>
    %shift_right_logical3A_1364 = arith.constant 1 : i32
    %shift_right_logical3A_1365 = vector.broadcast %shift_right_logical3A_1364 : i32 to vector<16xi32>
    %shift_right_logical3A_1366 = arith.shrui %bitcast_convert_type3A_1361, %shift_right_logical3A_1365 : vector<16xi32>
    %sub3A_1367 = arith.subi %broadcast_in_dim3A_1363, %shift_right_logical3A_1366 : vector<16xi32>
    %bitcast_convert_type3A_1368 = tpu.bitcast %sub3A_1367 : vector<16xi32> -> vector<16xf32>
    %mul3A_1369 = arith.constant 5.000000e-01 : f32
    %mul3A_1370 = vector.broadcast %mul3A_1369 : f32 to vector<16xf32>
    %mul3A_1371 = arith.mulf %mul3A_1370, %get3A_1360 : vector<16xf32>
    %mul3A_1372 = arith.mulf %mul3A_1371, %bitcast_convert_type3A_1368 : vector<16xf32>
    %mul3A_1373 = arith.mulf %mul3A_1372, %bitcast_convert_type3A_1368 : vector<16xf32>
    %sub3A_1374 = arith.constant 1.500000e+00 : f32
    %sub3A_1375 = vector.broadcast %sub3A_1374 : f32 to vector<16xf32>
    %sub3A_1376 = arith.subf %sub3A_1375, %mul3A_1373 : vector<16xf32>
    %mul3A_1377 = arith.mulf %bitcast_convert_type3A_1368, %sub3A_1376 : vector<16xf32>
    %mul3A_1378 = arith.constant 5.000000e-01 : f32
    %mul3A_1379 = vector.broadcast %mul3A_1378 : f32 to vector<16xf32>
    %mul3A_1380 = arith.mulf %mul3A_1379, %get3A_1360 : vector<16xf32>
    %mul3A_1381 = arith.mulf %mul3A_1380, %mul3A_1377 : vector<16xf32>
    %mul3A_1382 = arith.mulf %mul3A_1381, %mul3A_1377 : vector<16xf32>
    %sub3A_1383 = arith.constant 1.500000e+00 : f32
    %sub3A_1384 = vector.broadcast %sub3A_1383 : f32 to vector<16xf32>
    %sub3A_1385 = arith.subf %sub3A_1384, %mul3A_1382 : vector<16xf32>
    %mul3A_1386 = arith.mulf %mul3A_1377, %sub3A_1385 : vector<16xf32>
    %mul3A_1387 = arith.constant 5.000000e-01 : f32
    %mul3A_1388 = vector.broadcast %mul3A_1387 : f32 to vector<16xf32>
    %mul3A_1389 = arith.mulf %mul3A_1388, %get3A_1360 : vector<16xf32>
    %mul3A_1390 = arith.mulf %mul3A_1389, %mul3A_1386 : vector<16xf32>
    %mul3A_1391 = arith.mulf %mul3A_1390, %mul3A_1386 : vector<16xf32>
    %sub3A_1392 = arith.constant 1.500000e+00 : f32
    %sub3A_1393 = vector.broadcast %sub3A_1392 : f32 to vector<16xf32>
    %sub3A_1394 = arith.subf %sub3A_1393, %mul3A_1391 : vector<16xf32>
    %mul3A_1395 = arith.mulf %mul3A_1386, %sub3A_1394 : vector<16xf32>
    %swap3A_1396 = arith.constant 480 : index
    %swap3A_1397 = tpu.vector_load %arg29[%swap3A_1396] {strides = array<i32>} : memref<640xf32, #tpu.memory_space<vmem>>, vector<16xf32>,
    tpu.vector_store %arg29[%swap3A_1396], %mul3A_1395 {strides = array<i32>} : memref<640xf32, #tpu.memory_space<vmem>>, vector<16xf32>,
    %get3A_1398 = arith.constant 496 : index
    %get3A_1399 = tpu.vector_load %arg28[%get3A_1398] {strides = array<i32>} : memref<640xf32, #tpu.memory_space<vmem>>, vector<16xf32>,
    %bitcast_convert_type3A_1400 = tpu.bitcast %get3A_1399 : vector<16xf32> -> vector<16xi32>
    %broadcast_in_dim3A_1401 = arith.constant 1597463007 : i32
    %broadcast_in_dim3A_1402 = vector.broadcast %broadcast_in_dim3A_1401 : i32 to vector<16xi32>
    %shift_right_logical3A_1403 = arith.constant 1 : i32
    %shift_right_logical3A_1404 = vector.broadcast %shift_right_logical3A_1403 : i32 to vector<16xi32>
    %shift_right_logical3A_1405 = arith.shrui %bitcast_convert_type3A_1400, %shift_right_logical3A_1404 : vector<16xi32>
    %sub3A_1406 = arith.subi %broadcast_in_dim3A_1402, %shift_right_logical3A_1405 : vector<16xi32>
    %bitcast_convert_type3A_1407 = tpu.bitcast %sub3A_1406 : vector<16xi32> -> vector<16xf32>
    %mul3A_1408 = arith.constant 5.000000e-01 : f32
    %mul3A_1409 = vector.broadcast %mul3A_1408 : f32 to vector<16xf32>
    %mul3A_1410 = arith.mulf %mul3A_1409, %get3A_1399 : vector<16xf32>
    %mul3A_1411 = arith.mulf %mul3A_1410, %bitcast_convert_type3A_1407 : vector<16xf32>
    %mul3A_1412 = arith.mulf %mul3A_1411, %bitcast_convert_type3A_1407 : vector<16xf32>
    %sub3A_1413 = arith.constant 1.500000e+00 : f32
    %sub3A_1414 = vector.broadcast %sub3A_1413 : f32 to vector<16xf32>
    %sub3A_1415 = arith.subf %sub3A_1414, %mul3A_1412 : vector<16xf32>
    %mul3A_1416 = arith.mulf %bitcast_convert_type3A_1407, %sub3A_1415 : vector<16xf32>
    %mul3A_1417 = arith.constant 5.000000e-01 : f32
    %mul3A_1418 = vector.broadcast %mul3A_1417 : f32 to vector<16xf32>
    %mul3A_1419 = arith.mulf %mul3A_1418, %get3A_1399 : vector<16xf32>
    %mul3A_1420 = arith.mulf %mul3A_1419, %mul3A_1416 : vector<16xf32>
    %mul3A_1421 = arith.mulf %mul3A_1420, %mul3A_1416 : vector<16xf32>
    %sub3A_1422 = arith.constant 1.500000e+00 : f32
    %sub3A_1423 = vector.broadcast %sub3A_1422 : f32 to vector<16xf32>
    %sub3A_1424 = arith.subf %sub3A_1423, %mul3A_1421 : vector<16xf32>
    %mul3A_1425 = arith.mulf %mul3A_1416, %sub3A_1424 : vector<16xf32>
    %mul3A_1426 = arith.constant 5.000000e-01 : f32
    %mul3A_1427 = vector.broadcast %mul3A_1426 : f32 to vector<16xf32>
    %mul3A_1428 = arith.mulf %mul3A_1427, %get3A_1399 : vector<16xf32>
    %mul3A_1429 = arith.mulf %mul3A_1428, %mul3A_1425 : vector<16xf32>
    %mul3A_1430 = arith.mulf %mul3A_1429, %mul3A_1425 : vector<16xf32>
    %sub3A_1431 = arith.constant 1.500000e+00 : f32
    %sub3A_1432 = vector.broadcast %sub3A_1431 : f32 to vector<16xf32>
    %sub3A_1433 = arith.subf %sub3A_1432, %mul3A_1430 : vector<16xf32>
    %mul3A_1434 = arith.mulf %mul3A_1425, %sub3A_1433 : vector<16xf32>
    %swap3A_1435 = arith.constant 496 : index
    %swap3A_1436 = tpu.vector_load %arg29[%swap3A_1435] {strides = array<i32>} : memref<640xf32, #tpu.memory_space<vmem>>, vector<16xf32>,
    tpu.vector_store %arg29[%swap3A_1435], %mul3A_1434 {strides = array<i32>} : memref<640xf32, #tpu.memory_space<vmem>>, vector<16xf32>,
    %get3A_1437 = arith.constant 512 : index
    %get3A_1438 = tpu.vector_load %arg28[%get3A_1437] {strides = array<i32>} : memref<640xf32, #tpu.memory_space<vmem>>, vector<16xf32>,
    %bitcast_convert_type3A_1439 = tpu.bitcast %get3A_1438 : vector<16xf32> -> vector<16xi32>
    %broadcast_in_dim3A_1440 = arith.constant 1597463007 : i32
    %broadcast_in_dim3A_1441 = vector.broadcast %broadcast_in_dim3A_1440 : i32 to vector<16xi32>
    %shift_right_logical3A_1442 = arith.constant 1 : i32
    %shift_right_logical3A_1443 = vector.broadcast %shift_right_logical3A_1442 : i32 to vector<16xi32>
    %shift_right_logical3A_1444 = arith.shrui %bitcast_convert_type3A_1439, %shift_right_logical3A_1443 : vector<16xi32>
    %sub3A_1445 = arith.subi %broadcast_in_dim3A_1441, %shift_right_logical3A_1444 : vector<16xi32>
    %bitcast_convert_type3A_1446 = tpu.bitcast %sub3A_1445 : vector<16xi32> -> vector<16xf32>
    %mul3A_1447 = arith.constant 5.000000e-01 : f32
    %mul3A_1448 = vector.broadcast %mul3A_1447 : f32 to vector<16xf32>
    %mul3A_1449 = arith.mulf %mul3A_1448, %get3A_1438 : vector<16xf32>
    %mul3A_1450 = arith.mulf %mul3A_1449, %bitcast_convert_type3A_1446 : vector<16xf32>
    %mul3A_1451 = arith.mulf %mul3A_1450, %bitcast_convert_type3A_1446 : vector<16xf32>
    %sub3A_1452 = arith.constant 1.500000e+00 : f32
    %sub3A_1453 = vector.broadcast %sub3A_1452 : f32 to vector<16xf32>
    %sub3A_1454 = arith.subf %sub3A_1453, %mul3A_1451 : vector<16xf32>
    %mul3A_1455 = arith.mulf %bitcast_convert_type3A_1446, %sub3A_1454 : vector<16xf32>
    %mul3A_1456 = arith.constant 5.000000e-01 : f32
    %mul3A_1457 = vector.broadcast %mul3A_1456 : f32 to vector<16xf32>
    %mul3A_1458 = arith.mulf %mul3A_1457, %get3A_1438 : vector<16xf32>
    %mul3A_1459 = arith.mulf %mul3A_1458, %mul3A_1455 : vector<16xf32>
    %mul3A_1460 = arith.mulf %mul3A_1459, %mul3A_1455 : vector<16xf32>
    %sub3A_1461 = arith.constant 1.500000e+00 : f32
    %sub3A_1462 = vector.broadcast %sub3A_1461 : f32 to vector<16xf32>
    %sub3A_1463 = arith.subf %sub3A_1462, %mul3A_1460 : vector<16xf32>
    %mul3A_1464 = arith.mulf %mul3A_1455, %sub3A_1463 : vector<16xf32>
    %mul3A_1465 = arith.constant 5.000000e-01 : f32
    %mul3A_1466 = vector.broadcast %mul3A_1465 : f32 to vector<16xf32>
    %mul3A_1467 = arith.mulf %mul3A_1466, %get3A_1438 : vector<16xf32>
    %mul3A_1468 = arith.mulf %mul3A_1467, %mul3A_1464 : vector<16xf32>
    %mul3A_1469 = arith.mulf %mul3A_1468, %mul3A_1464 : vector<16xf32>
    %sub3A_1470 = arith.constant 1.500000e+00 : f32
    %sub3A_1471 = vector.broadcast %sub3A_1470 : f32 to vector<16xf32>
    %sub3A_1472 = arith.subf %sub3A_1471, %mul3A_1469 : vector<16xf32>
    %mul3A_1473 = arith.mulf %mul3A_1464, %sub3A_1472 : vector<16xf32>
    %swap3A_1474 = arith.constant 512 : index
    %swap3A_1475 = tpu.vector_load %arg29[%swap3A_1474] {strides = array<i32>} : memref<640xf32, #tpu.memory_space<vmem>>, vector<16xf32>,
    tpu.vector_store %arg29[%swap3A_1474], %mul3A_1473 {strides = array<i32>} : memref<640xf32, #tpu.memory_space<vmem>>, vector<16xf32>,
    %get3A_1476 = arith.constant 528 : index
    %get3A_1477 = tpu.vector_load %arg28[%get3A_1476] {strides = array<i32>} : memref<640xf32, #tpu.memory_space<vmem>>, vector<16xf32>,
    %bitcast_convert_type3A_1478 = tpu.bitcast %get3A_1477 : vector<16xf32> -> vector<16xi32>
    %broadcast_in_dim3A_1479 = arith.constant 1597463007 : i32
    %broadcast_in_dim3A_1480 = vector.broadcast %broadcast_in_dim3A_1479 : i32 to vector<16xi32>
    %shift_right_logical3A_1481 = arith.constant 1 : i32
    %shift_right_logical3A_1482 = vector.broadcast %shift_right_logical3A_1481 : i32 to vector<16xi32>
    %shift_right_logical3A_1483 = arith.shrui %bitcast_convert_type3A_1478, %shift_right_logical3A_1482 : vector<16xi32>
    %sub3A_1484 = arith.subi %broadcast_in_dim3A_1480, %shift_right_logical3A_1483 : vector<16xi32>
    %bitcast_convert_type3A_1485 = tpu.bitcast %sub3A_1484 : vector<16xi32> -> vector<16xf32>
    %mul3A_1486 = arith.constant 5.000000e-01 : f32
    %mul3A_1487 = vector.broadcast %mul3A_1486 : f32 to vector<16xf32>
    %mul3A_1488 = arith.mulf %mul3A_1487, %get3A_1477 : vector<16xf32>
    %mul3A_1489 = arith.mulf %mul3A_1488, %bitcast_convert_type3A_1485 : vector<16xf32>
    %mul3A_1490 = arith.mulf %mul3A_1489, %bitcast_convert_type3A_1485 : vector<16xf32>
    %sub3A_1491 = arith.constant 1.500000e+00 : f32
    %sub3A_1492 = vector.broadcast %sub3A_1491 : f32 to vector<16xf32>
    %sub3A_1493 = arith.subf %sub3A_1492, %mul3A_1490 : vector<16xf32>
    %mul3A_1494 = arith.mulf %bitcast_convert_type3A_1485, %sub3A_1493 : vector<16xf32>
    %mul3A_1495 = arith.constant 5.000000e-01 : f32
    %mul3A_1496 = vector.broadcast %mul3A_1495 : f32 to vector<16xf32>
    %mul3A_1497 = arith.mulf %mul3A_1496, %get3A_1477 : vector<16xf32>
    %mul3A_1498 = arith.mulf %mul3A_1497, %mul3A_1494 : vector<16xf32>
    %mul3A_1499 = arith.mulf %mul3A_1498, %mul3A_1494 : vector<16xf32>
    %sub3A_1500 = arith.constant 1.500000e+00 : f32
    %sub3A_1501 = vector.broadcast %sub3A_1500 : f32 to vector<16xf32>
    %sub3A_1502 = arith.subf %sub3A_1501, %mul3A_1499 : vector<16xf32>
    %mul3A_1503 = arith.mulf %mul3A_1494, %sub3A_1502 : vector<16xf32>
    %mul3A_1504 = arith.constant 5.000000e-01 : f32
    %mul3A_1505 = vector.broadcast %mul3A_1504 : f32 to vector<16xf32>
    %mul3A_1506 = arith.mulf %mul3A_1505, %get3A_1477 : vector<16xf32>
    %mul3A_1507 = arith.mulf %mul3A_1506, %mul3A_1503 : vector<16xf32>
    %mul3A_1508 = arith.mulf %mul3A_1507, %mul3A_1503 : vector<16xf32>
    %sub3A_1509 = arith.constant 1.500000e+00 : f32
    %sub3A_1510 = vector.broadcast %sub3A_1509 : f32 to vector<16xf32>
    %sub3A_1511 = arith.subf %sub3A_1510, %mul3A_1508 : vector<16xf32>
    %mul3A_1512 = arith.mulf %mul3A_1503, %sub3A_1511 : vector<16xf32>
    %swap3A_1513 = arith.constant 528 : index
    %swap3A_1514 = tpu.vector_load %arg29[%swap3A_1513] {strides = array<i32>} : memref<640xf32, #tpu.memory_space<vmem>>, vector<16xf32>,
    tpu.vector_store %arg29[%swap3A_1513], %mul3A_1512 {strides = array<i32>} : memref<640xf32, #tpu.memory_space<vmem>>, vector<16xf32>,
    %get3A_1515 = arith.constant 544 : index
    %get3A_1516 = tpu.vector_load %arg28[%get3A_1515] {strides = array<i32>} : memref<640xf32, #tpu.memory_space<vmem>>, vector<16xf32>,
    %bitcast_convert_type3A_1517 = tpu.bitcast %get3A_1516 : vector<16xf32> -> vector<16xi32>
    %broadcast_in_dim3A_1518 = arith.constant 1597463007 : i32
    %broadcast_in_dim3A_1519 = vector.broadcast %broadcast_in_dim3A_1518 : i32 to vector<16xi32>
    %shift_right_logical3A_1520 = arith.constant 1 : i32
    %shift_right_logical3A_1521 = vector.broadcast %shift_right_logical3A_1520 : i32 to vector<16xi32>
    %shift_right_logical3A_1522 = arith.shrui %bitcast_convert_type3A_1517, %shift_right_logical3A_1521 : vector<16xi32>
    %sub3A_1523 = arith.subi %broadcast_in_dim3A_1519, %shift_right_logical3A_1522 : vector<16xi32>
    %bitcast_convert_type3A_1524 = tpu.bitcast %sub3A_1523 : vector<16xi32> -> vector<16xf32>
    %mul3A_1525 = arith.constant 5.000000e-01 : f32
    %mul3A_1526 = vector.broadcast %mul3A_1525 : f32 to vector<16xf32>
    %mul3A_1527 = arith.mulf %mul3A_1526, %get3A_1516 : vector<16xf32>
    %mul3A_1528 = arith.mulf %mul3A_1527, %bitcast_convert_type3A_1524 : vector<16xf32>
    %mul3A_1529 = arith.mulf %mul3A_1528, %bitcast_convert_type3A_1524 : vector<16xf32>
    %sub3A_1530 = arith.constant 1.500000e+00 : f32
    %sub3A_1531 = vector.broadcast %sub3A_1530 : f32 to vector<16xf32>
    %sub3A_1532 = arith.subf %sub3A_1531, %mul3A_1529 : vector<16xf32>
    %mul3A_1533 = arith.mulf %bitcast_convert_type3A_1524, %sub3A_1532 : vector<16xf32>
    %mul3A_1534 = arith.constant 5.000000e-01 : f32
    %mul3A_1535 = vector.broadcast %mul3A_1534 : f32 to vector<16xf32>
    %mul3A_1536 = arith.mulf %mul3A_1535, %get3A_1516 : vector<16xf32>
    %mul3A_1537 = arith.mulf %mul3A_1536, %mul3A_1533 : vector<16xf32>
    %mul3A_1538 = arith.mulf %mul3A_1537, %mul3A_1533 : vector<16xf32>
    %sub3A_1539 = arith.constant 1.500000e+00 : f32
    %sub3A_1540 = vector.broadcast %sub3A_1539 : f32 to vector<16xf32>
    %sub3A_1541 = arith.subf %sub3A_1540, %mul3A_1538 : vector<16xf32>
    %mul3A_1542 = arith.mulf %mul3A_1533, %sub3A_1541 : vector<16xf32>
    %mul3A_1543 = arith.constant 5.000000e-01 : f32
    %mul3A_1544 = vector.broadcast %mul3A_1543 : f32 to vector<16xf32>
    %mul3A_1545 = arith.mulf %mul3A_1544, %get3A_1516 : vector<16xf32>
    %mul3A_1546 = arith.mulf %mul3A_1545, %mul3A_1542 : vector<16xf32>
    %mul3A_1547 = arith.mulf %mul3A_1546, %mul3A_1542 : vector<16xf32>
    %sub3A_1548 = arith.constant 1.500000e+00 : f32
    %sub3A_1549 = vector.broadcast %sub3A_1548 : f32 to vector<16xf32>
    %sub3A_1550 = arith.subf %sub3A_1549, %mul3A_1547 : vector<16xf32>
    %mul3A_1551 = arith.mulf %mul3A_1542, %sub3A_1550 : vector<16xf32>
    %swap3A_1552 = arith.constant 544 : index
    %swap3A_1553 = tpu.vector_load %arg29[%swap3A_1552] {strides = array<i32>} : memref<640xf32, #tpu.memory_space<vmem>>, vector<16xf32>,
    tpu.vector_store %arg29[%swap3A_1552], %mul3A_1551 {strides = array<i32>} : memref<640xf32, #tpu.memory_space<vmem>>, vector<16xf32>,
    %get3A_1554 = arith.constant 560 : index
    %get3A_1555 = tpu.vector_load %arg28[%get3A_1554] {strides = array<i32>} : memref<640xf32, #tpu.memory_space<vmem>>, vector<16xf32>,
    %bitcast_convert_type3A_1556 = tpu.bitcast %get3A_1555 : vector<16xf32> -> vector<16xi32>
    %broadcast_in_dim3A_1557 = arith.constant 1597463007 : i32
    %broadcast_in_dim3A_1558 = vector.broadcast %broadcast_in_dim3A_1557 : i32 to vector<16xi32>
    %shift_right_logical3A_1559 = arith.constant 1 : i32
    %shift_right_logical3A_1560 = vector.broadcast %shift_right_logical3A_1559 : i32 to vector<16xi32>
    %shift_right_logical3A_1561 = arith.shrui %bitcast_convert_type3A_1556, %shift_right_logical3A_1560 : vector<16xi32>
    %sub3A_1562 = arith.subi %broadcast_in_dim3A_1558, %shift_right_logical3A_1561 : vector<16xi32>
    %bitcast_convert_type3A_1563 = tpu.bitcast %sub3A_1562 : vector<16xi32> -> vector<16xf32>
    %mul3A_1564 = arith.constant 5.000000e-01 : f32
    %mul3A_1565 = vector.broadcast %mul3A_1564 : f32 to vector<16xf32>
    %mul3A_1566 = arith.mulf %mul3A_1565, %get3A_1555 : vector<16xf32>
    %mul3A_1567 = arith.mulf %mul3A_1566, %bitcast_convert_type3A_1563 : vector<16xf32>
    %mul3A_1568 = arith.mulf %mul3A_1567, %bitcast_convert_type3A_1563 : vector<16xf32>
    %sub3A_1569 = arith.constant 1.500000e+00 : f32
    %sub3A_1570 = vector.broadcast %sub3A_1569 : f32 to vector<16xf32>
    %sub3A_1571 = arith.subf %sub3A_1570, %mul3A_1568 : vector<16xf32>
    %mul3A_1572 = arith.mulf %bitcast_convert_type3A_1563, %sub3A_1571 : vector<16xf32>
    %mul3A_1573 = arith.constant 5.000000e-01 : f32
    %mul3A_1574 = vector.broadcast %mul3A_1573 : f32 to vector<16xf32>
    %mul3A_1575 = arith.mulf %mul3A_1574, %get3A_1555 : vector<16xf32>
    %mul3A_1576 = arith.mulf %mul3A_1575, %mul3A_1572 : vector<16xf32>
    %mul3A_1577 = arith.mulf %mul3A_1576, %mul3A_1572 : vector<16xf32>
    %sub3A_1578 = arith.constant 1.500000e+00 : f32
    %sub3A_1579 = vector.broadcast %sub3A_1578 : f32 to vector<16xf32>
    %sub3A_1580 = arith.subf %sub3A_1579, %mul3A_1577 : vector<16xf32>
    %mul3A_1581 = arith.mulf %mul3A_1572, %sub3A_1580 : vector<16xf32>
    %mul3A_1582 = arith.constant 5.000000e-01 : f32
    %mul3A_1583 = vector.broadcast %mul3A_1582 : f32 to vector<16xf32>
    %mul3A_1584 = arith.mulf %mul3A_1583, %get3A_1555 : vector<16xf32>
    %mul3A_1585 = arith.mulf %mul3A_1584, %mul3A_1581 : vector<16xf32>
    %mul3A_1586 = arith.mulf %mul3A_1585, %mul3A_1581 : vector<16xf32>
    %sub3A_1587 = arith.constant 1.500000e+00 : f32
    %sub3A_1588 = vector.broadcast %sub3A_1587 : f32 to vector<16xf32>
    %sub3A_1589 = arith.subf %sub3A_1588, %mul3A_1586 : vector<16xf32>
    %mul3A_1590 = arith.mulf %mul3A_1581, %sub3A_1589 : vector<16xf32>
    %swap3A_1591 = arith.constant 560 : index
    %swap3A_1592 = tpu.vector_load %arg29[%swap3A_1591] {strides = array<i32>} : memref<640xf32, #tpu.memory_space<vmem>>, vector<16xf32>,
    tpu.vector_store %arg29[%swap3A_1591], %mul3A_1590 {strides = array<i32>} : memref<640xf32, #tpu.memory_space<vmem>>, vector<16xf32>,
    %get3A_1593 = arith.constant 576 : index
    %get3A_1594 = tpu.vector_load %arg28[%get3A_1593] {strides = array<i32>} : memref<640xf32, #tpu.memory_space<vmem>>, vector<16xf32>,
    %bitcast_convert_type3A_1595 = tpu.bitcast %get3A_1594 : vector<16xf32> -> vector<16xi32>
    %broadcast_in_dim3A_1596 = arith.constant 1597463007 : i32
    %broadcast_in_dim3A_1597 = vector.broadcast %broadcast_in_dim3A_1596 : i32 to vector<16xi32>
    %shift_right_logical3A_1598 = arith.constant 1 : i32
    %shift_right_logical3A_1599 = vector.broadcast %shift_right_logical3A_1598 : i32 to vector<16xi32>
    %shift_right_logical3A_1600 = arith.shrui %bitcast_convert_type3A_1595, %shift_right_logical3A_1599 : vector<16xi32>
    %sub3A_1601 = arith.subi %broadcast_in_dim3A_1597, %shift_right_logical3A_1600 : vector<16xi32>
    %bitcast_convert_type3A_1602 = tpu.bitcast %sub3A_1601 : vector<16xi32> -> vector<16xf32>
    %mul3A_1603 = arith.constant 5.000000e-01 : f32
    %mul3A_1604 = vector.broadcast %mul3A_1603 : f32 to vector<16xf32>
    %mul3A_1605 = arith.mulf %mul3A_1604, %get3A_1594 : vector<16xf32>
    %mul3A_1606 = arith.mulf %mul3A_1605, %bitcast_convert_type3A_1602 : vector<16xf32>
    %mul3A_1607 = arith.mulf %mul3A_1606, %bitcast_convert_type3A_1602 : vector<16xf32>
    %sub3A_1608 = arith.constant 1.500000e+00 : f32
    %sub3A_1609 = vector.broadcast %sub3A_1608 : f32 to vector<16xf32>
    %sub3A_1610 = arith.subf %sub3A_1609, %mul3A_1607 : vector<16xf32>
    %mul3A_1611 = arith.mulf %bitcast_convert_type3A_1602, %sub3A_1610 : vector<16xf32>
    %mul3A_1612 = arith.constant 5.000000e-01 : f32
    %mul3A_1613 = vector.broadcast %mul3A_1612 : f32 to vector<16xf32>
    %mul3A_1614 = arith.mulf %mul3A_1613, %get3A_1594 : vector<16xf32>
    %mul3A_1615 = arith.mulf %mul3A_1614, %mul3A_1611 : vector<16xf32>
    %mul3A_1616 = arith.mulf %mul3A_1615, %mul3A_1611 : vector<16xf32>
    %sub3A_1617 = arith.constant 1.500000e+00 : f32
    %sub3A_1618 = vector.broadcast %sub3A_1617 : f32 to vector<16xf32>
    %sub3A_1619 = arith.subf %sub3A_1618, %mul3A_1616 : vector<16xf32>
    %mul3A_1620 = arith.mulf %mul3A_1611, %sub3A_1619 : vector<16xf32>
    %mul3A_1621 = arith.constant 5.000000e-01 : f32
    %mul3A_1622 = vector.broadcast %mul3A_1621 : f32 to vector<16xf32>
    %mul3A_1623 = arith.mulf %mul3A_1622, %get3A_1594 : vector<16xf32>
    %mul3A_1624 = arith.mulf %mul3A_1623, %mul3A_1620 : vector<16xf32>
    %mul3A_1625 = arith.mulf %mul3A_1624, %mul3A_1620 : vector<16xf32>
    %sub3A_1626 = arith.constant 1.500000e+00 : f32
    %sub3A_1627 = vector.broadcast %sub3A_1626 : f32 to vector<16xf32>
    %sub3A_1628 = arith.subf %sub3A_1627, %mul3A_1625 : vector<16xf32>
    %mul3A_1629 = arith.mulf %mul3A_1620, %sub3A_1628 : vector<16xf32>
    %swap3A_1630 = arith.constant 576 : index
    %swap3A_1631 = tpu.vector_load %arg29[%swap3A_1630] {strides = array<i32>} : memref<640xf32, #tpu.memory_space<vmem>>, vector<16xf32>,
    tpu.vector_store %arg29[%swap3A_1630], %mul3A_1629 {strides = array<i32>} : memref<640xf32, #tpu.memory_space<vmem>>, vector<16xf32>,
    %get3A_1632 = arith.constant 592 : index
    %get3A_1633 = tpu.vector_load %arg28[%get3A_1632] {strides = array<i32>} : memref<640xf32, #tpu.memory_space<vmem>>, vector<16xf32>,
    %bitcast_convert_type3A_1634 = tpu.bitcast %get3A_1633 : vector<16xf32> -> vector<16xi32>
    %broadcast_in_dim3A_1635 = arith.constant 1597463007 : i32
    %broadcast_in_dim3A_1636 = vector.broadcast %broadcast_in_dim3A_1635 : i32 to vector<16xi32>
    %shift_right_logical3A_1637 = arith.constant 1 : i32
    %shift_right_logical3A_1638 = vector.broadcast %shift_right_logical3A_1637 : i32 to vector<16xi32>
    %shift_right_logical3A_1639 = arith.shrui %bitcast_convert_type3A_1634, %shift_right_logical3A_1638 : vector<16xi32>
    %sub3A_1640 = arith.subi %broadcast_in_dim3A_1636, %shift_right_logical3A_1639 : vector<16xi32>
    %bitcast_convert_type3A_1641 = tpu.bitcast %sub3A_1640 : vector<16xi32> -> vector<16xf32>
    %mul3A_1642 = arith.constant 5.000000e-01 : f32
    %mul3A_1643 = vector.broadcast %mul3A_1642 : f32 to vector<16xf32>
    %mul3A_1644 = arith.mulf %mul3A_1643, %get3A_1633 : vector<16xf32>
    %mul3A_1645 = arith.mulf %mul3A_1644, %bitcast_convert_type3A_1641 : vector<16xf32>
    %mul3A_1646 = arith.mulf %mul3A_1645, %bitcast_convert_type3A_1641 : vector<16xf32>
    %sub3A_1647 = arith.constant 1.500000e+00 : f32
    %sub3A_1648 = vector.broadcast %sub3A_1647 : f32 to vector<16xf32>
    %sub3A_1649 = arith.subf %sub3A_1648, %mul3A_1646 : vector<16xf32>
    %mul3A_1650 = arith.mulf %bitcast_convert_type3A_1641, %sub3A_1649 : vector<16xf32>
    %mul3A_1651 = arith.constant 5.000000e-01 : f32
    %mul3A_1652 = vector.broadcast %mul3A_1651 : f32 to vector<16xf32>
    %mul3A_1653 = arith.mulf %mul3A_1652, %get3A_1633 : vector<16xf32>
    %mul3A_1654 = arith.mulf %mul3A_1653, %mul3A_1650 : vector<16xf32>
    %mul3A_1655 = arith.mulf %mul3A_1654, %mul3A_1650 : vector<16xf32>
    %sub3A_1656 = arith.constant 1.500000e+00 : f32
    %sub3A_1657 = vector.broadcast %sub3A_1656 : f32 to vector<16xf32>
    %sub3A_1658 = arith.subf %sub3A_1657, %mul3A_1655 : vector<16xf32>
    %mul3A_1659 = arith.mulf %mul3A_1650, %sub3A_1658 : vector<16xf32>
    %mul3A_1660 = arith.constant 5.000000e-01 : f32
    %mul3A_1661 = vector.broadcast %mul3A_1660 : f32 to vector<16xf32>
    %mul3A_1662 = arith.mulf %mul3A_1661, %get3A_1633 : vector<16xf32>
    %mul3A_1663 = arith.mulf %mul3A_1662, %mul3A_1659 : vector<16xf32>
    %mul3A_1664 = arith.mulf %mul3A_1663, %mul3A_1659 : vector<16xf32>
    %sub3A_1665 = arith.constant 1.500000e+00 : f32
    %sub3A_1666 = vector.broadcast %sub3A_1665 : f32 to vector<16xf32>
    %sub3A_1667 = arith.subf %sub3A_1666, %mul3A_1664 : vector<16xf32>
    %mul3A_1668 = arith.mulf %mul3A_1659, %sub3A_1667 : vector<16xf32>
    %swap3A_1669 = arith.constant 592 : index
    %swap3A_1670 = tpu.vector_load %arg29[%swap3A_1669] {strides = array<i32>} : memref<640xf32, #tpu.memory_space<vmem>>, vector<16xf32>,
    tpu.vector_store %arg29[%swap3A_1669], %mul3A_1668 {strides = array<i32>} : memref<640xf32, #tpu.memory_space<vmem>>, vector<16xf32>,
    %get3A_1671 = arith.constant 608 : index
    %get3A_1672 = tpu.vector_load %arg28[%get3A_1671] {strides = array<i32>} : memref<640xf32, #tpu.memory_space<vmem>>, vector<16xf32>,
    %bitcast_convert_type3A_1673 = tpu.bitcast %get3A_1672 : vector<16xf32> -> vector<16xi32>
    %broadcast_in_dim3A_1674 = arith.constant 1597463007 : i32
    %broadcast_in_dim3A_1675 = vector.broadcast %broadcast_in_dim3A_1674 : i32 to vector<16xi32>
    %shift_right_logical3A_1676 = arith.constant 1 : i32
    %shift_right_logical3A_1677 = vector.broadcast %shift_right_logical3A_1676 : i32 to vector<16xi32>
    %shift_right_logical3A_1678 = arith.shrui %bitcast_convert_type3A_1673, %shift_right_logical3A_1677 : vector<16xi32>
    %sub3A_1679 = arith.subi %broadcast_in_dim3A_1675, %shift_right_logical3A_1678 : vector<16xi32>
    %bitcast_convert_type3A_1680 = tpu.bitcast %sub3A_1679 : vector<16xi32> -> vector<16xf32>
    %mul3A_1681 = arith.constant 5.000000e-01 : f32
    %mul3A_1682 = vector.broadcast %mul3A_1681 : f32 to vector<16xf32>
    %mul3A_1683 = arith.mulf %mul3A_1682, %get3A_1672 : vector<16xf32>
    %mul3A_1684 = arith.mulf %mul3A_1683, %bitcast_convert_type3A_1680 : vector<16xf32>
    %mul3A_1685 = arith.mulf %mul3A_1684, %bitcast_convert_type3A_1680 : vector<16xf32>
    %sub3A_1686 = arith.constant 1.500000e+00 : f32
    %sub3A_1687 = vector.broadcast %sub3A_1686 : f32 to vector<16xf32>
    %sub3A_1688 = arith.subf %sub3A_1687, %mul3A_1685 : vector<16xf32>
    %mul3A_1689 = arith.mulf %bitcast_convert_type3A_1680, %sub3A_1688 : vector<16xf32>
    %mul3A_1690 = arith.constant 5.000000e-01 : f32
    %mul3A_1691 = vector.broadcast %mul3A_1690 : f32 to vector<16xf32>
    %mul3A_1692 = arith.mulf %mul3A_1691, %get3A_1672 : vector<16xf32>
    %mul3A_1693 = arith.mulf %mul3A_1692, %mul3A_1689 : vector<16xf32>
    %mul3A_1694 = arith.mulf %mul3A_1693, %mul3A_1689 : vector<16xf32>
    %sub3A_1695 = arith.constant 1.500000e+00 : f32
    %sub3A_1696 = vector.broadcast %sub3A_1695 : f32 to vector<16xf32>
    %sub3A_1697 = arith.subf %sub3A_1696, %mul3A_1694 : vector<16xf32>
    %mul3A_1698 = arith.mulf %mul3A_1689, %sub3A_1697 : vector<16xf32>
    %mul3A_1699 = arith.constant 5.000000e-01 : f32
    %mul3A_1700 = vector.broadcast %mul3A_1699 : f32 to vector<16xf32>
    %mul3A_1701 = arith.mulf %mul3A_1700, %get3A_1672 : vector<16xf32>
    %mul3A_1702 = arith.mulf %mul3A_1701, %mul3A_1698 : vector<16xf32>
    %mul3A_1703 = arith.mulf %mul3A_1702, %mul3A_1698 : vector<16xf32>
    %sub3A_1704 = arith.constant 1.500000e+00 : f32
    %sub3A_1705 = vector.broadcast %sub3A_1704 : f32 to vector<16xf32>
    %sub3A_1706 = arith.subf %sub3A_1705, %mul3A_1703 : vector<16xf32>
    %mul3A_1707 = arith.mulf %mul3A_1698, %sub3A_1706 : vector<16xf32>
    %swap3A_1708 = arith.constant 608 : index
    %swap3A_1709 = tpu.vector_load %arg29[%swap3A_1708] {strides = array<i32>} : memref<640xf32, #tpu.memory_space<vmem>>, vector<16xf32>,
    tpu.vector_store %arg29[%swap3A_1708], %mul3A_1707 {strides = array<i32>} : memref<640xf32, #tpu.memory_space<vmem>>, vector<16xf32>,
    %get3A_1710 = arith.constant 624 : index
    %get3A_1711 = tpu.vector_load %arg28[%get3A_1710] {strides = array<i32>} : memref<640xf32, #tpu.memory_space<vmem>>, vector<16xf32>,
    %bitcast_convert_type3A_1712 = tpu.bitcast %get3A_1711 : vector<16xf32> -> vector<16xi32>
    %broadcast_in_dim3A_1713 = arith.constant 1597463007 : i32
    %broadcast_in_dim3A_1714 = vector.broadcast %broadcast_in_dim3A_1713 : i32 to vector<16xi32>
    %shift_right_logical3A_1715 = arith.constant 1 : i32
    %shift_right_logical3A_1716 = vector.broadcast %shift_right_logical3A_1715 : i32 to vector<16xi32>
    %shift_right_logical3A_1717 = arith.shrui %bitcast_convert_type3A_1712, %shift_right_logical3A_1716 : vector<16xi32>
    %sub3A_1718 = arith.subi %broadcast_in_dim3A_1714, %shift_right_logical3A_1717 : vector<16xi32>
    %bitcast_convert_type3A_1719 = tpu.bitcast %sub3A_1718 : vector<16xi32> -> vector<16xf32>
    %mul3A_1720 = arith.constant 5.000000e-01 : f32
    %mul3A_1721 = vector.broadcast %mul3A_1720 : f32 to vector<16xf32>
    %mul3A_1722 = arith.mulf %mul3A_1721, %get3A_1711 : vector<16xf32>
    %mul3A_1723 = arith.mulf %mul3A_1722, %bitcast_convert_type3A_1719 : vector<16xf32>
    %mul3A_1724 = arith.mulf %mul3A_1723, %bitcast_convert_type3A_1719 : vector<16xf32>
    %sub3A_1725 = arith.constant 1.500000e+00 : f32
    %sub3A_1726 = vector.broadcast %sub3A_1725 : f32 to vector<16xf32>
    %sub3A_1727 = arith.subf %sub3A_1726, %mul3A_1724 : vector<16xf32>
    %mul3A_1728 = arith.mulf %bitcast_convert_type3A_1719, %sub3A_1727 : vector<16xf32>
    %mul3A_1729 = arith.constant 5.000000e-01 : f32
    %mul3A_1730 = vector.broadcast %mul3A_1729 : f32 to vector<16xf32>
    %mul3A_1731 = arith.mulf %mul3A_1730, %get3A_1711 : vector<16xf32>
    %mul3A_1732 = arith.mulf %mul3A_1731, %mul3A_1728 : vector<16xf32>
    %mul3A_1733 = arith.mulf %mul3A_1732, %mul3A_1728 : vector<16xf32>
    %sub3A_1734 = arith.constant 1.500000e+00 : f32
    %sub3A_1735 = vector.broadcast %sub3A_1734 : f32 to vector<16xf32>
    %sub3A_1736 = arith.subf %sub3A_1735, %mul3A_1733 : vector<16xf32>
    %mul3A_1737 = arith.mulf %mul3A_1728, %sub3A_1736 : vector<16xf32>
    %mul3A_1738 = arith.constant 5.000000e-01 : f32
    %mul3A_1739 = vector.broadcast %mul3A_1738 : f32 to vector<16xf32>
    %mul3A_1740 = arith.mulf %mul3A_1739, %get3A_1711 : vector<16xf32>
    %mul3A_1741 = arith.mulf %mul3A_1740, %mul3A_1737 : vector<16xf32>
    %mul3A_1742 = arith.mulf %mul3A_1741, %mul3A_1737 : vector<16xf32>
    %sub3A_1743 = arith.constant 1.500000e+00 : f32
    %sub3A_1744 = vector.broadcast %sub3A_1743 : f32 to vector<16xf32>
    %sub3A_1745 = arith.subf %sub3A_1744, %mul3A_1742 : vector<16xf32>
    %mul3A_1746 = arith.mulf %mul3A_1737, %sub3A_1745 : vector<16xf32>
    %swap3A_1747 = arith.constant 624 : index
    %swap3A_1748 = tpu.vector_load %arg29[%swap3A_1747] {strides = array<i32>} : memref<640xf32, #tpu.memory_space<vmem>>, vector<16xf32>,
    tpu.vector_store %arg29[%swap3A_1747], %mul3A_1746 {strides = array<i32>} : memref<640xf32, #tpu.memory_space<vmem>>, vector<16xf32>,
    %mul3A_1749 = arith.constant 640 : i32
    %mul3A_1750 = arith.muli %mul3A_1749, %arg1 : i32
    "tpu.region"() ({
      %run_scoped3A = tpu.sem_alloc : memref<!tpu.dma_semaphore, #tpu.memory_space<semaphore_mem>>
      %dma_start3A = tpu.memref_slice %arg14[%mul3A_1750] : memref<10240xf32, #tpu.memory_space<vmem_shared>> -> memref<640xf32, #tpu.memory_space<vmem_shared>>
      %dma_start3A_1798 = tpu.memref_slice %arg14[%mul3A_1750] : memref<10240xf32, #tpu.memory_space<vmem_shared>> -> memref<640xf32, #tpu.memory_space<vmem_shared>>
      tpu.enqueue_dma source(%arg29 : memref<640xf32, #tpu.memory_space<vmem>>) target(%dma_start3A_1798 : memref<640xf32, #tpu.memory_space<vmem_shared>>) target_semaphore(%run_scoped3A : memref<!tpu.dma_semaphore, #tpu.memory_space<semaphore_mem>>)
      %dma_wait3A = tpu.memref_slice %arg14[%mul3A_1750] : memref<10240xf32, #tpu.memory_space<vmem_shared>> -> memref<640xf32, #tpu.memory_space<vmem_shared>>
      %dma_wait3A_1799 = tpu.memref_slice %arg14[%mul3A_1750] : memref<10240xf32, #tpu.memory_space<vmem_shared>> -> memref<640xf32, #tpu.memory_space<vmem_shared>>
      tpu.wait_dma2 semaphore(%run_scoped3A : memref<!tpu.dma_semaphore, #tpu.memory_space<semaphore_mem>>) src(%arg29 : memref<640xf32, #tpu.memory_space<vmem>>) dst(%dma_wait3A_1799 : memref<640xf32, #tpu.memory_space<vmem_shared>>)
      tpu.yield
    }) : () -> ()
    %eq3A = arith.constant 0 : i32
    %eq3A_1751 = arith.cmpi eq, %arg0, %eq3A : i32
    %convert_element_type3A = arith.extui %eq3A_1751 : i1 to i32
    %cond3A = arith.constant 0 : i32
    %cond3A_1752 = arith.cmpi ne, %convert_element_type3A, %cond3A : i32
    scf.if %cond3A_1752 {
      %mul3A_1798 = arith.constant 640 : i32
      %mul3A_1799 = arith.muli %mul3A_1798, %arg1 : i32
      "tpu.region"() ({
        %run_scoped3A = tpu.sem_alloc : memref<!tpu.dma_semaphore, #tpu.memory_space<semaphore_mem>>
        %dma_start3A = tpu.memref_slice %arg11[%mul3A_1799] : memref<10240xf32, #tpu.memory_space<hbm>> -> memref<640xf32, #tpu.memory_space<hbm>>
        %dma_start3A_1800 = tpu.memref_slice %arg11[%mul3A_1799] : memref<10240xf32, #tpu.memory_space<hbm>> -> memref<640xf32, #tpu.memory_space<hbm>>
        tpu.enqueue_dma source(%arg29 : memref<640xf32, #tpu.memory_space<vmem>>) target(%dma_start3A_1800 : memref<640xf32, #tpu.memory_space<hbm>>) target_semaphore(%run_scoped3A : memref<!tpu.dma_semaphore, #tpu.memory_space<semaphore_mem>>)
        %dma_wait3A = tpu.memref_slice %arg11[%mul3A_1799] : memref<10240xf32, #tpu.memory_space<hbm>> -> memref<640xf32, #tpu.memory_space<hbm>>
        %dma_wait3A_1801 = tpu.memref_slice %arg11[%mul3A_1799] : memref<10240xf32, #tpu.memory_space<hbm>> -> memref<640xf32, #tpu.memory_space<hbm>>
        tpu.wait_dma2 semaphore(%run_scoped3A : memref<!tpu.dma_semaphore, #tpu.memory_space<semaphore_mem>>) src(%arg29 : memref<640xf32, #tpu.memory_space<vmem>>) dst(%dma_wait3A_1801 : memref<640xf32, #tpu.memory_space<hbm>>)
        tpu.yield
      }) : () -> ()
    } else {
    }
    %barrier3A_1753 = arith.constant 0 : index
    tpu.barrier barrier_id(%barrier3A_1753)
    %scan3A_1754 = arith.constant 0 : i32
    %scan3A_1755 = arith.constant 40 : i32
    %scan3A_1756 = arith.addi %scan3A_1754, %scan3A_1755 : i32
    %scan3A_1757 = arith.constant 1 : i32
    scf.for %scan3A_1798 = %scan3A_1754 to %scan3A_1756 step %scan3A_1757  : i32 {
      %mul3A_1799 = arith.constant 16 : i32
      %mul3A_1800 = arith.muli %mul3A_1799, %scan3A_1798 : i32
      %add3A_1801 = arith.addi %arg1, %mul3A_1800 : i32
      %lt3A = arith.constant 625 : i32
      %lt3A_1802 = arith.cmpi slt, %add3A_1801, %lt3A : i32
      %convert_element_type3A_1803 = arith.extui %lt3A_1802 : i1 to i32
      %cond3A_1804 = arith.constant 0 : i32
      %cond3A_1805 = arith.cmpi ne, %convert_element_type3A_1803, %cond3A_1804 : i32
      scf.if %cond3A_1805 {
        %mul3A_1806 = arith.constant 16 : i32
        %mul3A_1807 = arith.muli %add3A_1801, %mul3A_1806 : i32
        "tpu.region"() ({
          %run_scoped3A = tpu.sem_alloc : memref<!tpu.dma_semaphore, #tpu.memory_space<semaphore_mem>>
          %dma_start3A = arith.constant 0 : i32
          %dma_start3A_3007 = tpu.memref_slice %arg2[%mul3A_1807, %dma_start3A] : memref<10000x128xf32, #tpu.memory_space<hbm>> -> memref<16x128xf32, #tpu.memory_space<hbm>>
          %dma_start3A_3008 = arith.constant 0 : i32
          %dma_start3A_3009 = tpu.memref_slice %arg2[%mul3A_1807, %dma_start3A_3008] : memref<10000x128xf32, #tpu.memory_space<hbm>> -> memref<16x128xf32, #tpu.memory_space<hbm>>
          tpu.enqueue_dma source(%dma_start3A_3009 : memref<16x128xf32, #tpu.memory_space<hbm>>) target(%arg26 : memref<16x128xf32, #tpu.memory_space<vmem>>) target_semaphore(%run_scoped3A : memref<!tpu.dma_semaphore, #tpu.memory_space<semaphore_mem>>)
          %dma_wait3A = arith.constant 0 : i32
          %dma_wait3A_3010 = tpu.memref_slice %arg2[%mul3A_1807, %dma_wait3A] : memref<10000x128xf32, #tpu.memory_space<hbm>> -> memref<16x128xf32, #tpu.memory_space<hbm>>
          %dma_wait3A_3011 = arith.constant 0 : i32
          %dma_wait3A_3012 = tpu.memref_slice %arg2[%mul3A_1807, %dma_wait3A_3011] : memref<10000x128xf32, #tpu.memory_space<hbm>> -> memref<16x128xf32, #tpu.memory_space<hbm>>
          tpu.wait_dma2 semaphore(%run_scoped3A : memref<!tpu.dma_semaphore, #tpu.memory_space<semaphore_mem>>) src(%dma_wait3A_3012 : memref<16x128xf32, #tpu.memory_space<hbm>>) dst(%arg26 : memref<16x128xf32, #tpu.memory_space<vmem>>)
          tpu.yield
        }) : () -> ()
        "tpu.region"() ({
          %run_scoped3A = tpu.sem_alloc : memref<!tpu.dma_semaphore, #tpu.memory_space<semaphore_mem>>
          %dma_start3A = tpu.memref_slice %arg14[%mul3A_1807] : memref<10240xf32, #tpu.memory_space<vmem_shared>> -> memref<16xf32, #tpu.memory_space<vmem_shared>>
          %dma_start3A_3007 = tpu.memref_slice %arg14[%mul3A_1807] : memref<10240xf32, #tpu.memory_space<vmem_shared>> -> memref<16xf32, #tpu.memory_space<vmem_shared>>
          tpu.enqueue_dma source(%dma_start3A_3007 : memref<16xf32, #tpu.memory_space<vmem_shared>>) target(%arg30 : memref<16xf32, #tpu.memory_space<vmem>>) target_semaphore(%run_scoped3A : memref<!tpu.dma_semaphore, #tpu.memory_space<semaphore_mem>>)
          %dma_wait3A = tpu.memref_slice %arg14[%mul3A_1807] : memref<10240xf32, #tpu.memory_space<vmem_shared>> -> memref<16xf32, #tpu.memory_space<vmem_shared>>
          %dma_wait3A_3008 = tpu.memref_slice %arg14[%mul3A_1807] : memref<10240xf32, #tpu.memory_space<vmem_shared>> -> memref<16xf32, #tpu.memory_space<vmem_shared>>
          tpu.wait_dma2 semaphore(%run_scoped3A : memref<!tpu.dma_semaphore, #tpu.memory_space<semaphore_mem>>) src(%dma_wait3A_3008 : memref<16xf32, #tpu.memory_space<vmem_shared>>) dst(%arg30 : memref<16xf32, #tpu.memory_space<vmem>>)
          tpu.yield
        }) : () -> ()
        %broadcast_in_dim3A_1808 = arith.constant 0 : i32
        %broadcast_in_dim3A_1809 = vector.broadcast %broadcast_in_dim3A_1808 : i32 to vector<16xi32>
        %gather3A = tpu.vector_load_idx %arg30[%broadcast_in_dim3A_1809] : memref<16xf32, #tpu.memory_space<vmem>>[vector<16xi32>], vector<16xf32>,
        %get3A_1810 = arith.constant 0 : i32
        %get3A_1811 = arith.index_cast %get3A_1810 : i32 to index
        %get3A_1812 = arith.constant 0 : index
        %get3A_1813 = tpu.vector_load %arg26[%get3A_1811, %get3A_1812] {strides = array<i32>} : memref<16x128xf32, #tpu.memory_space<vmem>>, vector<16xf32>,
        %mul3A_1814 = arith.mulf %get3A_1813, %gather3A : vector<16xf32>
        %swap3A_1815 = arith.constant 0 : i32
        %swap3A_1816 = arith.index_cast %swap3A_1815 : i32 to index
        %swap3A_1817 = arith.constant 0 : index
        %swap3A_1818 = tpu.vector_load %arg27[%swap3A_1816, %swap3A_1817] {strides = array<i32>} : memref<16x128xf32, #tpu.memory_space<vmem>>, vector<16xf32>,
        tpu.vector_store %arg27[%swap3A_1816, %swap3A_1817], %mul3A_1814 {strides = array<i32>} : memref<16x128xf32, #tpu.memory_space<vmem>>, vector<16xf32>,
        %get3A_1819 = arith.constant 0 : i32
        %get3A_1820 = arith.index_cast %get3A_1819 : i32 to index
        %get3A_1821 = arith.constant 16 : index
        %get3A_1822 = tpu.vector_load %arg26[%get3A_1820, %get3A_1821] {strides = array<i32>} : memref<16x128xf32, #tpu.memory_space<vmem>>, vector<16xf32>,
        %mul3A_1823 = arith.mulf %get3A_1822, %gather3A : vector<16xf32>
        %swap3A_1824 = arith.constant 0 : i32
        %swap3A_1825 = arith.index_cast %swap3A_1824 : i32 to index
        %swap3A_1826 = arith.constant 16 : index
        %swap3A_1827 = tpu.vector_load %arg27[%swap3A_1825, %swap3A_1826] {strides = array<i32>} : memref<16x128xf32, #tpu.memory_space<vmem>>, vector<16xf32>,
        tpu.vector_store %arg27[%swap3A_1825, %swap3A_1826], %mul3A_1823 {strides = array<i32>} : memref<16x128xf32, #tpu.memory_space<vmem>>, vector<16xf32>,
        %get3A_1828 = arith.constant 0 : i32
        %get3A_1829 = arith.index_cast %get3A_1828 : i32 to index
        %get3A_1830 = arith.constant 32 : index
        %get3A_1831 = tpu.vector_load %arg26[%get3A_1829, %get3A_1830] {strides = array<i32>} : memref<16x128xf32, #tpu.memory_space<vmem>>, vector<16xf32>,
        %mul3A_1832 = arith.mulf %get3A_1831, %gather3A : vector<16xf32>
        %swap3A_1833 = arith.constant 0 : i32
        %swap3A_1834 = arith.index_cast %swap3A_1833 : i32 to index
        %swap3A_1835 = arith.constant 32 : index
        %swap3A_1836 = tpu.vector_load %arg27[%swap3A_1834, %swap3A_1835] {strides = array<i32>} : memref<16x128xf32, #tpu.memory_space<vmem>>, vector<16xf32>,
        tpu.vector_store %arg27[%swap3A_1834, %swap3A_1835], %mul3A_1832 {strides = array<i32>} : memref<16x128xf32, #tpu.memory_space<vmem>>, vector<16xf32>,
        %get3A_1837 = arith.constant 0 : i32
        %get3A_1838 = arith.index_cast %get3A_1837 : i32 to index
        %get3A_1839 = arith.constant 48 : index
        %get3A_1840 = tpu.vector_load %arg26[%get3A_1838, %get3A_1839] {strides = array<i32>} : memref<16x128xf32, #tpu.memory_space<vmem>>, vector<16xf32>,
        %mul3A_1841 = arith.mulf %get3A_1840, %gather3A : vector<16xf32>
        %swap3A_1842 = arith.constant 0 : i32
        %swap3A_1843 = arith.index_cast %swap3A_1842 : i32 to index
        %swap3A_1844 = arith.constant 48 : index
        %swap3A_1845 = tpu.vector_load %arg27[%swap3A_1843, %swap3A_1844] {strides = array<i32>} : memref<16x128xf32, #tpu.memory_space<vmem>>, vector<16xf32>,
        tpu.vector_store %arg27[%swap3A_1843, %swap3A_1844], %mul3A_1841 {strides = array<i32>} : memref<16x128xf32, #tpu.memory_space<vmem>>, vector<16xf32>,
        %get3A_1846 = arith.constant 0 : i32
        %get3A_1847 = arith.index_cast %get3A_1846 : i32 to index
        %get3A_1848 = arith.constant 64 : index
        %get3A_1849 = tpu.vector_load %arg26[%get3A_1847, %get3A_1848] {strides = array<i32>} : memref<16x128xf32, #tpu.memory_space<vmem>>, vector<16xf32>,
        %mul3A_1850 = arith.mulf %get3A_1849, %gather3A : vector<16xf32>
        %swap3A_1851 = arith.constant 0 : i32
        %swap3A_1852 = arith.index_cast %swap3A_1851 : i32 to index
        %swap3A_1853 = arith.constant 64 : index
        %swap3A_1854 = tpu.vector_load %arg27[%swap3A_1852, %swap3A_1853] {strides = array<i32>} : memref<16x128xf32, #tpu.memory_space<vmem>>, vector<16xf32>,
        tpu.vector_store %arg27[%swap3A_1852, %swap3A_1853], %mul3A_1850 {strides = array<i32>} : memref<16x128xf32, #tpu.memory_space<vmem>>, vector<16xf32>,
        %get3A_1855 = arith.constant 0 : i32
        %get3A_1856 = arith.index_cast %get3A_1855 : i32 to index
        %get3A_1857 = arith.constant 80 : index
        %get3A_1858 = tpu.vector_load %arg26[%get3A_1856, %get3A_1857] {strides = array<i32>} : memref<16x128xf32, #tpu.memory_space<vmem>>, vector<16xf32>,
        %mul3A_1859 = arith.mulf %get3A_1858, %gather3A : vector<16xf32>
        %swap3A_1860 = arith.constant 0 : i32
        %swap3A_1861 = arith.index_cast %swap3A_1860 : i32 to index
        %swap3A_1862 = arith.constant 80 : index
        %swap3A_1863 = tpu.vector_load %arg27[%swap3A_1861, %swap3A_1862] {strides = array<i32>} : memref<16x128xf32, #tpu.memory_space<vmem>>, vector<16xf32>,
        tpu.vector_store %arg27[%swap3A_1861, %swap3A_1862], %mul3A_1859 {strides = array<i32>} : memref<16x128xf32, #tpu.memory_space<vmem>>, vector<16xf32>,
        %get3A_1864 = arith.constant 0 : i32
        %get3A_1865 = arith.index_cast %get3A_1864 : i32 to index
        %get3A_1866 = arith.constant 96 : index
        %get3A_1867 = tpu.vector_load %arg26[%get3A_1865, %get3A_1866] {strides = array<i32>} : memref<16x128xf32, #tpu.memory_space<vmem>>, vector<16xf32>,
        %mul3A_1868 = arith.mulf %get3A_1867, %gather3A : vector<16xf32>
        %swap3A_1869 = arith.constant 0 : i32
        %swap3A_1870 = arith.index_cast %swap3A_1869 : i32 to index
        %swap3A_1871 = arith.constant 96 : index
        %swap3A_1872 = tpu.vector_load %arg27[%swap3A_1870, %swap3A_1871] {strides = array<i32>} : memref<16x128xf32, #tpu.memory_space<vmem>>, vector<16xf32>,
        tpu.vector_store %arg27[%swap3A_1870, %swap3A_1871], %mul3A_1868 {strides = array<i32>} : memref<16x128xf32, #tpu.memory_space<vmem>>, vector<16xf32>,
        %get3A_1873 = arith.constant 0 : i32
        %get3A_1874 = arith.index_cast %get3A_1873 : i32 to index
        %get3A_1875 = arith.constant 112 : index
        %get3A_1876 = tpu.vector_load %arg26[%get3A_1874, %get3A_1875] {strides = array<i32>} : memref<16x128xf32, #tpu.memory_space<vmem>>, vector<16xf32>,
        %mul3A_1877 = arith.mulf %get3A_1876, %gather3A : vector<16xf32>
        %swap3A_1878 = arith.constant 0 : i32
        %swap3A_1879 = arith.index_cast %swap3A_1878 : i32 to index
        %swap3A_1880 = arith.constant 112 : index
        %swap3A_1881 = tpu.vector_load %arg27[%swap3A_1879, %swap3A_1880] {strides = array<i32>} : memref<16x128xf32, #tpu.memory_space<vmem>>, vector<16xf32>,
        tpu.vector_store %arg27[%swap3A_1879, %swap3A_1880], %mul3A_1877 {strides = array<i32>} : memref<16x128xf32, #tpu.memory_space<vmem>>, vector<16xf32>,
        %broadcast_in_dim3A_1882 = arith.constant 1 : i32
        %broadcast_in_dim3A_1883 = vector.broadcast %broadcast_in_dim3A_1882 : i32 to vector<16xi32>
        %gather3A_1884 = tpu.vector_load_idx %arg30[%broadcast_in_dim3A_1883] : memref<16xf32, #tpu.memory_space<vmem>>[vector<16xi32>], vector<16xf32>,
        %get3A_1885 = arith.constant 1 : i32
        %get3A_1886 = arith.index_cast %get3A_1885 : i32 to index
        %get3A_1887 = arith.constant 0 : index
        %get3A_1888 = tpu.vector_load %arg26[%get3A_1886, %get3A_1887] {strides = array<i32>} : memref<16x128xf32, #tpu.memory_space<vmem>>, vector<16xf32>,
        %mul3A_1889 = arith.mulf %get3A_1888, %gather3A_1884 : vector<16xf32>
        %swap3A_1890 = arith.constant 1 : i32
        %swap3A_1891 = arith.index_cast %swap3A_1890 : i32 to index
        %swap3A_1892 = arith.constant 0 : index
        %swap3A_1893 = tpu.vector_load %arg27[%swap3A_1891, %swap3A_1892] {strides = array<i32>} : memref<16x128xf32, #tpu.memory_space<vmem>>, vector<16xf32>,
        tpu.vector_store %arg27[%swap3A_1891, %swap3A_1892], %mul3A_1889 {strides = array<i32>} : memref<16x128xf32, #tpu.memory_space<vmem>>, vector<16xf32>,
        %get3A_1894 = arith.constant 1 : i32
        %get3A_1895 = arith.index_cast %get3A_1894 : i32 to index
        %get3A_1896 = arith.constant 16 : index
        %get3A_1897 = tpu.vector_load %arg26[%get3A_1895, %get3A_1896] {strides = array<i32>} : memref<16x128xf32, #tpu.memory_space<vmem>>, vector<16xf32>,
        %mul3A_1898 = arith.mulf %get3A_1897, %gather3A_1884 : vector<16xf32>
        %swap3A_1899 = arith.constant 1 : i32
        %swap3A_1900 = arith.index_cast %swap3A_1899 : i32 to index
        %swap3A_1901 = arith.constant 16 : index
        %swap3A_1902 = tpu.vector_load %arg27[%swap3A_1900, %swap3A_1901] {strides = array<i32>} : memref<16x128xf32, #tpu.memory_space<vmem>>, vector<16xf32>,
        tpu.vector_store %arg27[%swap3A_1900, %swap3A_1901], %mul3A_1898 {strides = array<i32>} : memref<16x128xf32, #tpu.memory_space<vmem>>, vector<16xf32>,
        %get3A_1903 = arith.constant 1 : i32
        %get3A_1904 = arith.index_cast %get3A_1903 : i32 to index
        %get3A_1905 = arith.constant 32 : index
        %get3A_1906 = tpu.vector_load %arg26[%get3A_1904, %get3A_1905] {strides = array<i32>} : memref<16x128xf32, #tpu.memory_space<vmem>>, vector<16xf32>,
        %mul3A_1907 = arith.mulf %get3A_1906, %gather3A_1884 : vector<16xf32>
        %swap3A_1908 = arith.constant 1 : i32
        %swap3A_1909 = arith.index_cast %swap3A_1908 : i32 to index
        %swap3A_1910 = arith.constant 32 : index
        %swap3A_1911 = tpu.vector_load %arg27[%swap3A_1909, %swap3A_1910] {strides = array<i32>} : memref<16x128xf32, #tpu.memory_space<vmem>>, vector<16xf32>,
        tpu.vector_store %arg27[%swap3A_1909, %swap3A_1910], %mul3A_1907 {strides = array<i32>} : memref<16x128xf32, #tpu.memory_space<vmem>>, vector<16xf32>,
        %get3A_1912 = arith.constant 1 : i32
        %get3A_1913 = arith.index_cast %get3A_1912 : i32 to index
        %get3A_1914 = arith.constant 48 : index
        %get3A_1915 = tpu.vector_load %arg26[%get3A_1913, %get3A_1914] {strides = array<i32>} : memref<16x128xf32, #tpu.memory_space<vmem>>, vector<16xf32>,
        %mul3A_1916 = arith.mulf %get3A_1915, %gather3A_1884 : vector<16xf32>
        %swap3A_1917 = arith.constant 1 : i32
        %swap3A_1918 = arith.index_cast %swap3A_1917 : i32 to index
        %swap3A_1919 = arith.constant 48 : index
        %swap3A_1920 = tpu.vector_load %arg27[%swap3A_1918, %swap3A_1919] {strides = array<i32>} : memref<16x128xf32, #tpu.memory_space<vmem>>, vector<16xf32>,
        tpu.vector_store %arg27[%swap3A_1918, %swap3A_1919], %mul3A_1916 {strides = array<i32>} : memref<16x128xf32, #tpu.memory_space<vmem>>, vector<16xf32>,
        %get3A_1921 = arith.constant 1 : i32
        %get3A_1922 = arith.index_cast %get3A_1921 : i32 to index
        %get3A_1923 = arith.constant 64 : index
        %get3A_1924 = tpu.vector_load %arg26[%get3A_1922, %get3A_1923] {strides = array<i32>} : memref<16x128xf32, #tpu.memory_space<vmem>>, vector<16xf32>,
        %mul3A_1925 = arith.mulf %get3A_1924, %gather3A_1884 : vector<16xf32>
        %swap3A_1926 = arith.constant 1 : i32
        %swap3A_1927 = arith.index_cast %swap3A_1926 : i32 to index
        %swap3A_1928 = arith.constant 64 : index
        %swap3A_1929 = tpu.vector_load %arg27[%swap3A_1927, %swap3A_1928] {strides = array<i32>} : memref<16x128xf32, #tpu.memory_space<vmem>>, vector<16xf32>,
        tpu.vector_store %arg27[%swap3A_1927, %swap3A_1928], %mul3A_1925 {strides = array<i32>} : memref<16x128xf32, #tpu.memory_space<vmem>>, vector<16xf32>,
        %get3A_1930 = arith.constant 1 : i32
        %get3A_1931 = arith.index_cast %get3A_1930 : i32 to index
        %get3A_1932 = arith.constant 80 : index
        %get3A_1933 = tpu.vector_load %arg26[%get3A_1931, %get3A_1932] {strides = array<i32>} : memref<16x128xf32, #tpu.memory_space<vmem>>, vector<16xf32>,
        %mul3A_1934 = arith.mulf %get3A_1933, %gather3A_1884 : vector<16xf32>
        %swap3A_1935 = arith.constant 1 : i32
        %swap3A_1936 = arith.index_cast %swap3A_1935 : i32 to index
        %swap3A_1937 = arith.constant 80 : index
        %swap3A_1938 = tpu.vector_load %arg27[%swap3A_1936, %swap3A_1937] {strides = array<i32>} : memref<16x128xf32, #tpu.memory_space<vmem>>, vector<16xf32>,
        tpu.vector_store %arg27[%swap3A_1936, %swap3A_1937], %mul3A_1934 {strides = array<i32>} : memref<16x128xf32, #tpu.memory_space<vmem>>, vector<16xf32>,
        %get3A_1939 = arith.constant 1 : i32
        %get3A_1940 = arith.index_cast %get3A_1939 : i32 to index
        %get3A_1941 = arith.constant 96 : index
        %get3A_1942 = tpu.vector_load %arg26[%get3A_1940, %get3A_1941] {strides = array<i32>} : memref<16x128xf32, #tpu.memory_space<vmem>>, vector<16xf32>,
        %mul3A_1943 = arith.mulf %get3A_1942, %gather3A_1884 : vector<16xf32>
        %swap3A_1944 = arith.constant 1 : i32
        %swap3A_1945 = arith.index_cast %swap3A_1944 : i32 to index
        %swap3A_1946 = arith.constant 96 : index
        %swap3A_1947 = tpu.vector_load %arg27[%swap3A_1945, %swap3A_1946] {strides = array<i32>} : memref<16x128xf32, #tpu.memory_space<vmem>>, vector<16xf32>,
        tpu.vector_store %arg27[%swap3A_1945, %swap3A_1946], %mul3A_1943 {strides = array<i32>} : memref<16x128xf32, #tpu.memory_space<vmem>>, vector<16xf32>,
        %get3A_1948 = arith.constant 1 : i32
        %get3A_1949 = arith.index_cast %get3A_1948 : i32 to index
        %get3A_1950 = arith.constant 112 : index
        %get3A_1951 = tpu.vector_load %arg26[%get3A_1949, %get3A_1950] {strides = array<i32>} : memref<16x128xf32, #tpu.memory_space<vmem>>, vector<16xf32>,
        %mul3A_1952 = arith.mulf %get3A_1951, %gather3A_1884 : vector<16xf32>
        %swap3A_1953 = arith.constant 1 : i32
        %swap3A_1954 = arith.index_cast %swap3A_1953 : i32 to index
        %swap3A_1955 = arith.constant 112 : index
        %swap3A_1956 = tpu.vector_load %arg27[%swap3A_1954, %swap3A_1955] {strides = array<i32>} : memref<16x128xf32, #tpu.memory_space<vmem>>, vector<16xf32>,
        tpu.vector_store %arg27[%swap3A_1954, %swap3A_1955], %mul3A_1952 {strides = array<i32>} : memref<16x128xf32, #tpu.memory_space<vmem>>, vector<16xf32>,
        %broadcast_in_dim3A_1957 = arith.constant 2 : i32
        %broadcast_in_dim3A_1958 = vector.broadcast %broadcast_in_dim3A_1957 : i32 to vector<16xi32>
        %gather3A_1959 = tpu.vector_load_idx %arg30[%broadcast_in_dim3A_1958] : memref<16xf32, #tpu.memory_space<vmem>>[vector<16xi32>], vector<16xf32>,
        %get3A_1960 = arith.constant 2 : i32
        %get3A_1961 = arith.index_cast %get3A_1960 : i32 to index
        %get3A_1962 = arith.constant 0 : index
        %get3A_1963 = tpu.vector_load %arg26[%get3A_1961, %get3A_1962] {strides = array<i32>} : memref<16x128xf32, #tpu.memory_space<vmem>>, vector<16xf32>,
        %mul3A_1964 = arith.mulf %get3A_1963, %gather3A_1959 : vector<16xf32>
        %swap3A_1965 = arith.constant 2 : i32
        %swap3A_1966 = arith.index_cast %swap3A_1965 : i32 to index
        %swap3A_1967 = arith.constant 0 : index
        %swap3A_1968 = tpu.vector_load %arg27[%swap3A_1966, %swap3A_1967] {strides = array<i32>} : memref<16x128xf32, #tpu.memory_space<vmem>>, vector<16xf32>,
        tpu.vector_store %arg27[%swap3A_1966, %swap3A_1967], %mul3A_1964 {strides = array<i32>} : memref<16x128xf32, #tpu.memory_space<vmem>>, vector<16xf32>,
        %get3A_1969 = arith.constant 2 : i32
        %get3A_1970 = arith.index_cast %get3A_1969 : i32 to index
        %get3A_1971 = arith.constant 16 : index
        %get3A_1972 = tpu.vector_load %arg26[%get3A_1970, %get3A_1971] {strides = array<i32>} : memref<16x128xf32, #tpu.memory_space<vmem>>, vector<16xf32>,
        %mul3A_1973 = arith.mulf %get3A_1972, %gather3A_1959 : vector<16xf32>
        %swap3A_1974 = arith.constant 2 : i32
        %swap3A_1975 = arith.index_cast %swap3A_1974 : i32 to index
        %swap3A_1976 = arith.constant 16 : index
        %swap3A_1977 = tpu.vector_load %arg27[%swap3A_1975, %swap3A_1976] {strides = array<i32>} : memref<16x128xf32, #tpu.memory_space<vmem>>, vector<16xf32>,
        tpu.vector_store %arg27[%swap3A_1975, %swap3A_1976], %mul3A_1973 {strides = array<i32>} : memref<16x128xf32, #tpu.memory_space<vmem>>, vector<16xf32>,
        %get3A_1978 = arith.constant 2 : i32
        %get3A_1979 = arith.index_cast %get3A_1978 : i32 to index
        %get3A_1980 = arith.constant 32 : index
        %get3A_1981 = tpu.vector_load %arg26[%get3A_1979, %get3A_1980] {strides = array<i32>} : memref<16x128xf32, #tpu.memory_space<vmem>>, vector<16xf32>,
        %mul3A_1982 = arith.mulf %get3A_1981, %gather3A_1959 : vector<16xf32>
        %swap3A_1983 = arith.constant 2 : i32
        %swap3A_1984 = arith.index_cast %swap3A_1983 : i32 to index
        %swap3A_1985 = arith.constant 32 : index
        %swap3A_1986 = tpu.vector_load %arg27[%swap3A_1984, %swap3A_1985] {strides = array<i32>} : memref<16x128xf32, #tpu.memory_space<vmem>>, vector<16xf32>,
        tpu.vector_store %arg27[%swap3A_1984, %swap3A_1985], %mul3A_1982 {strides = array<i32>} : memref<16x128xf32, #tpu.memory_space<vmem>>, vector<16xf32>,
        %get3A_1987 = arith.constant 2 : i32
        %get3A_1988 = arith.index_cast %get3A_1987 : i32 to index
        %get3A_1989 = arith.constant 48 : index
        %get3A_1990 = tpu.vector_load %arg26[%get3A_1988, %get3A_1989] {strides = array<i32>} : memref<16x128xf32, #tpu.memory_space<vmem>>, vector<16xf32>,
        %mul3A_1991 = arith.mulf %get3A_1990, %gather3A_1959 : vector<16xf32>
        %swap3A_1992 = arith.constant 2 : i32
        %swap3A_1993 = arith.index_cast %swap3A_1992 : i32 to index
        %swap3A_1994 = arith.constant 48 : index
        %swap3A_1995 = tpu.vector_load %arg27[%swap3A_1993, %swap3A_1994] {strides = array<i32>} : memref<16x128xf32, #tpu.memory_space<vmem>>, vector<16xf32>,
        tpu.vector_store %arg27[%swap3A_1993, %swap3A_1994], %mul3A_1991 {strides = array<i32>} : memref<16x128xf32, #tpu.memory_space<vmem>>, vector<16xf32>,
        %get3A_1996 = arith.constant 2 : i32
        %get3A_1997 = arith.index_cast %get3A_1996 : i32 to index
        %get3A_1998 = arith.constant 64 : index
        %get3A_1999 = tpu.vector_load %arg26[%get3A_1997, %get3A_1998] {strides = array<i32>} : memref<16x128xf32, #tpu.memory_space<vmem>>, vector<16xf32>,
        %mul3A_2000 = arith.mulf %get3A_1999, %gather3A_1959 : vector<16xf32>
        %swap3A_2001 = arith.constant 2 : i32
        %swap3A_2002 = arith.index_cast %swap3A_2001 : i32 to index
        %swap3A_2003 = arith.constant 64 : index
        %swap3A_2004 = tpu.vector_load %arg27[%swap3A_2002, %swap3A_2003] {strides = array<i32>} : memref<16x128xf32, #tpu.memory_space<vmem>>, vector<16xf32>,
        tpu.vector_store %arg27[%swap3A_2002, %swap3A_2003], %mul3A_2000 {strides = array<i32>} : memref<16x128xf32, #tpu.memory_space<vmem>>, vector<16xf32>,
        %get3A_2005 = arith.constant 2 : i32
        %get3A_2006 = arith.index_cast %get3A_2005 : i32 to index
        %get3A_2007 = arith.constant 80 : index
        %get3A_2008 = tpu.vector_load %arg26[%get3A_2006, %get3A_2007] {strides = array<i32>} : memref<16x128xf32, #tpu.memory_space<vmem>>, vector<16xf32>,
        %mul3A_2009 = arith.mulf %get3A_2008, %gather3A_1959 : vector<16xf32>
        %swap3A_2010 = arith.constant 2 : i32
        %swap3A_2011 = arith.index_cast %swap3A_2010 : i32 to index
        %swap3A_2012 = arith.constant 80 : index
        %swap3A_2013 = tpu.vector_load %arg27[%swap3A_2011, %swap3A_2012] {strides = array<i32>} : memref<16x128xf32, #tpu.memory_space<vmem>>, vector<16xf32>,
        tpu.vector_store %arg27[%swap3A_2011, %swap3A_2012], %mul3A_2009 {strides = array<i32>} : memref<16x128xf32, #tpu.memory_space<vmem>>, vector<16xf32>,
        %get3A_2014 = arith.constant 2 : i32
        %get3A_2015 = arith.index_cast %get3A_2014 : i32 to index
        %get3A_2016 = arith.constant 96 : index
        %get3A_2017 = tpu.vector_load %arg26[%get3A_2015, %get3A_2016] {strides = array<i32>} : memref<16x128xf32, #tpu.memory_space<vmem>>, vector<16xf32>,
        %mul3A_2018 = arith.mulf %get3A_2017, %gather3A_1959 : vector<16xf32>
        %swap3A_2019 = arith.constant 2 : i32
        %swap3A_2020 = arith.index_cast %swap3A_2019 : i32 to index
        %swap3A_2021 = arith.constant 96 : index
        %swap3A_2022 = tpu.vector_load %arg27[%swap3A_2020, %swap3A_2021] {strides = array<i32>} : memref<16x128xf32, #tpu.memory_space<vmem>>, vector<16xf32>,
        tpu.vector_store %arg27[%swap3A_2020, %swap3A_2021], %mul3A_2018 {strides = array<i32>} : memref<16x128xf32, #tpu.memory_space<vmem>>, vector<16xf32>,
        %get3A_2023 = arith.constant 2 : i32
        %get3A_2024 = arith.index_cast %get3A_2023 : i32 to index
        %get3A_2025 = arith.constant 112 : index
        %get3A_2026 = tpu.vector_load %arg26[%get3A_2024, %get3A_2025] {strides = array<i32>} : memref<16x128xf32, #tpu.memory_space<vmem>>, vector<16xf32>,
        %mul3A_2027 = arith.mulf %get3A_2026, %gather3A_1959 : vector<16xf32>
        %swap3A_2028 = arith.constant 2 : i32
        %swap3A_2029 = arith.index_cast %swap3A_2028 : i32 to index
        %swap3A_2030 = arith.constant 112 : index
        %swap3A_2031 = tpu.vector_load %arg27[%swap3A_2029, %swap3A_2030] {strides = array<i32>} : memref<16x128xf32, #tpu.memory_space<vmem>>, vector<16xf32>,
        tpu.vector_store %arg27[%swap3A_2029, %swap3A_2030], %mul3A_2027 {strides = array<i32>} : memref<16x128xf32, #tpu.memory_space<vmem>>, vector<16xf32>,
        %broadcast_in_dim3A_2032 = arith.constant 3 : i32
        %broadcast_in_dim3A_2033 = vector.broadcast %broadcast_in_dim3A_2032 : i32 to vector<16xi32>
        %gather3A_2034 = tpu.vector_load_idx %arg30[%broadcast_in_dim3A_2033] : memref<16xf32, #tpu.memory_space<vmem>>[vector<16xi32>], vector<16xf32>,
        %get3A_2035 = arith.constant 3 : i32
        %get3A_2036 = arith.index_cast %get3A_2035 : i32 to index
        %get3A_2037 = arith.constant 0 : index
        %get3A_2038 = tpu.vector_load %arg26[%get3A_2036, %get3A_2037] {strides = array<i32>} : memref<16x128xf32, #tpu.memory_space<vmem>>, vector<16xf32>,
        %mul3A_2039 = arith.mulf %get3A_2038, %gather3A_2034 : vector<16xf32>
        %swap3A_2040 = arith.constant 3 : i32
        %swap3A_2041 = arith.index_cast %swap3A_2040 : i32 to index
        %swap3A_2042 = arith.constant 0 : index
        %swap3A_2043 = tpu.vector_load %arg27[%swap3A_2041, %swap3A_2042] {strides = array<i32>} : memref<16x128xf32, #tpu.memory_space<vmem>>, vector<16xf32>,
        tpu.vector_store %arg27[%swap3A_2041, %swap3A_2042], %mul3A_2039 {strides = array<i32>} : memref<16x128xf32, #tpu.memory_space<vmem>>, vector<16xf32>,
        %get3A_2044 = arith.constant 3 : i32
        %get3A_2045 = arith.index_cast %get3A_2044 : i32 to index
        %get3A_2046 = arith.constant 16 : index
        %get3A_2047 = tpu.vector_load %arg26[%get3A_2045, %get3A_2046] {strides = array<i32>} : memref<16x128xf32, #tpu.memory_space<vmem>>, vector<16xf32>,
        %mul3A_2048 = arith.mulf %get3A_2047, %gather3A_2034 : vector<16xf32>
        %swap3A_2049 = arith.constant 3 : i32
        %swap3A_2050 = arith.index_cast %swap3A_2049 : i32 to index
        %swap3A_2051 = arith.constant 16 : index
        %swap3A_2052 = tpu.vector_load %arg27[%swap3A_2050, %swap3A_2051] {strides = array<i32>} : memref<16x128xf32, #tpu.memory_space<vmem>>, vector<16xf32>,
        tpu.vector_store %arg27[%swap3A_2050, %swap3A_2051], %mul3A_2048 {strides = array<i32>} : memref<16x128xf32, #tpu.memory_space<vmem>>, vector<16xf32>,
        %get3A_2053 = arith.constant 3 : i32
        %get3A_2054 = arith.index_cast %get3A_2053 : i32 to index
        %get3A_2055 = arith.constant 32 : index
        %get3A_2056 = tpu.vector_load %arg26[%get3A_2054, %get3A_2055] {strides = array<i32>} : memref<16x128xf32, #tpu.memory_space<vmem>>, vector<16xf32>,
        %mul3A_2057 = arith.mulf %get3A_2056, %gather3A_2034 : vector<16xf32>
        %swap3A_2058 = arith.constant 3 : i32
        %swap3A_2059 = arith.index_cast %swap3A_2058 : i32 to index
        %swap3A_2060 = arith.constant 32 : index
        %swap3A_2061 = tpu.vector_load %arg27[%swap3A_2059, %swap3A_2060] {strides = array<i32>} : memref<16x128xf32, #tpu.memory_space<vmem>>, vector<16xf32>,
        tpu.vector_store %arg27[%swap3A_2059, %swap3A_2060], %mul3A_2057 {strides = array<i32>} : memref<16x128xf32, #tpu.memory_space<vmem>>, vector<16xf32>,
        %get3A_2062 = arith.constant 3 : i32
        %get3A_2063 = arith.index_cast %get3A_2062 : i32 to index
        %get3A_2064 = arith.constant 48 : index
        %get3A_2065 = tpu.vector_load %arg26[%get3A_2063, %get3A_2064] {strides = array<i32>} : memref<16x128xf32, #tpu.memory_space<vmem>>, vector<16xf32>,
        %mul3A_2066 = arith.mulf %get3A_2065, %gather3A_2034 : vector<16xf32>
        %swap3A_2067 = arith.constant 3 : i32
        %swap3A_2068 = arith.index_cast %swap3A_2067 : i32 to index
        %swap3A_2069 = arith.constant 48 : index
        %swap3A_2070 = tpu.vector_load %arg27[%swap3A_2068, %swap3A_2069] {strides = array<i32>} : memref<16x128xf32, #tpu.memory_space<vmem>>, vector<16xf32>,
        tpu.vector_store %arg27[%swap3A_2068, %swap3A_2069], %mul3A_2066 {strides = array<i32>} : memref<16x128xf32, #tpu.memory_space<vmem>>, vector<16xf32>,
        %get3A_2071 = arith.constant 3 : i32
        %get3A_2072 = arith.index_cast %get3A_2071 : i32 to index
        %get3A_2073 = arith.constant 64 : index
        %get3A_2074 = tpu.vector_load %arg26[%get3A_2072, %get3A_2073] {strides = array<i32>} : memref<16x128xf32, #tpu.memory_space<vmem>>, vector<16xf32>,
        %mul3A_2075 = arith.mulf %get3A_2074, %gather3A_2034 : vector<16xf32>
        %swap3A_2076 = arith.constant 3 : i32
        %swap3A_2077 = arith.index_cast %swap3A_2076 : i32 to index
        %swap3A_2078 = arith.constant 64 : index
        %swap3A_2079 = tpu.vector_load %arg27[%swap3A_2077, %swap3A_2078] {strides = array<i32>} : memref<16x128xf32, #tpu.memory_space<vmem>>, vector<16xf32>,
        tpu.vector_store %arg27[%swap3A_2077, %swap3A_2078], %mul3A_2075 {strides = array<i32>} : memref<16x128xf32, #tpu.memory_space<vmem>>, vector<16xf32>,
        %get3A_2080 = arith.constant 3 : i32
        %get3A_2081 = arith.index_cast %get3A_2080 : i32 to index
        %get3A_2082 = arith.constant 80 : index
        %get3A_2083 = tpu.vector_load %arg26[%get3A_2081, %get3A_2082] {strides = array<i32>} : memref<16x128xf32, #tpu.memory_space<vmem>>, vector<16xf32>,
        %mul3A_2084 = arith.mulf %get3A_2083, %gather3A_2034 : vector<16xf32>
        %swap3A_2085 = arith.constant 3 : i32
        %swap3A_2086 = arith.index_cast %swap3A_2085 : i32 to index
        %swap3A_2087 = arith.constant 80 : index
        %swap3A_2088 = tpu.vector_load %arg27[%swap3A_2086, %swap3A_2087] {strides = array<i32>} : memref<16x128xf32, #tpu.memory_space<vmem>>, vector<16xf32>,
        tpu.vector_store %arg27[%swap3A_2086, %swap3A_2087], %mul3A_2084 {strides = array<i32>} : memref<16x128xf32, #tpu.memory_space<vmem>>, vector<16xf32>,
        %get3A_2089 = arith.constant 3 : i32
        %get3A_2090 = arith.index_cast %get3A_2089 : i32 to index
        %get3A_2091 = arith.constant 96 : index
        %get3A_2092 = tpu.vector_load %arg26[%get3A_2090, %get3A_2091] {strides = array<i32>} : memref<16x128xf32, #tpu.memory_space<vmem>>, vector<16xf32>,
        %mul3A_2093 = arith.mulf %get3A_2092, %gather3A_2034 : vector<16xf32>
        %swap3A_2094 = arith.constant 3 : i32
        %swap3A_2095 = arith.index_cast %swap3A_2094 : i32 to index
        %swap3A_2096 = arith.constant 96 : index
        %swap3A_2097 = tpu.vector_load %arg27[%swap3A_2095, %swap3A_2096] {strides = array<i32>} : memref<16x128xf32, #tpu.memory_space<vmem>>, vector<16xf32>,
        tpu.vector_store %arg27[%swap3A_2095, %swap3A_2096], %mul3A_2093 {strides = array<i32>} : memref<16x128xf32, #tpu.memory_space<vmem>>, vector<16xf32>,
        %get3A_2098 = arith.constant 3 : i32
        %get3A_2099 = arith.index_cast %get3A_2098 : i32 to index
        %get3A_2100 = arith.constant 112 : index
        %get3A_2101 = tpu.vector_load %arg26[%get3A_2099, %get3A_2100] {strides = array<i32>} : memref<16x128xf32, #tpu.memory_space<vmem>>, vector<16xf32>,
        %mul3A_2102 = arith.mulf %get3A_2101, %gather3A_2034 : vector<16xf32>
        %swap3A_2103 = arith.constant 3 : i32
        %swap3A_2104 = arith.index_cast %swap3A_2103 : i32 to index
        %swap3A_2105 = arith.constant 112 : index
        %swap3A_2106 = tpu.vector_load %arg27[%swap3A_2104, %swap3A_2105] {strides = array<i32>} : memref<16x128xf32, #tpu.memory_space<vmem>>, vector<16xf32>,
        tpu.vector_store %arg27[%swap3A_2104, %swap3A_2105], %mul3A_2102 {strides = array<i32>} : memref<16x128xf32, #tpu.memory_space<vmem>>, vector<16xf32>,
        %broadcast_in_dim3A_2107 = arith.constant 4 : i32
        %broadcast_in_dim3A_2108 = vector.broadcast %broadcast_in_dim3A_2107 : i32 to vector<16xi32>
        %gather3A_2109 = tpu.vector_load_idx %arg30[%broadcast_in_dim3A_2108] : memref<16xf32, #tpu.memory_space<vmem>>[vector<16xi32>], vector<16xf32>,
        %get3A_2110 = arith.constant 4 : i32
        %get3A_2111 = arith.index_cast %get3A_2110 : i32 to index
        %get3A_2112 = arith.constant 0 : index
        %get3A_2113 = tpu.vector_load %arg26[%get3A_2111, %get3A_2112] {strides = array<i32>} : memref<16x128xf32, #tpu.memory_space<vmem>>, vector<16xf32>,
        %mul3A_2114 = arith.mulf %get3A_2113, %gather3A_2109 : vector<16xf32>
        %swap3A_2115 = arith.constant 4 : i32
        %swap3A_2116 = arith.index_cast %swap3A_2115 : i32 to index
        %swap3A_2117 = arith.constant 0 : index
        %swap3A_2118 = tpu.vector_load %arg27[%swap3A_2116, %swap3A_2117] {strides = array<i32>} : memref<16x128xf32, #tpu.memory_space<vmem>>, vector<16xf32>,
        tpu.vector_store %arg27[%swap3A_2116, %swap3A_2117], %mul3A_2114 {strides = array<i32>} : memref<16x128xf32, #tpu.memory_space<vmem>>, vector<16xf32>,
        %get3A_2119 = arith.constant 4 : i32
        %get3A_2120 = arith.index_cast %get3A_2119 : i32 to index
        %get3A_2121 = arith.constant 16 : index
        %get3A_2122 = tpu.vector_load %arg26[%get3A_2120, %get3A_2121] {strides = array<i32>} : memref<16x128xf32, #tpu.memory_space<vmem>>, vector<16xf32>,
        %mul3A_2123 = arith.mulf %get3A_2122, %gather3A_2109 : vector<16xf32>
        %swap3A_2124 = arith.constant 4 : i32
        %swap3A_2125 = arith.index_cast %swap3A_2124 : i32 to index
        %swap3A_2126 = arith.constant 16 : index
        %swap3A_2127 = tpu.vector_load %arg27[%swap3A_2125, %swap3A_2126] {strides = array<i32>} : memref<16x128xf32, #tpu.memory_space<vmem>>, vector<16xf32>,
        tpu.vector_store %arg27[%swap3A_2125, %swap3A_2126], %mul3A_2123 {strides = array<i32>} : memref<16x128xf32, #tpu.memory_space<vmem>>, vector<16xf32>,
        %get3A_2128 = arith.constant 4 : i32
        %get3A_2129 = arith.index_cast %get3A_2128 : i32 to index
        %get3A_2130 = arith.constant 32 : index
        %get3A_2131 = tpu.vector_load %arg26[%get3A_2129, %get3A_2130] {strides = array<i32>} : memref<16x128xf32, #tpu.memory_space<vmem>>, vector<16xf32>,
        %mul3A_2132 = arith.mulf %get3A_2131, %gather3A_2109 : vector<16xf32>
        %swap3A_2133 = arith.constant 4 : i32
        %swap3A_2134 = arith.index_cast %swap3A_2133 : i32 to index
        %swap3A_2135 = arith.constant 32 : index
        %swap3A_2136 = tpu.vector_load %arg27[%swap3A_2134, %swap3A_2135] {strides = array<i32>} : memref<16x128xf32, #tpu.memory_space<vmem>>, vector<16xf32>,
        tpu.vector_store %arg27[%swap3A_2134, %swap3A_2135], %mul3A_2132 {strides = array<i32>} : memref<16x128xf32, #tpu.memory_space<vmem>>, vector<16xf32>,
        %get3A_2137 = arith.constant 4 : i32
        %get3A_2138 = arith.index_cast %get3A_2137 : i32 to index
        %get3A_2139 = arith.constant 48 : index
        %get3A_2140 = tpu.vector_load %arg26[%get3A_2138, %get3A_2139] {strides = array<i32>} : memref<16x128xf32, #tpu.memory_space<vmem>>, vector<16xf32>,
        %mul3A_2141 = arith.mulf %get3A_2140, %gather3A_2109 : vector<16xf32>
        %swap3A_2142 = arith.constant 4 : i32
        %swap3A_2143 = arith.index_cast %swap3A_2142 : i32 to index
        %swap3A_2144 = arith.constant 48 : index
        %swap3A_2145 = tpu.vector_load %arg27[%swap3A_2143, %swap3A_2144] {strides = array<i32>} : memref<16x128xf32, #tpu.memory_space<vmem>>, vector<16xf32>,
        tpu.vector_store %arg27[%swap3A_2143, %swap3A_2144], %mul3A_2141 {strides = array<i32>} : memref<16x128xf32, #tpu.memory_space<vmem>>, vector<16xf32>,
        %get3A_2146 = arith.constant 4 : i32
        %get3A_2147 = arith.index_cast %get3A_2146 : i32 to index
        %get3A_2148 = arith.constant 64 : index
        %get3A_2149 = tpu.vector_load %arg26[%get3A_2147, %get3A_2148] {strides = array<i32>} : memref<16x128xf32, #tpu.memory_space<vmem>>, vector<16xf32>,
        %mul3A_2150 = arith.mulf %get3A_2149, %gather3A_2109 : vector<16xf32>
        %swap3A_2151 = arith.constant 4 : i32
        %swap3A_2152 = arith.index_cast %swap3A_2151 : i32 to index
        %swap3A_2153 = arith.constant 64 : index
        %swap3A_2154 = tpu.vector_load %arg27[%swap3A_2152, %swap3A_2153] {strides = array<i32>} : memref<16x128xf32, #tpu.memory_space<vmem>>, vector<16xf32>,
        tpu.vector_store %arg27[%swap3A_2152, %swap3A_2153], %mul3A_2150 {strides = array<i32>} : memref<16x128xf32, #tpu.memory_space<vmem>>, vector<16xf32>,
        %get3A_2155 = arith.constant 4 : i32
        %get3A_2156 = arith.index_cast %get3A_2155 : i32 to index
        %get3A_2157 = arith.constant 80 : index
        %get3A_2158 = tpu.vector_load %arg26[%get3A_2156, %get3A_2157] {strides = array<i32>} : memref<16x128xf32, #tpu.memory_space<vmem>>, vector<16xf32>,
        %mul3A_2159 = arith.mulf %get3A_2158, %gather3A_2109 : vector<16xf32>
        %swap3A_2160 = arith.constant 4 : i32
        %swap3A_2161 = arith.index_cast %swap3A_2160 : i32 to index
        %swap3A_2162 = arith.constant 80 : index
        %swap3A_2163 = tpu.vector_load %arg27[%swap3A_2161, %swap3A_2162] {strides = array<i32>} : memref<16x128xf32, #tpu.memory_space<vmem>>, vector<16xf32>,
        tpu.vector_store %arg27[%swap3A_2161, %swap3A_2162], %mul3A_2159 {strides = array<i32>} : memref<16x128xf32, #tpu.memory_space<vmem>>, vector<16xf32>,
        %get3A_2164 = arith.constant 4 : i32
        %get3A_2165 = arith.index_cast %get3A_2164 : i32 to index
        %get3A_2166 = arith.constant 96 : index
        %get3A_2167 = tpu.vector_load %arg26[%get3A_2165, %get3A_2166] {strides = array<i32>} : memref<16x128xf32, #tpu.memory_space<vmem>>, vector<16xf32>,
        %mul3A_2168 = arith.mulf %get3A_2167, %gather3A_2109 : vector<16xf32>
        %swap3A_2169 = arith.constant 4 : i32
        %swap3A_2170 = arith.index_cast %swap3A_2169 : i32 to index
        %swap3A_2171 = arith.constant 96 : index
        %swap3A_2172 = tpu.vector_load %arg27[%swap3A_2170, %swap3A_2171] {strides = array<i32>} : memref<16x128xf32, #tpu.memory_space<vmem>>, vector<16xf32>,
        tpu.vector_store %arg27[%swap3A_2170, %swap3A_2171], %mul3A_2168 {strides = array<i32>} : memref<16x128xf32, #tpu.memory_space<vmem>>, vector<16xf32>,
        %get3A_2173 = arith.constant 4 : i32
        %get3A_2174 = arith.index_cast %get3A_2173 : i32 to index
        %get3A_2175 = arith.constant 112 : index
        %get3A_2176 = tpu.vector_load %arg26[%get3A_2174, %get3A_2175] {strides = array<i32>} : memref<16x128xf32, #tpu.memory_space<vmem>>, vector<16xf32>,
        %mul3A_2177 = arith.mulf %get3A_2176, %gather3A_2109 : vector<16xf32>
        %swap3A_2178 = arith.constant 4 : i32
        %swap3A_2179 = arith.index_cast %swap3A_2178 : i32 to index
        %swap3A_2180 = arith.constant 112 : index
        %swap3A_2181 = tpu.vector_load %arg27[%swap3A_2179, %swap3A_2180] {strides = array<i32>} : memref<16x128xf32, #tpu.memory_space<vmem>>, vector<16xf32>,
        tpu.vector_store %arg27[%swap3A_2179, %swap3A_2180], %mul3A_2177 {strides = array<i32>} : memref<16x128xf32, #tpu.memory_space<vmem>>, vector<16xf32>,
        %broadcast_in_dim3A_2182 = arith.constant 5 : i32
        %broadcast_in_dim3A_2183 = vector.broadcast %broadcast_in_dim3A_2182 : i32 to vector<16xi32>
        %gather3A_2184 = tpu.vector_load_idx %arg30[%broadcast_in_dim3A_2183] : memref<16xf32, #tpu.memory_space<vmem>>[vector<16xi32>], vector<16xf32>,
        %get3A_2185 = arith.constant 5 : i32
        %get3A_2186 = arith.index_cast %get3A_2185 : i32 to index
        %get3A_2187 = arith.constant 0 : index
        %get3A_2188 = tpu.vector_load %arg26[%get3A_2186, %get3A_2187] {strides = array<i32>} : memref<16x128xf32, #tpu.memory_space<vmem>>, vector<16xf32>,
        %mul3A_2189 = arith.mulf %get3A_2188, %gather3A_2184 : vector<16xf32>
        %swap3A_2190 = arith.constant 5 : i32
        %swap3A_2191 = arith.index_cast %swap3A_2190 : i32 to index
        %swap3A_2192 = arith.constant 0 : index
        %swap3A_2193 = tpu.vector_load %arg27[%swap3A_2191, %swap3A_2192] {strides = array<i32>} : memref<16x128xf32, #tpu.memory_space<vmem>>, vector<16xf32>,
        tpu.vector_store %arg27[%swap3A_2191, %swap3A_2192], %mul3A_2189 {strides = array<i32>} : memref<16x128xf32, #tpu.memory_space<vmem>>, vector<16xf32>,
        %get3A_2194 = arith.constant 5 : i32
        %get3A_2195 = arith.index_cast %get3A_2194 : i32 to index
        %get3A_2196 = arith.constant 16 : index
        %get3A_2197 = tpu.vector_load %arg26[%get3A_2195, %get3A_2196] {strides = array<i32>} : memref<16x128xf32, #tpu.memory_space<vmem>>, vector<16xf32>,
        %mul3A_2198 = arith.mulf %get3A_2197, %gather3A_2184 : vector<16xf32>
        %swap3A_2199 = arith.constant 5 : i32
        %swap3A_2200 = arith.index_cast %swap3A_2199 : i32 to index
        %swap3A_2201 = arith.constant 16 : index
        %swap3A_2202 = tpu.vector_load %arg27[%swap3A_2200, %swap3A_2201] {strides = array<i32>} : memref<16x128xf32, #tpu.memory_space<vmem>>, vector<16xf32>,
        tpu.vector_store %arg27[%swap3A_2200, %swap3A_2201], %mul3A_2198 {strides = array<i32>} : memref<16x128xf32, #tpu.memory_space<vmem>>, vector<16xf32>,
        %get3A_2203 = arith.constant 5 : i32
        %get3A_2204 = arith.index_cast %get3A_2203 : i32 to index
        %get3A_2205 = arith.constant 32 : index
        %get3A_2206 = tpu.vector_load %arg26[%get3A_2204, %get3A_2205] {strides = array<i32>} : memref<16x128xf32, #tpu.memory_space<vmem>>, vector<16xf32>,
        %mul3A_2207 = arith.mulf %get3A_2206, %gather3A_2184 : vector<16xf32>
        %swap3A_2208 = arith.constant 5 : i32
        %swap3A_2209 = arith.index_cast %swap3A_2208 : i32 to index
        %swap3A_2210 = arith.constant 32 : index
        %swap3A_2211 = tpu.vector_load %arg27[%swap3A_2209, %swap3A_2210] {strides = array<i32>} : memref<16x128xf32, #tpu.memory_space<vmem>>, vector<16xf32>,
        tpu.vector_store %arg27[%swap3A_2209, %swap3A_2210], %mul3A_2207 {strides = array<i32>} : memref<16x128xf32, #tpu.memory_space<vmem>>, vector<16xf32>,
        %get3A_2212 = arith.constant 5 : i32
        %get3A_2213 = arith.index_cast %get3A_2212 : i32 to index
        %get3A_2214 = arith.constant 48 : index
        %get3A_2215 = tpu.vector_load %arg26[%get3A_2213, %get3A_2214] {strides = array<i32>} : memref<16x128xf32, #tpu.memory_space<vmem>>, vector<16xf32>,
        %mul3A_2216 = arith.mulf %get3A_2215, %gather3A_2184 : vector<16xf32>
        %swap3A_2217 = arith.constant 5 : i32
        %swap3A_2218 = arith.index_cast %swap3A_2217 : i32 to index
        %swap3A_2219 = arith.constant 48 : index
        %swap3A_2220 = tpu.vector_load %arg27[%swap3A_2218, %swap3A_2219] {strides = array<i32>} : memref<16x128xf32, #tpu.memory_space<vmem>>, vector<16xf32>,
        tpu.vector_store %arg27[%swap3A_2218, %swap3A_2219], %mul3A_2216 {strides = array<i32>} : memref<16x128xf32, #tpu.memory_space<vmem>>, vector<16xf32>,
        %get3A_2221 = arith.constant 5 : i32
        %get3A_2222 = arith.index_cast %get3A_2221 : i32 to index
        %get3A_2223 = arith.constant 64 : index
        %get3A_2224 = tpu.vector_load %arg26[%get3A_2222, %get3A_2223] {strides = array<i32>} : memref<16x128xf32, #tpu.memory_space<vmem>>, vector<16xf32>,
        %mul3A_2225 = arith.mulf %get3A_2224, %gather3A_2184 : vector<16xf32>
        %swap3A_2226 = arith.constant 5 : i32
        %swap3A_2227 = arith.index_cast %swap3A_2226 : i32 to index
        %swap3A_2228 = arith.constant 64 : index
        %swap3A_2229 = tpu.vector_load %arg27[%swap3A_2227, %swap3A_2228] {strides = array<i32>} : memref<16x128xf32, #tpu.memory_space<vmem>>, vector<16xf32>,
        tpu.vector_store %arg27[%swap3A_2227, %swap3A_2228], %mul3A_2225 {strides = array<i32>} : memref<16x128xf32, #tpu.memory_space<vmem>>, vector<16xf32>,
        %get3A_2230 = arith.constant 5 : i32
        %get3A_2231 = arith.index_cast %get3A_2230 : i32 to index
        %get3A_2232 = arith.constant 80 : index
        %get3A_2233 = tpu.vector_load %arg26[%get3A_2231, %get3A_2232] {strides = array<i32>} : memref<16x128xf32, #tpu.memory_space<vmem>>, vector<16xf32>,
        %mul3A_2234 = arith.mulf %get3A_2233, %gather3A_2184 : vector<16xf32>
        %swap3A_2235 = arith.constant 5 : i32
        %swap3A_2236 = arith.index_cast %swap3A_2235 : i32 to index
        %swap3A_2237 = arith.constant 80 : index
        %swap3A_2238 = tpu.vector_load %arg27[%swap3A_2236, %swap3A_2237] {strides = array<i32>} : memref<16x128xf32, #tpu.memory_space<vmem>>, vector<16xf32>,
        tpu.vector_store %arg27[%swap3A_2236, %swap3A_2237], %mul3A_2234 {strides = array<i32>} : memref<16x128xf32, #tpu.memory_space<vmem>>, vector<16xf32>,
        %get3A_2239 = arith.constant 5 : i32
        %get3A_2240 = arith.index_cast %get3A_2239 : i32 to index
        %get3A_2241 = arith.constant 96 : index
        %get3A_2242 = tpu.vector_load %arg26[%get3A_2240, %get3A_2241] {strides = array<i32>} : memref<16x128xf32, #tpu.memory_space<vmem>>, vector<16xf32>,
        %mul3A_2243 = arith.mulf %get3A_2242, %gather3A_2184 : vector<16xf32>
        %swap3A_2244 = arith.constant 5 : i32
        %swap3A_2245 = arith.index_cast %swap3A_2244 : i32 to index
        %swap3A_2246 = arith.constant 96 : index
        %swap3A_2247 = tpu.vector_load %arg27[%swap3A_2245, %swap3A_2246] {strides = array<i32>} : memref<16x128xf32, #tpu.memory_space<vmem>>, vector<16xf32>,
        tpu.vector_store %arg27[%swap3A_2245, %swap3A_2246], %mul3A_2243 {strides = array<i32>} : memref<16x128xf32, #tpu.memory_space<vmem>>, vector<16xf32>,
        %get3A_2248 = arith.constant 5 : i32
        %get3A_2249 = arith.index_cast %get3A_2248 : i32 to index
        %get3A_2250 = arith.constant 112 : index
        %get3A_2251 = tpu.vector_load %arg26[%get3A_2249, %get3A_2250] {strides = array<i32>} : memref<16x128xf32, #tpu.memory_space<vmem>>, vector<16xf32>,
        %mul3A_2252 = arith.mulf %get3A_2251, %gather3A_2184 : vector<16xf32>
        %swap3A_2253 = arith.constant 5 : i32
        %swap3A_2254 = arith.index_cast %swap3A_2253 : i32 to index
        %swap3A_2255 = arith.constant 112 : index
        %swap3A_2256 = tpu.vector_load %arg27[%swap3A_2254, %swap3A_2255] {strides = array<i32>} : memref<16x128xf32, #tpu.memory_space<vmem>>, vector<16xf32>,
        tpu.vector_store %arg27[%swap3A_2254, %swap3A_2255], %mul3A_2252 {strides = array<i32>} : memref<16x128xf32, #tpu.memory_space<vmem>>, vector<16xf32>,
        %broadcast_in_dim3A_2257 = arith.constant 6 : i32
        %broadcast_in_dim3A_2258 = vector.broadcast %broadcast_in_dim3A_2257 : i32 to vector<16xi32>
        %gather3A_2259 = tpu.vector_load_idx %arg30[%broadcast_in_dim3A_2258] : memref<16xf32, #tpu.memory_space<vmem>>[vector<16xi32>], vector<16xf32>,
        %get3A_2260 = arith.constant 6 : i32
        %get3A_2261 = arith.index_cast %get3A_2260 : i32 to index
        %get3A_2262 = arith.constant 0 : index
        %get3A_2263 = tpu.vector_load %arg26[%get3A_2261, %get3A_2262] {strides = array<i32>} : memref<16x128xf32, #tpu.memory_space<vmem>>, vector<16xf32>,
        %mul3A_2264 = arith.mulf %get3A_2263, %gather3A_2259 : vector<16xf32>
        %swap3A_2265 = arith.constant 6 : i32
        %swap3A_2266 = arith.index_cast %swap3A_2265 : i32 to index
        %swap3A_2267 = arith.constant 0 : index
        %swap3A_2268 = tpu.vector_load %arg27[%swap3A_2266, %swap3A_2267] {strides = array<i32>} : memref<16x128xf32, #tpu.memory_space<vmem>>, vector<16xf32>,
        tpu.vector_store %arg27[%swap3A_2266, %swap3A_2267], %mul3A_2264 {strides = array<i32>} : memref<16x128xf32, #tpu.memory_space<vmem>>, vector<16xf32>,
        %get3A_2269 = arith.constant 6 : i32
        %get3A_2270 = arith.index_cast %get3A_2269 : i32 to index
        %get3A_2271 = arith.constant 16 : index
        %get3A_2272 = tpu.vector_load %arg26[%get3A_2270, %get3A_2271] {strides = array<i32>} : memref<16x128xf32, #tpu.memory_space<vmem>>, vector<16xf32>,
        %mul3A_2273 = arith.mulf %get3A_2272, %gather3A_2259 : vector<16xf32>
        %swap3A_2274 = arith.constant 6 : i32
        %swap3A_2275 = arith.index_cast %swap3A_2274 : i32 to index
        %swap3A_2276 = arith.constant 16 : index
        %swap3A_2277 = tpu.vector_load %arg27[%swap3A_2275, %swap3A_2276] {strides = array<i32>} : memref<16x128xf32, #tpu.memory_space<vmem>>, vector<16xf32>,
        tpu.vector_store %arg27[%swap3A_2275, %swap3A_2276], %mul3A_2273 {strides = array<i32>} : memref<16x128xf32, #tpu.memory_space<vmem>>, vector<16xf32>,
        %get3A_2278 = arith.constant 6 : i32
        %get3A_2279 = arith.index_cast %get3A_2278 : i32 to index
        %get3A_2280 = arith.constant 32 : index
        %get3A_2281 = tpu.vector_load %arg26[%get3A_2279, %get3A_2280] {strides = array<i32>} : memref<16x128xf32, #tpu.memory_space<vmem>>, vector<16xf32>,
        %mul3A_2282 = arith.mulf %get3A_2281, %gather3A_2259 : vector<16xf32>
        %swap3A_2283 = arith.constant 6 : i32
        %swap3A_2284 = arith.index_cast %swap3A_2283 : i32 to index
        %swap3A_2285 = arith.constant 32 : index
        %swap3A_2286 = tpu.vector_load %arg27[%swap3A_2284, %swap3A_2285] {strides = array<i32>} : memref<16x128xf32, #tpu.memory_space<vmem>>, vector<16xf32>,
        tpu.vector_store %arg27[%swap3A_2284, %swap3A_2285], %mul3A_2282 {strides = array<i32>} : memref<16x128xf32, #tpu.memory_space<vmem>>, vector<16xf32>,
        %get3A_2287 = arith.constant 6 : i32
        %get3A_2288 = arith.index_cast %get3A_2287 : i32 to index
        %get3A_2289 = arith.constant 48 : index
        %get3A_2290 = tpu.vector_load %arg26[%get3A_2288, %get3A_2289] {strides = array<i32>} : memref<16x128xf32, #tpu.memory_space<vmem>>, vector<16xf32>,
        %mul3A_2291 = arith.mulf %get3A_2290, %gather3A_2259 : vector<16xf32>
        %swap3A_2292 = arith.constant 6 : i32
        %swap3A_2293 = arith.index_cast %swap3A_2292 : i32 to index
        %swap3A_2294 = arith.constant 48 : index
        %swap3A_2295 = tpu.vector_load %arg27[%swap3A_2293, %swap3A_2294] {strides = array<i32>} : memref<16x128xf32, #tpu.memory_space<vmem>>, vector<16xf32>,
        tpu.vector_store %arg27[%swap3A_2293, %swap3A_2294], %mul3A_2291 {strides = array<i32>} : memref<16x128xf32, #tpu.memory_space<vmem>>, vector<16xf32>,
        %get3A_2296 = arith.constant 6 : i32
        %get3A_2297 = arith.index_cast %get3A_2296 : i32 to index
        %get3A_2298 = arith.constant 64 : index
        %get3A_2299 = tpu.vector_load %arg26[%get3A_2297, %get3A_2298] {strides = array<i32>} : memref<16x128xf32, #tpu.memory_space<vmem>>, vector<16xf32>,
        %mul3A_2300 = arith.mulf %get3A_2299, %gather3A_2259 : vector<16xf32>
        %swap3A_2301 = arith.constant 6 : i32
        %swap3A_2302 = arith.index_cast %swap3A_2301 : i32 to index
        %swap3A_2303 = arith.constant 64 : index
        %swap3A_2304 = tpu.vector_load %arg27[%swap3A_2302, %swap3A_2303] {strides = array<i32>} : memref<16x128xf32, #tpu.memory_space<vmem>>, vector<16xf32>,
        tpu.vector_store %arg27[%swap3A_2302, %swap3A_2303], %mul3A_2300 {strides = array<i32>} : memref<16x128xf32, #tpu.memory_space<vmem>>, vector<16xf32>,
        %get3A_2305 = arith.constant 6 : i32
        %get3A_2306 = arith.index_cast %get3A_2305 : i32 to index
        %get3A_2307 = arith.constant 80 : index
        %get3A_2308 = tpu.vector_load %arg26[%get3A_2306, %get3A_2307] {strides = array<i32>} : memref<16x128xf32, #tpu.memory_space<vmem>>, vector<16xf32>,
        %mul3A_2309 = arith.mulf %get3A_2308, %gather3A_2259 : vector<16xf32>
        %swap3A_2310 = arith.constant 6 : i32
        %swap3A_2311 = arith.index_cast %swap3A_2310 : i32 to index
        %swap3A_2312 = arith.constant 80 : index
        %swap3A_2313 = tpu.vector_load %arg27[%swap3A_2311, %swap3A_2312] {strides = array<i32>} : memref<16x128xf32, #tpu.memory_space<vmem>>, vector<16xf32>,
        tpu.vector_store %arg27[%swap3A_2311, %swap3A_2312], %mul3A_2309 {strides = array<i32>} : memref<16x128xf32, #tpu.memory_space<vmem>>, vector<16xf32>,
        %get3A_2314 = arith.constant 6 : i32
        %get3A_2315 = arith.index_cast %get3A_2314 : i32 to index
        %get3A_2316 = arith.constant 96 : index
        %get3A_2317 = tpu.vector_load %arg26[%get3A_2315, %get3A_2316] {strides = array<i32>} : memref<16x128xf32, #tpu.memory_space<vmem>>, vector<16xf32>,
        %mul3A_2318 = arith.mulf %get3A_2317, %gather3A_2259 : vector<16xf32>
        %swap3A_2319 = arith.constant 6 : i32
        %swap3A_2320 = arith.index_cast %swap3A_2319 : i32 to index
        %swap3A_2321 = arith.constant 96 : index
        %swap3A_2322 = tpu.vector_load %arg27[%swap3A_2320, %swap3A_2321] {strides = array<i32>} : memref<16x128xf32, #tpu.memory_space<vmem>>, vector<16xf32>,
        tpu.vector_store %arg27[%swap3A_2320, %swap3A_2321], %mul3A_2318 {strides = array<i32>} : memref<16x128xf32, #tpu.memory_space<vmem>>, vector<16xf32>,
        %get3A_2323 = arith.constant 6 : i32
        %get3A_2324 = arith.index_cast %get3A_2323 : i32 to index
        %get3A_2325 = arith.constant 112 : index
        %get3A_2326 = tpu.vector_load %arg26[%get3A_2324, %get3A_2325] {strides = array<i32>} : memref<16x128xf32, #tpu.memory_space<vmem>>, vector<16xf32>,
        %mul3A_2327 = arith.mulf %get3A_2326, %gather3A_2259 : vector<16xf32>
        %swap3A_2328 = arith.constant 6 : i32
        %swap3A_2329 = arith.index_cast %swap3A_2328 : i32 to index
        %swap3A_2330 = arith.constant 112 : index
        %swap3A_2331 = tpu.vector_load %arg27[%swap3A_2329, %swap3A_2330] {strides = array<i32>} : memref<16x128xf32, #tpu.memory_space<vmem>>, vector<16xf32>,
        tpu.vector_store %arg27[%swap3A_2329, %swap3A_2330], %mul3A_2327 {strides = array<i32>} : memref<16x128xf32, #tpu.memory_space<vmem>>, vector<16xf32>,
        %broadcast_in_dim3A_2332 = arith.constant 7 : i32
        %broadcast_in_dim3A_2333 = vector.broadcast %broadcast_in_dim3A_2332 : i32 to vector<16xi32>
        %gather3A_2334 = tpu.vector_load_idx %arg30[%broadcast_in_dim3A_2333] : memref<16xf32, #tpu.memory_space<vmem>>[vector<16xi32>], vector<16xf32>,
        %get3A_2335 = arith.constant 7 : i32
        %get3A_2336 = arith.index_cast %get3A_2335 : i32 to index
        %get3A_2337 = arith.constant 0 : index
        %get3A_2338 = tpu.vector_load %arg26[%get3A_2336, %get3A_2337] {strides = array<i32>} : memref<16x128xf32, #tpu.memory_space<vmem>>, vector<16xf32>,
        %mul3A_2339 = arith.mulf %get3A_2338, %gather3A_2334 : vector<16xf32>
        %swap3A_2340 = arith.constant 7 : i32
        %swap3A_2341 = arith.index_cast %swap3A_2340 : i32 to index
        %swap3A_2342 = arith.constant 0 : index
        %swap3A_2343 = tpu.vector_load %arg27[%swap3A_2341, %swap3A_2342] {strides = array<i32>} : memref<16x128xf32, #tpu.memory_space<vmem>>, vector<16xf32>,
        tpu.vector_store %arg27[%swap3A_2341, %swap3A_2342], %mul3A_2339 {strides = array<i32>} : memref<16x128xf32, #tpu.memory_space<vmem>>, vector<16xf32>,
        %get3A_2344 = arith.constant 7 : i32
        %get3A_2345 = arith.index_cast %get3A_2344 : i32 to index
        %get3A_2346 = arith.constant 16 : index
        %get3A_2347 = tpu.vector_load %arg26[%get3A_2345, %get3A_2346] {strides = array<i32>} : memref<16x128xf32, #tpu.memory_space<vmem>>, vector<16xf32>,
        %mul3A_2348 = arith.mulf %get3A_2347, %gather3A_2334 : vector<16xf32>
        %swap3A_2349 = arith.constant 7 : i32
        %swap3A_2350 = arith.index_cast %swap3A_2349 : i32 to index
        %swap3A_2351 = arith.constant 16 : index
        %swap3A_2352 = tpu.vector_load %arg27[%swap3A_2350, %swap3A_2351] {strides = array<i32>} : memref<16x128xf32, #tpu.memory_space<vmem>>, vector<16xf32>,
        tpu.vector_store %arg27[%swap3A_2350, %swap3A_2351], %mul3A_2348 {strides = array<i32>} : memref<16x128xf32, #tpu.memory_space<vmem>>, vector<16xf32>,
        %get3A_2353 = arith.constant 7 : i32
        %get3A_2354 = arith.index_cast %get3A_2353 : i32 to index
        %get3A_2355 = arith.constant 32 : index
        %get3A_2356 = tpu.vector_load %arg26[%get3A_2354, %get3A_2355] {strides = array<i32>} : memref<16x128xf32, #tpu.memory_space<vmem>>, vector<16xf32>,
        %mul3A_2357 = arith.mulf %get3A_2356, %gather3A_2334 : vector<16xf32>
        %swap3A_2358 = arith.constant 7 : i32
        %swap3A_2359 = arith.index_cast %swap3A_2358 : i32 to index
        %swap3A_2360 = arith.constant 32 : index
        %swap3A_2361 = tpu.vector_load %arg27[%swap3A_2359, %swap3A_2360] {strides = array<i32>} : memref<16x128xf32, #tpu.memory_space<vmem>>, vector<16xf32>,
        tpu.vector_store %arg27[%swap3A_2359, %swap3A_2360], %mul3A_2357 {strides = array<i32>} : memref<16x128xf32, #tpu.memory_space<vmem>>, vector<16xf32>,
        %get3A_2362 = arith.constant 7 : i32
        %get3A_2363 = arith.index_cast %get3A_2362 : i32 to index
        %get3A_2364 = arith.constant 48 : index
        %get3A_2365 = tpu.vector_load %arg26[%get3A_2363, %get3A_2364] {strides = array<i32>} : memref<16x128xf32, #tpu.memory_space<vmem>>, vector<16xf32>,
        %mul3A_2366 = arith.mulf %get3A_2365, %gather3A_2334 : vector<16xf32>
        %swap3A_2367 = arith.constant 7 : i32
        %swap3A_2368 = arith.index_cast %swap3A_2367 : i32 to index
        %swap3A_2369 = arith.constant 48 : index
        %swap3A_2370 = tpu.vector_load %arg27[%swap3A_2368, %swap3A_2369] {strides = array<i32>} : memref<16x128xf32, #tpu.memory_space<vmem>>, vector<16xf32>,
        tpu.vector_store %arg27[%swap3A_2368, %swap3A_2369], %mul3A_2366 {strides = array<i32>} : memref<16x128xf32, #tpu.memory_space<vmem>>, vector<16xf32>,
        %get3A_2371 = arith.constant 7 : i32
        %get3A_2372 = arith.index_cast %get3A_2371 : i32 to index
        %get3A_2373 = arith.constant 64 : index
        %get3A_2374 = tpu.vector_load %arg26[%get3A_2372, %get3A_2373] {strides = array<i32>} : memref<16x128xf32, #tpu.memory_space<vmem>>, vector<16xf32>,
        %mul3A_2375 = arith.mulf %get3A_2374, %gather3A_2334 : vector<16xf32>
        %swap3A_2376 = arith.constant 7 : i32
        %swap3A_2377 = arith.index_cast %swap3A_2376 : i32 to index
        %swap3A_2378 = arith.constant 64 : index
        %swap3A_2379 = tpu.vector_load %arg27[%swap3A_2377, %swap3A_2378] {strides = array<i32>} : memref<16x128xf32, #tpu.memory_space<vmem>>, vector<16xf32>,
        tpu.vector_store %arg27[%swap3A_2377, %swap3A_2378], %mul3A_2375 {strides = array<i32>} : memref<16x128xf32, #tpu.memory_space<vmem>>, vector<16xf32>,
        %get3A_2380 = arith.constant 7 : i32
        %get3A_2381 = arith.index_cast %get3A_2380 : i32 to index
        %get3A_2382 = arith.constant 80 : index
        %get3A_2383 = tpu.vector_load %arg26[%get3A_2381, %get3A_2382] {strides = array<i32>} : memref<16x128xf32, #tpu.memory_space<vmem>>, vector<16xf32>,
        %mul3A_2384 = arith.mulf %get3A_2383, %gather3A_2334 : vector<16xf32>
        %swap3A_2385 = arith.constant 7 : i32
        %swap3A_2386 = arith.index_cast %swap3A_2385 : i32 to index
        %swap3A_2387 = arith.constant 80 : index
        %swap3A_2388 = tpu.vector_load %arg27[%swap3A_2386, %swap3A_2387] {strides = array<i32>} : memref<16x128xf32, #tpu.memory_space<vmem>>, vector<16xf32>,
        tpu.vector_store %arg27[%swap3A_2386, %swap3A_2387], %mul3A_2384 {strides = array<i32>} : memref<16x128xf32, #tpu.memory_space<vmem>>, vector<16xf32>,
        %get3A_2389 = arith.constant 7 : i32
        %get3A_2390 = arith.index_cast %get3A_2389 : i32 to index
        %get3A_2391 = arith.constant 96 : index
        %get3A_2392 = tpu.vector_load %arg26[%get3A_2390, %get3A_2391] {strides = array<i32>} : memref<16x128xf32, #tpu.memory_space<vmem>>, vector<16xf32>,
        %mul3A_2393 = arith.mulf %get3A_2392, %gather3A_2334 : vector<16xf32>
        %swap3A_2394 = arith.constant 7 : i32
        %swap3A_2395 = arith.index_cast %swap3A_2394 : i32 to index
        %swap3A_2396 = arith.constant 96 : index
        %swap3A_2397 = tpu.vector_load %arg27[%swap3A_2395, %swap3A_2396] {strides = array<i32>} : memref<16x128xf32, #tpu.memory_space<vmem>>, vector<16xf32>,
        tpu.vector_store %arg27[%swap3A_2395, %swap3A_2396], %mul3A_2393 {strides = array<i32>} : memref<16x128xf32, #tpu.memory_space<vmem>>, vector<16xf32>,
        %get3A_2398 = arith.constant 7 : i32
        %get3A_2399 = arith.index_cast %get3A_2398 : i32 to index
        %get3A_2400 = arith.constant 112 : index
        %get3A_2401 = tpu.vector_load %arg26[%get3A_2399, %get3A_2400] {strides = array<i32>} : memref<16x128xf32, #tpu.memory_space<vmem>>, vector<16xf32>,
        %mul3A_2402 = arith.mulf %get3A_2401, %gather3A_2334 : vector<16xf32>
        %swap3A_2403 = arith.constant 7 : i32
        %swap3A_2404 = arith.index_cast %swap3A_2403 : i32 to index
        %swap3A_2405 = arith.constant 112 : index
        %swap3A_2406 = tpu.vector_load %arg27[%swap3A_2404, %swap3A_2405] {strides = array<i32>} : memref<16x128xf32, #tpu.memory_space<vmem>>, vector<16xf32>,
        tpu.vector_store %arg27[%swap3A_2404, %swap3A_2405], %mul3A_2402 {strides = array<i32>} : memref<16x128xf32, #tpu.memory_space<vmem>>, vector<16xf32>,
        %broadcast_in_dim3A_2407 = arith.constant 8 : i32
        %broadcast_in_dim3A_2408 = vector.broadcast %broadcast_in_dim3A_2407 : i32 to vector<16xi32>
        %gather3A_2409 = tpu.vector_load_idx %arg30[%broadcast_in_dim3A_2408] : memref<16xf32, #tpu.memory_space<vmem>>[vector<16xi32>], vector<16xf32>,
        %get3A_2410 = arith.constant 8 : i32
        %get3A_2411 = arith.index_cast %get3A_2410 : i32 to index
        %get3A_2412 = arith.constant 0 : index
        %get3A_2413 = tpu.vector_load %arg26[%get3A_2411, %get3A_2412] {strides = array<i32>} : memref<16x128xf32, #tpu.memory_space<vmem>>, vector<16xf32>,
        %mul3A_2414 = arith.mulf %get3A_2413, %gather3A_2409 : vector<16xf32>
        %swap3A_2415 = arith.constant 8 : i32
        %swap3A_2416 = arith.index_cast %swap3A_2415 : i32 to index
        %swap3A_2417 = arith.constant 0 : index
        %swap3A_2418 = tpu.vector_load %arg27[%swap3A_2416, %swap3A_2417] {strides = array<i32>} : memref<16x128xf32, #tpu.memory_space<vmem>>, vector<16xf32>,
        tpu.vector_store %arg27[%swap3A_2416, %swap3A_2417], %mul3A_2414 {strides = array<i32>} : memref<16x128xf32, #tpu.memory_space<vmem>>, vector<16xf32>,
        %get3A_2419 = arith.constant 8 : i32
        %get3A_2420 = arith.index_cast %get3A_2419 : i32 to index
        %get3A_2421 = arith.constant 16 : index
        %get3A_2422 = tpu.vector_load %arg26[%get3A_2420, %get3A_2421] {strides = array<i32>} : memref<16x128xf32, #tpu.memory_space<vmem>>, vector<16xf32>,
        %mul3A_2423 = arith.mulf %get3A_2422, %gather3A_2409 : vector<16xf32>
        %swap3A_2424 = arith.constant 8 : i32
        %swap3A_2425 = arith.index_cast %swap3A_2424 : i32 to index
        %swap3A_2426 = arith.constant 16 : index
        %swap3A_2427 = tpu.vector_load %arg27[%swap3A_2425, %swap3A_2426] {strides = array<i32>} : memref<16x128xf32, #tpu.memory_space<vmem>>, vector<16xf32>,
        tpu.vector_store %arg27[%swap3A_2425, %swap3A_2426], %mul3A_2423 {strides = array<i32>} : memref<16x128xf32, #tpu.memory_space<vmem>>, vector<16xf32>,
        %get3A_2428 = arith.constant 8 : i32
        %get3A_2429 = arith.index_cast %get3A_2428 : i32 to index
        %get3A_2430 = arith.constant 32 : index
        %get3A_2431 = tpu.vector_load %arg26[%get3A_2429, %get3A_2430] {strides = array<i32>} : memref<16x128xf32, #tpu.memory_space<vmem>>, vector<16xf32>,
        %mul3A_2432 = arith.mulf %get3A_2431, %gather3A_2409 : vector<16xf32>
        %swap3A_2433 = arith.constant 8 : i32
        %swap3A_2434 = arith.index_cast %swap3A_2433 : i32 to index
        %swap3A_2435 = arith.constant 32 : index
        %swap3A_2436 = tpu.vector_load %arg27[%swap3A_2434, %swap3A_2435] {strides = array<i32>} : memref<16x128xf32, #tpu.memory_space<vmem>>, vector<16xf32>,
        tpu.vector_store %arg27[%swap3A_2434, %swap3A_2435], %mul3A_2432 {strides = array<i32>} : memref<16x128xf32, #tpu.memory_space<vmem>>, vector<16xf32>,
        %get3A_2437 = arith.constant 8 : i32
        %get3A_2438 = arith.index_cast %get3A_2437 : i32 to index
        %get3A_2439 = arith.constant 48 : index
        %get3A_2440 = tpu.vector_load %arg26[%get3A_2438, %get3A_2439] {strides = array<i32>} : memref<16x128xf32, #tpu.memory_space<vmem>>, vector<16xf32>,
        %mul3A_2441 = arith.mulf %get3A_2440, %gather3A_2409 : vector<16xf32>
        %swap3A_2442 = arith.constant 8 : i32
        %swap3A_2443 = arith.index_cast %swap3A_2442 : i32 to index
        %swap3A_2444 = arith.constant 48 : index
        %swap3A_2445 = tpu.vector_load %arg27[%swap3A_2443, %swap3A_2444] {strides = array<i32>} : memref<16x128xf32, #tpu.memory_space<vmem>>, vector<16xf32>,
        tpu.vector_store %arg27[%swap3A_2443, %swap3A_2444], %mul3A_2441 {strides = array<i32>} : memref<16x128xf32, #tpu.memory_space<vmem>>, vector<16xf32>,
        %get3A_2446 = arith.constant 8 : i32
        %get3A_2447 = arith.index_cast %get3A_2446 : i32 to index
        %get3A_2448 = arith.constant 64 : index
        %get3A_2449 = tpu.vector_load %arg26[%get3A_2447, %get3A_2448] {strides = array<i32>} : memref<16x128xf32, #tpu.memory_space<vmem>>, vector<16xf32>,
        %mul3A_2450 = arith.mulf %get3A_2449, %gather3A_2409 : vector<16xf32>
        %swap3A_2451 = arith.constant 8 : i32
        %swap3A_2452 = arith.index_cast %swap3A_2451 : i32 to index
        %swap3A_2453 = arith.constant 64 : index
        %swap3A_2454 = tpu.vector_load %arg27[%swap3A_2452, %swap3A_2453] {strides = array<i32>} : memref<16x128xf32, #tpu.memory_space<vmem>>, vector<16xf32>,
        tpu.vector_store %arg27[%swap3A_2452, %swap3A_2453], %mul3A_2450 {strides = array<i32>} : memref<16x128xf32, #tpu.memory_space<vmem>>, vector<16xf32>,
        %get3A_2455 = arith.constant 8 : i32
        %get3A_2456 = arith.index_cast %get3A_2455 : i32 to index
        %get3A_2457 = arith.constant 80 : index
        %get3A_2458 = tpu.vector_load %arg26[%get3A_2456, %get3A_2457] {strides = array<i32>} : memref<16x128xf32, #tpu.memory_space<vmem>>, vector<16xf32>,
        %mul3A_2459 = arith.mulf %get3A_2458, %gather3A_2409 : vector<16xf32>
        %swap3A_2460 = arith.constant 8 : i32
        %swap3A_2461 = arith.index_cast %swap3A_2460 : i32 to index
        %swap3A_2462 = arith.constant 80 : index
        %swap3A_2463 = tpu.vector_load %arg27[%swap3A_2461, %swap3A_2462] {strides = array<i32>} : memref<16x128xf32, #tpu.memory_space<vmem>>, vector<16xf32>,
        tpu.vector_store %arg27[%swap3A_2461, %swap3A_2462], %mul3A_2459 {strides = array<i32>} : memref<16x128xf32, #tpu.memory_space<vmem>>, vector<16xf32>,
        %get3A_2464 = arith.constant 8 : i32
        %get3A_2465 = arith.index_cast %get3A_2464 : i32 to index
        %get3A_2466 = arith.constant 96 : index
        %get3A_2467 = tpu.vector_load %arg26[%get3A_2465, %get3A_2466] {strides = array<i32>} : memref<16x128xf32, #tpu.memory_space<vmem>>, vector<16xf32>,
        %mul3A_2468 = arith.mulf %get3A_2467, %gather3A_2409 : vector<16xf32>
        %swap3A_2469 = arith.constant 8 : i32
        %swap3A_2470 = arith.index_cast %swap3A_2469 : i32 to index
        %swap3A_2471 = arith.constant 96 : index
        %swap3A_2472 = tpu.vector_load %arg27[%swap3A_2470, %swap3A_2471] {strides = array<i32>} : memref<16x128xf32, #tpu.memory_space<vmem>>, vector<16xf32>,
        tpu.vector_store %arg27[%swap3A_2470, %swap3A_2471], %mul3A_2468 {strides = array<i32>} : memref<16x128xf32, #tpu.memory_space<vmem>>, vector<16xf32>,
        %get3A_2473 = arith.constant 8 : i32
        %get3A_2474 = arith.index_cast %get3A_2473 : i32 to index
        %get3A_2475 = arith.constant 112 : index
        %get3A_2476 = tpu.vector_load %arg26[%get3A_2474, %get3A_2475] {strides = array<i32>} : memref<16x128xf32, #tpu.memory_space<vmem>>, vector<16xf32>,
        %mul3A_2477 = arith.mulf %get3A_2476, %gather3A_2409 : vector<16xf32>
        %swap3A_2478 = arith.constant 8 : i32
        %swap3A_2479 = arith.index_cast %swap3A_2478 : i32 to index
        %swap3A_2480 = arith.constant 112 : index
        %swap3A_2481 = tpu.vector_load %arg27[%swap3A_2479, %swap3A_2480] {strides = array<i32>} : memref<16x128xf32, #tpu.memory_space<vmem>>, vector<16xf32>,
        tpu.vector_store %arg27[%swap3A_2479, %swap3A_2480], %mul3A_2477 {strides = array<i32>} : memref<16x128xf32, #tpu.memory_space<vmem>>, vector<16xf32>,
        %broadcast_in_dim3A_2482 = arith.constant 9 : i32
        %broadcast_in_dim3A_2483 = vector.broadcast %broadcast_in_dim3A_2482 : i32 to vector<16xi32>
        %gather3A_2484 = tpu.vector_load_idx %arg30[%broadcast_in_dim3A_2483] : memref<16xf32, #tpu.memory_space<vmem>>[vector<16xi32>], vector<16xf32>,
        %get3A_2485 = arith.constant 9 : i32
        %get3A_2486 = arith.index_cast %get3A_2485 : i32 to index
        %get3A_2487 = arith.constant 0 : index
        %get3A_2488 = tpu.vector_load %arg26[%get3A_2486, %get3A_2487] {strides = array<i32>} : memref<16x128xf32, #tpu.memory_space<vmem>>, vector<16xf32>,
        %mul3A_2489 = arith.mulf %get3A_2488, %gather3A_2484 : vector<16xf32>
        %swap3A_2490 = arith.constant 9 : i32
        %swap3A_2491 = arith.index_cast %swap3A_2490 : i32 to index
        %swap3A_2492 = arith.constant 0 : index
        %swap3A_2493 = tpu.vector_load %arg27[%swap3A_2491, %swap3A_2492] {strides = array<i32>} : memref<16x128xf32, #tpu.memory_space<vmem>>, vector<16xf32>,
        tpu.vector_store %arg27[%swap3A_2491, %swap3A_2492], %mul3A_2489 {strides = array<i32>} : memref<16x128xf32, #tpu.memory_space<vmem>>, vector<16xf32>,
        %get3A_2494 = arith.constant 9 : i32
        %get3A_2495 = arith.index_cast %get3A_2494 : i32 to index
        %get3A_2496 = arith.constant 16 : index
        %get3A_2497 = tpu.vector_load %arg26[%get3A_2495, %get3A_2496] {strides = array<i32>} : memref<16x128xf32, #tpu.memory_space<vmem>>, vector<16xf32>,
        %mul3A_2498 = arith.mulf %get3A_2497, %gather3A_2484 : vector<16xf32>
        %swap3A_2499 = arith.constant 9 : i32
        %swap3A_2500 = arith.index_cast %swap3A_2499 : i32 to index
        %swap3A_2501 = arith.constant 16 : index
        %swap3A_2502 = tpu.vector_load %arg27[%swap3A_2500, %swap3A_2501] {strides = array<i32>} : memref<16x128xf32, #tpu.memory_space<vmem>>, vector<16xf32>,
        tpu.vector_store %arg27[%swap3A_2500, %swap3A_2501], %mul3A_2498 {strides = array<i32>} : memref<16x128xf32, #tpu.memory_space<vmem>>, vector<16xf32>,
        %get3A_2503 = arith.constant 9 : i32
        %get3A_2504 = arith.index_cast %get3A_2503 : i32 to index
        %get3A_2505 = arith.constant 32 : index
        %get3A_2506 = tpu.vector_load %arg26[%get3A_2504, %get3A_2505] {strides = array<i32>} : memref<16x128xf32, #tpu.memory_space<vmem>>, vector<16xf32>,
        %mul3A_2507 = arith.mulf %get3A_2506, %gather3A_2484 : vector<16xf32>
        %swap3A_2508 = arith.constant 9 : i32
        %swap3A_2509 = arith.index_cast %swap3A_2508 : i32 to index
        %swap3A_2510 = arith.constant 32 : index
        %swap3A_2511 = tpu.vector_load %arg27[%swap3A_2509, %swap3A_2510] {strides = array<i32>} : memref<16x128xf32, #tpu.memory_space<vmem>>, vector<16xf32>,
        tpu.vector_store %arg27[%swap3A_2509, %swap3A_2510], %mul3A_2507 {strides = array<i32>} : memref<16x128xf32, #tpu.memory_space<vmem>>, vector<16xf32>,
        %get3A_2512 = arith.constant 9 : i32
        %get3A_2513 = arith.index_cast %get3A_2512 : i32 to index
        %get3A_2514 = arith.constant 48 : index
        %get3A_2515 = tpu.vector_load %arg26[%get3A_2513, %get3A_2514] {strides = array<i32>} : memref<16x128xf32, #tpu.memory_space<vmem>>, vector<16xf32>,
        %mul3A_2516 = arith.mulf %get3A_2515, %gather3A_2484 : vector<16xf32>
        %swap3A_2517 = arith.constant 9 : i32
        %swap3A_2518 = arith.index_cast %swap3A_2517 : i32 to index
        %swap3A_2519 = arith.constant 48 : index
        %swap3A_2520 = tpu.vector_load %arg27[%swap3A_2518, %swap3A_2519] {strides = array<i32>} : memref<16x128xf32, #tpu.memory_space<vmem>>, vector<16xf32>,
        tpu.vector_store %arg27[%swap3A_2518, %swap3A_2519], %mul3A_2516 {strides = array<i32>} : memref<16x128xf32, #tpu.memory_space<vmem>>, vector<16xf32>,
        %get3A_2521 = arith.constant 9 : i32
        %get3A_2522 = arith.index_cast %get3A_2521 : i32 to index
        %get3A_2523 = arith.constant 64 : index
        %get3A_2524 = tpu.vector_load %arg26[%get3A_2522, %get3A_2523] {strides = array<i32>} : memref<16x128xf32, #tpu.memory_space<vmem>>, vector<16xf32>,
        %mul3A_2525 = arith.mulf %get3A_2524, %gather3A_2484 : vector<16xf32>
        %swap3A_2526 = arith.constant 9 : i32
        %swap3A_2527 = arith.index_cast %swap3A_2526 : i32 to index
        %swap3A_2528 = arith.constant 64 : index
        %swap3A_2529 = tpu.vector_load %arg27[%swap3A_2527, %swap3A_2528] {strides = array<i32>} : memref<16x128xf32, #tpu.memory_space<vmem>>, vector<16xf32>,
        tpu.vector_store %arg27[%swap3A_2527, %swap3A_2528], %mul3A_2525 {strides = array<i32>} : memref<16x128xf32, #tpu.memory_space<vmem>>, vector<16xf32>,
        %get3A_2530 = arith.constant 9 : i32
        %get3A_2531 = arith.index_cast %get3A_2530 : i32 to index
        %get3A_2532 = arith.constant 80 : index
        %get3A_2533 = tpu.vector_load %arg26[%get3A_2531, %get3A_2532] {strides = array<i32>} : memref<16x128xf32, #tpu.memory_space<vmem>>, vector<16xf32>,
        %mul3A_2534 = arith.mulf %get3A_2533, %gather3A_2484 : vector<16xf32>
        %swap3A_2535 = arith.constant 9 : i32
        %swap3A_2536 = arith.index_cast %swap3A_2535 : i32 to index
        %swap3A_2537 = arith.constant 80 : index
        %swap3A_2538 = tpu.vector_load %arg27[%swap3A_2536, %swap3A_2537] {strides = array<i32>} : memref<16x128xf32, #tpu.memory_space<vmem>>, vector<16xf32>,
        tpu.vector_store %arg27[%swap3A_2536, %swap3A_2537], %mul3A_2534 {strides = array<i32>} : memref<16x128xf32, #tpu.memory_space<vmem>>, vector<16xf32>,
        %get3A_2539 = arith.constant 9 : i32
        %get3A_2540 = arith.index_cast %get3A_2539 : i32 to index
        %get3A_2541 = arith.constant 96 : index
        %get3A_2542 = tpu.vector_load %arg26[%get3A_2540, %get3A_2541] {strides = array<i32>} : memref<16x128xf32, #tpu.memory_space<vmem>>, vector<16xf32>,
        %mul3A_2543 = arith.mulf %get3A_2542, %gather3A_2484 : vector<16xf32>
        %swap3A_2544 = arith.constant 9 : i32
        %swap3A_2545 = arith.index_cast %swap3A_2544 : i32 to index
        %swap3A_2546 = arith.constant 96 : index
        %swap3A_2547 = tpu.vector_load %arg27[%swap3A_2545, %swap3A_2546] {strides = array<i32>} : memref<16x128xf32, #tpu.memory_space<vmem>>, vector<16xf32>,
        tpu.vector_store %arg27[%swap3A_2545, %swap3A_2546], %mul3A_2543 {strides = array<i32>} : memref<16x128xf32, #tpu.memory_space<vmem>>, vector<16xf32>,
        %get3A_2548 = arith.constant 9 : i32
        %get3A_2549 = arith.index_cast %get3A_2548 : i32 to index
        %get3A_2550 = arith.constant 112 : index
        %get3A_2551 = tpu.vector_load %arg26[%get3A_2549, %get3A_2550] {strides = array<i32>} : memref<16x128xf32, #tpu.memory_space<vmem>>, vector<16xf32>,
        %mul3A_2552 = arith.mulf %get3A_2551, %gather3A_2484 : vector<16xf32>
        %swap3A_2553 = arith.constant 9 : i32
        %swap3A_2554 = arith.index_cast %swap3A_2553 : i32 to index
        %swap3A_2555 = arith.constant 112 : index
        %swap3A_2556 = tpu.vector_load %arg27[%swap3A_2554, %swap3A_2555] {strides = array<i32>} : memref<16x128xf32, #tpu.memory_space<vmem>>, vector<16xf32>,
        tpu.vector_store %arg27[%swap3A_2554, %swap3A_2555], %mul3A_2552 {strides = array<i32>} : memref<16x128xf32, #tpu.memory_space<vmem>>, vector<16xf32>,
        %broadcast_in_dim3A_2557 = arith.constant 10 : i32
        %broadcast_in_dim3A_2558 = vector.broadcast %broadcast_in_dim3A_2557 : i32 to vector<16xi32>
        %gather3A_2559 = tpu.vector_load_idx %arg30[%broadcast_in_dim3A_2558] : memref<16xf32, #tpu.memory_space<vmem>>[vector<16xi32>], vector<16xf32>,
        %get3A_2560 = arith.constant 10 : i32
        %get3A_2561 = arith.index_cast %get3A_2560 : i32 to index
        %get3A_2562 = arith.constant 0 : index
        %get3A_2563 = tpu.vector_load %arg26[%get3A_2561, %get3A_2562] {strides = array<i32>} : memref<16x128xf32, #tpu.memory_space<vmem>>, vector<16xf32>,
        %mul3A_2564 = arith.mulf %get3A_2563, %gather3A_2559 : vector<16xf32>
        %swap3A_2565 = arith.constant 10 : i32
        %swap3A_2566 = arith.index_cast %swap3A_2565 : i32 to index
        %swap3A_2567 = arith.constant 0 : index
        %swap3A_2568 = tpu.vector_load %arg27[%swap3A_2566, %swap3A_2567] {strides = array<i32>} : memref<16x128xf32, #tpu.memory_space<vmem>>, vector<16xf32>,
        tpu.vector_store %arg27[%swap3A_2566, %swap3A_2567], %mul3A_2564 {strides = array<i32>} : memref<16x128xf32, #tpu.memory_space<vmem>>, vector<16xf32>,
        %get3A_2569 = arith.constant 10 : i32
        %get3A_2570 = arith.index_cast %get3A_2569 : i32 to index
        %get3A_2571 = arith.constant 16 : index
        %get3A_2572 = tpu.vector_load %arg26[%get3A_2570, %get3A_2571] {strides = array<i32>} : memref<16x128xf32, #tpu.memory_space<vmem>>, vector<16xf32>,
        %mul3A_2573 = arith.mulf %get3A_2572, %gather3A_2559 : vector<16xf32>
        %swap3A_2574 = arith.constant 10 : i32
        %swap3A_2575 = arith.index_cast %swap3A_2574 : i32 to index
        %swap3A_2576 = arith.constant 16 : index
        %swap3A_2577 = tpu.vector_load %arg27[%swap3A_2575, %swap3A_2576] {strides = array<i32>} : memref<16x128xf32, #tpu.memory_space<vmem>>, vector<16xf32>,
        tpu.vector_store %arg27[%swap3A_2575, %swap3A_2576], %mul3A_2573 {strides = array<i32>} : memref<16x128xf32, #tpu.memory_space<vmem>>, vector<16xf32>,
        %get3A_2578 = arith.constant 10 : i32
        %get3A_2579 = arith.index_cast %get3A_2578 : i32 to index
        %get3A_2580 = arith.constant 32 : index
        %get3A_2581 = tpu.vector_load %arg26[%get3A_2579, %get3A_2580] {strides = array<i32>} : memref<16x128xf32, #tpu.memory_space<vmem>>, vector<16xf32>,
        %mul3A_2582 = arith.mulf %get3A_2581, %gather3A_2559 : vector<16xf32>
        %swap3A_2583 = arith.constant 10 : i32
        %swap3A_2584 = arith.index_cast %swap3A_2583 : i32 to index
        %swap3A_2585 = arith.constant 32 : index
        %swap3A_2586 = tpu.vector_load %arg27[%swap3A_2584, %swap3A_2585] {strides = array<i32>} : memref<16x128xf32, #tpu.memory_space<vmem>>, vector<16xf32>,
        tpu.vector_store %arg27[%swap3A_2584, %swap3A_2585], %mul3A_2582 {strides = array<i32>} : memref<16x128xf32, #tpu.memory_space<vmem>>, vector<16xf32>,
        %get3A_2587 = arith.constant 10 : i32
        %get3A_2588 = arith.index_cast %get3A_2587 : i32 to index
        %get3A_2589 = arith.constant 48 : index
        %get3A_2590 = tpu.vector_load %arg26[%get3A_2588, %get3A_2589] {strides = array<i32>} : memref<16x128xf32, #tpu.memory_space<vmem>>, vector<16xf32>,
        %mul3A_2591 = arith.mulf %get3A_2590, %gather3A_2559 : vector<16xf32>
        %swap3A_2592 = arith.constant 10 : i32
        %swap3A_2593 = arith.index_cast %swap3A_2592 : i32 to index
        %swap3A_2594 = arith.constant 48 : index
        %swap3A_2595 = tpu.vector_load %arg27[%swap3A_2593, %swap3A_2594] {strides = array<i32>} : memref<16x128xf32, #tpu.memory_space<vmem>>, vector<16xf32>,
        tpu.vector_store %arg27[%swap3A_2593, %swap3A_2594], %mul3A_2591 {strides = array<i32>} : memref<16x128xf32, #tpu.memory_space<vmem>>, vector<16xf32>,
        %get3A_2596 = arith.constant 10 : i32
        %get3A_2597 = arith.index_cast %get3A_2596 : i32 to index
        %get3A_2598 = arith.constant 64 : index
        %get3A_2599 = tpu.vector_load %arg26[%get3A_2597, %get3A_2598] {strides = array<i32>} : memref<16x128xf32, #tpu.memory_space<vmem>>, vector<16xf32>,
        %mul3A_2600 = arith.mulf %get3A_2599, %gather3A_2559 : vector<16xf32>
        %swap3A_2601 = arith.constant 10 : i32
        %swap3A_2602 = arith.index_cast %swap3A_2601 : i32 to index
        %swap3A_2603 = arith.constant 64 : index
        %swap3A_2604 = tpu.vector_load %arg27[%swap3A_2602, %swap3A_2603] {strides = array<i32>} : memref<16x128xf32, #tpu.memory_space<vmem>>, vector<16xf32>,
        tpu.vector_store %arg27[%swap3A_2602, %swap3A_2603], %mul3A_2600 {strides = array<i32>} : memref<16x128xf32, #tpu.memory_space<vmem>>, vector<16xf32>,
        %get3A_2605 = arith.constant 10 : i32
        %get3A_2606 = arith.index_cast %get3A_2605 : i32 to index
        %get3A_2607 = arith.constant 80 : index
        %get3A_2608 = tpu.vector_load %arg26[%get3A_2606, %get3A_2607] {strides = array<i32>} : memref<16x128xf32, #tpu.memory_space<vmem>>, vector<16xf32>,
        %mul3A_2609 = arith.mulf %get3A_2608, %gather3A_2559 : vector<16xf32>
        %swap3A_2610 = arith.constant 10 : i32
        %swap3A_2611 = arith.index_cast %swap3A_2610 : i32 to index
        %swap3A_2612 = arith.constant 80 : index
        %swap3A_2613 = tpu.vector_load %arg27[%swap3A_2611, %swap3A_2612] {strides = array<i32>} : memref<16x128xf32, #tpu.memory_space<vmem>>, vector<16xf32>,
        tpu.vector_store %arg27[%swap3A_2611, %swap3A_2612], %mul3A_2609 {strides = array<i32>} : memref<16x128xf32, #tpu.memory_space<vmem>>, vector<16xf32>,
        %get3A_2614 = arith.constant 10 : i32
        %get3A_2615 = arith.index_cast %get3A_2614 : i32 to index
        %get3A_2616 = arith.constant 96 : index
        %get3A_2617 = tpu.vector_load %arg26[%get3A_2615, %get3A_2616] {strides = array<i32>} : memref<16x128xf32, #tpu.memory_space<vmem>>, vector<16xf32>,
        %mul3A_2618 = arith.mulf %get3A_2617, %gather3A_2559 : vector<16xf32>
        %swap3A_2619 = arith.constant 10 : i32
        %swap3A_2620 = arith.index_cast %swap3A_2619 : i32 to index
        %swap3A_2621 = arith.constant 96 : index
        %swap3A_2622 = tpu.vector_load %arg27[%swap3A_2620, %swap3A_2621] {strides = array<i32>} : memref<16x128xf32, #tpu.memory_space<vmem>>, vector<16xf32>,
        tpu.vector_store %arg27[%swap3A_2620, %swap3A_2621], %mul3A_2618 {strides = array<i32>} : memref<16x128xf32, #tpu.memory_space<vmem>>, vector<16xf32>,
        %get3A_2623 = arith.constant 10 : i32
        %get3A_2624 = arith.index_cast %get3A_2623 : i32 to index
        %get3A_2625 = arith.constant 112 : index
        %get3A_2626 = tpu.vector_load %arg26[%get3A_2624, %get3A_2625] {strides = array<i32>} : memref<16x128xf32, #tpu.memory_space<vmem>>, vector<16xf32>,
        %mul3A_2627 = arith.mulf %get3A_2626, %gather3A_2559 : vector<16xf32>
        %swap3A_2628 = arith.constant 10 : i32
        %swap3A_2629 = arith.index_cast %swap3A_2628 : i32 to index
        %swap3A_2630 = arith.constant 112 : index
        %swap3A_2631 = tpu.vector_load %arg27[%swap3A_2629, %swap3A_2630] {strides = array<i32>} : memref<16x128xf32, #tpu.memory_space<vmem>>, vector<16xf32>,
        tpu.vector_store %arg27[%swap3A_2629, %swap3A_2630], %mul3A_2627 {strides = array<i32>} : memref<16x128xf32, #tpu.memory_space<vmem>>, vector<16xf32>,
        %broadcast_in_dim3A_2632 = arith.constant 11 : i32
        %broadcast_in_dim3A_2633 = vector.broadcast %broadcast_in_dim3A_2632 : i32 to vector<16xi32>
        %gather3A_2634 = tpu.vector_load_idx %arg30[%broadcast_in_dim3A_2633] : memref<16xf32, #tpu.memory_space<vmem>>[vector<16xi32>], vector<16xf32>,
        %get3A_2635 = arith.constant 11 : i32
        %get3A_2636 = arith.index_cast %get3A_2635 : i32 to index
        %get3A_2637 = arith.constant 0 : index
        %get3A_2638 = tpu.vector_load %arg26[%get3A_2636, %get3A_2637] {strides = array<i32>} : memref<16x128xf32, #tpu.memory_space<vmem>>, vector<16xf32>,
        %mul3A_2639 = arith.mulf %get3A_2638, %gather3A_2634 : vector<16xf32>
        %swap3A_2640 = arith.constant 11 : i32
        %swap3A_2641 = arith.index_cast %swap3A_2640 : i32 to index
        %swap3A_2642 = arith.constant 0 : index
        %swap3A_2643 = tpu.vector_load %arg27[%swap3A_2641, %swap3A_2642] {strides = array<i32>} : memref<16x128xf32, #tpu.memory_space<vmem>>, vector<16xf32>,
        tpu.vector_store %arg27[%swap3A_2641, %swap3A_2642], %mul3A_2639 {strides = array<i32>} : memref<16x128xf32, #tpu.memory_space<vmem>>, vector<16xf32>,
        %get3A_2644 = arith.constant 11 : i32
        %get3A_2645 = arith.index_cast %get3A_2644 : i32 to index
        %get3A_2646 = arith.constant 16 : index
        %get3A_2647 = tpu.vector_load %arg26[%get3A_2645, %get3A_2646] {strides = array<i32>} : memref<16x128xf32, #tpu.memory_space<vmem>>, vector<16xf32>,
        %mul3A_2648 = arith.mulf %get3A_2647, %gather3A_2634 : vector<16xf32>
        %swap3A_2649 = arith.constant 11 : i32
        %swap3A_2650 = arith.index_cast %swap3A_2649 : i32 to index
        %swap3A_2651 = arith.constant 16 : index
        %swap3A_2652 = tpu.vector_load %arg27[%swap3A_2650, %swap3A_2651] {strides = array<i32>} : memref<16x128xf32, #tpu.memory_space<vmem>>, vector<16xf32>,
        tpu.vector_store %arg27[%swap3A_2650, %swap3A_2651], %mul3A_2648 {strides = array<i32>} : memref<16x128xf32, #tpu.memory_space<vmem>>, vector<16xf32>,
        %get3A_2653 = arith.constant 11 : i32
        %get3A_2654 = arith.index_cast %get3A_2653 : i32 to index
        %get3A_2655 = arith.constant 32 : index
        %get3A_2656 = tpu.vector_load %arg26[%get3A_2654, %get3A_2655] {strides = array<i32>} : memref<16x128xf32, #tpu.memory_space<vmem>>, vector<16xf32>,
        %mul3A_2657 = arith.mulf %get3A_2656, %gather3A_2634 : vector<16xf32>
        %swap3A_2658 = arith.constant 11 : i32
        %swap3A_2659 = arith.index_cast %swap3A_2658 : i32 to index
        %swap3A_2660 = arith.constant 32 : index
        %swap3A_2661 = tpu.vector_load %arg27[%swap3A_2659, %swap3A_2660] {strides = array<i32>} : memref<16x128xf32, #tpu.memory_space<vmem>>, vector<16xf32>,
        tpu.vector_store %arg27[%swap3A_2659, %swap3A_2660], %mul3A_2657 {strides = array<i32>} : memref<16x128xf32, #tpu.memory_space<vmem>>, vector<16xf32>,
        %get3A_2662 = arith.constant 11 : i32
        %get3A_2663 = arith.index_cast %get3A_2662 : i32 to index
        %get3A_2664 = arith.constant 48 : index
        %get3A_2665 = tpu.vector_load %arg26[%get3A_2663, %get3A_2664] {strides = array<i32>} : memref<16x128xf32, #tpu.memory_space<vmem>>, vector<16xf32>,
        %mul3A_2666 = arith.mulf %get3A_2665, %gather3A_2634 : vector<16xf32>
        %swap3A_2667 = arith.constant 11 : i32
        %swap3A_2668 = arith.index_cast %swap3A_2667 : i32 to index
        %swap3A_2669 = arith.constant 48 : index
        %swap3A_2670 = tpu.vector_load %arg27[%swap3A_2668, %swap3A_2669] {strides = array<i32>} : memref<16x128xf32, #tpu.memory_space<vmem>>, vector<16xf32>,
        tpu.vector_store %arg27[%swap3A_2668, %swap3A_2669], %mul3A_2666 {strides = array<i32>} : memref<16x128xf32, #tpu.memory_space<vmem>>, vector<16xf32>,
        %get3A_2671 = arith.constant 11 : i32
        %get3A_2672 = arith.index_cast %get3A_2671 : i32 to index
        %get3A_2673 = arith.constant 64 : index
        %get3A_2674 = tpu.vector_load %arg26[%get3A_2672, %get3A_2673] {strides = array<i32>} : memref<16x128xf32, #tpu.memory_space<vmem>>, vector<16xf32>,
        %mul3A_2675 = arith.mulf %get3A_2674, %gather3A_2634 : vector<16xf32>
        %swap3A_2676 = arith.constant 11 : i32
        %swap3A_2677 = arith.index_cast %swap3A_2676 : i32 to index
        %swap3A_2678 = arith.constant 64 : index
        %swap3A_2679 = tpu.vector_load %arg27[%swap3A_2677, %swap3A_2678] {strides = array<i32>} : memref<16x128xf32, #tpu.memory_space<vmem>>, vector<16xf32>,
        tpu.vector_store %arg27[%swap3A_2677, %swap3A_2678], %mul3A_2675 {strides = array<i32>} : memref<16x128xf32, #tpu.memory_space<vmem>>, vector<16xf32>,
        %get3A_2680 = arith.constant 11 : i32
        %get3A_2681 = arith.index_cast %get3A_2680 : i32 to index
        %get3A_2682 = arith.constant 80 : index
        %get3A_2683 = tpu.vector_load %arg26[%get3A_2681, %get3A_2682] {strides = array<i32>} : memref<16x128xf32, #tpu.memory_space<vmem>>, vector<16xf32>,
        %mul3A_2684 = arith.mulf %get3A_2683, %gather3A_2634 : vector<16xf32>
        %swap3A_2685 = arith.constant 11 : i32
        %swap3A_2686 = arith.index_cast %swap3A_2685 : i32 to index
        %swap3A_2687 = arith.constant 80 : index
        %swap3A_2688 = tpu.vector_load %arg27[%swap3A_2686, %swap3A_2687] {strides = array<i32>} : memref<16x128xf32, #tpu.memory_space<vmem>>, vector<16xf32>,
        tpu.vector_store %arg27[%swap3A_2686, %swap3A_2687], %mul3A_2684 {strides = array<i32>} : memref<16x128xf32, #tpu.memory_space<vmem>>, vector<16xf32>,
        %get3A_2689 = arith.constant 11 : i32
        %get3A_2690 = arith.index_cast %get3A_2689 : i32 to index
        %get3A_2691 = arith.constant 96 : index
        %get3A_2692 = tpu.vector_load %arg26[%get3A_2690, %get3A_2691] {strides = array<i32>} : memref<16x128xf32, #tpu.memory_space<vmem>>, vector<16xf32>,
        %mul3A_2693 = arith.mulf %get3A_2692, %gather3A_2634 : vector<16xf32>
        %swap3A_2694 = arith.constant 11 : i32
        %swap3A_2695 = arith.index_cast %swap3A_2694 : i32 to index
        %swap3A_2696 = arith.constant 96 : index
        %swap3A_2697 = tpu.vector_load %arg27[%swap3A_2695, %swap3A_2696] {strides = array<i32>} : memref<16x128xf32, #tpu.memory_space<vmem>>, vector<16xf32>,
        tpu.vector_store %arg27[%swap3A_2695, %swap3A_2696], %mul3A_2693 {strides = array<i32>} : memref<16x128xf32, #tpu.memory_space<vmem>>, vector<16xf32>,
        %get3A_2698 = arith.constant 11 : i32
        %get3A_2699 = arith.index_cast %get3A_2698 : i32 to index
        %get3A_2700 = arith.constant 112 : index
        %get3A_2701 = tpu.vector_load %arg26[%get3A_2699, %get3A_2700] {strides = array<i32>} : memref<16x128xf32, #tpu.memory_space<vmem>>, vector<16xf32>,
        %mul3A_2702 = arith.mulf %get3A_2701, %gather3A_2634 : vector<16xf32>
        %swap3A_2703 = arith.constant 11 : i32
        %swap3A_2704 = arith.index_cast %swap3A_2703 : i32 to index
        %swap3A_2705 = arith.constant 112 : index
        %swap3A_2706 = tpu.vector_load %arg27[%swap3A_2704, %swap3A_2705] {strides = array<i32>} : memref<16x128xf32, #tpu.memory_space<vmem>>, vector<16xf32>,
        tpu.vector_store %arg27[%swap3A_2704, %swap3A_2705], %mul3A_2702 {strides = array<i32>} : memref<16x128xf32, #tpu.memory_space<vmem>>, vector<16xf32>,
        %broadcast_in_dim3A_2707 = arith.constant 12 : i32
        %broadcast_in_dim3A_2708 = vector.broadcast %broadcast_in_dim3A_2707 : i32 to vector<16xi32>
        %gather3A_2709 = tpu.vector_load_idx %arg30[%broadcast_in_dim3A_2708] : memref<16xf32, #tpu.memory_space<vmem>>[vector<16xi32>], vector<16xf32>,
        %get3A_2710 = arith.constant 12 : i32
        %get3A_2711 = arith.index_cast %get3A_2710 : i32 to index
        %get3A_2712 = arith.constant 0 : index
        %get3A_2713 = tpu.vector_load %arg26[%get3A_2711, %get3A_2712] {strides = array<i32>} : memref<16x128xf32, #tpu.memory_space<vmem>>, vector<16xf32>,
        %mul3A_2714 = arith.mulf %get3A_2713, %gather3A_2709 : vector<16xf32>
        %swap3A_2715 = arith.constant 12 : i32
        %swap3A_2716 = arith.index_cast %swap3A_2715 : i32 to index
        %swap3A_2717 = arith.constant 0 : index
        %swap3A_2718 = tpu.vector_load %arg27[%swap3A_2716, %swap3A_2717] {strides = array<i32>} : memref<16x128xf32, #tpu.memory_space<vmem>>, vector<16xf32>,
        tpu.vector_store %arg27[%swap3A_2716, %swap3A_2717], %mul3A_2714 {strides = array<i32>} : memref<16x128xf32, #tpu.memory_space<vmem>>, vector<16xf32>,
        %get3A_2719 = arith.constant 12 : i32
        %get3A_2720 = arith.index_cast %get3A_2719 : i32 to index
        %get3A_2721 = arith.constant 16 : index
        %get3A_2722 = tpu.vector_load %arg26[%get3A_2720, %get3A_2721] {strides = array<i32>} : memref<16x128xf32, #tpu.memory_space<vmem>>, vector<16xf32>,
        %mul3A_2723 = arith.mulf %get3A_2722, %gather3A_2709 : vector<16xf32>
        %swap3A_2724 = arith.constant 12 : i32
        %swap3A_2725 = arith.index_cast %swap3A_2724 : i32 to index
        %swap3A_2726 = arith.constant 16 : index
        %swap3A_2727 = tpu.vector_load %arg27[%swap3A_2725, %swap3A_2726] {strides = array<i32>} : memref<16x128xf32, #tpu.memory_space<vmem>>, vector<16xf32>,
        tpu.vector_store %arg27[%swap3A_2725, %swap3A_2726], %mul3A_2723 {strides = array<i32>} : memref<16x128xf32, #tpu.memory_space<vmem>>, vector<16xf32>,
        %get3A_2728 = arith.constant 12 : i32
        %get3A_2729 = arith.index_cast %get3A_2728 : i32 to index
        %get3A_2730 = arith.constant 32 : index
        %get3A_2731 = tpu.vector_load %arg26[%get3A_2729, %get3A_2730] {strides = array<i32>} : memref<16x128xf32, #tpu.memory_space<vmem>>, vector<16xf32>,
        %mul3A_2732 = arith.mulf %get3A_2731, %gather3A_2709 : vector<16xf32>
        %swap3A_2733 = arith.constant 12 : i32
        %swap3A_2734 = arith.index_cast %swap3A_2733 : i32 to index
        %swap3A_2735 = arith.constant 32 : index
        %swap3A_2736 = tpu.vector_load %arg27[%swap3A_2734, %swap3A_2735] {strides = array<i32>} : memref<16x128xf32, #tpu.memory_space<vmem>>, vector<16xf32>,
        tpu.vector_store %arg27[%swap3A_2734, %swap3A_2735], %mul3A_2732 {strides = array<i32>} : memref<16x128xf32, #tpu.memory_space<vmem>>, vector<16xf32>,
        %get3A_2737 = arith.constant 12 : i32
        %get3A_2738 = arith.index_cast %get3A_2737 : i32 to index
        %get3A_2739 = arith.constant 48 : index
        %get3A_2740 = tpu.vector_load %arg26[%get3A_2738, %get3A_2739] {strides = array<i32>} : memref<16x128xf32, #tpu.memory_space<vmem>>, vector<16xf32>,
        %mul3A_2741 = arith.mulf %get3A_2740, %gather3A_2709 : vector<16xf32>
        %swap3A_2742 = arith.constant 12 : i32
        %swap3A_2743 = arith.index_cast %swap3A_2742 : i32 to index
        %swap3A_2744 = arith.constant 48 : index
        %swap3A_2745 = tpu.vector_load %arg27[%swap3A_2743, %swap3A_2744] {strides = array<i32>} : memref<16x128xf32, #tpu.memory_space<vmem>>, vector<16xf32>,
        tpu.vector_store %arg27[%swap3A_2743, %swap3A_2744], %mul3A_2741 {strides = array<i32>} : memref<16x128xf32, #tpu.memory_space<vmem>>, vector<16xf32>,
        %get3A_2746 = arith.constant 12 : i32
        %get3A_2747 = arith.index_cast %get3A_2746 : i32 to index
        %get3A_2748 = arith.constant 64 : index
        %get3A_2749 = tpu.vector_load %arg26[%get3A_2747, %get3A_2748] {strides = array<i32>} : memref<16x128xf32, #tpu.memory_space<vmem>>, vector<16xf32>,
        %mul3A_2750 = arith.mulf %get3A_2749, %gather3A_2709 : vector<16xf32>
        %swap3A_2751 = arith.constant 12 : i32
        %swap3A_2752 = arith.index_cast %swap3A_2751 : i32 to index
        %swap3A_2753 = arith.constant 64 : index
        %swap3A_2754 = tpu.vector_load %arg27[%swap3A_2752, %swap3A_2753] {strides = array<i32>} : memref<16x128xf32, #tpu.memory_space<vmem>>, vector<16xf32>,
        tpu.vector_store %arg27[%swap3A_2752, %swap3A_2753], %mul3A_2750 {strides = array<i32>} : memref<16x128xf32, #tpu.memory_space<vmem>>, vector<16xf32>,
        %get3A_2755 = arith.constant 12 : i32
        %get3A_2756 = arith.index_cast %get3A_2755 : i32 to index
        %get3A_2757 = arith.constant 80 : index
        %get3A_2758 = tpu.vector_load %arg26[%get3A_2756, %get3A_2757] {strides = array<i32>} : memref<16x128xf32, #tpu.memory_space<vmem>>, vector<16xf32>,
        %mul3A_2759 = arith.mulf %get3A_2758, %gather3A_2709 : vector<16xf32>
        %swap3A_2760 = arith.constant 12 : i32
        %swap3A_2761 = arith.index_cast %swap3A_2760 : i32 to index
        %swap3A_2762 = arith.constant 80 : index
        %swap3A_2763 = tpu.vector_load %arg27[%swap3A_2761, %swap3A_2762] {strides = array<i32>} : memref<16x128xf32, #tpu.memory_space<vmem>>, vector<16xf32>,
        tpu.vector_store %arg27[%swap3A_2761, %swap3A_2762], %mul3A_2759 {strides = array<i32>} : memref<16x128xf32, #tpu.memory_space<vmem>>, vector<16xf32>,
        %get3A_2764 = arith.constant 12 : i32
        %get3A_2765 = arith.index_cast %get3A_2764 : i32 to index
        %get3A_2766 = arith.constant 96 : index
        %get3A_2767 = tpu.vector_load %arg26[%get3A_2765, %get3A_2766] {strides = array<i32>} : memref<16x128xf32, #tpu.memory_space<vmem>>, vector<16xf32>,
        %mul3A_2768 = arith.mulf %get3A_2767, %gather3A_2709 : vector<16xf32>
        %swap3A_2769 = arith.constant 12 : i32
        %swap3A_2770 = arith.index_cast %swap3A_2769 : i32 to index
        %swap3A_2771 = arith.constant 96 : index
        %swap3A_2772 = tpu.vector_load %arg27[%swap3A_2770, %swap3A_2771] {strides = array<i32>} : memref<16x128xf32, #tpu.memory_space<vmem>>, vector<16xf32>,
        tpu.vector_store %arg27[%swap3A_2770, %swap3A_2771], %mul3A_2768 {strides = array<i32>} : memref<16x128xf32, #tpu.memory_space<vmem>>, vector<16xf32>,
        %get3A_2773 = arith.constant 12 : i32
        %get3A_2774 = arith.index_cast %get3A_2773 : i32 to index
        %get3A_2775 = arith.constant 112 : index
        %get3A_2776 = tpu.vector_load %arg26[%get3A_2774, %get3A_2775] {strides = array<i32>} : memref<16x128xf32, #tpu.memory_space<vmem>>, vector<16xf32>,
        %mul3A_2777 = arith.mulf %get3A_2776, %gather3A_2709 : vector<16xf32>
        %swap3A_2778 = arith.constant 12 : i32
        %swap3A_2779 = arith.index_cast %swap3A_2778 : i32 to index
        %swap3A_2780 = arith.constant 112 : index
        %swap3A_2781 = tpu.vector_load %arg27[%swap3A_2779, %swap3A_2780] {strides = array<i32>} : memref<16x128xf32, #tpu.memory_space<vmem>>, vector<16xf32>,
        tpu.vector_store %arg27[%swap3A_2779, %swap3A_2780], %mul3A_2777 {strides = array<i32>} : memref<16x128xf32, #tpu.memory_space<vmem>>, vector<16xf32>,
        %broadcast_in_dim3A_2782 = arith.constant 13 : i32
        %broadcast_in_dim3A_2783 = vector.broadcast %broadcast_in_dim3A_2782 : i32 to vector<16xi32>
        %gather3A_2784 = tpu.vector_load_idx %arg30[%broadcast_in_dim3A_2783] : memref<16xf32, #tpu.memory_space<vmem>>[vector<16xi32>], vector<16xf32>,
        %get3A_2785 = arith.constant 13 : i32
        %get3A_2786 = arith.index_cast %get3A_2785 : i32 to index
        %get3A_2787 = arith.constant 0 : index
        %get3A_2788 = tpu.vector_load %arg26[%get3A_2786, %get3A_2787] {strides = array<i32>} : memref<16x128xf32, #tpu.memory_space<vmem>>, vector<16xf32>,
        %mul3A_2789 = arith.mulf %get3A_2788, %gather3A_2784 : vector<16xf32>
        %swap3A_2790 = arith.constant 13 : i32
        %swap3A_2791 = arith.index_cast %swap3A_2790 : i32 to index
        %swap3A_2792 = arith.constant 0 : index
        %swap3A_2793 = tpu.vector_load %arg27[%swap3A_2791, %swap3A_2792] {strides = array<i32>} : memref<16x128xf32, #tpu.memory_space<vmem>>, vector<16xf32>,
        tpu.vector_store %arg27[%swap3A_2791, %swap3A_2792], %mul3A_2789 {strides = array<i32>} : memref<16x128xf32, #tpu.memory_space<vmem>>, vector<16xf32>,
        %get3A_2794 = arith.constant 13 : i32
        %get3A_2795 = arith.index_cast %get3A_2794 : i32 to index
        %get3A_2796 = arith.constant 16 : index
        %get3A_2797 = tpu.vector_load %arg26[%get3A_2795, %get3A_2796] {strides = array<i32>} : memref<16x128xf32, #tpu.memory_space<vmem>>, vector<16xf32>,
        %mul3A_2798 = arith.mulf %get3A_2797, %gather3A_2784 : vector<16xf32>
        %swap3A_2799 = arith.constant 13 : i32
        %swap3A_2800 = arith.index_cast %swap3A_2799 : i32 to index
        %swap3A_2801 = arith.constant 16 : index
        %swap3A_2802 = tpu.vector_load %arg27[%swap3A_2800, %swap3A_2801] {strides = array<i32>} : memref<16x128xf32, #tpu.memory_space<vmem>>, vector<16xf32>,
        tpu.vector_store %arg27[%swap3A_2800, %swap3A_2801], %mul3A_2798 {strides = array<i32>} : memref<16x128xf32, #tpu.memory_space<vmem>>, vector<16xf32>,
        %get3A_2803 = arith.constant 13 : i32
        %get3A_2804 = arith.index_cast %get3A_2803 : i32 to index
        %get3A_2805 = arith.constant 32 : index
        %get3A_2806 = tpu.vector_load %arg26[%get3A_2804, %get3A_2805] {strides = array<i32>} : memref<16x128xf32, #tpu.memory_space<vmem>>, vector<16xf32>,
        %mul3A_2807 = arith.mulf %get3A_2806, %gather3A_2784 : vector<16xf32>
        %swap3A_2808 = arith.constant 13 : i32
        %swap3A_2809 = arith.index_cast %swap3A_2808 : i32 to index
        %swap3A_2810 = arith.constant 32 : index
        %swap3A_2811 = tpu.vector_load %arg27[%swap3A_2809, %swap3A_2810] {strides = array<i32>} : memref<16x128xf32, #tpu.memory_space<vmem>>, vector<16xf32>,
        tpu.vector_store %arg27[%swap3A_2809, %swap3A_2810], %mul3A_2807 {strides = array<i32>} : memref<16x128xf32, #tpu.memory_space<vmem>>, vector<16xf32>,
        %get3A_2812 = arith.constant 13 : i32
        %get3A_2813 = arith.index_cast %get3A_2812 : i32 to index
        %get3A_2814 = arith.constant 48 : index
        %get3A_2815 = tpu.vector_load %arg26[%get3A_2813, %get3A_2814] {strides = array<i32>} : memref<16x128xf32, #tpu.memory_space<vmem>>, vector<16xf32>,
        %mul3A_2816 = arith.mulf %get3A_2815, %gather3A_2784 : vector<16xf32>
        %swap3A_2817 = arith.constant 13 : i32
        %swap3A_2818 = arith.index_cast %swap3A_2817 : i32 to index
        %swap3A_2819 = arith.constant 48 : index
        %swap3A_2820 = tpu.vector_load %arg27[%swap3A_2818, %swap3A_2819] {strides = array<i32>} : memref<16x128xf32, #tpu.memory_space<vmem>>, vector<16xf32>,
        tpu.vector_store %arg27[%swap3A_2818, %swap3A_2819], %mul3A_2816 {strides = array<i32>} : memref<16x128xf32, #tpu.memory_space<vmem>>, vector<16xf32>,
        %get3A_2821 = arith.constant 13 : i32
        %get3A_2822 = arith.index_cast %get3A_2821 : i32 to index
        %get3A_2823 = arith.constant 64 : index
        %get3A_2824 = tpu.vector_load %arg26[%get3A_2822, %get3A_2823] {strides = array<i32>} : memref<16x128xf32, #tpu.memory_space<vmem>>, vector<16xf32>,
        %mul3A_2825 = arith.mulf %get3A_2824, %gather3A_2784 : vector<16xf32>
        %swap3A_2826 = arith.constant 13 : i32
        %swap3A_2827 = arith.index_cast %swap3A_2826 : i32 to index
        %swap3A_2828 = arith.constant 64 : index
        %swap3A_2829 = tpu.vector_load %arg27[%swap3A_2827, %swap3A_2828] {strides = array<i32>} : memref<16x128xf32, #tpu.memory_space<vmem>>, vector<16xf32>,
        tpu.vector_store %arg27[%swap3A_2827, %swap3A_2828], %mul3A_2825 {strides = array<i32>} : memref<16x128xf32, #tpu.memory_space<vmem>>, vector<16xf32>,
        %get3A_2830 = arith.constant 13 : i32
        %get3A_2831 = arith.index_cast %get3A_2830 : i32 to index
        %get3A_2832 = arith.constant 80 : index
        %get3A_2833 = tpu.vector_load %arg26[%get3A_2831, %get3A_2832] {strides = array<i32>} : memref<16x128xf32, #tpu.memory_space<vmem>>, vector<16xf32>,
        %mul3A_2834 = arith.mulf %get3A_2833, %gather3A_2784 : vector<16xf32>
        %swap3A_2835 = arith.constant 13 : i32
        %swap3A_2836 = arith.index_cast %swap3A_2835 : i32 to index
        %swap3A_2837 = arith.constant 80 : index
        %swap3A_2838 = tpu.vector_load %arg27[%swap3A_2836, %swap3A_2837] {strides = array<i32>} : memref<16x128xf32, #tpu.memory_space<vmem>>, vector<16xf32>,
        tpu.vector_store %arg27[%swap3A_2836, %swap3A_2837], %mul3A_2834 {strides = array<i32>} : memref<16x128xf32, #tpu.memory_space<vmem>>, vector<16xf32>,
        %get3A_2839 = arith.constant 13 : i32
        %get3A_2840 = arith.index_cast %get3A_2839 : i32 to index
        %get3A_2841 = arith.constant 96 : index
        %get3A_2842 = tpu.vector_load %arg26[%get3A_2840, %get3A_2841] {strides = array<i32>} : memref<16x128xf32, #tpu.memory_space<vmem>>, vector<16xf32>,
        %mul3A_2843 = arith.mulf %get3A_2842, %gather3A_2784 : vector<16xf32>
        %swap3A_2844 = arith.constant 13 : i32
        %swap3A_2845 = arith.index_cast %swap3A_2844 : i32 to index
        %swap3A_2846 = arith.constant 96 : index
        %swap3A_2847 = tpu.vector_load %arg27[%swap3A_2845, %swap3A_2846] {strides = array<i32>} : memref<16x128xf32, #tpu.memory_space<vmem>>, vector<16xf32>,
        tpu.vector_store %arg27[%swap3A_2845, %swap3A_2846], %mul3A_2843 {strides = array<i32>} : memref<16x128xf32, #tpu.memory_space<vmem>>, vector<16xf32>,
        %get3A_2848 = arith.constant 13 : i32
        %get3A_2849 = arith.index_cast %get3A_2848 : i32 to index
        %get3A_2850 = arith.constant 112 : index
        %get3A_2851 = tpu.vector_load %arg26[%get3A_2849, %get3A_2850] {strides = array<i32>} : memref<16x128xf32, #tpu.memory_space<vmem>>, vector<16xf32>,
        %mul3A_2852 = arith.mulf %get3A_2851, %gather3A_2784 : vector<16xf32>
        %swap3A_2853 = arith.constant 13 : i32
        %swap3A_2854 = arith.index_cast %swap3A_2853 : i32 to index
        %swap3A_2855 = arith.constant 112 : index
        %swap3A_2856 = tpu.vector_load %arg27[%swap3A_2854, %swap3A_2855] {strides = array<i32>} : memref<16x128xf32, #tpu.memory_space<vmem>>, vector<16xf32>,
        tpu.vector_store %arg27[%swap3A_2854, %swap3A_2855], %mul3A_2852 {strides = array<i32>} : memref<16x128xf32, #tpu.memory_space<vmem>>, vector<16xf32>,
        %broadcast_in_dim3A_2857 = arith.constant 14 : i32
        %broadcast_in_dim3A_2858 = vector.broadcast %broadcast_in_dim3A_2857 : i32 to vector<16xi32>
        %gather3A_2859 = tpu.vector_load_idx %arg30[%broadcast_in_dim3A_2858] : memref<16xf32, #tpu.memory_space<vmem>>[vector<16xi32>], vector<16xf32>,
        %get3A_2860 = arith.constant 14 : i32
        %get3A_2861 = arith.index_cast %get3A_2860 : i32 to index
        %get3A_2862 = arith.constant 0 : index
        %get3A_2863 = tpu.vector_load %arg26[%get3A_2861, %get3A_2862] {strides = array<i32>} : memref<16x128xf32, #tpu.memory_space<vmem>>, vector<16xf32>,
        %mul3A_2864 = arith.mulf %get3A_2863, %gather3A_2859 : vector<16xf32>
        %swap3A_2865 = arith.constant 14 : i32
        %swap3A_2866 = arith.index_cast %swap3A_2865 : i32 to index
        %swap3A_2867 = arith.constant 0 : index
        %swap3A_2868 = tpu.vector_load %arg27[%swap3A_2866, %swap3A_2867] {strides = array<i32>} : memref<16x128xf32, #tpu.memory_space<vmem>>, vector<16xf32>,
        tpu.vector_store %arg27[%swap3A_2866, %swap3A_2867], %mul3A_2864 {strides = array<i32>} : memref<16x128xf32, #tpu.memory_space<vmem>>, vector<16xf32>,
        %get3A_2869 = arith.constant 14 : i32
        %get3A_2870 = arith.index_cast %get3A_2869 : i32 to index
        %get3A_2871 = arith.constant 16 : index
        %get3A_2872 = tpu.vector_load %arg26[%get3A_2870, %get3A_2871] {strides = array<i32>} : memref<16x128xf32, #tpu.memory_space<vmem>>, vector<16xf32>,
        %mul3A_2873 = arith.mulf %get3A_2872, %gather3A_2859 : vector<16xf32>
        %swap3A_2874 = arith.constant 14 : i32
        %swap3A_2875 = arith.index_cast %swap3A_2874 : i32 to index
        %swap3A_2876 = arith.constant 16 : index
        %swap3A_2877 = tpu.vector_load %arg27[%swap3A_2875, %swap3A_2876] {strides = array<i32>} : memref<16x128xf32, #tpu.memory_space<vmem>>, vector<16xf32>,
        tpu.vector_store %arg27[%swap3A_2875, %swap3A_2876], %mul3A_2873 {strides = array<i32>} : memref<16x128xf32, #tpu.memory_space<vmem>>, vector<16xf32>,
        %get3A_2878 = arith.constant 14 : i32
        %get3A_2879 = arith.index_cast %get3A_2878 : i32 to index
        %get3A_2880 = arith.constant 32 : index
        %get3A_2881 = tpu.vector_load %arg26[%get3A_2879, %get3A_2880] {strides = array<i32>} : memref<16x128xf32, #tpu.memory_space<vmem>>, vector<16xf32>,
        %mul3A_2882 = arith.mulf %get3A_2881, %gather3A_2859 : vector<16xf32>
        %swap3A_2883 = arith.constant 14 : i32
        %swap3A_2884 = arith.index_cast %swap3A_2883 : i32 to index
        %swap3A_2885 = arith.constant 32 : index
        %swap3A_2886 = tpu.vector_load %arg27[%swap3A_2884, %swap3A_2885] {strides = array<i32>} : memref<16x128xf32, #tpu.memory_space<vmem>>, vector<16xf32>,
        tpu.vector_store %arg27[%swap3A_2884, %swap3A_2885], %mul3A_2882 {strides = array<i32>} : memref<16x128xf32, #tpu.memory_space<vmem>>, vector<16xf32>,
        %get3A_2887 = arith.constant 14 : i32
        %get3A_2888 = arith.index_cast %get3A_2887 : i32 to index
        %get3A_2889 = arith.constant 48 : index
        %get3A_2890 = tpu.vector_load %arg26[%get3A_2888, %get3A_2889] {strides = array<i32>} : memref<16x128xf32, #tpu.memory_space<vmem>>, vector<16xf32>,
        %mul3A_2891 = arith.mulf %get3A_2890, %gather3A_2859 : vector<16xf32>
        %swap3A_2892 = arith.constant 14 : i32
        %swap3A_2893 = arith.index_cast %swap3A_2892 : i32 to index
        %swap3A_2894 = arith.constant 48 : index
        %swap3A_2895 = tpu.vector_load %arg27[%swap3A_2893, %swap3A_2894] {strides = array<i32>} : memref<16x128xf32, #tpu.memory_space<vmem>>, vector<16xf32>,
        tpu.vector_store %arg27[%swap3A_2893, %swap3A_2894], %mul3A_2891 {strides = array<i32>} : memref<16x128xf32, #tpu.memory_space<vmem>>, vector<16xf32>,
        %get3A_2896 = arith.constant 14 : i32
        %get3A_2897 = arith.index_cast %get3A_2896 : i32 to index
        %get3A_2898 = arith.constant 64 : index
        %get3A_2899 = tpu.vector_load %arg26[%get3A_2897, %get3A_2898] {strides = array<i32>} : memref<16x128xf32, #tpu.memory_space<vmem>>, vector<16xf32>,
        %mul3A_2900 = arith.mulf %get3A_2899, %gather3A_2859 : vector<16xf32>
        %swap3A_2901 = arith.constant 14 : i32
        %swap3A_2902 = arith.index_cast %swap3A_2901 : i32 to index
        %swap3A_2903 = arith.constant 64 : index
        %swap3A_2904 = tpu.vector_load %arg27[%swap3A_2902, %swap3A_2903] {strides = array<i32>} : memref<16x128xf32, #tpu.memory_space<vmem>>, vector<16xf32>,
        tpu.vector_store %arg27[%swap3A_2902, %swap3A_2903], %mul3A_2900 {strides = array<i32>} : memref<16x128xf32, #tpu.memory_space<vmem>>, vector<16xf32>,
        %get3A_2905 = arith.constant 14 : i32
        %get3A_2906 = arith.index_cast %get3A_2905 : i32 to index
        %get3A_2907 = arith.constant 80 : index
        %get3A_2908 = tpu.vector_load %arg26[%get3A_2906, %get3A_2907] {strides = array<i32>} : memref<16x128xf32, #tpu.memory_space<vmem>>, vector<16xf32>,
        %mul3A_2909 = arith.mulf %get3A_2908, %gather3A_2859 : vector<16xf32>
        %swap3A_2910 = arith.constant 14 : i32
        %swap3A_2911 = arith.index_cast %swap3A_2910 : i32 to index
        %swap3A_2912 = arith.constant 80 : index
        %swap3A_2913 = tpu.vector_load %arg27[%swap3A_2911, %swap3A_2912] {strides = array<i32>} : memref<16x128xf32, #tpu.memory_space<vmem>>, vector<16xf32>,
        tpu.vector_store %arg27[%swap3A_2911, %swap3A_2912], %mul3A_2909 {strides = array<i32>} : memref<16x128xf32, #tpu.memory_space<vmem>>, vector<16xf32>,
        %get3A_2914 = arith.constant 14 : i32
        %get3A_2915 = arith.index_cast %get3A_2914 : i32 to index
        %get3A_2916 = arith.constant 96 : index
        %get3A_2917 = tpu.vector_load %arg26[%get3A_2915, %get3A_2916] {strides = array<i32>} : memref<16x128xf32, #tpu.memory_space<vmem>>, vector<16xf32>,
        %mul3A_2918 = arith.mulf %get3A_2917, %gather3A_2859 : vector<16xf32>
        %swap3A_2919 = arith.constant 14 : i32
        %swap3A_2920 = arith.index_cast %swap3A_2919 : i32 to index
        %swap3A_2921 = arith.constant 96 : index
        %swap3A_2922 = tpu.vector_load %arg27[%swap3A_2920, %swap3A_2921] {strides = array<i32>} : memref<16x128xf32, #tpu.memory_space<vmem>>, vector<16xf32>,
        tpu.vector_store %arg27[%swap3A_2920, %swap3A_2921], %mul3A_2918 {strides = array<i32>} : memref<16x128xf32, #tpu.memory_space<vmem>>, vector<16xf32>,
        %get3A_2923 = arith.constant 14 : i32
        %get3A_2924 = arith.index_cast %get3A_2923 : i32 to index
        %get3A_2925 = arith.constant 112 : index
        %get3A_2926 = tpu.vector_load %arg26[%get3A_2924, %get3A_2925] {strides = array<i32>} : memref<16x128xf32, #tpu.memory_space<vmem>>, vector<16xf32>,
        %mul3A_2927 = arith.mulf %get3A_2926, %gather3A_2859 : vector<16xf32>
        %swap3A_2928 = arith.constant 14 : i32
        %swap3A_2929 = arith.index_cast %swap3A_2928 : i32 to index
        %swap3A_2930 = arith.constant 112 : index
        %swap3A_2931 = tpu.vector_load %arg27[%swap3A_2929, %swap3A_2930] {strides = array<i32>} : memref<16x128xf32, #tpu.memory_space<vmem>>, vector<16xf32>,
        tpu.vector_store %arg27[%swap3A_2929, %swap3A_2930], %mul3A_2927 {strides = array<i32>} : memref<16x128xf32, #tpu.memory_space<vmem>>, vector<16xf32>,
        %broadcast_in_dim3A_2932 = arith.constant 15 : i32
        %broadcast_in_dim3A_2933 = vector.broadcast %broadcast_in_dim3A_2932 : i32 to vector<16xi32>
        %gather3A_2934 = tpu.vector_load_idx %arg30[%broadcast_in_dim3A_2933] : memref<16xf32, #tpu.memory_space<vmem>>[vector<16xi32>], vector<16xf32>,
        %get3A_2935 = arith.constant 15 : i32
        %get3A_2936 = arith.index_cast %get3A_2935 : i32 to index
        %get3A_2937 = arith.constant 0 : index
        %get3A_2938 = tpu.vector_load %arg26[%get3A_2936, %get3A_2937] {strides = array<i32>} : memref<16x128xf32, #tpu.memory_space<vmem>>, vector<16xf32>,
        %mul3A_2939 = arith.mulf %get3A_2938, %gather3A_2934 : vector<16xf32>
        %swap3A_2940 = arith.constant 15 : i32
        %swap3A_2941 = arith.index_cast %swap3A_2940 : i32 to index
        %swap3A_2942 = arith.constant 0 : index
        %swap3A_2943 = tpu.vector_load %arg27[%swap3A_2941, %swap3A_2942] {strides = array<i32>} : memref<16x128xf32, #tpu.memory_space<vmem>>, vector<16xf32>,
        tpu.vector_store %arg27[%swap3A_2941, %swap3A_2942], %mul3A_2939 {strides = array<i32>} : memref<16x128xf32, #tpu.memory_space<vmem>>, vector<16xf32>,
        %get3A_2944 = arith.constant 15 : i32
        %get3A_2945 = arith.index_cast %get3A_2944 : i32 to index
        %get3A_2946 = arith.constant 16 : index
        %get3A_2947 = tpu.vector_load %arg26[%get3A_2945, %get3A_2946] {strides = array<i32>} : memref<16x128xf32, #tpu.memory_space<vmem>>, vector<16xf32>,
        %mul3A_2948 = arith.mulf %get3A_2947, %gather3A_2934 : vector<16xf32>
        %swap3A_2949 = arith.constant 15 : i32
        %swap3A_2950 = arith.index_cast %swap3A_2949 : i32 to index
        %swap3A_2951 = arith.constant 16 : index
        %swap3A_2952 = tpu.vector_load %arg27[%swap3A_2950, %swap3A_2951] {strides = array<i32>} : memref<16x128xf32, #tpu.memory_space<vmem>>, vector<16xf32>,
        tpu.vector_store %arg27[%swap3A_2950, %swap3A_2951], %mul3A_2948 {strides = array<i32>} : memref<16x128xf32, #tpu.memory_space<vmem>>, vector<16xf32>,
        %get3A_2953 = arith.constant 15 : i32
        %get3A_2954 = arith.index_cast %get3A_2953 : i32 to index
        %get3A_2955 = arith.constant 32 : index
        %get3A_2956 = tpu.vector_load %arg26[%get3A_2954, %get3A_2955] {strides = array<i32>} : memref<16x128xf32, #tpu.memory_space<vmem>>, vector<16xf32>,
        %mul3A_2957 = arith.mulf %get3A_2956, %gather3A_2934 : vector<16xf32>
        %swap3A_2958 = arith.constant 15 : i32
        %swap3A_2959 = arith.index_cast %swap3A_2958 : i32 to index
        %swap3A_2960 = arith.constant 32 : index
        %swap3A_2961 = tpu.vector_load %arg27[%swap3A_2959, %swap3A_2960] {strides = array<i32>} : memref<16x128xf32, #tpu.memory_space<vmem>>, vector<16xf32>,
        tpu.vector_store %arg27[%swap3A_2959, %swap3A_2960], %mul3A_2957 {strides = array<i32>} : memref<16x128xf32, #tpu.memory_space<vmem>>, vector<16xf32>,
        %get3A_2962 = arith.constant 15 : i32
        %get3A_2963 = arith.index_cast %get3A_2962 : i32 to index
        %get3A_2964 = arith.constant 48 : index
        %get3A_2965 = tpu.vector_load %arg26[%get3A_2963, %get3A_2964] {strides = array<i32>} : memref<16x128xf32, #tpu.memory_space<vmem>>, vector<16xf32>,
        %mul3A_2966 = arith.mulf %get3A_2965, %gather3A_2934 : vector<16xf32>
        %swap3A_2967 = arith.constant 15 : i32
        %swap3A_2968 = arith.index_cast %swap3A_2967 : i32 to index
        %swap3A_2969 = arith.constant 48 : index
        %swap3A_2970 = tpu.vector_load %arg27[%swap3A_2968, %swap3A_2969] {strides = array<i32>} : memref<16x128xf32, #tpu.memory_space<vmem>>, vector<16xf32>,
        tpu.vector_store %arg27[%swap3A_2968, %swap3A_2969], %mul3A_2966 {strides = array<i32>} : memref<16x128xf32, #tpu.memory_space<vmem>>, vector<16xf32>,
        %get3A_2971 = arith.constant 15 : i32
        %get3A_2972 = arith.index_cast %get3A_2971 : i32 to index
        %get3A_2973 = arith.constant 64 : index
        %get3A_2974 = tpu.vector_load %arg26[%get3A_2972, %get3A_2973] {strides = array<i32>} : memref<16x128xf32, #tpu.memory_space<vmem>>, vector<16xf32>,
        %mul3A_2975 = arith.mulf %get3A_2974, %gather3A_2934 : vector<16xf32>
        %swap3A_2976 = arith.constant 15 : i32
        %swap3A_2977 = arith.index_cast %swap3A_2976 : i32 to index
        %swap3A_2978 = arith.constant 64 : index
        %swap3A_2979 = tpu.vector_load %arg27[%swap3A_2977, %swap3A_2978] {strides = array<i32>} : memref<16x128xf32, #tpu.memory_space<vmem>>, vector<16xf32>,
        tpu.vector_store %arg27[%swap3A_2977, %swap3A_2978], %mul3A_2975 {strides = array<i32>} : memref<16x128xf32, #tpu.memory_space<vmem>>, vector<16xf32>,
        %get3A_2980 = arith.constant 15 : i32
        %get3A_2981 = arith.index_cast %get3A_2980 : i32 to index
        %get3A_2982 = arith.constant 80 : index
        %get3A_2983 = tpu.vector_load %arg26[%get3A_2981, %get3A_2982] {strides = array<i32>} : memref<16x128xf32, #tpu.memory_space<vmem>>, vector<16xf32>,
        %mul3A_2984 = arith.mulf %get3A_2983, %gather3A_2934 : vector<16xf32>
        %swap3A_2985 = arith.constant 15 : i32
        %swap3A_2986 = arith.index_cast %swap3A_2985 : i32 to index
        %swap3A_2987 = arith.constant 80 : index
        %swap3A_2988 = tpu.vector_load %arg27[%swap3A_2986, %swap3A_2987] {strides = array<i32>} : memref<16x128xf32, #tpu.memory_space<vmem>>, vector<16xf32>,
        tpu.vector_store %arg27[%swap3A_2986, %swap3A_2987], %mul3A_2984 {strides = array<i32>} : memref<16x128xf32, #tpu.memory_space<vmem>>, vector<16xf32>,
        %get3A_2989 = arith.constant 15 : i32
        %get3A_2990 = arith.index_cast %get3A_2989 : i32 to index
        %get3A_2991 = arith.constant 96 : index
        %get3A_2992 = tpu.vector_load %arg26[%get3A_2990, %get3A_2991] {strides = array<i32>} : memref<16x128xf32, #tpu.memory_space<vmem>>, vector<16xf32>,
        %mul3A_2993 = arith.mulf %get3A_2992, %gather3A_2934 : vector<16xf32>
        %swap3A_2994 = arith.constant 15 : i32
        %swap3A_2995 = arith.index_cast %swap3A_2994 : i32 to index
        %swap3A_2996 = arith.constant 96 : index
        %swap3A_2997 = tpu.vector_load %arg27[%swap3A_2995, %swap3A_2996] {strides = array<i32>} : memref<16x128xf32, #tpu.memory_space<vmem>>, vector<16xf32>,
        tpu.vector_store %arg27[%swap3A_2995, %swap3A_2996], %mul3A_2993 {strides = array<i32>} : memref<16x128xf32, #tpu.memory_space<vmem>>, vector<16xf32>,
        %get3A_2998 = arith.constant 15 : i32
        %get3A_2999 = arith.index_cast %get3A_2998 : i32 to index
        %get3A_3000 = arith.constant 112 : index
        %get3A_3001 = tpu.vector_load %arg26[%get3A_2999, %get3A_3000] {strides = array<i32>} : memref<16x128xf32, #tpu.memory_space<vmem>>, vector<16xf32>,
        %mul3A_3002 = arith.mulf %get3A_3001, %gather3A_2934 : vector<16xf32>
        %swap3A_3003 = arith.constant 15 : i32
        %swap3A_3004 = arith.index_cast %swap3A_3003 : i32 to index
        %swap3A_3005 = arith.constant 112 : index
        %swap3A_3006 = tpu.vector_load %arg27[%swap3A_3004, %swap3A_3005] {strides = array<i32>} : memref<16x128xf32, #tpu.memory_space<vmem>>, vector<16xf32>,
        tpu.vector_store %arg27[%swap3A_3004, %swap3A_3005], %mul3A_3002 {strides = array<i32>} : memref<16x128xf32, #tpu.memory_space<vmem>>, vector<16xf32>,
        "tpu.region"() ({
          %run_scoped3A = tpu.sem_alloc : memref<!tpu.dma_semaphore, #tpu.memory_space<semaphore_mem>>
          %dma_start3A = arith.constant 0 : i32
          %dma_start3A_3007 = tpu.memref_slice %arg9[%mul3A_1807, %dma_start3A] : memref<10000x128xf32, #tpu.memory_space<hbm>> -> memref<16x128xf32, #tpu.memory_space<hbm>>
          %dma_start3A_3008 = arith.constant 0 : i32
          %dma_start3A_3009 = tpu.memref_slice %arg9[%mul3A_1807, %dma_start3A_3008] : memref<10000x128xf32, #tpu.memory_space<hbm>> -> memref<16x128xf32, #tpu.memory_space<hbm>>
          tpu.enqueue_dma source(%arg27 : memref<16x128xf32, #tpu.memory_space<vmem>>) target(%dma_start3A_3009 : memref<16x128xf32, #tpu.memory_space<hbm>>) target_semaphore(%run_scoped3A : memref<!tpu.dma_semaphore, #tpu.memory_space<semaphore_mem>>)
          %dma_wait3A = arith.constant 0 : i32
          %dma_wait3A_3010 = tpu.memref_slice %arg9[%mul3A_1807, %dma_wait3A] : memref<10000x128xf32, #tpu.memory_space<hbm>> -> memref<16x128xf32, #tpu.memory_space<hbm>>
          %dma_wait3A_3011 = arith.constant 0 : i32
          %dma_wait3A_3012 = tpu.memref_slice %arg9[%mul3A_1807, %dma_wait3A_3011] : memref<10000x128xf32, #tpu.memory_space<hbm>> -> memref<16x128xf32, #tpu.memory_space<hbm>>
          tpu.wait_dma2 semaphore(%run_scoped3A : memref<!tpu.dma_semaphore, #tpu.memory_space<semaphore_mem>>) src(%arg27 : memref<16x128xf32, #tpu.memory_space<vmem>>) dst(%dma_wait3A_3012 : memref<16x128xf32, #tpu.memory_space<hbm>>)
          tpu.yield
        }) : () -> ()
      } else {
      }
    }
    %scan3A_1758 = arith.constant 40 : i32
    %barrier3A_1759 = arith.constant 0 : index
    tpu.barrier barrier_id(%barrier3A_1759)
    %scan3A_1760 = arith.constant 0 : i32
    %scan3A_1761 = arith.constant 9 : i32
    %scan3A_1762 = arith.addi %scan3A_1760, %scan3A_1761 : i32
    %scan3A_1763 = arith.constant 1 : i32
    scf.for %scan3A_1798 = %scan3A_1760 to %scan3A_1762 step %scan3A_1763  : i32 {
      %lt3A = arith.constant 8 : i32
      %lt3A_1799 = arith.cmpi slt, %scan3A_1798, %lt3A : i32
      %convert_element_type3A_1800 = arith.extui %lt3A_1799 : i1 to i32
      %cond3A_1801 = arith.constant 0 : i32
      %cond3A_1802 = arith.cmpi ne, %convert_element_type3A_1800, %cond3A_1801 : i32
      scf.if %cond3A_1802 {
        "tpu.region"() ({
          %run_scoped3A = tpu.sem_alloc : memref<!tpu.dma_semaphore, #tpu.memory_space<semaphore_mem>>
          %dma_start3A = arith.constant 0 : i32
          %dma_start3A_1813 = arith.constant 0 : i32
          %dma_start3A_1814 = tpu.memref_slice %arg5[%arg0, %arg1, %scan3A_1798, %dma_start3A, %dma_start3A_1813] : memref<2x16x8x24x48xi32, #tpu.memory_space<hbm>> -> memref<1x1x1x24x48xi32, #tpu.memory_space<hbm>>
          %dma_start3A_1815 = tpu.memref_squeeze %dma_start3A_1814 : memref<1x1x1x24x48xi32, #tpu.memory_space<hbm>> -> memref<24x48xi32, #tpu.memory_space<hbm>>
          %dma_start3A_1816 = arith.constant 0 : i32
          %dma_start3A_1817 = arith.constant 0 : i32
          %dma_start3A_1818 = tpu.memref_slice %arg5[%arg0, %arg1, %scan3A_1798, %dma_start3A_1816, %dma_start3A_1817] : memref<2x16x8x24x48xi32, #tpu.memory_space<hbm>> -> memref<1x1x1x24x48xi32, #tpu.memory_space<hbm>>
          %dma_start3A_1819 = tpu.memref_squeeze %dma_start3A_1818 : memref<1x1x1x24x48xi32, #tpu.memory_space<hbm>> -> memref<24x48xi32, #tpu.memory_space<hbm>>
          tpu.enqueue_dma source(%dma_start3A_1819 : memref<24x48xi32, #tpu.memory_space<hbm>>) target(%arg15 : memref<24x48xi32, #tpu.memory_space<vmem>>) target_semaphore(%run_scoped3A : memref<!tpu.dma_semaphore, #tpu.memory_space<semaphore_mem>>)
          %dma_wait3A = arith.constant 0 : i32
          %dma_wait3A_1820 = arith.constant 0 : i32
          %dma_wait3A_1821 = tpu.memref_slice %arg5[%arg0, %arg1, %scan3A_1798, %dma_wait3A, %dma_wait3A_1820] : memref<2x16x8x24x48xi32, #tpu.memory_space<hbm>> -> memref<1x1x1x24x48xi32, #tpu.memory_space<hbm>>
          %dma_wait3A_1822 = tpu.memref_squeeze %dma_wait3A_1821 : memref<1x1x1x24x48xi32, #tpu.memory_space<hbm>> -> memref<24x48xi32, #tpu.memory_space<hbm>>
          %dma_wait3A_1823 = arith.constant 0 : i32
          %dma_wait3A_1824 = arith.constant 0 : i32
          %dma_wait3A_1825 = tpu.memref_slice %arg5[%arg0, %arg1, %scan3A_1798, %dma_wait3A_1823, %dma_wait3A_1824] : memref<2x16x8x24x48xi32, #tpu.memory_space<hbm>> -> memref<1x1x1x24x48xi32, #tpu.memory_space<hbm>>
          %dma_wait3A_1826 = tpu.memref_squeeze %dma_wait3A_1825 : memref<1x1x1x24x48xi32, #tpu.memory_space<hbm>> -> memref<24x48xi32, #tpu.memory_space<hbm>>
          tpu.wait_dma2 semaphore(%run_scoped3A : memref<!tpu.dma_semaphore, #tpu.memory_space<semaphore_mem>>) src(%dma_wait3A_1826 : memref<24x48xi32, #tpu.memory_space<hbm>>) dst(%arg15 : memref<24x48xi32, #tpu.memory_space<vmem>>)
          tpu.yield
        }) : () -> ()
        "tpu.region"() ({
          %run_scoped3A = tpu.sem_alloc : memref<!tpu.dma_semaphore, #tpu.memory_space<semaphore_mem>>
          %dma_start3A = arith.constant 0 : i32
          %dma_start3A_1813 = arith.constant 0 : i32
          %dma_start3A_1814 = tpu.memref_slice %arg6[%arg0, %arg1, %scan3A_1798, %dma_start3A, %dma_start3A_1813] : memref<2x16x8x24x48xi32, #tpu.memory_space<hbm>> -> memref<1x1x1x24x48xi32, #tpu.memory_space<hbm>>
          %dma_start3A_1815 = tpu.memref_squeeze %dma_start3A_1814 : memref<1x1x1x24x48xi32, #tpu.memory_space<hbm>> -> memref<24x48xi32, #tpu.memory_space<hbm>>
          %dma_start3A_1816 = arith.constant 0 : i32
          %dma_start3A_1817 = arith.constant 0 : i32
          %dma_start3A_1818 = tpu.memref_slice %arg6[%arg0, %arg1, %scan3A_1798, %dma_start3A_1816, %dma_start3A_1817] : memref<2x16x8x24x48xi32, #tpu.memory_space<hbm>> -> memref<1x1x1x24x48xi32, #tpu.memory_space<hbm>>
          %dma_start3A_1819 = tpu.memref_squeeze %dma_start3A_1818 : memref<1x1x1x24x48xi32, #tpu.memory_space<hbm>> -> memref<24x48xi32, #tpu.memory_space<hbm>>
          tpu.enqueue_dma source(%dma_start3A_1819 : memref<24x48xi32, #tpu.memory_space<hbm>>) target(%arg16 : memref<24x48xi32, #tpu.memory_space<vmem>>) target_semaphore(%run_scoped3A : memref<!tpu.dma_semaphore, #tpu.memory_space<semaphore_mem>>)
          %dma_wait3A = arith.constant 0 : i32
          %dma_wait3A_1820 = arith.constant 0 : i32
          %dma_wait3A_1821 = tpu.memref_slice %arg6[%arg0, %arg1, %scan3A_1798, %dma_wait3A, %dma_wait3A_1820] : memref<2x16x8x24x48xi32, #tpu.memory_space<hbm>> -> memref<1x1x1x24x48xi32, #tpu.memory_space<hbm>>
          %dma_wait3A_1822 = tpu.memref_squeeze %dma_wait3A_1821 : memref<1x1x1x24x48xi32, #tpu.memory_space<hbm>> -> memref<24x48xi32, #tpu.memory_space<hbm>>
          %dma_wait3A_1823 = arith.constant 0 : i32
          %dma_wait3A_1824 = arith.constant 0 : i32
          %dma_wait3A_1825 = tpu.memref_slice %arg6[%arg0, %arg1, %scan3A_1798, %dma_wait3A_1823, %dma_wait3A_1824] : memref<2x16x8x24x48xi32, #tpu.memory_space<hbm>> -> memref<1x1x1x24x48xi32, #tpu.memory_space<hbm>>
          %dma_wait3A_1826 = tpu.memref_squeeze %dma_wait3A_1825 : memref<1x1x1x24x48xi32, #tpu.memory_space<hbm>> -> memref<24x48xi32, #tpu.memory_space<hbm>>
          tpu.wait_dma2 semaphore(%run_scoped3A : memref<!tpu.dma_semaphore, #tpu.memory_space<semaphore_mem>>) src(%dma_wait3A_1826 : memref<24x48xi32, #tpu.memory_space<hbm>>) dst(%arg16 : memref<24x48xi32, #tpu.memory_space<vmem>>)
          tpu.yield
        }) : () -> ()
      } else {
      }
      %eq3A_1803 = arith.constant 8 : i32
      %eq3A_1804 = arith.cmpi eq, %scan3A_1798, %eq3A_1803 : i32
      %convert_element_type3A_1805 = arith.extui %eq3A_1804 : i1 to i32
      %cond3A_1806 = arith.constant 0 : i32
      %cond3A_1807 = arith.cmpi ne, %convert_element_type3A_1805, %cond3A_1806 : i32
      scf.if %cond3A_1807 {
        %run_scoped3A = arith.constant 0 : i32
        "tpu.region"() ({
          %run_scoped3A_1814 = tpu.sem_alloc : memref<!tpu.dma_semaphore, #tpu.memory_space<semaphore_mem>>
          %dma_start3A = arith.constant 0 : i32
          %dma_start3A_1815 = arith.constant 0 : i32
          %dma_start3A_1816 = tpu.memref_slice %arg7[%arg0, %arg1, %run_scoped3A, %dma_start3A, %dma_start3A_1815] : memref<2x16x1x24x48xi32, #tpu.memory_space<hbm>> -> memref<1x1x1x24x48xi32, #tpu.memory_space<hbm>>
          %dma_start3A_1817 = tpu.memref_squeeze %dma_start3A_1816 : memref<1x1x1x24x48xi32, #tpu.memory_space<hbm>> -> memref<24x48xi32, #tpu.memory_space<hbm>>
          %dma_start3A_1818 = arith.constant 0 : i32
          %dma_start3A_1819 = arith.constant 0 : i32
          %dma_start3A_1820 = tpu.memref_slice %arg7[%arg0, %arg1, %run_scoped3A, %dma_start3A_1818, %dma_start3A_1819] : memref<2x16x1x24x48xi32, #tpu.memory_space<hbm>> -> memref<1x1x1x24x48xi32, #tpu.memory_space<hbm>>
          %dma_start3A_1821 = tpu.memref_squeeze %dma_start3A_1820 : memref<1x1x1x24x48xi32, #tpu.memory_space<hbm>> -> memref<24x48xi32, #tpu.memory_space<hbm>>
          tpu.enqueue_dma source(%dma_start3A_1821 : memref<24x48xi32, #tpu.memory_space<hbm>>) target(%arg15 : memref<24x48xi32, #tpu.memory_space<vmem>>) target_semaphore(%run_scoped3A_1814 : memref<!tpu.dma_semaphore, #tpu.memory_space<semaphore_mem>>)
          %dma_wait3A = arith.constant 0 : i32
          %dma_wait3A_1822 = arith.constant 0 : i32
          %dma_wait3A_1823 = tpu.memref_slice %arg7[%arg0, %arg1, %run_scoped3A, %dma_wait3A, %dma_wait3A_1822] : memref<2x16x1x24x48xi32, #tpu.memory_space<hbm>> -> memref<1x1x1x24x48xi32, #tpu.memory_space<hbm>>
          %dma_wait3A_1824 = tpu.memref_squeeze %dma_wait3A_1823 : memref<1x1x1x24x48xi32, #tpu.memory_space<hbm>> -> memref<24x48xi32, #tpu.memory_space<hbm>>
          %dma_wait3A_1825 = arith.constant 0 : i32
          %dma_wait3A_1826 = arith.constant 0 : i32
          %dma_wait3A_1827 = tpu.memref_slice %arg7[%arg0, %arg1, %run_scoped3A, %dma_wait3A_1825, %dma_wait3A_1826] : memref<2x16x1x24x48xi32, #tpu.memory_space<hbm>> -> memref<1x1x1x24x48xi32, #tpu.memory_space<hbm>>
          %dma_wait3A_1828 = tpu.memref_squeeze %dma_wait3A_1827 : memref<1x1x1x24x48xi32, #tpu.memory_space<hbm>> -> memref<24x48xi32, #tpu.memory_space<hbm>>
          tpu.wait_dma2 semaphore(%run_scoped3A_1814 : memref<!tpu.dma_semaphore, #tpu.memory_space<semaphore_mem>>) src(%dma_wait3A_1828 : memref<24x48xi32, #tpu.memory_space<hbm>>) dst(%arg15 : memref<24x48xi32, #tpu.memory_space<vmem>>)
          tpu.yield
        }) : () -> ()
        %run_scoped3A_1813 = arith.constant 0 : i32
        "tpu.region"() ({
          %run_scoped3A_1814 = tpu.sem_alloc : memref<!tpu.dma_semaphore, #tpu.memory_space<semaphore_mem>>
          %dma_start3A = arith.constant 0 : i32
          %dma_start3A_1815 = arith.constant 0 : i32
          %dma_start3A_1816 = tpu.memref_slice %arg8[%arg0, %arg1, %run_scoped3A_1813, %dma_start3A, %dma_start3A_1815] : memref<2x16x1x24x48xi32, #tpu.memory_space<hbm>> -> memref<1x1x1x24x48xi32, #tpu.memory_space<hbm>>
          %dma_start3A_1817 = tpu.memref_squeeze %dma_start3A_1816 : memref<1x1x1x24x48xi32, #tpu.memory_space<hbm>> -> memref<24x48xi32, #tpu.memory_space<hbm>>
          %dma_start3A_1818 = arith.constant 0 : i32
          %dma_start3A_1819 = arith.constant 0 : i32
          %dma_start3A_1820 = tpu.memref_slice %arg8[%arg0, %arg1, %run_scoped3A_1813, %dma_start3A_1818, %dma_start3A_1819] : memref<2x16x1x24x48xi32, #tpu.memory_space<hbm>> -> memref<1x1x1x24x48xi32, #tpu.memory_space<hbm>>
          %dma_start3A_1821 = tpu.memref_squeeze %dma_start3A_1820 : memref<1x1x1x24x48xi32, #tpu.memory_space<hbm>> -> memref<24x48xi32, #tpu.memory_space<hbm>>
          tpu.enqueue_dma source(%dma_start3A_1821 : memref<24x48xi32, #tpu.memory_space<hbm>>) target(%arg16 : memref<24x48xi32, #tpu.memory_space<vmem>>) target_semaphore(%run_scoped3A_1814 : memref<!tpu.dma_semaphore, #tpu.memory_space<semaphore_mem>>)
          %dma_wait3A = arith.constant 0 : i32
          %dma_wait3A_1822 = arith.constant 0 : i32
          %dma_wait3A_1823 = tpu.memref_slice %arg8[%arg0, %arg1, %run_scoped3A_1813, %dma_wait3A, %dma_wait3A_1822] : memref<2x16x1x24x48xi32, #tpu.memory_space<hbm>> -> memref<1x1x1x24x48xi32, #tpu.memory_space<hbm>>
          %dma_wait3A_1824 = tpu.memref_squeeze %dma_wait3A_1823 : memref<1x1x1x24x48xi32, #tpu.memory_space<hbm>> -> memref<24x48xi32, #tpu.memory_space<hbm>>
          %dma_wait3A_1825 = arith.constant 0 : i32
          %dma_wait3A_1826 = arith.constant 0 : i32
          %dma_wait3A_1827 = tpu.memref_slice %arg8[%arg0, %arg1, %run_scoped3A_1813, %dma_wait3A_1825, %dma_wait3A_1826] : memref<2x16x1x24x48xi32, #tpu.memory_space<hbm>> -> memref<1x1x1x24x48xi32, #tpu.memory_space<hbm>>
          %dma_wait3A_1828 = tpu.memref_squeeze %dma_wait3A_1827 : memref<1x1x1x24x48xi32, #tpu.memory_space<hbm>> -> memref<24x48xi32, #tpu.memory_space<hbm>>
          tpu.wait_dma2 semaphore(%run_scoped3A_1814 : memref<!tpu.dma_semaphore, #tpu.memory_space<semaphore_mem>>) src(%dma_wait3A_1828 : memref<24x48xi32, #tpu.memory_space<hbm>>) dst(%arg16 : memref<24x48xi32, #tpu.memory_space<vmem>>)
          tpu.yield
        }) : () -> ()
      } else {
      }
      %scan3A_1808 = arith.constant 0 : i32
      %scan3A_1809 = arith.constant 12 : i32
      %scan3A_1810 = arith.addi %scan3A_1808, %scan3A_1809 : i32
      %scan3A_1811 = arith.constant 1 : i32
      scf.for %scan3A_1813 = %scan3A_1808 to %scan3A_1810 step %scan3A_1811  : i32 {
        %mul3A_1814 = arith.constant 2 : i32
        %mul3A_1815 = arith.muli %mul3A_1814, %scan3A_1813 : i32
        %mul3A_1816 = arith.constant 2 : i32
        %mul3A_1817 = arith.muli %mul3A_1816, %scan3A_1813 : i32
        %add3A_1818 = arith.constant 1 : i32
        %add3A_1819 = arith.addi %mul3A_1817, %add3A_1818 : i32
        %get3A_1820 = arith.index_cast %mul3A_1815 : i32 to index
        %get3A_1821 = arith.constant 0 : index
        %get3A_1822 = tpu.vector_load %arg15[%get3A_1820, %get3A_1821] {strides = array<i32>} : memref<24x48xi32, #tpu.memory_space<vmem>>, vector<16xi32>,
        %swap3A_1823 = arith.constant 0 : index
        %swap3A_1824 = tpu.vector_load %arg17[%swap3A_1823] {strides = array<i32>} : memref<48xi32, #tpu.memory_space<vmem>>, vector<16xi32>,
        tpu.vector_store %arg17[%swap3A_1823], %get3A_1822 {strides = array<i32>} : memref<48xi32, #tpu.memory_space<vmem>>, vector<16xi32>,
        %get3A_1825 = arith.index_cast %mul3A_1815 : i32 to index
        %get3A_1826 = arith.constant 0 : index
        %get3A_1827 = tpu.vector_load %arg16[%get3A_1825, %get3A_1826] {strides = array<i32>} : memref<24x48xi32, #tpu.memory_space<vmem>>, vector<16xi32>,
        %swap3A_1828 = arith.constant 0 : index
        %swap3A_1829 = tpu.vector_load %arg18[%swap3A_1828] {strides = array<i32>} : memref<48xi32, #tpu.memory_space<vmem>>, vector<16xi32>,
        tpu.vector_store %arg18[%swap3A_1828], %get3A_1827 {strides = array<i32>} : memref<48xi32, #tpu.memory_space<vmem>>, vector<16xi32>,
        %get3A_1830 = arith.index_cast %add3A_1819 : i32 to index
        %get3A_1831 = arith.constant 0 : index
        %get3A_1832 = tpu.vector_load %arg15[%get3A_1830, %get3A_1831] {strides = array<i32>} : memref<24x48xi32, #tpu.memory_space<vmem>>, vector<16xi32>,
        %swap3A_1833 = arith.constant 0 : index
        %swap3A_1834 = tpu.vector_load %arg20[%swap3A_1833] {strides = array<i32>} : memref<48xi32, #tpu.memory_space<vmem>>, vector<16xi32>,
        tpu.vector_store %arg20[%swap3A_1833], %get3A_1832 {strides = array<i32>} : memref<48xi32, #tpu.memory_space<vmem>>, vector<16xi32>,
        %get3A_1835 = arith.index_cast %add3A_1819 : i32 to index
        %get3A_1836 = arith.constant 0 : index
        %get3A_1837 = tpu.vector_load %arg16[%get3A_1835, %get3A_1836] {strides = array<i32>} : memref<24x48xi32, #tpu.memory_space<vmem>>, vector<16xi32>,
        %swap3A_1838 = arith.constant 0 : index
        %swap3A_1839 = tpu.vector_load %arg21[%swap3A_1838] {strides = array<i32>} : memref<48xi32, #tpu.memory_space<vmem>>, vector<16xi32>,
        tpu.vector_store %arg21[%swap3A_1838], %get3A_1837 {strides = array<i32>} : memref<48xi32, #tpu.memory_space<vmem>>, vector<16xi32>,
        %get3A_1840 = arith.index_cast %mul3A_1815 : i32 to index
        %get3A_1841 = arith.constant 16 : index
        %get3A_1842 = tpu.vector_load %arg15[%get3A_1840, %get3A_1841] {strides = array<i32>} : memref<24x48xi32, #tpu.memory_space<vmem>>, vector<16xi32>,
        %swap3A_1843 = arith.constant 16 : index
        %swap3A_1844 = tpu.vector_load %arg17[%swap3A_1843] {strides = array<i32>} : memref<48xi32, #tpu.memory_space<vmem>>, vector<16xi32>,
        tpu.vector_store %arg17[%swap3A_1843], %get3A_1842 {strides = array<i32>} : memref<48xi32, #tpu.memory_space<vmem>>, vector<16xi32>,
        %get3A_1845 = arith.index_cast %mul3A_1815 : i32 to index
        %get3A_1846 = arith.constant 16 : index
        %get3A_1847 = tpu.vector_load %arg16[%get3A_1845, %get3A_1846] {strides = array<i32>} : memref<24x48xi32, #tpu.memory_space<vmem>>, vector<16xi32>,
        %swap3A_1848 = arith.constant 16 : index
        %swap3A_1849 = tpu.vector_load %arg18[%swap3A_1848] {strides = array<i32>} : memref<48xi32, #tpu.memory_space<vmem>>, vector<16xi32>,
        tpu.vector_store %arg18[%swap3A_1848], %get3A_1847 {strides = array<i32>} : memref<48xi32, #tpu.memory_space<vmem>>, vector<16xi32>,
        %get3A_1850 = arith.index_cast %add3A_1819 : i32 to index
        %get3A_1851 = arith.constant 16 : index
        %get3A_1852 = tpu.vector_load %arg15[%get3A_1850, %get3A_1851] {strides = array<i32>} : memref<24x48xi32, #tpu.memory_space<vmem>>, vector<16xi32>,
        %swap3A_1853 = arith.constant 16 : index
        %swap3A_1854 = tpu.vector_load %arg20[%swap3A_1853] {strides = array<i32>} : memref<48xi32, #tpu.memory_space<vmem>>, vector<16xi32>,
        tpu.vector_store %arg20[%swap3A_1853], %get3A_1852 {strides = array<i32>} : memref<48xi32, #tpu.memory_space<vmem>>, vector<16xi32>,
        %get3A_1855 = arith.index_cast %add3A_1819 : i32 to index
        %get3A_1856 = arith.constant 16 : index
        %get3A_1857 = tpu.vector_load %arg16[%get3A_1855, %get3A_1856] {strides = array<i32>} : memref<24x48xi32, #tpu.memory_space<vmem>>, vector<16xi32>,
        %swap3A_1858 = arith.constant 16 : index
        %swap3A_1859 = tpu.vector_load %arg21[%swap3A_1858] {strides = array<i32>} : memref<48xi32, #tpu.memory_space<vmem>>, vector<16xi32>,
        tpu.vector_store %arg21[%swap3A_1858], %get3A_1857 {strides = array<i32>} : memref<48xi32, #tpu.memory_space<vmem>>, vector<16xi32>,
        %get3A_1860 = arith.index_cast %mul3A_1815 : i32 to index
        %get3A_1861 = arith.constant 32 : index
        %get3A_1862 = tpu.vector_load %arg15[%get3A_1860, %get3A_1861] {strides = array<i32>} : memref<24x48xi32, #tpu.memory_space<vmem>>, vector<16xi32>,
        %swap3A_1863 = arith.constant 32 : index
        %swap3A_1864 = tpu.vector_load %arg17[%swap3A_1863] {strides = array<i32>} : memref<48xi32, #tpu.memory_space<vmem>>, vector<16xi32>,
        tpu.vector_store %arg17[%swap3A_1863], %get3A_1862 {strides = array<i32>} : memref<48xi32, #tpu.memory_space<vmem>>, vector<16xi32>,
        %get3A_1865 = arith.index_cast %mul3A_1815 : i32 to index
        %get3A_1866 = arith.constant 32 : index
        %get3A_1867 = tpu.vector_load %arg16[%get3A_1865, %get3A_1866] {strides = array<i32>} : memref<24x48xi32, #tpu.memory_space<vmem>>, vector<16xi32>,
        %swap3A_1868 = arith.constant 32 : index
        %swap3A_1869 = tpu.vector_load %arg18[%swap3A_1868] {strides = array<i32>} : memref<48xi32, #tpu.memory_space<vmem>>, vector<16xi32>,
        tpu.vector_store %arg18[%swap3A_1868], %get3A_1867 {strides = array<i32>} : memref<48xi32, #tpu.memory_space<vmem>>, vector<16xi32>,
        %get3A_1870 = arith.index_cast %add3A_1819 : i32 to index
        %get3A_1871 = arith.constant 32 : index
        %get3A_1872 = tpu.vector_load %arg15[%get3A_1870, %get3A_1871] {strides = array<i32>} : memref<24x48xi32, #tpu.memory_space<vmem>>, vector<16xi32>,
        %swap3A_1873 = arith.constant 32 : index
        %swap3A_1874 = tpu.vector_load %arg20[%swap3A_1873] {strides = array<i32>} : memref<48xi32, #tpu.memory_space<vmem>>, vector<16xi32>,
        tpu.vector_store %arg20[%swap3A_1873], %get3A_1872 {strides = array<i32>} : memref<48xi32, #tpu.memory_space<vmem>>, vector<16xi32>,
        %get3A_1875 = arith.index_cast %add3A_1819 : i32 to index
        %get3A_1876 = arith.constant 32 : index
        %get3A_1877 = tpu.vector_load %arg16[%get3A_1875, %get3A_1876] {strides = array<i32>} : memref<24x48xi32, #tpu.memory_space<vmem>>, vector<16xi32>,
        %swap3A_1878 = arith.constant 32 : index
        %swap3A_1879 = tpu.vector_load %arg21[%swap3A_1878] {strides = array<i32>} : memref<48xi32, #tpu.memory_space<vmem>>, vector<16xi32>,
        tpu.vector_store %arg21[%swap3A_1878], %get3A_1877 {strides = array<i32>} : memref<48xi32, #tpu.memory_space<vmem>>, vector<16xi32>,
        %dma_start3A = arith.constant 0 : i32
        %dma_start3A_1880 = arith.constant 0 : i32
        %dma_start3A_1881 = tpu.memref_slice %arg9[%dma_start3A, %dma_start3A_1880] : memref<10000x128xf32, #tpu.memory_space<hbm>> -> memref<10000x128xf32, #tpu.memory_space<hbm>>
        tpu.enqueue_indirect_dma source(%dma_start3A_1881 : memref<10000x128xf32, #tpu.memory_space<hbm>>) target(%arg19 : memref<48x128xf32, #tpu.memory_space<vmem>>) offsets(%arg17 : memref<48xi32, #tpu.memory_space<vmem>>) semaphore(%arg23 : memref<!tpu.dma_semaphore, #tpu.memory_space<semaphore_mem>>)
        %dma_start3A_1882 = arith.constant 0 : i32
        %dma_start3A_1883 = arith.constant 0 : i32
        %dma_start3A_1884 = tpu.memref_slice %arg9[%dma_start3A_1882, %dma_start3A_1883] : memref<10000x128xf32, #tpu.memory_space<hbm>> -> memref<10000x128xf32, #tpu.memory_space<hbm>>
        tpu.enqueue_indirect_dma source(%dma_start3A_1884 : memref<10000x128xf32, #tpu.memory_space<hbm>>) target(%arg22 : memref<48x128xf32, #tpu.memory_space<vmem>>) offsets(%arg20 : memref<48xi32, #tpu.memory_space<vmem>>) semaphore(%arg24 : memref<!tpu.dma_semaphore, #tpu.memory_space<semaphore_mem>>)
        %dma_wait3A = arith.constant 0 : i32
        %dma_wait3A_1885 = arith.constant 0 : i32
        %dma_wait3A_1886 = tpu.memref_slice %arg9[%dma_wait3A, %dma_wait3A_1885] : memref<10000x128xf32, #tpu.memory_space<hbm>> -> memref<10000x128xf32, #tpu.memory_space<hbm>>
        tpu.wait_indirect_dma semaphore(%arg23 : memref<!tpu.dma_semaphore, #tpu.memory_space<semaphore_mem>>) src(%dma_wait3A_1886 : memref<10000x128xf32, #tpu.memory_space<hbm>>) dst(%arg19 : memref<48x128xf32, #tpu.memory_space<vmem>>)
        "tpu.region"() ({
          %run_scoped3A = tpu.sem_alloc : memref<!tpu.dma_semaphore, #tpu.memory_space<semaphore_mem>>
          %dma_start3A_1890 = arith.constant 0 : i32
          %dma_start3A_1891 = arith.constant 0 : i32
          %dma_start3A_1892 = tpu.memref_slice %arg12[%dma_start3A_1890, %dma_start3A_1891] : memref<10240x128xf32, #tpu.memory_space<vmem_shared>> -> memref<10240x128xf32, #tpu.memory_space<vmem_shared>>
          tpu.enqueue_indirect_dma source(%arg19 : memref<48x128xf32, #tpu.memory_space<vmem>>) target(%dma_start3A_1892 : memref<10240x128xf32, #tpu.memory_space<vmem_shared>>) offsets(%arg18 : memref<48xi32, #tpu.memory_space<vmem>>) semaphore(%run_scoped3A : memref<!tpu.dma_semaphore, #tpu.memory_space<semaphore_mem>>) {add = true}
          %dma_wait3A_1893 = arith.constant 0 : i32
          %dma_wait3A_1894 = arith.constant 0 : i32
          %dma_wait3A_1895 = tpu.memref_slice %arg12[%dma_wait3A_1893, %dma_wait3A_1894] : memref<10240x128xf32, #tpu.memory_space<vmem_shared>> -> memref<10240x128xf32, #tpu.memory_space<vmem_shared>>
          tpu.wait_indirect_dma semaphore(%run_scoped3A : memref<!tpu.dma_semaphore, #tpu.memory_space<semaphore_mem>>) src(%arg19 : memref<48x128xf32, #tpu.memory_space<vmem>>) dst(%dma_wait3A_1895 : memref<10240x128xf32, #tpu.memory_space<vmem_shared>>)
          tpu.yield
        }) : () -> ()
        %dma_wait3A_1887 = arith.constant 0 : i32
        %dma_wait3A_1888 = arith.constant 0 : i32
        %dma_wait3A_1889 = tpu.memref_slice %arg9[%dma_wait3A_1887, %dma_wait3A_1888] : memref<10000x128xf32, #tpu.memory_space<hbm>> -> memref<10000x128xf32, #tpu.memory_space<hbm>>
        tpu.wait_indirect_dma semaphore(%arg24 : memref<!tpu.dma_semaphore, #tpu.memory_space<semaphore_mem>>) src(%dma_wait3A_1889 : memref<10000x128xf32, #tpu.memory_space<hbm>>) dst(%arg22 : memref<48x128xf32, #tpu.memory_space<vmem>>)
        "tpu.region"() ({
          %run_scoped3A = tpu.sem_alloc : memref<!tpu.dma_semaphore, #tpu.memory_space<semaphore_mem>>
          %dma_start3A_1890 = arith.constant 0 : i32
          %dma_start3A_1891 = arith.constant 0 : i32
          %dma_start3A_1892 = tpu.memref_slice %arg12[%dma_start3A_1890, %dma_start3A_1891] : memref<10240x128xf32, #tpu.memory_space<vmem_shared>> -> memref<10240x128xf32, #tpu.memory_space<vmem_shared>>
          tpu.enqueue_indirect_dma source(%arg22 : memref<48x128xf32, #tpu.memory_space<vmem>>) target(%dma_start3A_1892 : memref<10240x128xf32, #tpu.memory_space<vmem_shared>>) offsets(%arg21 : memref<48xi32, #tpu.memory_space<vmem>>) semaphore(%run_scoped3A : memref<!tpu.dma_semaphore, #tpu.memory_space<semaphore_mem>>) {add = true}
          %dma_wait3A_1893 = arith.constant 0 : i32
          %dma_wait3A_1894 = arith.constant 0 : i32
          %dma_wait3A_1895 = tpu.memref_slice %arg12[%dma_wait3A_1893, %dma_wait3A_1894] : memref<10240x128xf32, #tpu.memory_space<vmem_shared>> -> memref<10240x128xf32, #tpu.memory_space<vmem_shared>>
          tpu.wait_indirect_dma semaphore(%run_scoped3A : memref<!tpu.dma_semaphore, #tpu.memory_space<semaphore_mem>>) src(%arg22 : memref<48x128xf32, #tpu.memory_space<vmem>>) dst(%dma_wait3A_1895 : memref<10240x128xf32, #tpu.memory_space<vmem_shared>>)
          tpu.yield
        }) : () -> ()
      }
      %scan3A_1812 = arith.constant 12 : i32
    }
    %scan3A_1764 = arith.constant 9 : i32
    %barrier3A_1765 = arith.constant 0 : index
    tpu.barrier barrier_id(%barrier3A_1765)
    %add3A = arith.constant 1 : i32
    %add3A_1766 = arith.addi %arg1, %add3A : i32
    %mul3A_1767 = arith.constant 640 : i32
    %mul3A_1768 = arith.muli %mul3A_1767, %add3A_1766 : i32
    %min3A = arith.constant 10000 : i32
    %min3A_1769 = arith.minsi %mul3A_1768, %min3A : i32
    %mul3A_1770 = arith.constant 640 : i32
    %mul3A_1771 = arith.muli %mul3A_1770, %arg1 : i32
    %sub3A_1772 = arith.subi %min3A_1769, %mul3A_1771 : i32
    %jit3A = arith.constant 80 : i32
    %div3A = arith.divsi %sub3A_1772, %jit3A : i32
    %sign3A = arith.constant 0 : i32
    %sign3A_1773 = arith.cmpi sgt, %sub3A_1772, %sign3A : i32
    %sign3A_1774 = arith.extui %sign3A_1773 : i1 to i32
    %sign3A_1775 = arith.constant 0 : i32
    %sign3A_1776 = arith.cmpi slt, %sub3A_1772, %sign3A_1775 : i32
    %sign3A_1777 = arith.extui %sign3A_1776 : i1 to i32
    %sign3A_1778 = arith.subi %sign3A_1774, %sign3A_1777 : i32
    %sign3A_1779 = arith.constant 0 : i32
    %sign3A_1780 = arith.cmpi sgt, %jit3A, %sign3A_1779 : i32
    %sign3A_1781 = arith.extui %sign3A_1780 : i1 to i32
    %sign3A_1782 = arith.constant 0 : i32
    %sign3A_1783 = arith.cmpi slt, %jit3A, %sign3A_1782 : i32
    %sign3A_1784 = arith.extui %sign3A_1783 : i1 to i32
    %sign3A_1785 = arith.subi %sign3A_1781, %sign3A_1784 : i32
    %ne3A = arith.cmpi ne, %sign3A_1778, %sign3A_1785 : i32
    %rem3A = arith.remsi %sub3A_1772, %jit3A : i32
    %ne3A_1786 = arith.constant 0 : i32
    %ne3A_1787 = arith.cmpi ne, %rem3A, %ne3A_1786 : i32
    %and3A = arith.andi %ne3A, %ne3A_1787 : i1
    %sub3A_1788 = arith.constant 1 : i32
    %sub3A_1789 = arith.subi %div3A, %sub3A_1788 : i32
    %select_n3A = arith.select %and3A, %sub3A_1789, %div3A : i32
    %while3A = arith.constant 0 : i32
    %while3A_1790 = arith.subi %select_n3A, %while3A : i32
    %while3A_1791 = arith.addi %while3A, %while3A_1790 : i32
    %while3A_1792 = arith.constant 1 : i32
    %while3A_1793 = arith.divsi %while3A_1790, %while3A_1792 : i32
    %while3A_1794 = arith.muli %while3A_1793, %while3A_1792 : i32
    %while3A_1795 = arith.addi %while3A, %while3A_1794 : i32
    %while3A_1796 = arith.constant 1 : i32
    scf.for %while3A_1798 = %while3A to %while3A_1795 step %while3A_1796  : i32 {
      %mul3A_1799 = arith.constant 640 : i32
      %mul3A_1800 = arith.muli %mul3A_1799, %arg1 : i32
      %mul3A_1801 = arith.constant 80 : i32
      %mul3A_1802 = arith.muli %mul3A_1801, %while3A_1798 : i32
      %add3A_1803 = arith.addi %mul3A_1800, %mul3A_1802 : i32
      "tpu.region"() ({
        %run_scoped3A = tpu.sem_alloc : memref<!tpu.dma_semaphore, #tpu.memory_space<semaphore_mem>>
        %dma_start3A = arith.constant 0 : i32
        %dma_start3A_1804 = tpu.memref_slice %arg12[%add3A_1803, %dma_start3A] : memref<10240x128xf32, #tpu.memory_space<vmem_shared>> -> memref<80x128xf32, #tpu.memory_space<vmem_shared>>
        %dma_start3A_1805 = arith.constant 0 : i32
        %dma_start3A_1806 = tpu.memref_slice %arg12[%add3A_1803, %dma_start3A_1805] : memref<10240x128xf32, #tpu.memory_space<vmem_shared>> -> memref<80x128xf32, #tpu.memory_space<vmem_shared>>
        tpu.enqueue_dma source(%dma_start3A_1806 : memref<80x128xf32, #tpu.memory_space<vmem_shared>>) target(%arg25 : memref<80x128xf32, #tpu.memory_space<vmem>>) target_semaphore(%run_scoped3A : memref<!tpu.dma_semaphore, #tpu.memory_space<semaphore_mem>>)
        %dma_wait3A = arith.constant 0 : i32
        %dma_wait3A_1807 = tpu.memref_slice %arg12[%add3A_1803, %dma_wait3A] : memref<10240x128xf32, #tpu.memory_space<vmem_shared>> -> memref<80x128xf32, #tpu.memory_space<vmem_shared>>
        %dma_wait3A_1808 = arith.constant 0 : i32
        %dma_wait3A_1809 = tpu.memref_slice %arg12[%add3A_1803, %dma_wait3A_1808] : memref<10240x128xf32, #tpu.memory_space<vmem_shared>> -> memref<80x128xf32, #tpu.memory_space<vmem_shared>>
        tpu.wait_dma2 semaphore(%run_scoped3A : memref<!tpu.dma_semaphore, #tpu.memory_space<semaphore_mem>>) src(%dma_wait3A_1809 : memref<80x128xf32, #tpu.memory_space<vmem_shared>>) dst(%arg25 : memref<80x128xf32, #tpu.memory_space<vmem>>)
        tpu.yield
      }) : () -> ()
      "tpu.region"() ({
        %run_scoped3A = tpu.sem_alloc : memref<!tpu.dma_semaphore, #tpu.memory_space<semaphore_mem>>
        %dma_start3A = arith.constant 0 : i32
        %dma_start3A_1804 = tpu.memref_slice %arg10[%arg0, %add3A_1803, %dma_start3A] : memref<2x10000x128xf32, #tpu.memory_space<hbm>> -> memref<1x80x128xf32, #tpu.memory_space<hbm>>
        %dma_start3A_1805 = tpu.memref_squeeze %dma_start3A_1804 : memref<1x80x128xf32, #tpu.memory_space<hbm>> -> memref<80x128xf32, #tpu.memory_space<hbm>>
        %dma_start3A_1806 = arith.constant 0 : i32
        %dma_start3A_1807 = tpu.memref_slice %arg10[%arg0, %add3A_1803, %dma_start3A_1806] : memref<2x10000x128xf32, #tpu.memory_space<hbm>> -> memref<1x80x128xf32, #tpu.memory_space<hbm>>
        %dma_start3A_1808 = tpu.memref_squeeze %dma_start3A_1807 : memref<1x80x128xf32, #tpu.memory_space<hbm>> -> memref<80x128xf32, #tpu.memory_space<hbm>>
        tpu.enqueue_dma source(%arg25 : memref<80x128xf32, #tpu.memory_space<vmem>>) target(%dma_start3A_1808 : memref<80x128xf32, #tpu.memory_space<hbm>>) target_semaphore(%run_scoped3A : memref<!tpu.dma_semaphore, #tpu.memory_space<semaphore_mem>>)
        %dma_wait3A = arith.constant 0 : i32
        %dma_wait3A_1809 = tpu.memref_slice %arg10[%arg0, %add3A_1803, %dma_wait3A] : memref<2x10000x128xf32, #tpu.memory_space<hbm>> -> memref<1x80x128xf32, #tpu.memory_space<hbm>>
        %dma_wait3A_1810 = tpu.memref_squeeze %dma_wait3A_1809 : memref<1x80x128xf32, #tpu.memory_space<hbm>> -> memref<80x128xf32, #tpu.memory_space<hbm>>
        %dma_wait3A_1811 = arith.constant 0 : i32
        %dma_wait3A_1812 = tpu.memref_slice %arg10[%arg0, %add3A_1803, %dma_wait3A_1811] : memref<2x10000x128xf32, #tpu.memory_space<hbm>> -> memref<1x80x128xf32, #tpu.memory_space<hbm>>
        %dma_wait3A_1813 = tpu.memref_squeeze %dma_wait3A_1812 : memref<1x80x128xf32, #tpu.memory_space<hbm>> -> memref<80x128xf32, #tpu.memory_space<hbm>>
        tpu.wait_dma2 semaphore(%run_scoped3A : memref<!tpu.dma_semaphore, #tpu.memory_space<semaphore_mem>>) src(%arg25 : memref<80x128xf32, #tpu.memory_space<vmem>>) dst(%dma_wait3A_1813 : memref<80x128xf32, #tpu.memory_space<hbm>>)
        tpu.yield
      }) : () -> ()
    }
    %while3A_1797 = arith.constant 1 : i32
    scf.for %while3A_1798 = %while3A_1795 to %while3A_1791 step %while3A_1797  : i32 {
      %mul3A_1799 = arith.constant 640 : i32
      %mul3A_1800 = arith.muli %mul3A_1799, %arg1 : i32
      %mul3A_1801 = arith.constant 80 : i32
      %mul3A_1802 = arith.muli %mul3A_1801, %while3A_1798 : i32
      %add3A_1803 = arith.addi %mul3A_1800, %mul3A_1802 : i32
      "tpu.region"() ({
        %run_scoped3A = tpu.sem_alloc : memref<!tpu.dma_semaphore, #tpu.memory_space<semaphore_mem>>
        %dma_start3A = arith.constant 0 : i32
        %dma_start3A_1804 = tpu.memref_slice %arg12[%add3A_1803, %dma_start3A] : memref<10240x128xf32, #tpu.memory_space<vmem_shared>> -> memref<80x128xf32, #tpu.memory_space<vmem_shared>>
        %dma_start3A_1805 = arith.constant 0 : i32
        %dma_start3A_1806 = tpu.memref_slice %arg12[%add3A_1803, %dma_start3A_1805] : memref<10240x128xf32, #tpu.memory_space<vmem_shared>> -> memref<80x128xf32, #tpu.memory_space<vmem_shared>>
        tpu.enqueue_dma source(%dma_start3A_1806 : memref<80x128xf32, #tpu.memory_space<vmem_shared>>) target(%arg25 : memref<80x128xf32, #tpu.memory_space<vmem>>) target_semaphore(%run_scoped3A : memref<!tpu.dma_semaphore, #tpu.memory_space<semaphore_mem>>)
        %dma_wait3A = arith.constant 0 : i32
        %dma_wait3A_1807 = tpu.memref_slice %arg12[%add3A_1803, %dma_wait3A] : memref<10240x128xf32, #tpu.memory_space<vmem_shared>> -> memref<80x128xf32, #tpu.memory_space<vmem_shared>>
        %dma_wait3A_1808 = arith.constant 0 : i32
        %dma_wait3A_1809 = tpu.memref_slice %arg12[%add3A_1803, %dma_wait3A_1808] : memref<10240x128xf32, #tpu.memory_space<vmem_shared>> -> memref<80x128xf32, #tpu.memory_space<vmem_shared>>
        tpu.wait_dma2 semaphore(%run_scoped3A : memref<!tpu.dma_semaphore, #tpu.memory_space<semaphore_mem>>) src(%dma_wait3A_1809 : memref<80x128xf32, #tpu.memory_space<vmem_shared>>) dst(%arg25 : memref<80x128xf32, #tpu.memory_space<vmem>>)
        tpu.yield
      }) : () -> ()
      "tpu.region"() ({
        %run_scoped3A = tpu.sem_alloc : memref<!tpu.dma_semaphore, #tpu.memory_space<semaphore_mem>>
        %dma_start3A = arith.constant 0 : i32
        %dma_start3A_1804 = tpu.memref_slice %arg10[%arg0, %add3A_1803, %dma_start3A] : memref<2x10000x128xf32, #tpu.memory_space<hbm>> -> memref<1x80x128xf32, #tpu.memory_space<hbm>>
        %dma_start3A_1805 = tpu.memref_squeeze %dma_start3A_1804 : memref<1x80x128xf32, #tpu.memory_space<hbm>> -> memref<80x128xf32, #tpu.memory_space<hbm>>
        %dma_start3A_1806 = arith.constant 0 : i32
        %dma_start3A_1807 = tpu.memref_slice %arg10[%arg0, %add3A_1803, %dma_start3A_1806] : memref<2x10000x128xf32, #tpu.memory_space<hbm>> -> memref<1x80x128xf32, #tpu.memory_space<hbm>>
        %dma_start3A_1808 = tpu.memref_squeeze %dma_start3A_1807 : memref<1x80x128xf32, #tpu.memory_space<hbm>> -> memref<80x128xf32, #tpu.memory_space<hbm>>
        tpu.enqueue_dma source(%arg25 : memref<80x128xf32, #tpu.memory_space<vmem>>) target(%dma_start3A_1808 : memref<80x128xf32, #tpu.memory_space<hbm>>) target_semaphore(%run_scoped3A : memref<!tpu.dma_semaphore, #tpu.memory_space<semaphore_mem>>)
        %dma_wait3A = arith.constant 0 : i32
        %dma_wait3A_1809 = tpu.memref_slice %arg10[%arg0, %add3A_1803, %dma_wait3A] : memref<2x10000x128xf32, #tpu.memory_space<hbm>> -> memref<1x80x128xf32, #tpu.memory_space<hbm>>
        %dma_wait3A_1810 = tpu.memref_squeeze %dma_wait3A_1809 : memref<1x80x128xf32, #tpu.memory_space<hbm>> -> memref<80x128xf32, #tpu.memory_space<hbm>>
        %dma_wait3A_1811 = arith.constant 0 : i32
        %dma_wait3A_1812 = tpu.memref_slice %arg10[%arg0, %add3A_1803, %dma_wait3A_1811] : memref<2x10000x128xf32, #tpu.memory_space<hbm>> -> memref<1x80x128xf32, #tpu.memory_space<hbm>>
        %dma_wait3A_1813 = tpu.memref_squeeze %dma_wait3A_1812 : memref<1x80x128xf32, #tpu.memory_space<hbm>> -> memref<80x128xf32, #tpu.memory_space<hbm>>
        tpu.wait_dma2 semaphore(%run_scoped3A : memref<!tpu.dma_semaphore, #tpu.memory_space<semaphore_mem>>) src(%arg25 : memref<80x128xf32, #tpu.memory_space<vmem>>) dst(%dma_wait3A_1813 : memref<80x128xf32, #tpu.memory_space<hbm>>)
        tpu.yield
      }) : () -> ()
    }
    return
  }
}

#map = affine_map<(d0, d1) -> (0, 0)>
#map1 = affine_map<(d0, d1) -> (0, 0, 0, 0, 0)>
#map2 = affine_map<(d0, d1) -> (0, 0, 0)>
module attributes {stable_mosaic.version = 14 : i64} {
  func.func @_sc_layer2_body(%arg0: i32, %arg1: i32, %arg2: memref<10000x128xf32, #tpu.memory_space<hbm>>, %arg3: memref<2x16x8x24x48xi32, #tpu.memory_space<hbm>>, %arg4: memref<2x16x8x24x48xi32, #tpu.memory_space<hbm>>, %arg5: memref<2x16x1x24x48xi32, #tpu.memory_space<hbm>>, %arg6: memref<2x16x1x24x48xi32, #tpu.memory_space<hbm>>, %arg7: memref<2x10000x128xf32, #tpu.memory_space<hbm>>, %arg8: memref<10240x128xf32, #tpu.memory_space<vmem_shared>>, %arg9: memref<24x48xi32, #tpu.memory_space<vmem>>, %arg10: memref<24x48xi32, #tpu.memory_space<vmem>>, %arg11: memref<48xi32, #tpu.memory_space<vmem>>, %arg12: memref<48xi32, #tpu.memory_space<vmem>>, %arg13: memref<48x128xf32, #tpu.memory_space<vmem>>, %arg14: memref<48xi32, #tpu.memory_space<vmem>>, %arg15: memref<48xi32, #tpu.memory_space<vmem>>, %arg16: memref<48x128xf32, #tpu.memory_space<vmem>>, %arg17: memref<!tpu.dma_semaphore, #tpu.memory_space<semaphore_mem>>, %arg18: memref<!tpu.dma_semaphore, #tpu.memory_space<semaphore_mem>>, %arg19: memref<80x128xf32, #tpu.memory_space<vmem>>) attributes {dimension_semantics = [#tpu.dimension_semantics<core_parallel>, #tpu.dimension_semantics<subcore_parallel>], iteration_bounds = array<i64: 2, 16>, scalar_prefetch = 0 : i64, scratch_operands = 12 : i64, tpu.core_type = #tpu.core_type<sc_vector_subcore>, window_params = [{transform_indices = #map}, {transform_indices = #map1}, {transform_indices = #map1}, {transform_indices = #map1}, {transform_indices = #map1}, {transform_indices = #map2}]} {
    %scan3A = arith.constant 0 : i32
    %scan3A_0 = arith.constant 80 : i32
    %scan3A_1 = arith.addi %scan3A, %scan3A_0 : i32
    %scan3A_2 = arith.constant 1 : i32
    scf.for %scan3A_45 = %scan3A to %scan3A_1 step %scan3A_2  : i32 {
      %broadcast_in_dim3A = arith.constant 0.000000e+00 : f32
      %broadcast_in_dim3A_46 = vector.broadcast %broadcast_in_dim3A : f32 to vector<16xf32>
      %swap3A = arith.index_cast %scan3A_45 : i32 to index
      %swap3A_47 = arith.constant 0 : index
      %swap3A_48 = tpu.vector_load %arg19[%swap3A, %swap3A_47] {strides = array<i32>} : memref<80x128xf32, #tpu.memory_space<vmem>>, vector<16xf32>,
      tpu.vector_store %arg19[%swap3A, %swap3A_47], %broadcast_in_dim3A_46 {strides = array<i32>} : memref<80x128xf32, #tpu.memory_space<vmem>>, vector<16xf32>,
      %broadcast_in_dim3A_49 = arith.constant 0.000000e+00 : f32
      %broadcast_in_dim3A_50 = vector.broadcast %broadcast_in_dim3A_49 : f32 to vector<16xf32>
      %swap3A_51 = arith.index_cast %scan3A_45 : i32 to index
      %swap3A_52 = arith.constant 16 : index
      %swap3A_53 = tpu.vector_load %arg19[%swap3A_51, %swap3A_52] {strides = array<i32>} : memref<80x128xf32, #tpu.memory_space<vmem>>, vector<16xf32>,
      tpu.vector_store %arg19[%swap3A_51, %swap3A_52], %broadcast_in_dim3A_50 {strides = array<i32>} : memref<80x128xf32, #tpu.memory_space<vmem>>, vector<16xf32>,
      %broadcast_in_dim3A_54 = arith.constant 0.000000e+00 : f32
      %broadcast_in_dim3A_55 = vector.broadcast %broadcast_in_dim3A_54 : f32 to vector<16xf32>
      %swap3A_56 = arith.index_cast %scan3A_45 : i32 to index
      %swap3A_57 = arith.constant 32 : index
      %swap3A_58 = tpu.vector_load %arg19[%swap3A_56, %swap3A_57] {strides = array<i32>} : memref<80x128xf32, #tpu.memory_space<vmem>>, vector<16xf32>,
      tpu.vector_store %arg19[%swap3A_56, %swap3A_57], %broadcast_in_dim3A_55 {strides = array<i32>} : memref<80x128xf32, #tpu.memory_space<vmem>>, vector<16xf32>,
      %broadcast_in_dim3A_59 = arith.constant 0.000000e+00 : f32
      %broadcast_in_dim3A_60 = vector.broadcast %broadcast_in_dim3A_59 : f32 to vector<16xf32>
      %swap3A_61 = arith.index_cast %scan3A_45 : i32 to index
      %swap3A_62 = arith.constant 48 : index
      %swap3A_63 = tpu.vector_load %arg19[%swap3A_61, %swap3A_62] {strides = array<i32>} : memref<80x128xf32, #tpu.memory_space<vmem>>, vector<16xf32>,
      tpu.vector_store %arg19[%swap3A_61, %swap3A_62], %broadcast_in_dim3A_60 {strides = array<i32>} : memref<80x128xf32, #tpu.memory_space<vmem>>, vector<16xf32>,
      %broadcast_in_dim3A_64 = arith.constant 0.000000e+00 : f32
      %broadcast_in_dim3A_65 = vector.broadcast %broadcast_in_dim3A_64 : f32 to vector<16xf32>
      %swap3A_66 = arith.index_cast %scan3A_45 : i32 to index
      %swap3A_67 = arith.constant 64 : index
      %swap3A_68 = tpu.vector_load %arg19[%swap3A_66, %swap3A_67] {strides = array<i32>} : memref<80x128xf32, #tpu.memory_space<vmem>>, vector<16xf32>,
      tpu.vector_store %arg19[%swap3A_66, %swap3A_67], %broadcast_in_dim3A_65 {strides = array<i32>} : memref<80x128xf32, #tpu.memory_space<vmem>>, vector<16xf32>,
      %broadcast_in_dim3A_69 = arith.constant 0.000000e+00 : f32
      %broadcast_in_dim3A_70 = vector.broadcast %broadcast_in_dim3A_69 : f32 to vector<16xf32>
      %swap3A_71 = arith.index_cast %scan3A_45 : i32 to index
      %swap3A_72 = arith.constant 80 : index
      %swap3A_73 = tpu.vector_load %arg19[%swap3A_71, %swap3A_72] {strides = array<i32>} : memref<80x128xf32, #tpu.memory_space<vmem>>, vector<16xf32>,
      tpu.vector_store %arg19[%swap3A_71, %swap3A_72], %broadcast_in_dim3A_70 {strides = array<i32>} : memref<80x128xf32, #tpu.memory_space<vmem>>, vector<16xf32>,
      %broadcast_in_dim3A_74 = arith.constant 0.000000e+00 : f32
      %broadcast_in_dim3A_75 = vector.broadcast %broadcast_in_dim3A_74 : f32 to vector<16xf32>
      %swap3A_76 = arith.index_cast %scan3A_45 : i32 to index
      %swap3A_77 = arith.constant 96 : index
      %swap3A_78 = tpu.vector_load %arg19[%swap3A_76, %swap3A_77] {strides = array<i32>} : memref<80x128xf32, #tpu.memory_space<vmem>>, vector<16xf32>,
      tpu.vector_store %arg19[%swap3A_76, %swap3A_77], %broadcast_in_dim3A_75 {strides = array<i32>} : memref<80x128xf32, #tpu.memory_space<vmem>>, vector<16xf32>,
      %broadcast_in_dim3A_79 = arith.constant 0.000000e+00 : f32
      %broadcast_in_dim3A_80 = vector.broadcast %broadcast_in_dim3A_79 : f32 to vector<16xf32>
      %swap3A_81 = arith.index_cast %scan3A_45 : i32 to index
      %swap3A_82 = arith.constant 112 : index
      %swap3A_83 = tpu.vector_load %arg19[%swap3A_81, %swap3A_82] {strides = array<i32>} : memref<80x128xf32, #tpu.memory_space<vmem>>, vector<16xf32>,
      tpu.vector_store %arg19[%swap3A_81, %swap3A_82], %broadcast_in_dim3A_80 {strides = array<i32>} : memref<80x128xf32, #tpu.memory_space<vmem>>, vector<16xf32>,
    }
    %scan3A_3 = arith.constant 80 : i32
    %scan3A_4 = arith.constant 0 : i32
    %scan3A_5 = arith.constant 8 : i32
    %scan3A_6 = arith.addi %scan3A_4, %scan3A_5 : i32
    %scan3A_7 = arith.constant 1 : i32
    scf.for %scan3A_45 = %scan3A_4 to %scan3A_6 step %scan3A_7  : i32 {
      %mul3A_46 = arith.constant 640 : i32
      %mul3A_47 = arith.muli %mul3A_46, %arg1 : i32
      %mul3A_48 = arith.constant 80 : i32
      %mul3A_49 = arith.muli %mul3A_48, %scan3A_45 : i32
      %add3A_50 = arith.addi %mul3A_47, %mul3A_49 : i32
      "tpu.region"() ({
        %run_scoped3A = tpu.sem_alloc : memref<!tpu.dma_semaphore, #tpu.memory_space<semaphore_mem>>
        %dma_start3A = arith.constant 0 : i32
        %dma_start3A_51 = tpu.memref_slice %arg8[%add3A_50, %dma_start3A] : memref<10240x128xf32, #tpu.memory_space<vmem_shared>> -> memref<80x128xf32, #tpu.memory_space<vmem_shared>>
        %dma_start3A_52 = arith.constant 0 : i32
        %dma_start3A_53 = tpu.memref_slice %arg8[%add3A_50, %dma_start3A_52] : memref<10240x128xf32, #tpu.memory_space<vmem_shared>> -> memref<80x128xf32, #tpu.memory_space<vmem_shared>>
        tpu.enqueue_dma source(%arg19 : memref<80x128xf32, #tpu.memory_space<vmem>>) target(%dma_start3A_53 : memref<80x128xf32, #tpu.memory_space<vmem_shared>>) target_semaphore(%run_scoped3A : memref<!tpu.dma_semaphore, #tpu.memory_space<semaphore_mem>>)
        %dma_wait3A = arith.constant 0 : i32
        %dma_wait3A_54 = tpu.memref_slice %arg8[%add3A_50, %dma_wait3A] : memref<10240x128xf32, #tpu.memory_space<vmem_shared>> -> memref<80x128xf32, #tpu.memory_space<vmem_shared>>
        %dma_wait3A_55 = arith.constant 0 : i32
        %dma_wait3A_56 = tpu.memref_slice %arg8[%add3A_50, %dma_wait3A_55] : memref<10240x128xf32, #tpu.memory_space<vmem_shared>> -> memref<80x128xf32, #tpu.memory_space<vmem_shared>>
        tpu.wait_dma2 semaphore(%run_scoped3A : memref<!tpu.dma_semaphore, #tpu.memory_space<semaphore_mem>>) src(%arg19 : memref<80x128xf32, #tpu.memory_space<vmem>>) dst(%dma_wait3A_56 : memref<80x128xf32, #tpu.memory_space<vmem_shared>>)
        tpu.yield
      }) : () -> ()
    }
    %scan3A_8 = arith.constant 8 : i32
    %barrier3A = arith.constant 0 : index
    tpu.barrier barrier_id(%barrier3A)
    %scan3A_9 = arith.constant 0 : i32
    %scan3A_10 = arith.constant 9 : i32
    %scan3A_11 = arith.addi %scan3A_9, %scan3A_10 : i32
    %scan3A_12 = arith.constant 1 : i32
    scf.for %scan3A_45 = %scan3A_9 to %scan3A_11 step %scan3A_12  : i32 {
      %lt3A = arith.constant 8 : i32
      %lt3A_46 = arith.cmpi slt, %scan3A_45, %lt3A : i32
      %convert_element_type3A = arith.extui %lt3A_46 : i1 to i32
      %cond3A = arith.constant 0 : i32
      %cond3A_47 = arith.cmpi ne, %convert_element_type3A, %cond3A : i32
      scf.if %cond3A_47 {
        "tpu.region"() ({
          %run_scoped3A = tpu.sem_alloc : memref<!tpu.dma_semaphore, #tpu.memory_space<semaphore_mem>>
          %dma_start3A = arith.constant 0 : i32
          %dma_start3A_57 = arith.constant 0 : i32
          %dma_start3A_58 = tpu.memref_slice %arg3[%arg0, %arg1, %scan3A_45, %dma_start3A, %dma_start3A_57] : memref<2x16x8x24x48xi32, #tpu.memory_space<hbm>> -> memref<1x1x1x24x48xi32, #tpu.memory_space<hbm>>
          %dma_start3A_59 = tpu.memref_squeeze %dma_start3A_58 : memref<1x1x1x24x48xi32, #tpu.memory_space<hbm>> -> memref<24x48xi32, #tpu.memory_space<hbm>>
          %dma_start3A_60 = arith.constant 0 : i32
          %dma_start3A_61 = arith.constant 0 : i32
          %dma_start3A_62 = tpu.memref_slice %arg3[%arg0, %arg1, %scan3A_45, %dma_start3A_60, %dma_start3A_61] : memref<2x16x8x24x48xi32, #tpu.memory_space<hbm>> -> memref<1x1x1x24x48xi32, #tpu.memory_space<hbm>>
          %dma_start3A_63 = tpu.memref_squeeze %dma_start3A_62 : memref<1x1x1x24x48xi32, #tpu.memory_space<hbm>> -> memref<24x48xi32, #tpu.memory_space<hbm>>
          tpu.enqueue_dma source(%dma_start3A_63 : memref<24x48xi32, #tpu.memory_space<hbm>>) target(%arg9 : memref<24x48xi32, #tpu.memory_space<vmem>>) target_semaphore(%run_scoped3A : memref<!tpu.dma_semaphore, #tpu.memory_space<semaphore_mem>>)
          %dma_wait3A = arith.constant 0 : i32
          %dma_wait3A_64 = arith.constant 0 : i32
          %dma_wait3A_65 = tpu.memref_slice %arg3[%arg0, %arg1, %scan3A_45, %dma_wait3A, %dma_wait3A_64] : memref<2x16x8x24x48xi32, #tpu.memory_space<hbm>> -> memref<1x1x1x24x48xi32, #tpu.memory_space<hbm>>
          %dma_wait3A_66 = tpu.memref_squeeze %dma_wait3A_65 : memref<1x1x1x24x48xi32, #tpu.memory_space<hbm>> -> memref<24x48xi32, #tpu.memory_space<hbm>>
          %dma_wait3A_67 = arith.constant 0 : i32
          %dma_wait3A_68 = arith.constant 0 : i32
          %dma_wait3A_69 = tpu.memref_slice %arg3[%arg0, %arg1, %scan3A_45, %dma_wait3A_67, %dma_wait3A_68] : memref<2x16x8x24x48xi32, #tpu.memory_space<hbm>> -> memref<1x1x1x24x48xi32, #tpu.memory_space<hbm>>
          %dma_wait3A_70 = tpu.memref_squeeze %dma_wait3A_69 : memref<1x1x1x24x48xi32, #tpu.memory_space<hbm>> -> memref<24x48xi32, #tpu.memory_space<hbm>>
          tpu.wait_dma2 semaphore(%run_scoped3A : memref<!tpu.dma_semaphore, #tpu.memory_space<semaphore_mem>>) src(%dma_wait3A_70 : memref<24x48xi32, #tpu.memory_space<hbm>>) dst(%arg9 : memref<24x48xi32, #tpu.memory_space<vmem>>)
          tpu.yield
        }) : () -> ()
        "tpu.region"() ({
          %run_scoped3A = tpu.sem_alloc : memref<!tpu.dma_semaphore, #tpu.memory_space<semaphore_mem>>
          %dma_start3A = arith.constant 0 : i32
          %dma_start3A_57 = arith.constant 0 : i32
          %dma_start3A_58 = tpu.memref_slice %arg4[%arg0, %arg1, %scan3A_45, %dma_start3A, %dma_start3A_57] : memref<2x16x8x24x48xi32, #tpu.memory_space<hbm>> -> memref<1x1x1x24x48xi32, #tpu.memory_space<hbm>>
          %dma_start3A_59 = tpu.memref_squeeze %dma_start3A_58 : memref<1x1x1x24x48xi32, #tpu.memory_space<hbm>> -> memref<24x48xi32, #tpu.memory_space<hbm>>
          %dma_start3A_60 = arith.constant 0 : i32
          %dma_start3A_61 = arith.constant 0 : i32
          %dma_start3A_62 = tpu.memref_slice %arg4[%arg0, %arg1, %scan3A_45, %dma_start3A_60, %dma_start3A_61] : memref<2x16x8x24x48xi32, #tpu.memory_space<hbm>> -> memref<1x1x1x24x48xi32, #tpu.memory_space<hbm>>
          %dma_start3A_63 = tpu.memref_squeeze %dma_start3A_62 : memref<1x1x1x24x48xi32, #tpu.memory_space<hbm>> -> memref<24x48xi32, #tpu.memory_space<hbm>>
          tpu.enqueue_dma source(%dma_start3A_63 : memref<24x48xi32, #tpu.memory_space<hbm>>) target(%arg10 : memref<24x48xi32, #tpu.memory_space<vmem>>) target_semaphore(%run_scoped3A : memref<!tpu.dma_semaphore, #tpu.memory_space<semaphore_mem>>)
          %dma_wait3A = arith.constant 0 : i32
          %dma_wait3A_64 = arith.constant 0 : i32
          %dma_wait3A_65 = tpu.memref_slice %arg4[%arg0, %arg1, %scan3A_45, %dma_wait3A, %dma_wait3A_64] : memref<2x16x8x24x48xi32, #tpu.memory_space<hbm>> -> memref<1x1x1x24x48xi32, #tpu.memory_space<hbm>>
          %dma_wait3A_66 = tpu.memref_squeeze %dma_wait3A_65 : memref<1x1x1x24x48xi32, #tpu.memory_space<hbm>> -> memref<24x48xi32, #tpu.memory_space<hbm>>
          %dma_wait3A_67 = arith.constant 0 : i32
          %dma_wait3A_68 = arith.constant 0 : i32
          %dma_wait3A_69 = tpu.memref_slice %arg4[%arg0, %arg1, %scan3A_45, %dma_wait3A_67, %dma_wait3A_68] : memref<2x16x8x24x48xi32, #tpu.memory_space<hbm>> -> memref<1x1x1x24x48xi32, #tpu.memory_space<hbm>>
          %dma_wait3A_70 = tpu.memref_squeeze %dma_wait3A_69 : memref<1x1x1x24x48xi32, #tpu.memory_space<hbm>> -> memref<24x48xi32, #tpu.memory_space<hbm>>
          tpu.wait_dma2 semaphore(%run_scoped3A : memref<!tpu.dma_semaphore, #tpu.memory_space<semaphore_mem>>) src(%dma_wait3A_70 : memref<24x48xi32, #tpu.memory_space<hbm>>) dst(%arg10 : memref<24x48xi32, #tpu.memory_space<vmem>>)
          tpu.yield
        }) : () -> ()
      } else {
      }
      %eq3A = arith.constant 8 : i32
      %eq3A_48 = arith.cmpi eq, %scan3A_45, %eq3A : i32
      %convert_element_type3A_49 = arith.extui %eq3A_48 : i1 to i32
      %cond3A_50 = arith.constant 0 : i32
      %cond3A_51 = arith.cmpi ne, %convert_element_type3A_49, %cond3A_50 : i32
      scf.if %cond3A_51 {
        %run_scoped3A = arith.constant 0 : i32
        "tpu.region"() ({
          %run_scoped3A_58 = tpu.sem_alloc : memref<!tpu.dma_semaphore, #tpu.memory_space<semaphore_mem>>
          %dma_start3A = arith.constant 0 : i32
          %dma_start3A_59 = arith.constant 0 : i32
          %dma_start3A_60 = tpu.memref_slice %arg5[%arg0, %arg1, %run_scoped3A, %dma_start3A, %dma_start3A_59] : memref<2x16x1x24x48xi32, #tpu.memory_space<hbm>> -> memref<1x1x1x24x48xi32, #tpu.memory_space<hbm>>
          %dma_start3A_61 = tpu.memref_squeeze %dma_start3A_60 : memref<1x1x1x24x48xi32, #tpu.memory_space<hbm>> -> memref<24x48xi32, #tpu.memory_space<hbm>>
          %dma_start3A_62 = arith.constant 0 : i32
          %dma_start3A_63 = arith.constant 0 : i32
          %dma_start3A_64 = tpu.memref_slice %arg5[%arg0, %arg1, %run_scoped3A, %dma_start3A_62, %dma_start3A_63] : memref<2x16x1x24x48xi32, #tpu.memory_space<hbm>> -> memref<1x1x1x24x48xi32, #tpu.memory_space<hbm>>
          %dma_start3A_65 = tpu.memref_squeeze %dma_start3A_64 : memref<1x1x1x24x48xi32, #tpu.memory_space<hbm>> -> memref<24x48xi32, #tpu.memory_space<hbm>>
          tpu.enqueue_dma source(%dma_start3A_65 : memref<24x48xi32, #tpu.memory_space<hbm>>) target(%arg9 : memref<24x48xi32, #tpu.memory_space<vmem>>) target_semaphore(%run_scoped3A_58 : memref<!tpu.dma_semaphore, #tpu.memory_space<semaphore_mem>>)
          %dma_wait3A = arith.constant 0 : i32
          %dma_wait3A_66 = arith.constant 0 : i32
          %dma_wait3A_67 = tpu.memref_slice %arg5[%arg0, %arg1, %run_scoped3A, %dma_wait3A, %dma_wait3A_66] : memref<2x16x1x24x48xi32, #tpu.memory_space<hbm>> -> memref<1x1x1x24x48xi32, #tpu.memory_space<hbm>>
          %dma_wait3A_68 = tpu.memref_squeeze %dma_wait3A_67 : memref<1x1x1x24x48xi32, #tpu.memory_space<hbm>> -> memref<24x48xi32, #tpu.memory_space<hbm>>
          %dma_wait3A_69 = arith.constant 0 : i32
          %dma_wait3A_70 = arith.constant 0 : i32
          %dma_wait3A_71 = tpu.memref_slice %arg5[%arg0, %arg1, %run_scoped3A, %dma_wait3A_69, %dma_wait3A_70] : memref<2x16x1x24x48xi32, #tpu.memory_space<hbm>> -> memref<1x1x1x24x48xi32, #tpu.memory_space<hbm>>
          %dma_wait3A_72 = tpu.memref_squeeze %dma_wait3A_71 : memref<1x1x1x24x48xi32, #tpu.memory_space<hbm>> -> memref<24x48xi32, #tpu.memory_space<hbm>>
          tpu.wait_dma2 semaphore(%run_scoped3A_58 : memref<!tpu.dma_semaphore, #tpu.memory_space<semaphore_mem>>) src(%dma_wait3A_72 : memref<24x48xi32, #tpu.memory_space<hbm>>) dst(%arg9 : memref<24x48xi32, #tpu.memory_space<vmem>>)
          tpu.yield
        }) : () -> ()
        %run_scoped3A_57 = arith.constant 0 : i32
        "tpu.region"() ({
          %run_scoped3A_58 = tpu.sem_alloc : memref<!tpu.dma_semaphore, #tpu.memory_space<semaphore_mem>>
          %dma_start3A = arith.constant 0 : i32
          %dma_start3A_59 = arith.constant 0 : i32
          %dma_start3A_60 = tpu.memref_slice %arg6[%arg0, %arg1, %run_scoped3A_57, %dma_start3A, %dma_start3A_59] : memref<2x16x1x24x48xi32, #tpu.memory_space<hbm>> -> memref<1x1x1x24x48xi32, #tpu.memory_space<hbm>>
          %dma_start3A_61 = tpu.memref_squeeze %dma_start3A_60 : memref<1x1x1x24x48xi32, #tpu.memory_space<hbm>> -> memref<24x48xi32, #tpu.memory_space<hbm>>
          %dma_start3A_62 = arith.constant 0 : i32
          %dma_start3A_63 = arith.constant 0 : i32
          %dma_start3A_64 = tpu.memref_slice %arg6[%arg0, %arg1, %run_scoped3A_57, %dma_start3A_62, %dma_start3A_63] : memref<2x16x1x24x48xi32, #tpu.memory_space<hbm>> -> memref<1x1x1x24x48xi32, #tpu.memory_space<hbm>>
          %dma_start3A_65 = tpu.memref_squeeze %dma_start3A_64 : memref<1x1x1x24x48xi32, #tpu.memory_space<hbm>> -> memref<24x48xi32, #tpu.memory_space<hbm>>
          tpu.enqueue_dma source(%dma_start3A_65 : memref<24x48xi32, #tpu.memory_space<hbm>>) target(%arg10 : memref<24x48xi32, #tpu.memory_space<vmem>>) target_semaphore(%run_scoped3A_58 : memref<!tpu.dma_semaphore, #tpu.memory_space<semaphore_mem>>)
          %dma_wait3A = arith.constant 0 : i32
          %dma_wait3A_66 = arith.constant 0 : i32
          %dma_wait3A_67 = tpu.memref_slice %arg6[%arg0, %arg1, %run_scoped3A_57, %dma_wait3A, %dma_wait3A_66] : memref<2x16x1x24x48xi32, #tpu.memory_space<hbm>> -> memref<1x1x1x24x48xi32, #tpu.memory_space<hbm>>
          %dma_wait3A_68 = tpu.memref_squeeze %dma_wait3A_67 : memref<1x1x1x24x48xi32, #tpu.memory_space<hbm>> -> memref<24x48xi32, #tpu.memory_space<hbm>>
          %dma_wait3A_69 = arith.constant 0 : i32
          %dma_wait3A_70 = arith.constant 0 : i32
          %dma_wait3A_71 = tpu.memref_slice %arg6[%arg0, %arg1, %run_scoped3A_57, %dma_wait3A_69, %dma_wait3A_70] : memref<2x16x1x24x48xi32, #tpu.memory_space<hbm>> -> memref<1x1x1x24x48xi32, #tpu.memory_space<hbm>>
          %dma_wait3A_72 = tpu.memref_squeeze %dma_wait3A_71 : memref<1x1x1x24x48xi32, #tpu.memory_space<hbm>> -> memref<24x48xi32, #tpu.memory_space<hbm>>
          tpu.wait_dma2 semaphore(%run_scoped3A_58 : memref<!tpu.dma_semaphore, #tpu.memory_space<semaphore_mem>>) src(%dma_wait3A_72 : memref<24x48xi32, #tpu.memory_space<hbm>>) dst(%arg10 : memref<24x48xi32, #tpu.memory_space<vmem>>)
          tpu.yield
        }) : () -> ()
      } else {
      }
      %scan3A_52 = arith.constant 0 : i32
      %scan3A_53 = arith.constant 12 : i32
      %scan3A_54 = arith.addi %scan3A_52, %scan3A_53 : i32
      %scan3A_55 = arith.constant 1 : i32
      scf.for %scan3A_57 = %scan3A_52 to %scan3A_54 step %scan3A_55  : i32 {
        %mul3A_58 = arith.constant 2 : i32
        %mul3A_59 = arith.muli %mul3A_58, %scan3A_57 : i32
        %mul3A_60 = arith.constant 2 : i32
        %mul3A_61 = arith.muli %mul3A_60, %scan3A_57 : i32
        %add3A_62 = arith.constant 1 : i32
        %add3A_63 = arith.addi %mul3A_61, %add3A_62 : i32
        %get3A = arith.index_cast %mul3A_59 : i32 to index
        %get3A_64 = arith.constant 0 : index
        %get3A_65 = tpu.vector_load %arg9[%get3A, %get3A_64] {strides = array<i32>} : memref<24x48xi32, #tpu.memory_space<vmem>>, vector<16xi32>,
        %swap3A = arith.constant 0 : index
        %swap3A_66 = tpu.vector_load %arg11[%swap3A] {strides = array<i32>} : memref<48xi32, #tpu.memory_space<vmem>>, vector<16xi32>,
        tpu.vector_store %arg11[%swap3A], %get3A_65 {strides = array<i32>} : memref<48xi32, #tpu.memory_space<vmem>>, vector<16xi32>,
        %get3A_67 = arith.index_cast %mul3A_59 : i32 to index
        %get3A_68 = arith.constant 0 : index
        %get3A_69 = tpu.vector_load %arg10[%get3A_67, %get3A_68] {strides = array<i32>} : memref<24x48xi32, #tpu.memory_space<vmem>>, vector<16xi32>,
        %swap3A_70 = arith.constant 0 : index
        %swap3A_71 = tpu.vector_load %arg12[%swap3A_70] {strides = array<i32>} : memref<48xi32, #tpu.memory_space<vmem>>, vector<16xi32>,
        tpu.vector_store %arg12[%swap3A_70], %get3A_69 {strides = array<i32>} : memref<48xi32, #tpu.memory_space<vmem>>, vector<16xi32>,
        %get3A_72 = arith.index_cast %add3A_63 : i32 to index
        %get3A_73 = arith.constant 0 : index
        %get3A_74 = tpu.vector_load %arg9[%get3A_72, %get3A_73] {strides = array<i32>} : memref<24x48xi32, #tpu.memory_space<vmem>>, vector<16xi32>,
        %swap3A_75 = arith.constant 0 : index
        %swap3A_76 = tpu.vector_load %arg14[%swap3A_75] {strides = array<i32>} : memref<48xi32, #tpu.memory_space<vmem>>, vector<16xi32>,
        tpu.vector_store %arg14[%swap3A_75], %get3A_74 {strides = array<i32>} : memref<48xi32, #tpu.memory_space<vmem>>, vector<16xi32>,
        %get3A_77 = arith.index_cast %add3A_63 : i32 to index
        %get3A_78 = arith.constant 0 : index
        %get3A_79 = tpu.vector_load %arg10[%get3A_77, %get3A_78] {strides = array<i32>} : memref<24x48xi32, #tpu.memory_space<vmem>>, vector<16xi32>,
        %swap3A_80 = arith.constant 0 : index
        %swap3A_81 = tpu.vector_load %arg15[%swap3A_80] {strides = array<i32>} : memref<48xi32, #tpu.memory_space<vmem>>, vector<16xi32>,
        tpu.vector_store %arg15[%swap3A_80], %get3A_79 {strides = array<i32>} : memref<48xi32, #tpu.memory_space<vmem>>, vector<16xi32>,
        %get3A_82 = arith.index_cast %mul3A_59 : i32 to index
        %get3A_83 = arith.constant 16 : index
        %get3A_84 = tpu.vector_load %arg9[%get3A_82, %get3A_83] {strides = array<i32>} : memref<24x48xi32, #tpu.memory_space<vmem>>, vector<16xi32>,
        %swap3A_85 = arith.constant 16 : index
        %swap3A_86 = tpu.vector_load %arg11[%swap3A_85] {strides = array<i32>} : memref<48xi32, #tpu.memory_space<vmem>>, vector<16xi32>,
        tpu.vector_store %arg11[%swap3A_85], %get3A_84 {strides = array<i32>} : memref<48xi32, #tpu.memory_space<vmem>>, vector<16xi32>,
        %get3A_87 = arith.index_cast %mul3A_59 : i32 to index
        %get3A_88 = arith.constant 16 : index
        %get3A_89 = tpu.vector_load %arg10[%get3A_87, %get3A_88] {strides = array<i32>} : memref<24x48xi32, #tpu.memory_space<vmem>>, vector<16xi32>,
        %swap3A_90 = arith.constant 16 : index
        %swap3A_91 = tpu.vector_load %arg12[%swap3A_90] {strides = array<i32>} : memref<48xi32, #tpu.memory_space<vmem>>, vector<16xi32>,
        tpu.vector_store %arg12[%swap3A_90], %get3A_89 {strides = array<i32>} : memref<48xi32, #tpu.memory_space<vmem>>, vector<16xi32>,
        %get3A_92 = arith.index_cast %add3A_63 : i32 to index
        %get3A_93 = arith.constant 16 : index
        %get3A_94 = tpu.vector_load %arg9[%get3A_92, %get3A_93] {strides = array<i32>} : memref<24x48xi32, #tpu.memory_space<vmem>>, vector<16xi32>,
        %swap3A_95 = arith.constant 16 : index
        %swap3A_96 = tpu.vector_load %arg14[%swap3A_95] {strides = array<i32>} : memref<48xi32, #tpu.memory_space<vmem>>, vector<16xi32>,
        tpu.vector_store %arg14[%swap3A_95], %get3A_94 {strides = array<i32>} : memref<48xi32, #tpu.memory_space<vmem>>, vector<16xi32>,
        %get3A_97 = arith.index_cast %add3A_63 : i32 to index
        %get3A_98 = arith.constant 16 : index
        %get3A_99 = tpu.vector_load %arg10[%get3A_97, %get3A_98] {strides = array<i32>} : memref<24x48xi32, #tpu.memory_space<vmem>>, vector<16xi32>,
        %swap3A_100 = arith.constant 16 : index
        %swap3A_101 = tpu.vector_load %arg15[%swap3A_100] {strides = array<i32>} : memref<48xi32, #tpu.memory_space<vmem>>, vector<16xi32>,
        tpu.vector_store %arg15[%swap3A_100], %get3A_99 {strides = array<i32>} : memref<48xi32, #tpu.memory_space<vmem>>, vector<16xi32>,
        %get3A_102 = arith.index_cast %mul3A_59 : i32 to index
        %get3A_103 = arith.constant 32 : index
        %get3A_104 = tpu.vector_load %arg9[%get3A_102, %get3A_103] {strides = array<i32>} : memref<24x48xi32, #tpu.memory_space<vmem>>, vector<16xi32>,
        %swap3A_105 = arith.constant 32 : index
        %swap3A_106 = tpu.vector_load %arg11[%swap3A_105] {strides = array<i32>} : memref<48xi32, #tpu.memory_space<vmem>>, vector<16xi32>,
        tpu.vector_store %arg11[%swap3A_105], %get3A_104 {strides = array<i32>} : memref<48xi32, #tpu.memory_space<vmem>>, vector<16xi32>,
        %get3A_107 = arith.index_cast %mul3A_59 : i32 to index
        %get3A_108 = arith.constant 32 : index
        %get3A_109 = tpu.vector_load %arg10[%get3A_107, %get3A_108] {strides = array<i32>} : memref<24x48xi32, #tpu.memory_space<vmem>>, vector<16xi32>,
        %swap3A_110 = arith.constant 32 : index
        %swap3A_111 = tpu.vector_load %arg12[%swap3A_110] {strides = array<i32>} : memref<48xi32, #tpu.memory_space<vmem>>, vector<16xi32>,
        tpu.vector_store %arg12[%swap3A_110], %get3A_109 {strides = array<i32>} : memref<48xi32, #tpu.memory_space<vmem>>, vector<16xi32>,
        %get3A_112 = arith.index_cast %add3A_63 : i32 to index
        %get3A_113 = arith.constant 32 : index
        %get3A_114 = tpu.vector_load %arg9[%get3A_112, %get3A_113] {strides = array<i32>} : memref<24x48xi32, #tpu.memory_space<vmem>>, vector<16xi32>,
        %swap3A_115 = arith.constant 32 : index
        %swap3A_116 = tpu.vector_load %arg14[%swap3A_115] {strides = array<i32>} : memref<48xi32, #tpu.memory_space<vmem>>, vector<16xi32>,
        tpu.vector_store %arg14[%swap3A_115], %get3A_114 {strides = array<i32>} : memref<48xi32, #tpu.memory_space<vmem>>, vector<16xi32>,
        %get3A_117 = arith.index_cast %add3A_63 : i32 to index
        %get3A_118 = arith.constant 32 : index
        %get3A_119 = tpu.vector_load %arg10[%get3A_117, %get3A_118] {strides = array<i32>} : memref<24x48xi32, #tpu.memory_space<vmem>>, vector<16xi32>,
        %swap3A_120 = arith.constant 32 : index
        %swap3A_121 = tpu.vector_load %arg15[%swap3A_120] {strides = array<i32>} : memref<48xi32, #tpu.memory_space<vmem>>, vector<16xi32>,
        tpu.vector_store %arg15[%swap3A_120], %get3A_119 {strides = array<i32>} : memref<48xi32, #tpu.memory_space<vmem>>, vector<16xi32>,
        %dma_start3A = arith.constant 0 : i32
        %dma_start3A_122 = arith.constant 0 : i32
        %dma_start3A_123 = tpu.memref_slice %arg2[%dma_start3A, %dma_start3A_122] : memref<10000x128xf32, #tpu.memory_space<hbm>> -> memref<10000x128xf32, #tpu.memory_space<hbm>>
        tpu.enqueue_indirect_dma source(%dma_start3A_123 : memref<10000x128xf32, #tpu.memory_space<hbm>>) target(%arg13 : memref<48x128xf32, #tpu.memory_space<vmem>>) offsets(%arg11 : memref<48xi32, #tpu.memory_space<vmem>>) semaphore(%arg17 : memref<!tpu.dma_semaphore, #tpu.memory_space<semaphore_mem>>)
        %dma_start3A_124 = arith.constant 0 : i32
        %dma_start3A_125 = arith.constant 0 : i32
        %dma_start3A_126 = tpu.memref_slice %arg2[%dma_start3A_124, %dma_start3A_125] : memref<10000x128xf32, #tpu.memory_space<hbm>> -> memref<10000x128xf32, #tpu.memory_space<hbm>>
        tpu.enqueue_indirect_dma source(%dma_start3A_126 : memref<10000x128xf32, #tpu.memory_space<hbm>>) target(%arg16 : memref<48x128xf32, #tpu.memory_space<vmem>>) offsets(%arg14 : memref<48xi32, #tpu.memory_space<vmem>>) semaphore(%arg18 : memref<!tpu.dma_semaphore, #tpu.memory_space<semaphore_mem>>)
        %dma_wait3A = arith.constant 0 : i32
        %dma_wait3A_127 = arith.constant 0 : i32
        %dma_wait3A_128 = tpu.memref_slice %arg2[%dma_wait3A, %dma_wait3A_127] : memref<10000x128xf32, #tpu.memory_space<hbm>> -> memref<10000x128xf32, #tpu.memory_space<hbm>>
        tpu.wait_indirect_dma semaphore(%arg17 : memref<!tpu.dma_semaphore, #tpu.memory_space<semaphore_mem>>) src(%dma_wait3A_128 : memref<10000x128xf32, #tpu.memory_space<hbm>>) dst(%arg13 : memref<48x128xf32, #tpu.memory_space<vmem>>)
        "tpu.region"() ({
          %run_scoped3A = tpu.sem_alloc : memref<!tpu.dma_semaphore, #tpu.memory_space<semaphore_mem>>
          %dma_start3A_132 = arith.constant 0 : i32
          %dma_start3A_133 = arith.constant 0 : i32
          %dma_start3A_134 = tpu.memref_slice %arg8[%dma_start3A_132, %dma_start3A_133] : memref<10240x128xf32, #tpu.memory_space<vmem_shared>> -> memref<10240x128xf32, #tpu.memory_space<vmem_shared>>
          tpu.enqueue_indirect_dma source(%arg13 : memref<48x128xf32, #tpu.memory_space<vmem>>) target(%dma_start3A_134 : memref<10240x128xf32, #tpu.memory_space<vmem_shared>>) offsets(%arg12 : memref<48xi32, #tpu.memory_space<vmem>>) semaphore(%run_scoped3A : memref<!tpu.dma_semaphore, #tpu.memory_space<semaphore_mem>>) {add = true}
          %dma_wait3A_135 = arith.constant 0 : i32
          %dma_wait3A_136 = arith.constant 0 : i32
          %dma_wait3A_137 = tpu.memref_slice %arg8[%dma_wait3A_135, %dma_wait3A_136] : memref<10240x128xf32, #tpu.memory_space<vmem_shared>> -> memref<10240x128xf32, #tpu.memory_space<vmem_shared>>
          tpu.wait_indirect_dma semaphore(%run_scoped3A : memref<!tpu.dma_semaphore, #tpu.memory_space<semaphore_mem>>) src(%arg13 : memref<48x128xf32, #tpu.memory_space<vmem>>) dst(%dma_wait3A_137 : memref<10240x128xf32, #tpu.memory_space<vmem_shared>>)
          tpu.yield
        }) : () -> ()
        %dma_wait3A_129 = arith.constant 0 : i32
        %dma_wait3A_130 = arith.constant 0 : i32
        %dma_wait3A_131 = tpu.memref_slice %arg2[%dma_wait3A_129, %dma_wait3A_130] : memref<10000x128xf32, #tpu.memory_space<hbm>> -> memref<10000x128xf32, #tpu.memory_space<hbm>>
        tpu.wait_indirect_dma semaphore(%arg18 : memref<!tpu.dma_semaphore, #tpu.memory_space<semaphore_mem>>) src(%dma_wait3A_131 : memref<10000x128xf32, #tpu.memory_space<hbm>>) dst(%arg16 : memref<48x128xf32, #tpu.memory_space<vmem>>)
        "tpu.region"() ({
          %run_scoped3A = tpu.sem_alloc : memref<!tpu.dma_semaphore, #tpu.memory_space<semaphore_mem>>
          %dma_start3A_132 = arith.constant 0 : i32
          %dma_start3A_133 = arith.constant 0 : i32
          %dma_start3A_134 = tpu.memref_slice %arg8[%dma_start3A_132, %dma_start3A_133] : memref<10240x128xf32, #tpu.memory_space<vmem_shared>> -> memref<10240x128xf32, #tpu.memory_space<vmem_shared>>
          tpu.enqueue_indirect_dma source(%arg16 : memref<48x128xf32, #tpu.memory_space<vmem>>) target(%dma_start3A_134 : memref<10240x128xf32, #tpu.memory_space<vmem_shared>>) offsets(%arg15 : memref<48xi32, #tpu.memory_space<vmem>>) semaphore(%run_scoped3A : memref<!tpu.dma_semaphore, #tpu.memory_space<semaphore_mem>>) {add = true}
          %dma_wait3A_135 = arith.constant 0 : i32
          %dma_wait3A_136 = arith.constant 0 : i32
          %dma_wait3A_137 = tpu.memref_slice %arg8[%dma_wait3A_135, %dma_wait3A_136] : memref<10240x128xf32, #tpu.memory_space<vmem_shared>> -> memref<10240x128xf32, #tpu.memory_space<vmem_shared>>
          tpu.wait_indirect_dma semaphore(%run_scoped3A : memref<!tpu.dma_semaphore, #tpu.memory_space<semaphore_mem>>) src(%arg16 : memref<48x128xf32, #tpu.memory_space<vmem>>) dst(%dma_wait3A_137 : memref<10240x128xf32, #tpu.memory_space<vmem_shared>>)
          tpu.yield
        }) : () -> ()
      }
      %scan3A_56 = arith.constant 12 : i32
    }
    %scan3A_13 = arith.constant 9 : i32
    %barrier3A_14 = arith.constant 0 : index
    tpu.barrier barrier_id(%barrier3A_14)
    %add3A = arith.constant 1 : i32
    %add3A_15 = arith.addi %arg1, %add3A : i32
    %mul3A = arith.constant 640 : i32
    %mul3A_16 = arith.muli %mul3A, %add3A_15 : i32
    %min3A = arith.constant 10000 : i32
    %min3A_17 = arith.minsi %mul3A_16, %min3A : i32
    %mul3A_18 = arith.constant 640 : i32
    %mul3A_19 = arith.muli %mul3A_18, %arg1 : i32
    %sub3A = arith.subi %min3A_17, %mul3A_19 : i32
    %jit3A = arith.constant 80 : i32
    %div3A = arith.divsi %sub3A, %jit3A : i32
    %sign3A = arith.constant 0 : i32
    %sign3A_20 = arith.cmpi sgt, %sub3A, %sign3A : i32
    %sign3A_21 = arith.extui %sign3A_20 : i1 to i32
    %sign3A_22 = arith.constant 0 : i32
    %sign3A_23 = arith.cmpi slt, %sub3A, %sign3A_22 : i32
    %sign3A_24 = arith.extui %sign3A_23 : i1 to i32
    %sign3A_25 = arith.subi %sign3A_21, %sign3A_24 : i32
    %sign3A_26 = arith.constant 0 : i32
    %sign3A_27 = arith.cmpi sgt, %jit3A, %sign3A_26 : i32
    %sign3A_28 = arith.extui %sign3A_27 : i1 to i32
    %sign3A_29 = arith.constant 0 : i32
    %sign3A_30 = arith.cmpi slt, %jit3A, %sign3A_29 : i32
    %sign3A_31 = arith.extui %sign3A_30 : i1 to i32
    %sign3A_32 = arith.subi %sign3A_28, %sign3A_31 : i32
    %ne3A = arith.cmpi ne, %sign3A_25, %sign3A_32 : i32
    %rem3A = arith.remsi %sub3A, %jit3A : i32
    %ne3A_33 = arith.constant 0 : i32
    %ne3A_34 = arith.cmpi ne, %rem3A, %ne3A_33 : i32
    %and3A = arith.andi %ne3A, %ne3A_34 : i1
    %sub3A_35 = arith.constant 1 : i32
    %sub3A_36 = arith.subi %div3A, %sub3A_35 : i32
    %select_n3A = arith.select %and3A, %sub3A_36, %div3A : i32
    %while3A = arith.constant 0 : i32
    %while3A_37 = arith.subi %select_n3A, %while3A : i32
    %while3A_38 = arith.addi %while3A, %while3A_37 : i32
    %while3A_39 = arith.constant 1 : i32
    %while3A_40 = arith.divsi %while3A_37, %while3A_39 : i32
    %while3A_41 = arith.muli %while3A_40, %while3A_39 : i32
    %while3A_42 = arith.addi %while3A, %while3A_41 : i32
    %while3A_43 = arith.constant 1 : i32
    scf.for %while3A_45 = %while3A to %while3A_42 step %while3A_43  : i32 {
      %mul3A_46 = arith.constant 640 : i32
      %mul3A_47 = arith.muli %mul3A_46, %arg1 : i32
      %mul3A_48 = arith.constant 80 : i32
      %mul3A_49 = arith.muli %mul3A_48, %while3A_45 : i32
      %add3A_50 = arith.addi %mul3A_47, %mul3A_49 : i32
      "tpu.region"() ({
        %run_scoped3A = tpu.sem_alloc : memref<!tpu.dma_semaphore, #tpu.memory_space<semaphore_mem>>
        %dma_start3A = arith.constant 0 : i32
        %dma_start3A_51 = tpu.memref_slice %arg8[%add3A_50, %dma_start3A] : memref<10240x128xf32, #tpu.memory_space<vmem_shared>> -> memref<80x128xf32, #tpu.memory_space<vmem_shared>>
        %dma_start3A_52 = arith.constant 0 : i32
        %dma_start3A_53 = tpu.memref_slice %arg8[%add3A_50, %dma_start3A_52] : memref<10240x128xf32, #tpu.memory_space<vmem_shared>> -> memref<80x128xf32, #tpu.memory_space<vmem_shared>>
        tpu.enqueue_dma source(%dma_start3A_53 : memref<80x128xf32, #tpu.memory_space<vmem_shared>>) target(%arg19 : memref<80x128xf32, #tpu.memory_space<vmem>>) target_semaphore(%run_scoped3A : memref<!tpu.dma_semaphore, #tpu.memory_space<semaphore_mem>>)
        %dma_wait3A = arith.constant 0 : i32
        %dma_wait3A_54 = tpu.memref_slice %arg8[%add3A_50, %dma_wait3A] : memref<10240x128xf32, #tpu.memory_space<vmem_shared>> -> memref<80x128xf32, #tpu.memory_space<vmem_shared>>
        %dma_wait3A_55 = arith.constant 0 : i32
        %dma_wait3A_56 = tpu.memref_slice %arg8[%add3A_50, %dma_wait3A_55] : memref<10240x128xf32, #tpu.memory_space<vmem_shared>> -> memref<80x128xf32, #tpu.memory_space<vmem_shared>>
        tpu.wait_dma2 semaphore(%run_scoped3A : memref<!tpu.dma_semaphore, #tpu.memory_space<semaphore_mem>>) src(%dma_wait3A_56 : memref<80x128xf32, #tpu.memory_space<vmem_shared>>) dst(%arg19 : memref<80x128xf32, #tpu.memory_space<vmem>>)
        tpu.yield
      }) : () -> ()
      "tpu.region"() ({
        %run_scoped3A = tpu.sem_alloc : memref<!tpu.dma_semaphore, #tpu.memory_space<semaphore_mem>>
        %dma_start3A = arith.constant 0 : i32
        %dma_start3A_51 = tpu.memref_slice %arg7[%arg0, %add3A_50, %dma_start3A] : memref<2x10000x128xf32, #tpu.memory_space<hbm>> -> memref<1x80x128xf32, #tpu.memory_space<hbm>>
        %dma_start3A_52 = tpu.memref_squeeze %dma_start3A_51 : memref<1x80x128xf32, #tpu.memory_space<hbm>> -> memref<80x128xf32, #tpu.memory_space<hbm>>
        %dma_start3A_53 = arith.constant 0 : i32
        %dma_start3A_54 = tpu.memref_slice %arg7[%arg0, %add3A_50, %dma_start3A_53] : memref<2x10000x128xf32, #tpu.memory_space<hbm>> -> memref<1x80x128xf32, #tpu.memory_space<hbm>>
        %dma_start3A_55 = tpu.memref_squeeze %dma_start3A_54 : memref<1x80x128xf32, #tpu.memory_space<hbm>> -> memref<80x128xf32, #tpu.memory_space<hbm>>
        tpu.enqueue_dma source(%arg19 : memref<80x128xf32, #tpu.memory_space<vmem>>) target(%dma_start3A_55 : memref<80x128xf32, #tpu.memory_space<hbm>>) target_semaphore(%run_scoped3A : memref<!tpu.dma_semaphore, #tpu.memory_space<semaphore_mem>>)
        %dma_wait3A = arith.constant 0 : i32
        %dma_wait3A_56 = tpu.memref_slice %arg7[%arg0, %add3A_50, %dma_wait3A] : memref<2x10000x128xf32, #tpu.memory_space<hbm>> -> memref<1x80x128xf32, #tpu.memory_space<hbm>>
        %dma_wait3A_57 = tpu.memref_squeeze %dma_wait3A_56 : memref<1x80x128xf32, #tpu.memory_space<hbm>> -> memref<80x128xf32, #tpu.memory_space<hbm>>
        %dma_wait3A_58 = arith.constant 0 : i32
        %dma_wait3A_59 = tpu.memref_slice %arg7[%arg0, %add3A_50, %dma_wait3A_58] : memref<2x10000x128xf32, #tpu.memory_space<hbm>> -> memref<1x80x128xf32, #tpu.memory_space<hbm>>
        %dma_wait3A_60 = tpu.memref_squeeze %dma_wait3A_59 : memref<1x80x128xf32, #tpu.memory_space<hbm>> -> memref<80x128xf32, #tpu.memory_space<hbm>>
        tpu.wait_dma2 semaphore(%run_scoped3A : memref<!tpu.dma_semaphore, #tpu.memory_space<semaphore_mem>>) src(%arg19 : memref<80x128xf32, #tpu.memory_space<vmem>>) dst(%dma_wait3A_60 : memref<80x128xf32, #tpu.memory_space<hbm>>)
        tpu.yield
      }) : () -> ()
    }
    %while3A_44 = arith.constant 1 : i32
    scf.for %while3A_45 = %while3A_42 to %while3A_38 step %while3A_44  : i32 {
      %mul3A_46 = arith.constant 640 : i32
      %mul3A_47 = arith.muli %mul3A_46, %arg1 : i32
      %mul3A_48 = arith.constant 80 : i32
      %mul3A_49 = arith.muli %mul3A_48, %while3A_45 : i32
      %add3A_50 = arith.addi %mul3A_47, %mul3A_49 : i32
      "tpu.region"() ({
        %run_scoped3A = tpu.sem_alloc : memref<!tpu.dma_semaphore, #tpu.memory_space<semaphore_mem>>
        %dma_start3A = arith.constant 0 : i32
        %dma_start3A_51 = tpu.memref_slice %arg8[%add3A_50, %dma_start3A] : memref<10240x128xf32, #tpu.memory_space<vmem_shared>> -> memref<80x128xf32, #tpu.memory_space<vmem_shared>>
        %dma_start3A_52 = arith.constant 0 : i32
        %dma_start3A_53 = tpu.memref_slice %arg8[%add3A_50, %dma_start3A_52] : memref<10240x128xf32, #tpu.memory_space<vmem_shared>> -> memref<80x128xf32, #tpu.memory_space<vmem_shared>>
        tpu.enqueue_dma source(%dma_start3A_53 : memref<80x128xf32, #tpu.memory_space<vmem_shared>>) target(%arg19 : memref<80x128xf32, #tpu.memory_space<vmem>>) target_semaphore(%run_scoped3A : memref<!tpu.dma_semaphore, #tpu.memory_space<semaphore_mem>>)
        %dma_wait3A = arith.constant 0 : i32
        %dma_wait3A_54 = tpu.memref_slice %arg8[%add3A_50, %dma_wait3A] : memref<10240x128xf32, #tpu.memory_space<vmem_shared>> -> memref<80x128xf32, #tpu.memory_space<vmem_shared>>
        %dma_wait3A_55 = arith.constant 0 : i32
        %dma_wait3A_56 = tpu.memref_slice %arg8[%add3A_50, %dma_wait3A_55] : memref<10240x128xf32, #tpu.memory_space<vmem_shared>> -> memref<80x128xf32, #tpu.memory_space<vmem_shared>>
        tpu.wait_dma2 semaphore(%run_scoped3A : memref<!tpu.dma_semaphore, #tpu.memory_space<semaphore_mem>>) src(%dma_wait3A_56 : memref<80x128xf32, #tpu.memory_space<vmem_shared>>) dst(%arg19 : memref<80x128xf32, #tpu.memory_space<vmem>>)
        tpu.yield
      }) : () -> ()
      "tpu.region"() ({
        %run_scoped3A = tpu.sem_alloc : memref<!tpu.dma_semaphore, #tpu.memory_space<semaphore_mem>>
        %dma_start3A = arith.constant 0 : i32
        %dma_start3A_51 = tpu.memref_slice %arg7[%arg0, %add3A_50, %dma_start3A] : memref<2x10000x128xf32, #tpu.memory_space<hbm>> -> memref<1x80x128xf32, #tpu.memory_space<hbm>>
        %dma_start3A_52 = tpu.memref_squeeze %dma_start3A_51 : memref<1x80x128xf32, #tpu.memory_space<hbm>> -> memref<80x128xf32, #tpu.memory_space<hbm>>
        %dma_start3A_53 = arith.constant 0 : i32
        %dma_start3A_54 = tpu.memref_slice %arg7[%arg0, %add3A_50, %dma_start3A_53] : memref<2x10000x128xf32, #tpu.memory_space<hbm>> -> memref<1x80x128xf32, #tpu.memory_space<hbm>>
        %dma_start3A_55 = tpu.memref_squeeze %dma_start3A_54 : memref<1x80x128xf32, #tpu.memory_space<hbm>> -> memref<80x128xf32, #tpu.memory_space<hbm>>
        tpu.enqueue_dma source(%arg19 : memref<80x128xf32, #tpu.memory_space<vmem>>) target(%dma_start3A_55 : memref<80x128xf32, #tpu.memory_space<hbm>>) target_semaphore(%run_scoped3A : memref<!tpu.dma_semaphore, #tpu.memory_space<semaphore_mem>>)
        %dma_wait3A = arith.constant 0 : i32
        %dma_wait3A_56 = tpu.memref_slice %arg7[%arg0, %add3A_50, %dma_wait3A] : memref<2x10000x128xf32, #tpu.memory_space<hbm>> -> memref<1x80x128xf32, #tpu.memory_space<hbm>>
        %dma_wait3A_57 = tpu.memref_squeeze %dma_wait3A_56 : memref<1x80x128xf32, #tpu.memory_space<hbm>> -> memref<80x128xf32, #tpu.memory_space<hbm>>
        %dma_wait3A_58 = arith.constant 0 : i32
        %dma_wait3A_59 = tpu.memref_slice %arg7[%arg0, %add3A_50, %dma_wait3A_58] : memref<2x10000x128xf32, #tpu.memory_space<hbm>> -> memref<1x80x128xf32, #tpu.memory_space<hbm>>
        %dma_wait3A_60 = tpu.memref_squeeze %dma_wait3A_59 : memref<1x80x128xf32, #tpu.memory_space<hbm>> -> memref<80x128xf32, #tpu.memory_space<hbm>>
        tpu.wait_dma2 semaphore(%run_scoped3A : memref<!tpu.dma_semaphore, #tpu.memory_space<semaphore_mem>>) src(%arg19 : memref<80x128xf32, #tpu.memory_space<vmem>>) dst(%dma_wait3A_60 : memref<80x128xf32, #tpu.memory_space<hbm>>)
        tpu.yield
      }) : () -> ()
    }
    return
  }
}

module attributes {stable_mosaic.version = 14 : i64} {
  func.func @_tc_mlp_body(%arg0: i32, %arg1: memref<2000x128xf32, #tpu.memory_space<vmem>>, %arg2: memref<2000x128xf32, #tpu.memory_space<vmem>>, %arg3: memref<2000x128xf32, #tpu.memory_space<vmem>>, %arg4: memref<2000x1xf32, #tpu.memory_space<vmem>>, %arg5: memref<128x256xf32, #tpu.memory_space<vmem>>, %arg6: memref<1x256xf32, #tpu.memory_space<vmem>>, %arg7: memref<256x128xf32, #tpu.memory_space<vmem>>, %arg8: memref<2000x128xf32, #tpu.memory_space<vmem>>) attributes {dimension_semantics = [#tpu.dimension_semantics<arbitrary>], iteration_bounds = array<i64: 5>, scalar_prefetch = 0 : i64, scratch_operands = 0 : i64, tpu.core_type = #tpu.core_type<tc>, window_params = [{transform_indices = @transform_0, window_bounds = array<i64: 2000, 128>}, {transform_indices = @transform_1, window_bounds = array<i64: 2000, 128>}, {transform_indices = @transform_2, window_bounds = array<i64: 2000, 128>}, {transform_indices = @transform_3, window_bounds = array<i64: 2000, 1>}, {pipeline_mode = #tpu.pipeline_mode<synchronous>, transform_indices = @transform_4, window_bounds = array<i64: 128, 256>}, {pipeline_mode = #tpu.pipeline_mode<synchronous>, transform_indices = @transform_5, window_bounds = array<i64: 1, 256>}, {pipeline_mode = #tpu.pipeline_mode<synchronous>, transform_indices = @transform_6, window_bounds = array<i64: 256, 128>}, {transform_indices = @transform_7, window_bounds = array<i64: 2000, 128>}]} {
    %get3A = arith.constant 0 : index
    %get3A_0 = arith.constant 0 : index
    %get3A_1 = vector.load %arg4[%get3A, %get3A_0] : memref<2000x1xf32, #tpu.memory_space<vmem>>, vector<2000x1xf32>
    %get3A_2 = arith.constant 0 : index
    %get3A_3 = arith.constant 0 : index
    %get3A_4 = vector.load %arg1[%get3A_2, %get3A_3] : memref<2000x128xf32, #tpu.memory_space<vmem>>, vector<2000x128xf32>
    %get3A_5 = arith.constant 0 : index
    %get3A_6 = arith.constant 0 : index
    %get3A_7 = vector.load %arg2[%get3A_5, %get3A_6] : memref<2000x128xf32, #tpu.memory_space<vmem>>, vector<2000x128xf32>
    %add3A = arith.addf %get3A_4, %get3A_7 : vector<2000x128xf32>
    %get3A_8 = arith.constant 0 : index
    %get3A_9 = arith.constant 0 : index
    %get3A_10 = vector.load %arg3[%get3A_8, %get3A_9] : memref<2000x128xf32, #tpu.memory_space<vmem>>, vector<2000x128xf32>
    %mul3A = vector.broadcast %get3A_1 : vector<2000x1xf32> to vector<2000x128xf32>
    %mul3A_11 = arith.mulf %mul3A, %get3A_10 : vector<2000x128xf32>
    %add3A_12 = arith.addf %add3A, %mul3A_11 : vector<2000x128xf32>
    %mul3A_13 = vector.broadcast %get3A_1 : vector<2000x1xf32> to vector<2000x128xf32>
    %mul3A_14 = arith.mulf %add3A_12, %mul3A_13 : vector<2000x128xf32>
    %get3A_15 = arith.constant 0 : index
    %get3A_16 = arith.constant 0 : index
    %get3A_17 = vector.load %arg5[%get3A_15, %get3A_16] : memref<128x256xf32, #tpu.memory_space<vmem>>, vector<128x256xf32>
    %dot_general3A = arith.constant dense<0.000000e+00> : vector<2000x256xf32>
    %dot_general3A_18 = tpu.matmul %mul3A_14, %get3A_17, %dot_general3A {dimension_numbers = #tpu.dot_dimension_numbers<[1], [0], [0], [1], [0, 0, 1, 1], [], []>, transpose_lhs_hint = false} : vector<2000x128xf32>, vector<128x256xf32>, vector<2000x256xf32> -> vector<2000x256xf32>
    %get3A_19 = arith.constant 0 : index
    %get3A_20 = arith.constant 0 : index
    %get3A_21 = vector.load %arg6[%get3A_19, %get3A_20] : memref<1x256xf32, #tpu.memory_space<vmem>>, vector<1x256xf32>
    %add3A_22 = vector.broadcast %get3A_21 : vector<1x256xf32> to vector<2000x256xf32>
    %add3A_23 = arith.addf %dot_general3A_18, %add3A_22 : vector<2000x256xf32>
    %max3A = arith.constant 0.000000e+00 : f32
    %max3A_24 = vector.broadcast %max3A : f32 to vector<2000x256xf32>
    %max3A_25 = arith.maximumf %add3A_23, %max3A_24 : vector<2000x256xf32>
    %get3A_26 = arith.constant 0 : index
    %get3A_27 = arith.constant 0 : index
    %get3A_28 = vector.load %arg7[%get3A_26, %get3A_27] : memref<256x128xf32, #tpu.memory_space<vmem>>, vector<256x128xf32>
    %dot_general3A_29 = arith.constant dense<0.000000e+00> : vector<2000x128xf32>
    %dot_general3A_30 = tpu.matmul %max3A_25, %get3A_28, %dot_general3A_29 {dimension_numbers = #tpu.dot_dimension_numbers<[1], [0], [0], [1], [0, 0, 1, 1], [], []>, transpose_lhs_hint = false} : vector<2000x256xf32>, vector<256x128xf32>, vector<2000x128xf32> -> vector<2000x128xf32>
    %mul3A_31 = vector.broadcast %get3A_1 : vector<2000x1xf32> to vector<2000x128xf32>
    %mul3A_32 = arith.mulf %dot_general3A_30, %mul3A_31 : vector<2000x128xf32>
    %swap3A = arith.constant 0 : index
    %swap3A_33 = arith.constant 0 : index
    %swap3A_34 = vector.load %arg8[%swap3A, %swap3A_33] : memref<2000x128xf32, #tpu.memory_space<vmem>>, vector<2000x128xf32>
    tpu.vector_store %arg8[%swap3A, %swap3A_33], %mul3A_32 {strides = array<i32>} : memref<2000x128xf32, #tpu.memory_space<vmem>>, vector<2000x128xf32>,
    return
  }
  func.func @transform_0(%arg0: i32) -> (i32, i32) {
    %c0_i32 = arith.constant 0 : i32
    %c0_i32_0 = arith.constant 0 : i32
    return %arg0, %c0_i32 : i32, i32
  }
  func.func @transform_1(%arg0: i32) -> (i32, i32) {
    %c0_i32 = arith.constant 0 : i32
    %c0_i32_0 = arith.constant 0 : i32
    return %arg0, %c0_i32 : i32, i32
  }
  func.func @transform_2(%arg0: i32) -> (i32, i32) {
    %c0_i32 = arith.constant 0 : i32
    %c0_i32_0 = arith.constant 0 : i32
    return %arg0, %c0_i32 : i32, i32
  }
  func.func @transform_3(%arg0: i32) -> (i32, i32) {
    %c0_i32 = arith.constant 0 : i32
    %c0_i32_0 = arith.constant 0 : i32
    return %arg0, %c0_i32 : i32, i32
  }
  func.func @transform_4(%arg0: i32) -> (i32, i32) {
    %c0_i32 = arith.constant 0 : i32
    %c0_i32_0 = arith.constant 0 : i32
    %c0_i32_1 = arith.constant 0 : i32
    return %c0_i32, %c0_i32_0 : i32, i32
  }
  func.func @transform_5(%arg0: i32) -> (i32, i32) {
    %c0_i32 = arith.constant 0 : i32
    %c0_i32_0 = arith.constant 0 : i32
    %c0_i32_1 = arith.constant 0 : i32
    return %c0_i32, %c0_i32_0 : i32, i32
  }
  func.func @transform_6(%arg0: i32) -> (i32, i32) {
    %c0_i32 = arith.constant 0 : i32
    %c0_i32_0 = arith.constant 0 : i32
    %c0_i32_1 = arith.constant 0 : i32
    return %c0_i32, %c0_i32_0 : i32, i32
  }
  func.func @transform_7(%arg0: i32) -> (i32, i32) {
    %c0_i32 = arith.constant 0 : i32
    %c0_i32_0 = arith.constant 0 : i32
    return %arg0, %c0_i32 : i32, i32
  }
}

module attributes {stable_mosaic.version = 14 : i64} {
  func.func @_tc_out_body(%arg0: i32, %arg1: memref<2000x128xf32, #tpu.memory_space<vmem>>, %arg2: memref<2000x128xf32, #tpu.memory_space<vmem>>, %arg3: memref<2000x128xf32, #tpu.memory_space<vmem>>, %arg4: memref<2000x1xf32, #tpu.memory_space<vmem>>, %arg5: memref<1x40xf32, #tpu.memory_space<vmem>>, %arg6: memref<2000x40xf32, #tpu.memory_space<vmem>>) attributes {dimension_semantics = [#tpu.dimension_semantics<arbitrary>], iteration_bounds = array<i64: 5>, scalar_prefetch = 0 : i64, scratch_operands = 0 : i64, tpu.core_type = #tpu.core_type<tc>, window_params = [{transform_indices = @transform_0, window_bounds = array<i64: 2000, 128>}, {transform_indices = @transform_1, window_bounds = array<i64: 2000, 128>}, {transform_indices = @transform_2, window_bounds = array<i64: 2000, 128>}, {transform_indices = @transform_3, window_bounds = array<i64: 2000, 1>}, {pipeline_mode = #tpu.pipeline_mode<synchronous>, transform_indices = @transform_4, window_bounds = array<i64: 1, 40>}, {transform_indices = @transform_5, window_bounds = array<i64: 2000, 40>}]} {
    %get3A = arith.constant 0 : index
    %get3A_0 = arith.constant 0 : index
    %get3A_1 = vector.load %arg1[%get3A, %get3A_0] : memref<2000x128xf32, #tpu.memory_space<vmem>>, vector<2000x128xf32>
    %get3A_2 = arith.constant 0 : index
    %get3A_3 = arith.constant 0 : index
    %get3A_4 = vector.load %arg2[%get3A_2, %get3A_3] : memref<2000x128xf32, #tpu.memory_space<vmem>>, vector<2000x128xf32>
    %add3A = arith.addf %get3A_1, %get3A_4 : vector<2000x128xf32>
    %get3A_5 = arith.constant 0 : index
    %get3A_6 = arith.constant 0 : index
    %get3A_7 = vector.load %arg3[%get3A_5, %get3A_6] : memref<2000x128xf32, #tpu.memory_space<vmem>>, vector<2000x128xf32>
    %add3A_8 = arith.addf %add3A, %get3A_7 : vector<2000x128xf32>
    %slice3A = vector.extract_strided_slice %add3A_8 {offsets = [0, 0], sizes = [2000, 40], strides = [1, 1]} : vector<2000x128xf32> to vector<2000x40xf32>
    %get3A_9 = arith.constant 0 : index
    %get3A_10 = arith.constant 0 : index
    %get3A_11 = vector.load %arg4[%get3A_9, %get3A_10] : memref<2000x1xf32, #tpu.memory_space<vmem>>, vector<2000x1xf32>
    %mul3A = vector.broadcast %get3A_11 : vector<2000x1xf32> to vector<2000x40xf32>
    %mul3A_12 = arith.mulf %slice3A, %mul3A : vector<2000x40xf32>
    %get3A_13 = arith.constant 0 : index
    %get3A_14 = arith.constant 0 : index
    %get3A_15 = vector.load %arg5[%get3A_13, %get3A_14] : memref<1x40xf32, #tpu.memory_space<vmem>>, vector<1x40xf32>
    %add3A_16 = vector.broadcast %get3A_15 : vector<1x40xf32> to vector<2000x40xf32>
    %add3A_17 = arith.addf %mul3A_12, %add3A_16 : vector<2000x40xf32>
    %reduce_max3A = arith.constant dense<0xFF800000> : vector<2000xf32>
    %reduce_max3A_18 = vector.multi_reduction <maximumf>, %add3A_17, %reduce_max3A [1] : vector<2000x40xf32> to vector<2000xf32>
    %broadcast_in_dim3A = vector.shape_cast %reduce_max3A_18 : vector<2000xf32> to vector<2000x1xf32>
    %sub3A = vector.broadcast %broadcast_in_dim3A : vector<2000x1xf32> to vector<2000x40xf32>
    %sub3A_19 = arith.subf %add3A_17, %sub3A : vector<2000x40xf32>
    %exp3A = math.exp %sub3A_19 : vector<2000x40xf32>
    %reduce_sum3A = arith.constant dense<0.000000e+00> : vector<2000xf32>
    %reduce_sum3A_20 = vector.multi_reduction <add>, %exp3A, %reduce_sum3A [1] : vector<2000x40xf32> to vector<2000xf32>
    %broadcast_in_dim3A_21 = vector.shape_cast %reduce_sum3A_20 : vector<2000xf32> to vector<2000x1xf32>
    %log3A = math.log %broadcast_in_dim3A_21 : vector<2000x1xf32>
    %sub3A_22 = vector.broadcast %log3A : vector<2000x1xf32> to vector<2000x40xf32>
    %sub3A_23 = arith.subf %sub3A_19, %sub3A_22 : vector<2000x40xf32>
    %swap3A = arith.constant 0 : index
    %swap3A_24 = arith.constant 0 : index
    %swap3A_25 = vector.load %arg6[%swap3A, %swap3A_24] : memref<2000x40xf32, #tpu.memory_space<vmem>>, vector<2000x40xf32>
    tpu.vector_store %arg6[%swap3A, %swap3A_24], %sub3A_23 {strides = array<i32>} : memref<2000x40xf32, #tpu.memory_space<vmem>>, vector<2000x40xf32>,
    return
  }
  func.func @transform_0(%arg0: i32) -> (i32, i32) {
    %c0_i32 = arith.constant 0 : i32
    %c0_i32_0 = arith.constant 0 : i32
    return %arg0, %c0_i32 : i32, i32
  }
  func.func @transform_1(%arg0: i32) -> (i32, i32) {
    %c0_i32 = arith.constant 0 : i32
    %c0_i32_0 = arith.constant 0 : i32
    return %arg0, %c0_i32 : i32, i32
  }
  func.func @transform_2(%arg0: i32) -> (i32, i32) {
    %c0_i32 = arith.constant 0 : i32
    %c0_i32_0 = arith.constant 0 : i32
    return %arg0, %c0_i32 : i32, i32
  }
  func.func @transform_3(%arg0: i32) -> (i32, i32) {
    %c0_i32 = arith.constant 0 : i32
    %c0_i32_0 = arith.constant 0 : i32
    return %arg0, %c0_i32 : i32, i32
  }
  func.func @transform_4(%arg0: i32) -> (i32, i32) {
    %c0_i32 = arith.constant 0 : i32
    %c0_i32_0 = arith.constant 0 : i32
    %c0_i32_1 = arith.constant 0 : i32
    return %c0_i32, %c0_i32_0 : i32, i32
  }
  func.func @transform_5(%arg0: i32) -> (i32, i32) {
    %c0_i32 = arith.constant 0 : i32
    %c0_i32_0 = arith.constant 0 : i32
    return %arg0, %c0_i32 : i32, i32
  }
}

</mosaic_0001>

<sc_bundles>
// kernel: kernel.6.cloned.1.call-start
scs
__scs_entry_jumppad:
0x0: {  	(pc) =	sbr.rel $0x88, $3  }
0x1: {  	(tag) =	ssettag $0x0;
	lr =	simm.s32 $0x1  }
0x2: {  	[smem:$0x3F9A] =	sst lr;
	_ =	strace $0xD0000000  }
0x3: {  	_ = 	snop  }
0x4: {  	_ = 	snop  }
0x5: {  	_ = 	snop  }
0x6: {  	_ = 	snop  }
0x7: {  	_ = 	snop  }
__scs_overlays_trampoline_lowered:
0x8: {  	[smem:$0x3FA9] =	sst s0  }
0x9: {  	[smem:$0x3FAA] =	sst s1  }
0xa: {  	[smem:$0x3FAB] =	sst s2  }
0xb: {  	[smem:$0x3FAC] =	sst s3  }
0xc: {  	[smem:$0x3FAD] =	sst s4  }
0xd: {  	[smem:$0x3FAE] =	sst s5  }
0xe: {  	[smem:$0x3FAF] =	sst s6  }
0xf: {  	[smem:$0x3FB0] =	sst s7  }
0x10: {  	[smem:$0x3FB1] =	sst s8  }
0x11: {  	[smem:$0x3FB2] =	sst s9;
	s0 =	simm.s32 @!p0 $0x0  }
0x12: {  	s1 =	sld [smem:$0x3F98];
	s0 =	simm.s32 @p0 $0x1  }
0x13: {  	[smem:$0x3FB3] =	sst s0;
	s0 =	simm.s32 @!p1 $0x0  }
0x14: {  	s2 =	sld [smem:$0x3F97];
	s0 =	simm.s32 @p1 $0x1  }
0x15: {  	[smem:$0x3FB4] =	sst s0;
	s0 =	simm.s32 @!p2 $0x0  }
0x16: {  	s3 =	sld [smem:$0x3FDB];
	s0 =	simm.s32 @p2 $0x1  }
0x17: {  	s4 =	simm.s32 $0x1BF5;
	[smem:$0x3FB6] =	sst s0  }
0x18: {  	s0 =	sld [smem:$0x3F99];
	_ =	swait.ge [sflag:s4], $0x0  }
0x19: {  	s7 =	sld [smem:$0x3F9A]  }
0x1a: {  	s8 =	sadd.s32 $0xFFFFE003, lr  }
0x1b: {  	s9 =	sadd.s32 $0xFFFFFEF7, lr;
	s5 =	simm.s32 $0xFFFFFFFF;
	p2 =	slt.u32 s8, $0xFFFFF086  }
0x1c: {  	p1 =	slt.u32 s9, $0xF7A;
	s5 =	simm.s32 @!p2 $0x0  }
0x1d: {  	s5 =	simm.s32 @p1 $0x1;
	p0 =	seq.s32 s7, s2  }
0x1e: {  	s7 =	smul.u32 @!p0 $0xF7A, s2;
	p2 =	seq.s32 @!p0 s5, $0x0  }
0x1f: {  	s9 =	smul.u32 $0xF7A, s1;
	s8 =	simm.s32 @!p0 $0x1BF5;
	p2 =	por !p2, p0  }
0x20: {  	[sflag:s8] =	ssyncset.s32 @!p0 $0xFFFFF086;
	s6 =	sadd.s32 @!p0 s3, s7;
	s7 =	simm.s32 @!p0 $0x108  }
0x21: {  	s3 =	sadd.s32 s3, s9;
	s6 =	sadd.s32 @!p0 $0x88, s6;
	s7 =	simm.s32 @p2 $0x1082  }
0x22: {  	[simem:s7], [sflag:s8] =	dma.local @!p0 [hbm:s6], $0xF7A  }
0x23: {  	s9 =	sor.u32 $0xD0000000, s2;
	s6 =	simm.s32 $0x108;
	_ =	swait.ge @!p0 [sflag:s8], $0x0  }
0x24: {  	s3 =	sadd.s32 $0x88, s3;
	s6 =	simm.s32 @!p1 $0x1082;
	[sflag:s4] =	ssyncset.s32 $0xFFFFF086  }
0x25: {  	[simem:s6], [sflag:s4] =	dma.local [hbm:s3], $0xF7A  }
0x26: {  	[smem:$0x3F9A] =	sst s1;
	(tag) =	ssettag s2;
	_ =	strace s9  }
0x27: {  	s1 =	sld [smem:$0x3FAA]  }
0x28: {  	s2 =	sld [smem:$0x3FAB]  }
0x29: {  	s4 =	sld [smem:$0x3FAD]  }
0x2a: {  	p0 =	seq.s32 s5, $0x0;
	s5 =	sld [smem:$0x3FAE]  }
0x2b: {  	s6 =	sld [smem:$0x3FAF]  }
0x2c: {  	s7 =	sld [smem:$0x3FB0]  }
0x2d: {  	s3 =	simm.s32 $0x108;
	s8 =	sld [smem:$0x3FB1]  }
0x2e: {  	s3 =	simm.s32 @!p0 $0x1082;
	s9 =	sld [smem:$0x3FB2]  }
0x2f: {  	lr =	sadd.s32 s0, s3;
	s0 =	sld [smem:$0x3FA9]  }
0x30: {  	s3 =	sld [smem:$0x3FAC]  }
0x31: {  	[smem:$0x3FB5] =	sst s10  }
0x32: {  	s10 =	sld [smem:$0x3FB3];
	_ =	sdelay $0x3  }
0x33: {  	p0 =	seq.s32 s10, $0x1;
	s10 =	sld [smem:$0x3FB5];
	_ =	sdelay $0x3  }
0x34: {  	[smem:$0x3FB5] =	sst s10  }
0x35: {  	s10 =	sld [smem:$0x3FB4];
	_ =	sdelay $0x3  }
0x36: {  	p1 =	seq.s32 s10, $0x1;
	s10 =	sld [smem:$0x3FB5];
	_ =	sdelay $0x3  }
0x37: {  	[smem:$0x3FB5] =	sst s10  }
0x38: {  	s10 =	sld [smem:$0x3FB6]  }
0x39: {  	_ = 	snop;
	(pc) =	sbr.ind lr, $3  }
0x3a: {  	_ = 	snop  }
0x3b: {  	_ = 	snop  }
0x3c: {  	p2 =	seq.s32 s10, $0x1;
	s10 =	sld [smem:$0x3FB5]  }
0x3d: {  	_ =	shalt  }
0x3e: {  	_ =	shalt  }
0x3f: {  	_ =	shalt  }
0x40: {  	_ =	shalt  }
0x41: {  	_ =	shalt  }
0x42: {  	_ =	shalt  }
0x43: {  	_ =	shalt  }
0x44: {  	_ =	shalt  }
0x45: {  	_ =	shalt  }
0x46: {  	_ =	shalt  }
0x47: {  	_ =	shalt  }
0x48: {  	_ =	shalt  }
0x49: {  	_ =	shalt  }
0x4a: {  	_ =	shalt  }
0x4b: {  	_ =	shalt  }
0x4c: {  	_ =	shalt  }
0x4d: {  	_ =	shalt  }
0x4e: {  	_ =	shalt  }
0x4f: {  	_ =	shalt  }
0x50: {  	_ =	shalt  }
0x51: {  	_ =	shalt  }
0x52: {  	_ =	shalt  }
0x53: {  	_ =	shalt  }
0x54: {  	_ =	shalt  }
0x55: {  	_ =	shalt  }
0x56: {  	_ =	shalt  }
0x57: {  	_ =	shalt  }
0x58: {  	_ =	shalt  }
0x59: {  	_ =	shalt  }
0x5a: {  	_ =	shalt  }
0x5b: {  	_ =	shalt  }
0x5c: {  	_ =	shalt  }
0x5d: {  	_ =	shalt  }
0x5e: {  	_ =	shalt  }
0x5f: {  	_ =	shalt  }
0x60: {  	_ =	shalt  }
0x61: {  	_ =	shalt  }
0x62: {  	_ =	shalt  }
0x63: {  	_ =	shalt  }
0x64: {  	_ =	shalt  }
0x65: {  	_ =	shalt  }
0x66: {  	_ =	shalt  }
0x67: {  	_ =	shalt  }
0x68: {  	_ =	shalt  }
0x69: {  	_ =	shalt  }
0x6a: {  	_ =	shalt  }
0x6b: {  	_ =	shalt  }
0x6c: {  	_ =	shalt  }
0x6d: {  	_ =	shalt  }
0x6e: {  	_ =	shalt  }
0x6f: {  	_ =	shalt  }
0x70: {  	_ =	shalt  }
0x71: {  	_ =	shalt  }
0x72: {  	_ =	shalt  }
0x73: {  	_ =	shalt  }
0x74: {  	_ =	shalt  }
0x75: {  	_ =	shalt  }
0x76: {  	_ =	shalt  }
0x77: {  	_ =	shalt  }
0x78: {  	_ =	shalt  }
0x79: {  	_ =	shalt  }
0x7a: {  	_ =	shalt  }
0x7b: {  	_ =	shalt  }
0x7c: {  	_ =	shalt  }
0x7d: {  	_ =	shalt  }
0x7e: {  	_ =	shalt  }
0x7f: {  	_ =	shalt  }
0x80: {  	_ =	shalt  }
0x81: {  	_ =	shalt  }
0x82: {  	_ =	shalt  }
0x83: {  	_ =	shalt  }
0x84: {  	_ =	shalt  }
0x85: {  	_ =	shalt  }
0x86: {  	_ =	shalt  }
0x87: {  	_ =	shalt  }
.Lfunc_end0:
.L_simem_size_0:
called_computation_lowered:
.L_overlay_start_0:
0x88: {  	s2 =	sld [smem:$0x3FD9]  }
0x89: {  	s3 =	sld [smem:$0x3FFE];
	_ =	sdelay $0x1  }
0x8a: {  	s1 =	srdreg.scid  }
0x8b: {  	s0 =	sand.u32 $0x1, s1  }
0x8c: {  	s17 =	sshll.u32 s0, $0xA;
	s2 =	sadd.s32 s3, s2  }
0x8d: {  	s2 =	sadd.s32 s2, s17  }
0x8e: {  	[smem:$0x3FC1] =	sst s2  }
0x8f: {  	_ = 	snop  }
0x90: {  	s2 =	sld [smem:$0x3FC9]  }
0x91: {  	s18 =	sld [smem:$0x3FD0];
	(tm) =	ssettm $0x1  }
0x92: {  	s4 =	sld [smem:$0x3FFB];
	_ =	sdelay $0x3  }
0x93: {  	_ =	strace s4  }
0x94: {  	s4 =	sld [smem:$0x3FFC];
	_ =	sdelay $0x3  }
0x95: {  	_ =	strace s4  }
0x96: {  	s4 =	sld [smem:$0x3FFD];
	_ =	sdelay $0x3  }
0x97: {  	_ =	strace s4  }
0x98: {  	_ =	strace $0x8FFFFFFF  }
0x99: {  	s19 =	sld [smem:$0x3FDB];
	_ =	sdelay $0x1  }
0x9a: {  	s5 =	simm.s32 $_scs_section_size  }
0x9b: {  	s6 =	simm.s32 $_size__tile_overlayer_lowered;
	s7 =	simm.s32 $_tile_overlayer_lowered  }
0x9c: {  	s22 =	simm.s32 $0x1BFF;
	s21 =	sshll.u32 s7, $0x1;
	s4 =	sadd.s32 s5, s19  }
0x9d: {  	s8 =	simm.s32 $0x0;
	s20 =	sshll.u32 s6, $0x1;
	s6 =	sadd.s32 s21, s4  }
0x9e: {  	[timem:s8], [sflag:s22] =	dma.local [hbm:s6], s20  }
0x9f: {  	_ =	swait.ge [sflag:s22], s20  }
0xa0: {  	s5 =	ssub.s32 $0x0, s20;
	[sflag:s22] =	ssyncset.done $0x0  }
0xa1: {  	[sflag:s22] =	ssyncadd.s32 s5;
	_ =	sdelay $0x1  }
0xa2: {  	s23 =	simm.s32 $0x1B8B  }
0xa3: {  	_ =	swait.ge [sflag:s23], $0x1  }
0xa4: {  	[sflag:s23] =	ssyncset.done $0x0  }
0xa5: {  	s25 =	simm.s32 $0x1B8E;
	s24 =	sld [smem:$0x3FFE];
	[sflag:s23] =	ssyncadd.s32 $0xFFFFFFFF  }
0xa6: {  	s26 =	simm.s32 $execute0_lowered;
	[smem:$0x3FD2] =	sst s25  }
0xa7: {  	s6 =	sshll.u32 s26, $0x1;
	_ =	strace $0x80000046;
	[dreg:$0x1] =	wrdreg $0xFFFFFFFF  }
0xa8: {  	s28 =	simm.s32 $_size_execute0_lowered;
	s4 =	sadd.s32 s4, s6;
	[dreg:$0x0] =	wrdreg $0x0  }
0xa9: {  	s6 =	sshll.u32 s28, $0x1;
	[dreg:$0x2] =	wrdreg s4  }
0xaa: {  	[dreg:$0x3] =	wrdreg s6  }
0xab: {  	[dreg:$0x4] =	wrdreg $0xC0  }
0xac: {  	_ =	task [dreg:s8], $0x5FFFF  }
0xad: {  	[dreg:$0x1] =	wrdreg $0xFFFFFFFF  }
0xae: {  	[dreg:$0x0] =	wrdreg $0x60  }
0xaf: {  	[dreg:$0x2] =	wrdreg s2  }
0xb0: {  	[dreg:$0x3] =	wrdreg s24  }
0xb1: {  	[dreg:$0x4] =	wrdreg s18  }
0xb2: {  	[dreg:$0x5] =	wrdreg $0x0  }
0xb3: {  	[dreg:$0x6] =	wrdreg $0x140000  }
0xb4: {  	[dreg:$0x7] =	wrdreg $0x142800  }
0xb5: {  	[dreg:$0x8] =	wrdreg $0x9  }
0xb6: {  	_ =	task.clear_ibuf [dreg:s8], $0x9FFFF;
	_ =	strace $0x90000046  }
0xb7: {  	s29 =	simm.s32 $0x9;
	_ =	strace $0x80000048  }
0xb8: {  	_ =	swait.ge [sflag:s29], $0x1  }
0xb9: {  	[sflag:s29] =	ssyncadd.s32 $0xFFFFFFFF  }
0xba: {  	_ =	strace $0x90000048  }
0xbb: {  	_ =	sfence  }
0xbc: {  	s30 =	sld [smem:$0x0];
	_ =	sdelay $0x2  }
0xbd: {  	s31 =	sshll.u32 s1, $0xD;
	s1 =	sshrl.u32 s1, $0x2  }
0xbe: {  	s3 =	sand.u32 $0x4000, s31;
	s1 =	sadd.s32 s1, s30  }
0xbf: {  	s0 =	sor.u32 s3, s0;
	s1 =	sshll.u32 s1, $0x11  }
0xc0: {  	s0 =	sor.u32 s1, s0  }
0xc1: {  	s0 =	sadd.s32 $0x8F2B, s0  }
0xc2: {  	[sflag:s0] =	ssyncadd.remote.s32 $0x1  }
0xc3: {  	_ =	sfence.sel $0xFFFF  }
0xc4: {  	[dreg:$0x0] =	wrdreg $0xFFFFFFFF;
	(pc) =	sbr.abs _section_cstart, $3  }
0xc5: {  	[dreg:$0x1] =	wrdreg $0xFFFFFFFF  }
0xc6: {  	_ =	task.clear_ibuf [dreg:s8], $0x2FFFF;
	_ =	strace $0x9FFFFFFF  }
0xc7: {  	(tm) =	ssettm $0x7FFFFFFF  }
tec
execute0_lowered:
.L_overlay_start_1:
0x0: {  	(tag) =	ssettag $0x1  }
0x1: {  	s1 =	rddreg [dreg:$0x0]  }
0x2: {  	s12 =	rddreg [dreg:$0x1]  }
0x3: {  	s10 =	rddreg [dreg:$0x2]  }
0x4: {  	s0 =	rddreg [dreg:$0x3];
	s5 =	stileid.u32  }
0x5: {  	s3 =	rddreg [dreg:$0x4];
	s8 =	smul.u32 $0xC00, s5  }
0x6: {  	s2 =	srdreg.scid;
	s13 =	smul.u32 $0x14000, s5  }
0x7: {  	s11 =	rddreg [dreg:$0x5];
	s4 =	simm.s32 $0x0;
	s29 =	smul.u32 $0x280, s5  }
0x8: {  	s28 =	simm.s32 $0x1CC80;
	s2 =	sand.u32 $0x1, s2;
	s19 =	smul.u32 $0x1800, s5  }
0x9: {  	s30 =	simm.s32 $0x4;
	s31 =	simm.s32 $0x1CC00;
	s7 =	smul.u32 $0xC000, s2  }
0xa: {  	[smem:$0x7FF] =	sst s4;
	s6 =	sadd.s32 $0x19600, s12;
	s9 =	smul.u32 $0x138800, s2  }
0xb: {  	_ =	strace $0x80000047;
	[dreg:$0x7] =	wrdreg s6;
	s6 =	sadd.s32 $0x34600, s12  }
0xc: {  	s18 =	ssub.s32 $0x2, s2;
	s24 =	smul.u32 $0x60000, s2;
	s14 =	smin.u32 s29, $0x2490  }
0xd: {  	s17 =	sshrl.u32 s29, $0x3;
	s22 =	sshrl.u32 s18, $0x1;
	s23 =	sadd.s32 s29, s3  }
0xe: {  	s7 =	sadd.s32 s8, s7;
	s9 =	sadd.s32 s13, s9;
	s14 =	sadd.s32 $0x280, s14  }
0xf: {  	s18 =	ssub.s32 s18, s22;
	[dreg:$0x8] =	wrdreg s23;
	s22 =	smul.u32 $0x6000, s5  }
0x10: {  	s13 =	sadd.s32 s29, s11;
	s23 =	sshrl.u32 s19, $0x3;
	s8 =	sshrl.u32 s7, $0x3  }
0x11: {  	s7 =	sadd.s32 $0x1600, s12;
	s9 =	sshrl.u32 s9, $0x3;
	s20 =	ssub.s32 s14, s29  }
0x12: {  	p0 =	sne.s32 s14, s29;
	[dreg:$0x9] =	wrdreg s13;
	s18 =	smax.u32 s18, $0x1  }
0x13: {  	s15 =	sadd.s32 s8, s12;
	s16 =	sadd.s32 s9, s12;
	s9 =	smul.u32 $0xC000, s5  }
0x14: {  	s8 =	sadd.s32 $0x4F600, s12;
	s12 =	sadd.s32 s17, s12;
	s21 =	smul.u32 $0xFFFFCCCD, s20  }
0x15: {  	s13 =	sadd.s32 s22, s24;
	s29 =	sshll.u32 s20, $0x10;
	s20 =	sshra.s32 s20, $0x1F  }
0x16: {  	s22 =	smul.u32 $0x50000, s5;
	[dreg:$0xd] =	wrdreg s18;
	s18 =	simm.s32 $0x17600  }
0x17: {  	s12 =	sadd.s32 $0xC4A00, s12;
	s17 =	sshra.s32 s29, $0x10;
	s19 =	sadd.s32 $0x76800, s16  }
0x18: {  	s16 =	simm.s32 $0x2;
	s25 =	sadd.s32 $0x1990, s21;
	[dreg:$0xa] =	wrdreg s12  }
0x19: {  	s17 =	smul.u32 $0x6667, s17;
	s24 =	sshrl.u32 s22, $0x2;
	[dreg:$0x13] =	wrdreg s19  }
0x1a: {  	s19 =	simm.s32 $0x15100;
	s26 =	sand.u32 $0xFFF0, s25;
	s14 =	sshll.u32 s25, $0xC  }
0x1b: {  	s25 =	sshll.u32 s5, $0x4;
	s12 =	sshrl.u32 s26, $0x4;
	s21 =	sshrl.u32 s17, $0x1F  }
0x1c: {  	s17 =	sshra.s32 s17, $0x15;
	s26 =	sadd.s32 s24, s0;
	s12 =	sor.u32 s14, s12  }
0x1d: {  	s14 =	simm.s32 $0x1;
	s29 =	sadd.s32 $0x2800, s26;
	[dreg:$0xe] =	wrdreg s26  }
0x1e: {  	s22 =	sadd.s32 $0x7800, s26;
	s24 =	sadd.s32 $0xC800, s26;
	[dreg:$0x10] =	wrdreg s29  }
0x1f: {  	s14 =	simm.s32 @!p0 $0x0;
	s12 =	sand.u32 $0xFFFF, s12;
	[dreg:$0x15] =	wrdreg s22  }
0x20: {  	[dreg:$0x17] =	wrdreg s24;
	s22 =	simm.s32 $0x30;
	s20 =	sor.u32 s14, s20  }
0x21: {  	s14 =	sadd.s32 $0x4C600, s15;
	p1 =	sgt.u32 s12, $0x332;
	p6 =	sne.s32 s20, $0x1  }
0x22: {  	s15 =	sadd.s32 $0x31600, s15;
	s12 =	sadd.s32 s21, s17;
	p0 =	por !p1, !p6  }
0x23: {  	s21 =	sadd.s32 $0x5000, s26;
	s20 =	simm.s32 $0x1;
	p0 =	por !p0, !p0  }
0x24: {  	s17 =	simm.s32 $0x1;
	[dreg:$0x14] =	wrdreg s21;
	s20 =	simm.s32 @!p0 $0x0  }
0x25: {  	s20 =	ssub.s32 s12, s20;
	s12 =	sadd.s32 s10, s23;
	s10 =	sadd.s32 s25, s11  }
0x26: {  	s21 =	simm.s32 $0x15E00;
	p0 =	sne.s32 s2, $0x0;
	[dreg:$0xf] =	wrdreg s10  }
0x27: {  	s2 =	simm.s32 $0x15D00;
	s23 =	sadd.s32 $0xA000, s26;
	[dreg:$0xb] =	wrdreg s20  }
0x28: {  	s11 =	sshll.u32 s5, $0x8;
	s25 =	sadd.s32 $0xF000, s26;
	[dreg:$0x16] =	wrdreg s23  }
0x29: {  	v0 =	vimm.f32 $0.0e+00;
	v1 =	vimm.f32 $1.000000000e+00;
	s26 =	sadd.s32 $0x11800, s26;
	s1 =	sadd.s32 s11, s1;
	[dreg:$0x18] =	wrdreg s25  }
.Ltmp0:
0x2a: {  	v2 =	vimm.s32 $0x1;
	v3 =	vimm.s32 $0x2;
	v4 =	vimm.s32 $0x3;
	s5 =	sadd.s32 s11, s8;
	[dreg:$0x19] =	wrdreg s26;
	(pc) =	sbr.rel .LBB2_1-.Ltmp0, $4  }
0x2b: {  	v5 =	vimm.s32 $0x4;
	v6 =	vimm.s32 $0x5;
	v7 =	vimm.s32 $0x6;
	p1 =	slt.s32 s20, $0x1;
	[dreg:$0xc] =	wrdreg s12;
	s29 =	sadd.s32 $0x180, s12  }
0x2c: {  	v8 =	vimm.s32 $0x7;
	v9 =	vimm.s32 $0x8;
	v10 =	vimm.s32 $0x9;
	s11 =	simm.s32 $0x18F00;
	s12 =	simm.s32 $0x3;
	[dreg:$0x11] =	wrdreg s1  }
0x2d: {  	v11 =	vimm.s32 $0xA;
	v12 =	vimm.s32 $0xB;
	v13 =	vimm.s32 $0xC;
	s26 =	simm.s32 $0x15D80;
	s25 =	simm.s32 $0x17700;
	[dreg:$0x1a] =	wrdreg s29  }
0x2e: {  	v14 =	vimm.s32 $0xD;
	v15 =	vimm.s32 $0xE;
	v16 =	vimm.s32 $0xF;
	s10 =	simm.s32 $0x17680;
	s20 =	simm.s32 $0x0;
	[dreg:$0x12] =	wrdreg s5  }
.LBB2_22:
0x2f: {  	[sflag:s12] =	ssyncadd.s32 $0xFFFFD800;
	s20 =	rddreg [dreg:$0x1b]  }
.LBB2_23:
0x30: {  	s20 =	sadd.s32 $0x1, s20;
	s1 =	rddreg [dreg:$0xd]  }
0x31: {  	p2 =	sne.s32 s20, s1  }
.Ltmp1:
0x32: {  	_ = 	snop;
	(pc) =	sbr.rel @!p2 .LBB2_24-.Ltmp1, $1  }
0x33: {  	_ =	sdelay $0x3  }
.LBB2_1:
0x34: {  	[dreg:$0x1b] =	wrdreg s20;
	s1 =	simm.s32 $0x0;
	s20 =	simm.s32 $0x200  }
.LBB2_2:
0x35: {  	p2 =	sne.s32 s20, $0x9E00;
	[tilespmem:s1+$0x18F70] =	vst v0  }
0x36: {  	[tilespmem:s1+$0x18F00] =	vst v0  }
0x37: {  	[tilespmem:s1+$0x18F10] =	vst v0  }
.Ltmp2:
0x38: {  	[tilespmem:s1+$0x18F20] =	vst v0;
	(pc) =	sbr.rel @p2 .LBB2_2-.Ltmp2, $4  }
0x39: {  	[tilespmem:s1+$0x18F30] =	vst v0  }
0x3a: {  	[tilespmem:s1+$0x18F40] =	vst v0  }
0x3b: {  	[tilespmem:s1+$0x18F50] =	vst v0  }
0x3c: {  	[tilespmem:s1+$0x18F60] =	vst v0;
	s1 =	sshra.s32 s20, $0x2;
	s20 =	sadd.s32 $0x200, s20  }
0x3d: {  	[tilespmem:s1+$0x18F70] =	vst v0  }
0x3e: {  	[tilespmem:s1+$0x18F00] =	vst v0  }
0x3f: {  	[tilespmem:s1+$0x18F10] =	vst v0  }
0x40: {  	[tilespmem:s1+$0x18F20] =	vst v0  }
0x41: {  	[tilespmem:s1+$0x18F30] =	vst v0  }
0x42: {  	[tilespmem:s1+$0x18F40] =	vst v0  }
0x43: {  	[tilespmem:s1+$0x18F50] =	vst v0  }
0x44: {  	[tilespmem:s1+$0x18F60] =	vst v0;
	s20 =	rddreg [dreg:$0xe]  }
0x45: {  	[spmem:s20] =	stream.linear.scatter [tilespmem:s11], [sflag:$0x3], $0x2800, $0x38;
	[tilespmem:$0x1CD00] =	vst v63  }
0x46: {  	_ =	swait.ge [sflag:s12], $0x2800  }
0x47: {  	[sflag:s12] =	ssyncset.done $0x0  }
0x48: {  	s23 =	rddreg [dreg:$0x10];
	[sflag:s12] =	ssyncadd.s32 $0xFFFFD800  }
0x49: {  	[spmem:s23] =	stream.linear.scatter [tilespmem:s11], [sflag:$0x3], $0x2800, $0x38;
	[tilespmem:$0x1CD00] =	vst v63  }
0x4a: {  	_ =	swait.ge [sflag:s12], $0x2800  }
0x4b: {  	[sflag:s12] =	ssyncset.done $0x0  }
0x4c: {  	s24 =	rddreg [dreg:$0x14];
	[sflag:s12] =	ssyncadd.s32 $0xFFFFD800  }
0x4d: {  	[spmem:s24] =	stream.linear.scatter [tilespmem:s11], [sflag:$0x3], $0x2800, $0x38;
	[tilespmem:$0x1CD00] =	vst v63  }
0x4e: {  	_ =	swait.ge [sflag:s12], $0x2800  }
0x4f: {  	[sflag:s12] =	ssyncset.done $0x0  }
0x50: {  	s29 =	rddreg [dreg:$0x15];
	[sflag:s12] =	ssyncadd.s32 $0xFFFFD800  }
0x51: {  	[spmem:s29] =	stream.linear.scatter [tilespmem:s11], [sflag:$0x3], $0x2800, $0x38;
	[tilespmem:$0x1CD00] =	vst v63  }
0x52: {  	_ =	swait.ge [sflag:s12], $0x2800  }
0x53: {  	[sflag:s12] =	ssyncset.done $0x0  }
0x54: {  	s5 =	rddreg [dreg:$0x16];
	[sflag:s12] =	ssyncadd.s32 $0xFFFFD800  }
0x55: {  	[spmem:s5] =	stream.linear.scatter [tilespmem:s11], [sflag:$0x3], $0x2800, $0x38;
	[tilespmem:$0x1CD00] =	vst v63  }
0x56: {  	_ =	swait.ge [sflag:s12], $0x2800  }
0x57: {  	[sflag:s12] =	ssyncset.done $0x0  }
0x58: {  	s20 =	rddreg [dreg:$0x17];
	[sflag:s12] =	ssyncadd.s32 $0xFFFFD800  }
0x59: {  	[spmem:s20] =	stream.linear.scatter [tilespmem:s11], [sflag:$0x3], $0x2800, $0x38;
	[tilespmem:$0x1CD00] =	vst v63  }
0x5a: {  	_ =	swait.ge [sflag:s12], $0x2800  }
0x5b: {  	[sflag:s12] =	ssyncset.done $0x0  }
0x5c: {  	s23 =	rddreg [dreg:$0x18];
	[sflag:s12] =	ssyncadd.s32 $0xFFFFD800  }
0x5d: {  	[spmem:s23] =	stream.linear.scatter [tilespmem:s11], [sflag:$0x3], $0x2800, $0x38;
	[tilespmem:$0x1CD00] =	vst v63  }
0x5e: {  	_ =	swait.ge [sflag:s12], $0x2800  }
0x5f: {  	[sflag:s12] =	ssyncset.done $0x0  }
0x60: {  	s24 =	rddreg [dreg:$0x19];
	[sflag:s12] =	ssyncadd.s32 $0xFFFFD800  }
0x61: {  	[spmem:s24] =	stream.linear.scatter [tilespmem:s11], [sflag:$0x3], $0x2800, $0x38;
	[tilespmem:$0x1CD00] =	vst v63  }
0x62: {  	_ =	swait.ge [sflag:s12], $0x2800  }
0x63: {  	[sflag:s12] =	ssyncset.done $0x0  }
0x64: {  	[sflag:s12] =	ssyncadd.s32 $0xFFFFD800  }
0x65: {  	[tilespmem:$0x1CC80] =	vst v1  }
0x66: {  	[tilespmem:$0x1CC90] =	vst v1  }
0x67: {  	[tilespmem:$0x1CCA0] =	vst v1  }
0x68: {  	[tilespmem:$0x1C700] =	vst v1  }
0x69: {  	[tilespmem:$0x1C710] =	vst v1  }
0x6a: {  	[tilespmem:$0x1C720] =	vst v1  }
0x6b: {  	[tilespmem:$0x1C730] =	vst v1  }
0x6c: {  	[tilespmem:$0x1C740] =	vst v1  }
0x6d: {  	[tilespmem:$0x1C750] =	vst v1  }
0x6e: {  	[tilespmem:$0x1C760] =	vst v1  }
0x6f: {  	[tilespmem:$0x1C770] =	vst v1  }
0x70: {  	[tilespmem:$0x1C780] =	vst v1  }
0x71: {  	[tilespmem:$0x1C790] =	vst v1  }
0x72: {  	[tilespmem:$0x1C7A0] =	vst v1  }
0x73: {  	[tilespmem:$0x1C7B0] =	vst v1  }
0x74: {  	[tilespmem:$0x1C7C0] =	vst v1  }
0x75: {  	[tilespmem:$0x1C7D0] =	vst v1  }
0x76: {  	[tilespmem:$0x1C7E0] =	vst v1  }
0x77: {  	[tilespmem:$0x1C7F0] =	vst v1  }
0x78: {  	[tilespmem:$0x1C800] =	vst v1  }
0x79: {  	[tilespmem:$0x1C810] =	vst v1  }
0x7a: {  	[tilespmem:$0x1C820] =	vst v1  }
0x7b: {  	[tilespmem:$0x1C830] =	vst v1  }
0x7c: {  	[tilespmem:$0x1C840] =	vst v1  }
0x7d: {  	[tilespmem:$0x1C850] =	vst v1  }
0x7e: {  	[tilespmem:$0x1C860] =	vst v1  }
0x7f: {  	[tilespmem:$0x1C870] =	vst v1  }
0x80: {  	[tilespmem:$0x1C880] =	vst v1  }
0x81: {  	[tilespmem:$0x1C890] =	vst v1  }
0x82: {  	[tilespmem:$0x1C8A0] =	vst v1  }
0x83: {  	[tilespmem:$0x1C8B0] =	vst v1  }
0x84: {  	[tilespmem:$0x1C8C0] =	vst v1  }
0x85: {  	[tilespmem:$0x1C8D0] =	vst v1  }
0x86: {  	[tilespmem:$0x1C8E0] =	vst v1  }
0x87: {  	[tilespmem:$0x1C8F0] =	vst v1  }
0x88: {  	[tilespmem:$0x1C900] =	vst v1  }
0x89: {  	[tilespmem:$0x1C910] =	vst v1  }
0x8a: {  	[tilespmem:$0x1C920] =	vst v1  }
0x8b: {  	[tilespmem:$0x1C930] =	vst v1  }
0x8c: {  	[tilespmem:$0x1C940] =	vst v1  }
0x8d: {  	[tilespmem:$0x1C950] =	vst v1  }
0x8e: {  	[tilespmem:$0x1C960] =	vst v1  }
0x8f: {  	s5 =	simm.s32 $0x1C700;
	s29 =	rddreg [dreg:$0x8];
	[tilespmem:$0x1C970] =	vst v1  }
0x90: {  	[spmem:s29] =	stream.linear.scatter [tilespmem:s5], [sflag:$0x3], $0x280, $0x38;
	[tilespmem:$0x1CD00] =	vst v63  }
0x91: {  	_ =	swait.ge [sflag:s12], $0x280  }
0x92: {  	[sflag:s12] =	ssyncset.done $0x0  }
0x93: {  	[sflag:s12] =	ssyncadd.s32 $0xFFFFFD80  }
0x94: {  	s1 =	simm.s32 $0x0;
	s20 =	simm.s32 $0x0;
	[bflag:$0x0] =	sbarrier.arrive $0xFFFF  }
.LBB2_4:
0x95: {  	s23 =	smul.u32 $0xC00, s20;
	_ =	sdelay $0x1  }
0x96: {  	s23 =	sadd.s32 s9, s23  }
0x97: {  	s5 =	rddreg [dreg:$0x7];
	s23 =	sshrl.u32 s23, $0x3  }
0x98: {  	s23 =	sadd.s32 s5, s23  }
0x99: {  	[tilespmem:s19], [sflag:$0x3] =	stream.linear.gather [hbm4b:s23+s1], $0xC00, $0x38;
	[tilespmem:$0x1CD00] =	vst v63  }
0x9a: {  	_ =	swait.ge [sflag:s12], $0xC00  }
0x9b: {  	[sflag:s12] =	ssyncset.done $0x0  }
0x9c: {  	s24 =	simm.s32 $0x0;
	[sflag:s12] =	ssyncadd.s32 $0xFFFFF400  }
0x9d: {  	v17 =	vld [tilespmem:s24+$0x15100];
	_ =	sdelay $0x4  }
0x9e: {  	[tilespmem:$0x15D80] =	vst v17  }
0x9f: {  	v17 =	vld [tilespmem:s24+$0x15110];
	_ =	sdelay $0x4  }
0xa0: {  	[tilespmem:$0x15D90] =	vst v17  }
0xa1: {  	v17 =	vld [tilespmem:s24+$0x15120];
	_ =	sdelay $0x4  }
0xa2: {  	[tilespmem:$0x15DA0] =	vst v17  }
0xa3: {  	[spmem:s3] =	stream.indirect.scatter.add.f32 [tilespmem:s28], [sflag:$0x3], $0x1, s26, s22, $0xb8;
	[tilespmem:$0x1CD00] =	vst v63  }
0xa4: {  	_ =	swait.ge [sflag:s12], $0x30  }
0xa5: {  	s29 =	simm.s32 $0x400;
	s23 =	simm.s32 $0x200;
	[sflag:s12] =	ssyncset.done $0x0  }
.LBB2_5:
0xa6: {  	s24 =	sshra.s32 s23, $0x2  }
0xa7: {  	[sflag:s12] =	ssyncadd.s32 $0xFFFFFFD0;
	s23 =	smov.u32 s29;
	s5 =	sadd.s32 $0x200, s29  }
0xa8: {  	p2 =	sne.s32 s29, $0x2E00;
	v17 =	vld [tilespmem:s24+$0x15100];
	_ =	sdelay $0x4  }
0xa9: {  	[tilespmem:$0x15D80] =	vst v17  }
0xaa: {  	v17 =	vld [tilespmem:s24+$0x15110];
	_ =	sdelay $0x4  }
0xab: {  	[tilespmem:$0x15D90] =	vst v17  }
0xac: {  	v17 =	vld [tilespmem:s24+$0x15120];
	_ =	sdelay $0x3  }
.Ltmp3:
0xad: {  	(pc) =	sbr.rel @p2 .LBB2_5-.Ltmp3, $4  }
0xae: {  	[tilespmem:$0x15DA0] =	vst v17  }
0xaf: {  	[spmem:s3] =	stream.indirect.scatter.add.f32 [tilespmem:s28], [sflag:$0x3], $0x1, s26, s22, $0xb8;
	[tilespmem:$0x1CD00] =	vst v63  }
0xb0: {  	_ =	swait.ge [sflag:s12], $0x30  }
0xb1: {  	s29 =	smov.u32 s5;
	[sflag:s12] =	ssyncset.done $0x0  }
0xb2: {  	s5 =	sshra.s32 s23, $0x2;
	[sflag:s12] =	ssyncadd.s32 $0xFFFFFFD0  }
0xb3: {  	v17 =	vld [tilespmem:s5+$0x15100];
	_ =	sdelay $0x4  }
0xb4: {  	[tilespmem:$0x15D80] =	vst v17  }
0xb5: {  	v17 =	vld [tilespmem:s5+$0x15110];
	_ =	sdelay $0x4  }
0xb6: {  	[tilespmem:$0x15D90] =	vst v17  }
0xb7: {  	v17 =	vld [tilespmem:s5+$0x15120];
	_ =	sdelay $0x2  }
0xb8: {  	s20 =	sadd.s32 $0x1, s20  }
0xb9: {  	p2 =	sne.s32 s20, $0x10  }
.Ltmp4:
0xba: {  	[tilespmem:$0x15DA0] =	vst v17;
	(pc) =	sbr.rel @p2 .LBB2_4-.Ltmp4, $4  }
0xbb: {  	[spmem:s3] =	stream.indirect.scatter.add.f32 [tilespmem:s28], [sflag:$0x3], $0x1, s26, s22, $0xb8;
	[tilespmem:$0x1CD00] =	vst v63  }
0xbc: {  	_ =	swait.ge [sflag:s12], $0x30  }
0xbd: {  	[sflag:s12] =	ssyncset.done $0x0  }
0xbe: {  	[sflag:s12] =	ssyncadd.s32 $0xFFFFFFD0  }
0xbf: {  	s1 =	simm.s32 $0x0;
	s5 =	rddreg [dreg:$0xc]  }
0xc0: {  	[tilespmem:s19], [sflag:$0x3] =	stream.linear.gather [hbm4b:s5+s1], $0xC00, $0x38;
	[tilespmem:$0x1CD00] =	vst v63  }
0xc1: {  	_ =	swait.ge [sflag:s12], $0xC00  }
0xc2: {  	[sflag:s12] =	ssyncset.done $0x0  }
0xc3: {  	s29 =	simm.s32 $0x0;
	[sflag:s12] =	ssyncadd.s32 $0xFFFFF400  }
0xc4: {  	v17 =	vld [tilespmem:s29+$0x15100];
	_ =	sdelay $0x4  }
0xc5: {  	[tilespmem:$0x15D80] =	vst v17  }
0xc6: {  	v17 =	vld [tilespmem:s29+$0x15110];
	_ =	sdelay $0x4  }
0xc7: {  	[tilespmem:$0x15D90] =	vst v17  }
0xc8: {  	v17 =	vld [tilespmem:s29+$0x15120];
	_ =	sdelay $0x4  }
0xc9: {  	[tilespmem:$0x15DA0] =	vst v17  }
0xca: {  	[spmem:s3] =	stream.indirect.scatter.add.f32 [tilespmem:s28], [sflag:$0x3], $0x1, s26, s22, $0xb8;
	[tilespmem:$0x1CD00] =	vst v63  }
0xcb: {  	_ =	swait.ge [sflag:s12], $0x30  }
0xcc: {  	s20 =	simm.s32 $0x400;
	s1 =	simm.s32 $0x200;
	[sflag:s12] =	ssyncset.done $0x0  }
.LBB2_8:
0xcd: {  	s5 =	sshra.s32 s1, $0x2  }
0xce: {  	[sflag:s12] =	ssyncadd.s32 $0xFFFFFFD0;
	s1 =	smov.u32 s20;
	s23 =	sadd.s32 $0x200, s20  }
0xcf: {  	p2 =	sne.s32 s20, $0x2E00;
	v17 =	vld [tilespmem:s5+$0x15100];
	_ =	sdelay $0x4  }
0xd0: {  	[tilespmem:$0x15D80] =	vst v17  }
0xd1: {  	v17 =	vld [tilespmem:s5+$0x15110];
	_ =	sdelay $0x4  }
0xd2: {  	[tilespmem:$0x15D90] =	vst v17  }
0xd3: {  	v17 =	vld [tilespmem:s5+$0x15120];
	_ =	sdelay $0x3  }
.Ltmp5:
0xd4: {  	(pc) =	sbr.rel @p2 .LBB2_8-.Ltmp5, $4  }
0xd5: {  	[tilespmem:$0x15DA0] =	vst v17  }
0xd6: {  	[spmem:s3] =	stream.indirect.scatter.add.f32 [tilespmem:s28], [sflag:$0x3], $0x1, s26, s22, $0xb8;
	[tilespmem:$0x1CD00] =	vst v63  }
0xd7: {  	_ =	swait.ge [sflag:s12], $0x30  }
0xd8: {  	s20 =	smov.u32 s23;
	[sflag:s12] =	ssyncset.done $0x0  }
0xd9: {  	s1 =	sshra.s32 s1, $0x2;
	[sflag:s12] =	ssyncadd.s32 $0xFFFFFFD0  }
0xda: {  	v17 =	vld [tilespmem:s1+$0x15100];
	_ =	sdelay $0x4  }
0xdb: {  	[tilespmem:$0x15D80] =	vst v17  }
0xdc: {  	v17 =	vld [tilespmem:s1+$0x15110];
	_ =	sdelay $0x4  }
0xdd: {  	[tilespmem:$0x15D90] =	vst v17  }
0xde: {  	v17 =	vld [tilespmem:s1+$0x15120];
	_ =	sdelay $0x4  }
0xdf: {  	[tilespmem:$0x15DA0] =	vst v17  }
0xe0: {  	[spmem:s3] =	stream.indirect.scatter.add.f32 [tilespmem:s28], [sflag:$0x3], $0x1, s26, s22, $0xb8;
	[tilespmem:$0x1CD00] =	vst v63  }
0xe1: {  	_ =	swait.ge [sflag:s12], $0x30  }
0xe2: {  	[sflag:s12] =	ssyncset.done $0x0  }
0xe3: {  	s24 =	simm.s32 $0x0;
	s5 =	rddreg [dreg:$0x1a];
	[sflag:s12] =	ssyncadd.s32 $0xFFFFFFD0  }
0xe4: {  	[tilespmem:s19], [sflag:$0x3] =	stream.linear.gather [hbm4b:s5+s24], $0xC00, $0x38;
	[tilespmem:$0x1CD00] =	vst v63  }
0xe5: {  	_ =	swait.ge [sflag:s12], $0xC00  }
0xe6: {  	[sflag:s12] =	ssyncset.done $0x0  }
0xe7: {  	s29 =	simm.s32 $0x0;
	[sflag:s12] =	ssyncadd.s32 $0xFFFFF400  }
0xe8: {  	v17 =	vld [tilespmem:s29+$0x15100];
	_ =	sdelay $0x4  }
0xe9: {  	[tilespmem:$0x15D80] =	vst v17  }
0xea: {  	v17 =	vld [tilespmem:s29+$0x15110];
	_ =	sdelay $0x4  }
0xeb: {  	[tilespmem:$0x15D90] =	vst v17  }
0xec: {  	v17 =	vld [tilespmem:s29+$0x15120];
	_ =	sdelay $0x4  }
0xed: {  	[tilespmem:$0x15DA0] =	vst v17  }
0xee: {  	[spmem:s3] =	stream.indirect.scatter.add.f32 [tilespmem:s28], [sflag:$0x3], $0x1, s26, s22, $0xb8;
	[tilespmem:$0x1CD00] =	vst v63  }
0xef: {  	_ =	swait.ge [sflag:s12], $0x30  }
0xf0: {  	s20 =	simm.s32 $0x400;
	s1 =	simm.s32 $0x200;
	[sflag:s12] =	ssyncset.done $0x0  }
.LBB2_10:
0xf1: {  	s5 =	sshra.s32 s1, $0x2  }
0xf2: {  	[sflag:s12] =	ssyncadd.s32 $0xFFFFFFD0;
	s1 =	smov.u32 s20;
	s23 =	sadd.s32 $0x200, s20  }
0xf3: {  	p2 =	sne.s32 s20, $0x2E00;
	v17 =	vld [tilespmem:s5+$0x15100];
	_ =	sdelay $0x4  }
0xf4: {  	[tilespmem:$0x15D80] =	vst v17  }
0xf5: {  	v17 =	vld [tilespmem:s5+$0x15110];
	_ =	sdelay $0x4  }
0xf6: {  	[tilespmem:$0x15D90] =	vst v17  }
0xf7: {  	v17 =	vld [tilespmem:s5+$0x15120];
	_ =	sdelay $0x3  }
.Ltmp6:
0xf8: {  	(pc) =	sbr.rel @p2 .LBB2_10-.Ltmp6, $4  }
0xf9: {  	[tilespmem:$0x15DA0] =	vst v17  }
0xfa: {  	[spmem:s3] =	stream.indirect.scatter.add.f32 [tilespmem:s28], [sflag:$0x3], $0x1, s26, s22, $0xb8;
	[tilespmem:$0x1CD00] =	vst v63  }
0xfb: {  	_ =	swait.ge [sflag:s12], $0x30  }
0xfc: {  	s20 =	smov.u32 s23;
	[sflag:s12] =	ssyncset.done $0x0  }
0xfd: {  	s1 =	sshra.s32 s1, $0x2;
	[sflag:s12] =	ssyncadd.s32 $0xFFFFFFD0  }
0xfe: {  	v17 =	vld [tilespmem:s1+$0x15100];
	_ =	sdelay $0x4  }
0xff: {  	[tilespmem:$0x15D80] =	vst v17  }
0x100: {  	v17 =	vld [tilespmem:s1+$0x15110];
	_ =	sdelay $0x4  }
0x101: {  	[tilespmem:$0x15D90] =	vst v17  }
0x102: {  	v17 =	vld [tilespmem:s1+$0x15120];
	_ =	sdelay $0x4  }
0x103: {  	[tilespmem:$0x15DA0] =	vst v17  }
0x104: {  	[spmem:s3] =	stream.indirect.scatter.add.f32 [tilespmem:s28], [sflag:$0x3], $0x1, s26, s22, $0xb8;
	[tilespmem:$0x1CD00] =	vst v63  }
0x105: {  	_ =	swait.ge [sflag:s12], $0x30  }
0x106: {  	[sflag:s12] =	ssyncset.done $0x0  }
0x107: {  	[sflag:s12] =	ssyncadd.s32 $0xFFFFFFD0  }
0x108: {  	[bflag:$0x0] =	sbarrier.arrive $0xFFFF  }
0x109: {  	s5 =	simm.s32 $0x1C700;
	s20 =	rddreg [dreg:$0x8]  }
0x10a: {  	[tilespmem:s5], [sflag:$0x3] =	stream.linear.gather [spmem:s20], $0x280, $0x38;
	[tilespmem:$0x1CD00] =	vst v63  }
0x10b: {  	_ =	swait.ge [sflag:s12], $0x280  }
0x10c: {  	[sflag:s12] =	ssyncset.done $0x0  }
0x10d: {  	[sflag:s12] =	ssyncadd.s32 $0xFFFFFD80  }
0x10e: {  	v17 =	vld [tilespmem:$0x1C700];
	_ =	sdelay $0x1  }
0x10f: {  	v19 =	vld [tilespmem:$0x1C710]  }
0x110: {  	v21 =	vld [tilespmem:$0x1C720];
	_ =	sdelay $0x1  }
0x111: {  	v25 =	vld [tilespmem:$0x1C730];
	v18 =	vshrl.u32 v17, $0x1;
	v17 =	vmul.f32 $5.000000000e-01, v17  }
0x112: {  	v18 =	vsub.s32 $0x5F3759DF, v18  }
0x113: {  	v27 =	vld [tilespmem:$0x1C740];
	v20 =	vmul.f32 v18, v17  }
0x114: {  	v29 =	vld [tilespmem:$0x1C750];
	v22 =	vshrl.u32 v19, $0x1;
	v23 =	vshrl.u32 v21, $0x1;
	v21 =	vmul.f32 $5.000000000e-01, v21  }
0x115: {  	v19 =	vmul.f32 $5.000000000e-01, v19;
	v23 =	vsub.s32 $0x5F3759DF, v23;
	v20 =	vmul.f32 v18, v20  }
0x116: {  	v34 =	vshrl.u32 v25, $0x1;
	v22 =	vsub.s32 $0x5F3759DF, v22;
	v26 =	vmul.f32 v23, v21  }
0x117: {  	v25 =	vmul.f32 $5.000000000e-01, v25;
	v32 =	vmul.f32 v22, v19;
	v20 =	vsub.f32 $1.500000000e+00, v20  }
0x118: {  	v30 =	vshrl.u32 v27, $0x1;
	v27 =	vmul.f32 $5.000000000e-01, v27;
	v26 =	vmul.f32 v23, v26  }
0x119: {  	v39 =	vshrl.u32 v29, $0x1;
	v18 =	vmul.f32 v18, v20;
	v20 =	vmul.f32 v22, v32  }
0x11a: {  	v29 =	vmul.f32 $5.000000000e-01, v29;
	v30 =	vsub.s32 $0x5F3759DF, v30;
	v33 =	vsub.f32 $1.500000000e+00, v26  }
0x11b: {  	v26 =	vsub.s32 $0x5F3759DF, v34;
	v32 =	vld [tilespmem:$0x1C760];
	v24 =	vmul.f32 v18, v17;
	v20 =	vsub.f32 $1.500000000e+00, v20  }
0x11c: {  	v31 =	vmul.f32 v30, v27;
	v36 =	vmul.f32 v26, v25  }
0x11d: {  	v24 =	vmul.f32 v24, v18;
	v20 =	vmul.f32 v22, v20  }
0x11e: {  	v22 =	vmul.f32 v23, v33;
	v23 =	vmul.f32 v26, v36  }
0x11f: {  	v38 =	vmul.f32 v30, v31;
	v24 =	vsub.f32 $1.500000000e+00, v24;
	v35 =	vmul.f32 v20, v19  }
0x120: {  	v31 =	vmul.f32 $5.000000000e-01, v32;
	v28 =	vmul.f32 v22, v21;
	v23 =	vsub.f32 $1.500000000e+00, v23  }
0x121: {  	v18 =	vmul.f32 v24, v18;
	v24 =	vmul.f32 v35, v20  }
0x122: {  	v28 =	vmul.f32 v28, v22;
	v23 =	vmul.f32 v26, v23  }
0x123: {  	v26 =	vsub.f32 $1.500000000e+00, v38;
	v17 =	vmul.f32 v18, v17;
	v24 =	vsub.f32 $1.500000000e+00, v24  }
0x124: {  	v37 =	vsub.f32 $1.500000000e+00, v28;
	v40 =	vmul.f32 v23, v25;
	v28 =	vsub.s32 $0x5F3759DF, v39  }
0x125: {  	v26 =	vmul.f32 v30, v26;
	v41 =	vmul.f32 v28, v29  }
0x126: {  	v54 =	vld [tilespmem:$0x1C780];
	v17 =	vmul.f32 v17, v18;
	v20 =	vmul.f32 v24, v20  }
0x127: {  	v22 =	vmul.f32 v37, v22;
	v42 =	vmul.f32 v28, v41  }
0x128: {  	v24 =	vmul.f32 v40, v23;
	v19 =	vmul.f32 v20, v19;
	v17 =	vsub.f32 $1.500000000e+00, v17  }
0x129: {  	v43 =	vmul.f32 v26, v27;
	v21 =	vmul.f32 v22, v21;
	v30 =	vsub.f32 $1.500000000e+00, v42  }
0x12a: {  	v17 =	vmul.f32 v17, v18;
	v18 =	vmul.f32 v19, v20;
	v19 =	vsub.f32 $1.500000000e+00, v24  }
0x12b: {  	v62 =	vshrl.u32 v54, $0x1;
	v33 =	vld [tilespmem:$0x1C770];
	v21 =	vmul.f32 v21, v22;
	v24 =	vmul.f32 v43, v26  }
0x12c: {  	v63 =	vsub.s32 $0x5F3759DF, v62;
	v28 =	vmul.f32 v28, v30;
	v23 =	vmul.f32 v19, v23  }
0x12d: {  	v30 =	vmul.f32 $5.000000000e-01, v54;
	v19 =	vshrl.u32 v32, $0x1;
	v24 =	vsub.f32 $1.500000000e+00, v24  }
0x12e: {  	v44 =	vsub.s32 $0x5F3759DF, v19;
	v46 =	vmul.f32 v28, v29;
	v19 =	vmul.f32 v23, v25  }
0x12f: {  	v18 =	vsub.f32 $1.500000000e+00, v18;
	v45 =	vmul.f32 v44, v31;
	v24 =	vmul.f32 v24, v26  }
0x130: {  	v57 =	vld [tilespmem:$0x1C790];
	v53 =	vshrl.u32 v33, $0x1;
	v47 =	vmul.f32 v46, v28;
	v34 =	vmul.f32 v19, v23  }
0x131: {  	v36 =	vld [tilespmem:$0x1C7A0];
	v21 =	vsub.f32 $1.500000000e+00, v21;
	v25 =	vmul.f32 v44, v45;
	v19 =	vmul.f32 v18, v20  }
0x132: {  	v55 =	vsub.s32 $0x5F3759DF, v53;
	v50 =	vmul.f32 v24, v27;
	v27 =	vmul.f32 $5.000000000e-01, v33  }
0x133: {  	v18 =	vmul.f32 v21, v22;
	v21 =	vmul.f32 v63, v30;
	v51 =	vsub.f32 $1.500000000e+00, v47  }
0x134: {  	v48 =	vsub.f32 $1.500000000e+00, v25;
	v22 =	vmul.f32 v50, v24;
	v33 =	vmul.f32 v55, v27  }
0x135: {  	v49 =	vsub.f32 $1.500000000e+00, v34;
	v34 =	vmul.f32 $5.000000000e-01, v57;
	v42 =	vmul.f32 v63, v21  }
0x136: {  	v35 =	vshrl.u32 v57, $0x1;
	v38 =	vld [tilespmem:$0x1C7C0];
	v50 =	vmul.f32 $5.000000000e-01, v36;
	v25 =	vmul.f32 v51, v28  }
0x137: {  	v41 =	vsub.s32 $0x5F3759DF, v35;
	v52 =	vmul.f32 v44, v48;
	v20 =	vmul.f32 v49, v23  }
0x138: {  	v22 =	vsub.f32 $1.500000000e+00, v22;
	v60 =	vmul.f32 v55, v33;
	v35 =	vmul.f32 v41, v34;
	v48 =	vld [tilespmem:$0x1C7B0]  }
0x139: {  	v58 =	vmul.f32 v25, v29;
	v56 =	vmul.f32 v52, v31  }
0x13a: {  	v29 =	vsub.f32 $1.500000000e+00, v60;
	v21 =	vmul.f32 v22, v24;
	v45 =	vmul.f32 v41, v35  }
0x13b: {  	v60 =	vmul.f32 $5.000000000e-01, v38;
	v61 =	vmul.f32 v58, v25  }
0x13c: {  	v59 =	vmul.f32 v56, v52;
	v40 =	vmul.f32 v55, v29;
	v29 =	vsub.f32 $1.500000000e+00, v42  }
0x13d: {  	v47 =	vsub.f32 $1.500000000e+00, v45;
	v43 =	vsub.f32 $1.500000000e+00, v61;
	v37 =	vshrl.u32 v48, $0x1  }
0x13e: {  	v32 =	vmul.f32 $5.000000000e-01, v48;
	v23 =	vsub.f32 $1.500000000e+00, v59;
	v44 =	vmul.f32 v40, v27  }
0x13f: {  	v29 =	vmul.f32 v63, v29;
	v28 =	vmul.f32 v41, v47;
	v37 =	vsub.s32 $0x5F3759DF, v37  }
0x140: {  	v22 =	vmul.f32 v43, v25;
	v57 =	vmul.f32 v37, v32  }
0x141: {  	v49 =	vshrl.u32 v36, $0x1;
	v23 =	vmul.f32 v23, v52;
	v24 =	vmul.f32 v44, v40  }
0x142: {  	v51 =	vmul.f32 v29, v30;
	v52 =	vsub.s32 $0x5F3759DF, v49;
	v55 =	vmul.f32 v28, v34;
	v49 =	vld [tilespmem:$0x1C7F0]  }
0x143: {  	v53 =	vmul.f32 v52, v50;
	v31 =	vmul.f32 v23, v31  }
0x144: {  	v24 =	vsub.f32 $1.500000000e+00, v24;
	v54 =	vmul.f32 v51, v29;
	v36 =	vmul.f32 v55, v28  }
0x145: {  	v26 =	vmul.f32 v52, v53;
	v46 =	vmul.f32 v31, v23  }
0x146: {  	v24 =	vmul.f32 v24, v40;
	v33 =	vsub.f32 $1.500000000e+00, v54;
	v58 =	vsub.f32 $1.500000000e+00, v36  }
0x147: {  	v56 =	vsub.f32 $1.500000000e+00, v26;
	v26 =	vmul.f32 v37, v57;
	v41 =	vshrl.u32 v49, $0x1  }
0x148: {  	v35 =	vmul.f32 $5.000000000e-01, v49;
	v25 =	vsub.f32 $1.500000000e+00, v46;
	v27 =	vmul.f32 v24, v27  }
0x149: {  	v29 =	vmul.f32 v33, v29;
	v28 =	vmul.f32 v58, v28;
	v41 =	vsub.s32 $0x5F3759DF, v41  }
0x14a: {  	v39 =	vld [tilespmem:$0x1C7D0];
	v59 =	vshrl.u32 v38, $0x1;
	v42 =	vmul.f32 v41, v35;
	v23 =	vmul.f32 v25, v23  }
0x14b: {  	v26 =	vsub.f32 $1.500000000e+00, v26;
	v25 =	vmul.f32 v52, v56;
	v27 =	vmul.f32 v27, v24  }
0x14c: {  	v45 =	vld [tilespmem:$0x1C7E0];
	v30 =	vmul.f32 v29, v30;
	v33 =	vmul.f32 v28, v34;
	v34 =	vsub.s32 $0x5F3759DF, v59  }
0x14d: {  	v37 =	vmul.f32 v37, v26;
	v62 =	vmul.f32 v34, v60  }
0x14e: {  	v31 =	vmul.f32 v25, v50;
	v61 =	vmul.f32 v30, v29  }
0x14f: {  	v48 =	vshrl.u32 v39, $0x1;
	v33 =	vmul.f32 v33, v28;
	v30 =	vmul.f32 v34, v62  }
0x150: {  	v27 =	vsub.f32 $1.500000000e+00, v27;
	v63 =	vmul.f32 v37, v32;
	v31 =	vmul.f32 v31, v25  }
0x151: {  	v52 =	vshrl.u32 v45, $0x1;
	v33 =	vsub.f32 $1.500000000e+00, v33;
	v44 =	vsub.f32 $1.500000000e+00, v30  }
0x152: {  	v26 =	vmul.f32 v27, v24;
	v38 =	vmul.f32 v63, v37;
	v31 =	vsub.f32 $1.500000000e+00, v31  }
0x153: {  	v40 =	vsub.f32 $1.500000000e+00, v61;
	v24 =	vmul.f32 v33, v28;
	v27 =	vmul.f32 v34, v44  }
0x154: {  	v55 =	vsub.s32 $0x5F3759DF, v52;
	v34 =	vmul.f32 $5.000000000e-01, v39;
	v31 =	vmul.f32 v31, v25  }
0x155: {  	v33 =	vsub.s32 $0x5F3759DF, v48;
	v25 =	vmul.f32 v40, v29;
	v40 =	vmul.f32 $5.000000000e-01, v45  }
0x156: {  	v47 =	vsub.f32 $1.500000000e+00, v38;
	v51 =	vmul.f32 v33, v34;
	v46 =	vmul.f32 v31, v50  }
0x157: {  	v50 =	vmul.f32 v27, v60;
	v39 =	vmul.f32 v55, v40  }
0x158: {  	v30 =	vmul.f32 v47, v37;
	v54 =	vmul.f32 v33, v51  }
0x159: {  	v53 =	vmul.f32 v50, v27;
	v39 =	vmul.f32 v55, v39  }
0x15a: {  	v32 =	vmul.f32 v30, v32;
	v28 =	vmul.f32 v46, v31;
	v37 =	vsub.f32 $1.500000000e+00, v54  }
0x15b: {  	v58 =	vmul.f32 v41, v42;
	v48 =	vld [tilespmem:$0x1C810];
	v29 =	vsub.f32 $1.500000000e+00, v53;
	v57 =	vsub.f32 $1.500000000e+00, v39  }
0x15c: {  	v56 =	vmul.f32 v32, v30;
	v28 =	vsub.f32 $1.500000000e+00, v28;
	v53 =	vld [tilespmem:$0x1C820];
	v33 =	vmul.f32 v33, v37  }
0x15d: {  	v37 =	vsub.f32 $1.500000000e+00, v58;
	v29 =	vmul.f32 v29, v27;
	v32 =	vmul.f32 v55, v57  }
0x15e: {  	v28 =	vmul.f32 v28, v31;
	v59 =	vmul.f32 v33, v34  }
0x15f: {  	v27 =	vsub.f32 $1.500000000e+00, v56;
	v37 =	vmul.f32 v41, v37;
	v36 =	vmul.f32 v29, v60  }
0x160: {  	v55 =	vshrl.u32 v48, $0x1;
	v60 =	vld [tilespmem:$0x1C800];
	v61 =	vmul.f32 v32, v40;
	v39 =	vmul.f32 v59, v33  }
0x161: {  	v41 =	vmul.f32 $5.000000000e-01, v48;
	v46 =	vmul.f32 v37, v35;
	v57 =	vshrl.u32 v53, $0x1  }
0x162: {  	v44 =	vld [tilespmem:$0x1C830];
	v36 =	vmul.f32 v36, v29;
	v45 =	vmul.f32 v61, v32;
	v62 =	vsub.f32 $1.500000000e+00, v39  }
0x163: {  	v27 =	vmul.f32 v27, v30;
	v42 =	vsub.s32 $0x5F3759DF, v57;
	v39 =	vmul.f32 v46, v37  }
0x164: {  	v63 =	vsub.f32 $1.500000000e+00, v36;
	v36 =	vsub.f32 $1.500000000e+00, v45;
	v30 =	vmul.f32 v62, v33  }
0x165: {  	v38 =	vmul.f32 $5.000000000e-01, v60;
	v51 =	vsub.f32 $1.500000000e+00, v39;
	v39 =	vmul.f32 $5.000000000e-01, v53  }
0x166: {  	v47 =	vshrl.u32 v60, $0x1;
	v29 =	vmul.f32 v63, v29;
	v50 =	vmul.f32 v36, v32  }
0x167: {  	v33 =	vsub.s32 $0x5F3759DF, v47;
	v63 =	vmul.f32 $5.000000000e-01, v44;
	v34 =	vmul.f32 v30, v34  }
0x168: {  	v36 =	vsub.s32 $0x5F3759DF, v55;
	v49 =	vmul.f32 v33, v38;
	v37 =	vmul.f32 v51, v37  }
0x169: {  	v56 =	vmul.f32 v36, v41;
	v59 =	vmul.f32 v42, v39  }
0x16a: {  	v40 =	vmul.f32 v50, v40;
	v34 =	vmul.f32 v34, v30  }
0x16b: {  	v52 =	vmul.f32 v33, v49;
	v35 =	vmul.f32 v37, v35  }
0x16c: {  	v32 =	vmul.f32 v36, v56;
	v40 =	vmul.f32 v40, v50  }
0x16d: {  	v54 =	vsub.f32 $1.500000000e+00, v52;
	v34 =	vsub.f32 $1.500000000e+00, v34;
	v35 =	vmul.f32 v35, v37  }
0x16e: {  	v53 =	vld [tilespmem:$0x1C850];
	v60 =	vmul.f32 v42, v59;
	v45 =	vsub.f32 $1.500000000e+00, v32;
	v58 =	vsub.f32 $1.500000000e+00, v40  }
0x16f: {  	v49 =	vld [tilespmem:$0x1C840];
	v33 =	vmul.f32 v33, v54;
	v30 =	vmul.f32 v34, v30;
	v35 =	vsub.f32 $1.500000000e+00, v35  }
0x170: {  	v36 =	vmul.f32 v36, v45;
	v34 =	vsub.f32 $1.500000000e+00, v60;
	v32 =	vmul.f32 v58, v50  }
0x171: {  	v62 =	vshrl.u32 v44, $0x1;
	v43 =	vmul.f32 v33, v38;
	v31 =	vmul.f32 v35, v37  }
0x172: {  	v50 =	vmul.f32 v36, v41;
	v37 =	vsub.s32 $0x5F3759DF, v62;
	v34 =	vmul.f32 v42, v34  }
0x173: {  	v51 =	vmul.f32 v37, v63;
	v43 =	vmul.f32 v43, v33  }
0x174: {  	v45 =	vmul.f32 $5.000000000e-01, v53;
	v46 =	vshrl.u32 v49, $0x1;
	v35 =	vmul.f32 v50, v36  }
0x175: {  	v52 =	vmul.f32 v34, v39;
	v42 =	vmul.f32 v37, v51;
	v61 =	vsub.f32 $1.500000000e+00, v43  }
0x176: {  	v46 =	vsub.s32 $0x5F3759DF, v46;
	v35 =	vsub.f32 $1.500000000e+00, v35;
	v43 =	vmul.f32 $5.000000000e-01, v49  }
0x177: {  	v44 =	vmul.f32 v52, v34;
	v42 =	vsub.f32 $1.500000000e+00, v42;
	v33 =	vmul.f32 v61, v33  }
0x178: {  	v48 =	vld [tilespmem:$0x1C860];
	v56 =	vshrl.u32 v53, $0x1;
	v47 =	vmul.f32 v46, v43;
	v35 =	vmul.f32 v35, v36  }
0x179: {  	v54 =	vsub.f32 $1.500000000e+00, v44;
	v44 =	vsub.s32 $0x5F3759DF, v56;
	v37 =	vmul.f32 v37, v42  }
0x17a: {  	v58 =	vmul.f32 v44, v45;
	v55 =	vmul.f32 v46, v47  }
0x17b: {  	v38 =	vmul.f32 v33, v38;
	v34 =	vmul.f32 v54, v34  }
0x17c: {  	v41 =	vmul.f32 v35, v41;
	v57 =	vmul.f32 v37, v63;
	v42 =	vsub.f32 $1.500000000e+00, v55  }
0x17d: {  	v47 =	vmul.f32 $5.000000000e-01, v48;
	v38 =	vmul.f32 v38, v33  }
0x17e: {  	v36 =	vmul.f32 v57, v37;
	v42 =	vmul.f32 v46, v42  }
0x17f: {  	v59 =	vmul.f32 v44, v58;
	v39 =	vmul.f32 v34, v39;
	v38 =	vsub.f32 $1.500000000e+00, v38  }
0x180: {  	v60 =	vmul.f32 v41, v35;
	v36 =	vsub.f32 $1.500000000e+00, v36;
	v61 =	vmul.f32 v42, v43  }
0x181: {  	v49 =	vld [tilespmem:$0x1C870];
	v39 =	vmul.f32 v39, v34;
	v46 =	vsub.f32 $1.500000000e+00, v59;
	v33 =	vmul.f32 v38, v33  }
0x182: {  	v62 =	vshrl.u32 v48, $0x1;
	v36 =	vmul.f32 v36, v37;
	v41 =	vmul.f32 v61, v42  }
0x183: {  	v44 =	vmul.f32 v44, v46;
	v38 =	vsub.f32 $1.500000000e+00, v60;
	v37 =	vsub.s32 $0x5F3759DF, v62  }
0x184: {  	v58 =	vld [tilespmem:$0x1C880];
	v40 =	vmul.f32 v36, v63;
	v63 =	vmul.f32 v37, v47;
	v41 =	vsub.f32 $1.500000000e+00, v41  }
0x185: {  	v39 =	vsub.f32 $1.500000000e+00, v39;
	v52 =	vmul.f32 v44, v45;
	v35 =	vmul.f32 v38, v35  }
0x186: {  	v57 =	vshrl.u32 v49, $0x1;
	v46 =	vmul.f32 v37, v63;
	v41 =	vmul.f32 v41, v42  }
0x187: {  	v59 =	vsub.s32 $0x5F3759DF, v57;
	v34 =	vmul.f32 v39, v34;
	v53 =	vmul.f32 v52, v44  }
0x188: {  	v54 =	vsub.f32 $1.500000000e+00, v46;
	v56 =	vmul.f32 v41, v43;
	v43 =	vmul.f32 $5.000000000e-01, v49  }
0x189: {  	v40 =	vmul.f32 v40, v36;
	v42 =	vsub.f32 $1.500000000e+00, v53;
	v46 =	vmul.f32 $5.000000000e-01, v58  }
0x18a: {  	v52 =	vld [tilespmem:$0x1C890];
	v38 =	vmul.f32 v37, v54;
	v61 =	vmul.f32 v59, v43  }
0x18b: {  	v55 =	vsub.f32 $1.500000000e+00, v40;
	v42 =	vmul.f32 v42, v44;
	v40 =	vmul.f32 v56, v41  }
0x18c: {  	v53 =	vshrl.u32 v58, $0x1;
	v60 =	vmul.f32 v38, v47;
	v63 =	vmul.f32 v59, v61  }
0x18d: {  	v49 =	vsub.s32 $0x5F3759DF, v53;
	v36 =	vmul.f32 v55, v36;
	v62 =	vmul.f32 v42, v45  }
0x18e: {  	v56 =	vld [tilespmem:$0x1C8A0];
	v40 =	vsub.f32 $1.500000000e+00, v40;
	v37 =	vmul.f32 v60, v38;
	v45 =	vsub.f32 $1.500000000e+00, v63  }
0x18f: {  	v54 =	vmul.f32 v49, v46;
	v55 =	vshrl.u32 v52, $0x1;
	v39 =	vmul.f32 v62, v42  }
0x190: {  	v50 =	vsub.f32 $1.500000000e+00, v37;
	v37 =	vmul.f32 v40, v41;
	v44 =	vmul.f32 v59, v45  }
0x191: {  	v51 =	vsub.s32 $0x5F3759DF, v55;
	v40 =	vmul.f32 v49, v54;
	v45 =	vmul.f32 $5.000000000e-01, v52  }
0x192: {  	v58 =	vld [tilespmem:$0x1C8B0];
	v39 =	vsub.f32 $1.500000000e+00, v39;
	v41 =	vmul.f32 v50, v38;
	v60 =	vmul.f32 v44, v43  }
0x193: {  	v48 =	vmul.f32 $5.000000000e-01, v56;
	v59 =	vshrl.u32 v56, $0x1;
	v62 =	vmul.f32 v51, v45  }
0x194: {  	v61 =	vsub.f32 $1.500000000e+00, v40;
	v47 =	vmul.f32 v41, v47;
	v57 =	vmul.f32 v60, v44  }
0x195: {  	v38 =	vmul.f32 v39, v42;
	v50 =	vsub.s32 $0x5F3759DF, v59;
	v40 =	vmul.f32 v51, v62  }
0x196: {  	v39 =	vmul.f32 v49, v61;
	v63 =	vmul.f32 v47, v41;
	v47 =	vsub.f32 $1.500000000e+00, v57  }
0x197: {  	v49 =	vmul.f32 $5.000000000e-01, v58;
	v60 =	vmul.f32 v50, v48;
	v40 =	vsub.f32 $1.500000000e+00, v40  }
0x198: {  	v61 =	vshrl.u32 v58, $0x1;
	v52 =	vmul.f32 v39, v46;
	v44 =	vmul.f32 v47, v44  }
0x199: {  	v40 =	vmul.f32 v51, v40;
	v47 =	vmul.f32 v50, v60;
	v51 =	vsub.s32 $0x5F3759DF, v61  }
0x19a: {  	v52 =	vmul.f32 v52, v39;
	v54 =	vmul.f32 v51, v49  }
0x19b: {  	v42 =	vsub.f32 $1.500000000e+00, v63;
	v53 =	vmul.f32 v40, v45;
	v47 =	vsub.f32 $1.500000000e+00, v47  }
0x19c: {  	v52 =	vsub.f32 $1.500000000e+00, v52;
	v43 =	vmul.f32 v44, v43;
	v62 =	vmul.f32 v51, v54  }
0x19d: {  	v63 =	vld [tilespmem:$0x1C8C0];
	v53 =	vmul.f32 v53, v40;
	v47 =	vmul.f32 v50, v47  }
0x19e: {  	v52 =	vmul.f32 v52, v39;
	v39 =	vmul.f32 v42, v41;
	v50 =	vsub.f32 $1.500000000e+00, v62  }
0x19f: {  	v43 =	vmul.f32 v43, v44;
	v58 =	vsub.f32 $1.500000000e+00, v53;
	v59 =	vmul.f32 v47, v48  }
0x1a0: {  	v57 =	vmul.f32 v52, v46;
	v61 =	vmul.f32 v51, v50  }
0x1a1: {  	v40 =	vmul.f32 v58, v40;
	v60 =	vmul.f32 v59, v47  }
0x1a2: {  	v55 =	vld [tilespmem:$0x1C8D0];
	v62 =	vshrl.u32 v63, $0x1;
	v51 =	vmul.f32 $5.000000000e-01, v63;
	v63 =	vmul.f32 v61, v49  }
0x1a3: {  	v50 =	vsub.s32 $0x5F3759DF, v62;
	v45 =	vmul.f32 v40, v45;
	v42 =	vsub.f32 $1.500000000e+00, v60  }
0x1a4: {  	v54 =	vmul.f32 v50, v51;
	v53 =	vmul.f32 v63, v61  }
0x1a5: {  	v43 =	vsub.f32 $1.500000000e+00, v43;
	v45 =	vmul.f32 v45, v40;
	v47 =	vmul.f32 v42, v47  }
0x1a6: {  	v41 =	vmul.f32 v57, v52;
	v54 =	vmul.f32 v50, v54;
	v53 =	vsub.f32 $1.500000000e+00, v53  }
0x1a7: {  	v57 =	vshrl.u32 v55, $0x1;
	v45 =	vsub.f32 $1.500000000e+00, v45;
	v48 =	vmul.f32 v47, v48  }
0x1a8: {  	v42 =	vmul.f32 v43, v44;
	v56 =	vsub.f32 $1.500000000e+00, v54;
	v44 =	vmul.f32 v53, v61  }
0x1a9: {  	v41 =	vsub.f32 $1.500000000e+00, v41;
	v40 =	vmul.f32 v45, v40;
	v43 =	vmul.f32 v48, v47  }
0x1aa: {  	v46 =	vsub.s32 $0x5F3759DF, v57;
	v45 =	vmul.f32 v50, v56;
	v48 =	vmul.f32 $5.000000000e-01, v55;
	v50 =	vld [tilespmem:$0x1C8E0]  }
0x1ab: {  	v41 =	vmul.f32 v41, v52;
	v49 =	vmul.f32 v44, v49;
	v43 =	vsub.f32 $1.500000000e+00, v43  }
0x1ac: {  	v58 =	vmul.f32 v45, v51;
	v59 =	vmul.f32 v46, v48  }
0x1ad: {  	v63 =	vld [tilespmem:$0x1C8F0];
	v60 =	vmul.f32 v49, v44;
	v43 =	vmul.f32 v43, v47  }
0x1ae: {  	v61 =	vmul.f32 v58, v45;
	v62 =	vmul.f32 v46, v59  }
0x1af: {  	v58 =	vld [tilespmem:$0x1C900];
	v47 =	vsub.f32 $1.500000000e+00, v60;
	v57 =	vshrl.u32 v50, $0x1;
	v50 =	vmul.f32 $5.000000000e-01, v50  }
0x1b0: {  	v49 =	vsub.f32 $1.500000000e+00, v61;
	v52 =	vsub.f32 $1.500000000e+00, v62;
	v54 =	vsub.s32 $0x5F3759DF, v57  }
0x1b1: {  	v44 =	vmul.f32 v47, v44;
	v59 =	vmul.f32 v54, v50  }
0x1b2: {  	v60 =	vshrl.u32 v63, $0x1;
	v45 =	vmul.f32 v49, v45;
	v46 =	vmul.f32 v46, v52  }
0x1b3: {  	v52 =	vmul.f32 $5.000000000e-01, v63;
	v49 =	vsub.s32 $0x5F3759DF, v60;
	v47 =	vmul.f32 v54, v59  }
0x1b4: {  	v56 =	vld [tilespmem:$0x1C910];
	v61 =	vshrl.u32 v58, $0x1;
	v55 =	vmul.f32 $5.000000000e-01, v58;
	v57 =	vmul.f32 v46, v48  }
0x1b5: {  	v58 =	vmul.f32 v49, v52;
	v53 =	vsub.s32 $0x5F3759DF, v61;
	v51 =	vmul.f32 v45, v51  }
0x1b6: {  	v47 =	vsub.f32 $1.500000000e+00, v47;
	v59 =	vmul.f32 v53, v55;
	v57 =	vmul.f32 v57, v46  }
0x1b7: {  	v58 =	vmul.f32 v49, v58;
	v51 =	vmul.f32 v51, v45  }
0x1b8: {  	v47 =	vmul.f32 v54, v47;
	v54 =	vmul.f32 v53, v59  }
0x1b9: {  	v59 =	vshrl.u32 v56, $0x1;
	v56 =	vmul.f32 $5.000000000e-01, v56;
	v58 =	vsub.f32 $1.500000000e+00, v58  }
0x1ba: {  	v59 =	vsub.s32 $0x5F3759DF, v59;
	v57 =	vsub.f32 $1.500000000e+00, v57;
	v60 =	vmul.f32 v47, v50  }
0x1bb: {  	v54 =	vsub.f32 $1.500000000e+00, v54;
	v49 =	vmul.f32 v49, v58;
	v58 =	vmul.f32 v59, v56  }
0x1bc: {  	v46 =	vmul.f32 v57, v46;
	v60 =	vmul.f32 v60, v47  }
0x1bd: {  	v53 =	vmul.f32 v53, v54;
	v54 =	vmul.f32 v49, v52  }
0x1be: {  	v58 =	vmul.f32 v59, v58;
	v48 =	vmul.f32 v46, v48  }
0x1bf: {  	v57 =	vmul.f32 v53, v55;
	v60 =	vsub.f32 $1.500000000e+00, v60;
	v54 =	vmul.f32 v54, v49  }
0x1c0: {  	v51 =	vsub.f32 $1.500000000e+00, v51;
	v58 =	vsub.f32 $1.500000000e+00, v58;
	v48 =	vmul.f32 v48, v46  }
0x1c1: {  	v63 =	vld [tilespmem:$0x1C920];
	v57 =	vmul.f32 v57, v53;
	v47 =	vmul.f32 v60, v47;
	v54 =	vsub.f32 $1.500000000e+00, v54  }
0x1c2: {  	v45 =	vmul.f32 v51, v45;
	v58 =	vmul.f32 v59, v58;
	v48 =	vsub.f32 $1.500000000e+00, v48  }
0x1c3: {  	v57 =	vsub.f32 $1.500000000e+00, v57;
	v50 =	vmul.f32 v47, v50;
	v49 =	vmul.f32 v54, v49  }
0x1c4: {  	v62 =	vmul.f32 v58, v56;
	v46 =	vmul.f32 v48, v46  }
0x1c5: {  	v53 =	vmul.f32 v57, v53;
	v50 =	vmul.f32 v50, v47  }
0x1c6: {  	v57 =	vld [tilespmem:$0x1C930];
	v54 =	vmul.f32 v62, v58;
	v52 =	vmul.f32 v49, v52;
	v62 =	vshrl.u32 v63, $0x1  }
0x1c7: {  	v50 =	vsub.f32 $1.500000000e+00, v50;
	v61 =	vmul.f32 v53, v55;
	v55 =	vmul.f32 $5.000000000e-01, v63  }
0x1c8: {  	v59 =	vsub.f32 $1.500000000e+00, v54;
	v60 =	vmul.f32 v52, v49;
	v54 =	vsub.s32 $0x5F3759DF, v62  }
0x1c9: {  	v52 =	vmul.f32 v61, v53;
	v63 =	vmul.f32 v54, v55  }
0x1ca: {  	[tilespmem:$0x1C990] =	vst v19;
	v19 =	vmul.f32 v50, v47;
	v48 =	vmul.f32 v59, v58  }
0x1cb: {  	[tilespmem:$0x1C980] =	vst v17;
	v51 =	vsub.f32 $1.500000000e+00, v60;
	v60 =	vld [tilespmem:$0x1C940];
	v62 =	vshrl.u32 v57, $0x1;
	v50 =	vmul.f32 $5.000000000e-01, v57  }
0x1cc: {  	[tilespmem:$0x1C9C0] =	vst v21;
	v59 =	vld [tilespmem:$0x1C960];
	v21 =	vsub.s32 $0x5F3759DF, v62;
	v17 =	vmul.f32 v48, v56  }
0x1cd: {  	[tilespmem:$0x1C9A0] =	vst v18;
	v61 =	vsub.f32 $1.500000000e+00, v52;
	v18 =	vmul.f32 v54, v63;
	v63 =	vld [tilespmem:$0x1C950];
	v56 =	vmul.f32 v21, v50  }
0x1ce: {  	[tilespmem:$0x1C9B0] =	vst v20;
	v47 =	vmul.f32 v51, v49;
	v17 =	vmul.f32 v17, v48  }
0x1cf: {  	[tilespmem:$0x1C9D0] =	vst v22;
	v20 =	vmul.f32 v61, v53;
	v18 =	vsub.f32 $1.500000000e+00, v18;
	v22 =	vmul.f32 v21, v56  }
0x1d0: {  	[tilespmem:$0x1C9E0] =	vst v23;
	v57 =	vshrl.u32 v60, $0x1;
	v52 =	vmul.f32 $5.000000000e-01, v60;
	v17 =	vsub.f32 $1.500000000e+00, v17  }
0x1d1: {  	[tilespmem:$0x1C9F0] =	vst v26;
	v18 =	vmul.f32 v54, v18;
	v53 =	vmul.f32 $5.000000000e-01, v59;
	v23 =	vsub.s32 $0x5F3759DF, v57  }
0x1d2: {  	[tilespmem:$0x1CA10] =	vst v24;
	v61 =	vshrl.u32 v63, $0x1;
	v51 =	vmul.f32 $5.000000000e-01, v63;
	v17 =	vmul.f32 v17, v48;
	v48 =	vld [tilespmem:$0x1C970]  }
0x1d3: {  	[tilespmem:$0x1CA00] =	vst v25;
	v22 =	vsub.f32 $1.500000000e+00, v22;
	v60 =	vmul.f32 v23, v52;
	v63 =	vsub.s32 $0x5F3759DF, v61  }
0x1d4: {  	[tilespmem:$0x1CA20] =	vst v28;
	v57 =	vshrl.u32 v59, $0x1;
	v25 =	vmul.f32 v18, v55;
	v56 =	vmul.f32 v63, v51  }
0x1d5: {  	[tilespmem:$0x1CA30] =	vst v27;
	v58 =	vsub.s32 $0x5F3759DF, v57;
	v21 =	vmul.f32 v21, v22;
	v62 =	vmul.f32 v23, v60  }
0x1d6: {  	[tilespmem:$0x1CA40] =	vst v29;
	v60 =	vmul.f32 v58, v53;
	v25 =	vmul.f32 v25, v18  }
0x1d7: {  	[tilespmem:$0x1CA50] =	vst v30;
	v28 =	vmul.f32 v63, v56;
	v59 =	vshrl.u32 v48, $0x1;
	v48 =	vmul.f32 $5.000000000e-01, v48  }
0x1d8: {  	[tilespmem:$0x1CA60] =	vst v32;
	v24 =	vsub.f32 $1.500000000e+00, v62;
	v29 =	vmul.f32 v58, v60;
	v49 =	vsub.s32 $0x5F3759DF, v59  }
0x1d9: {  	[tilespmem:$0x1CA70] =	vst v31;
	v62 =	vmul.f32 v21, v50;
	v61 =	vmul.f32 v49, v48  }
0x1da: {  	[tilespmem:$0x1CA80] =	vst v33;
	v25 =	vsub.f32 $1.500000000e+00, v25;
	v28 =	vsub.f32 $1.500000000e+00, v28;
	v23 =	vmul.f32 v23, v24  }
0x1db: {  	[tilespmem:$0x1CA90] =	vst v35;
	v32 =	vsub.f32 $1.500000000e+00, v29;
	v33 =	vmul.f32 v62, v21;
	v22 =	vmul.f32 v49, v61  }
0x1dc: {  	[tilespmem:$0x1CAA0] =	vst v34;
	v63 =	vmul.f32 v63, v28;
	v35 =	vmul.f32 v23, v52  }
0x1dd: {  	[tilespmem:$0x1CAB0] =	vst v36;
	v18 =	vmul.f32 v25, v18;
	v26 =	vmul.f32 v58, v32;
	v22 =	vsub.f32 $1.500000000e+00, v22  }
0x1de: {  	[tilespmem:$0x1CAC0] =	vst v37;
	v28 =	vsub.f32 $1.500000000e+00, v33;
	v36 =	vmul.f32 v63, v51;
	v27 =	vmul.f32 v35, v23  }
0x1df: {  	[tilespmem:$0x1CAD0] =	vst v38;
	v37 =	vmul.f32 v26, v53;
	v22 =	vmul.f32 v49, v22  }
0x1e0: {  	[tilespmem:$0x1CAE0] =	vst v39;
	v21 =	vmul.f32 v28, v21;
	v29 =	vmul.f32 v36, v63  }
0x1e1: {  	[tilespmem:$0x1CB00] =	vst v41;
	v30 =	vmul.f32 v37, v26;
	v38 =	vmul.f32 v22, v48  }
0x1e2: {  	[tilespmem:$0x1CAF0] =	vst v42;
	v54 =	vmul.f32 v18, v55;
	v27 =	vsub.f32 $1.500000000e+00, v27;
	v55 =	vmul.f32 v21, v50  }
0x1e3: {  	[tilespmem:$0x1CB10] =	vst v40;
	v29 =	vsub.f32 $1.500000000e+00, v29;
	v42 =	vsub.f32 $1.500000000e+00, v30;
	v31 =	vmul.f32 v38, v22  }
0x1e4: {  	[tilespmem:$0x1CB20] =	vst v43;
	v23 =	vmul.f32 v27, v23;
	v27 =	vmul.f32 v55, v21  }
0x1e5: {  	[tilespmem:$0x1CB30] =	vst v44;
	v24 =	vmul.f32 v29, v63;
	v25 =	vmul.f32 v42, v26;
	v49 =	vsub.f32 $1.500000000e+00, v31  }
0x1e6: {  	[tilespmem:$0x1CB40] =	vst v45;
	v26 =	vmul.f32 v54, v18;
	v56 =	vmul.f32 v23, v52  }
0x1e7: {  	[tilespmem:$0x1CB50] =	vst v46;
	v29 =	vmul.f32 v24, v51;
	v22 =	vmul.f32 v49, v22  }
0x1e8: {  	[tilespmem:$0x1CB60] =	vst v19;
	v19 =	vsub.f32 $1.500000000e+00, v26;
	v57 =	vmul.f32 v56, v23;
	v58 =	vmul.f32 v25, v53  }
0x1e9: {  	[tilespmem:$0x1CB70] =	vst v47;
	v27 =	vsub.f32 $1.500000000e+00, v27;
	v29 =	vmul.f32 v29, v24;
	v59 =	vmul.f32 v22, v48  }
0x1ea: {  	[tilespmem:$0x1CB80] =	vst v20;
	v18 =	vmul.f32 v19, v18;
	v19 =	vsub.f32 $1.500000000e+00, v57;
	v60 =	vmul.f32 v58, v25  }
0x1eb: {  	[tilespmem:$0x1CB90] =	vst v17;
	v17 =	vmul.f32 v27, v21;
	v61 =	vsub.f32 $1.500000000e+00, v29;
	v62 =	vmul.f32 v59, v22  }
0x1ec: {  	[tilespmem:$0x1CBA0] =	vst v18;
	v18 =	vmul.f32 v19, v23;
	v19 =	vsub.f32 $1.500000000e+00, v60  }
0x1ed: {  	[tilespmem:$0x1CBB0] =	vst v17;
	v17 =	vmul.f32 v61, v24;
	v63 =	vsub.f32 $1.500000000e+00, v62  }
0x1ee: {  	[tilespmem:$0x1CBC0] =	vst v18;
	v18 =	vmul.f32 v19, v25  }
0x1ef: {  	[tilespmem:$0x1CBD0] =	vst v17;
	v17 =	vmul.f32 v63, v22  }
0x1f0: {  	[tilespmem:$0x1CBE0] =	vst v18  }
0x1f1: {  	s24 =	simm.s32 $0x1C980;
	s23 =	rddreg [dreg:$0x9];
	[tilespmem:$0x1CBF0] =	vst v17  }
0x1f2: {  	[spmem:s23] =	stream.linear.scatter [tilespmem:s24], [sflag:$0x3], $0x280, $0x38;
	[tilespmem:$0x1CD00] =	vst v63  }
0x1f3: {  	_ =	swait.ge [sflag:s12], $0x280  }
0x1f4: {  	s1 =	simm.s32 @!p0 $0x0;
	[sflag:s12] =	ssyncset.done $0x0  }
0x1f5: {  	s5 =	simm.s32 @!p0 $0x1C980;
	s20 =	rddreg [dreg:$0xa];
	[sflag:s12] =	ssyncadd.s32 $0xFFFFFD80  }
0x1f6: {  	[hbm4b:s20+s1] =	stream.linear.scatter @!p0 [tilespmem:s5], [sflag:$0x3], $0x280, $0x38;
	[tilespmem:$0x1CD00] =	vst v63  }
0x1f7: {  	s1 =	simm.s32 @!p0 $0x3  }
0x1f8: {  	_ =	swait.ge @!p0 [sflag:s1], $0x280  }
.Ltmp7:
0x1f9: {  	[sflag:s1] =	ssyncset.done @!p0 $0x0;
	(pc) =	sbr.rel .LBB2_12-.Ltmp7, $4  }
0x1fa: {  	[sflag:s1] =	ssyncadd.s32 @!p0 $0xFFFFFD80  }
0x1fb: {  	[bflag:$0x0] =	sbarrier.arrive $0xFFFF  }
0x1fc: {  	s1 =	rddreg [dreg:$0xf]  }
0x1fd: {  	s29 =	stileid.u32;
	s20 =	simm.s32 $0x0;
	s23 =	rddreg [dreg:$0x11]  }
.LBB2_14:
0x1fe: {  	s20 =	sadd.s32 $0x1000, s20  }
0x1ff: {  	p2 =	sne.s32 s20, $0x28000  }
.Ltmp8:
0x200: {  	_ = 	snop;
	(pc) =	sbr.rel @!p2 .LBB2_15-.Ltmp8, $2  }
0x201: {  	_ =	sdelay $0x2  }
0x202: {  	s1 =	sadd.s32 $0x100, s1;
	s29 =	sadd.s32 $0x10, s29  }
.LBB2_12:
0x203: {  	p2 =	sgt.u32 s29, $0x270  }
.Ltmp9:
0x204: {  	_ = 	snop;
	(pc) =	sbr.rel @p2 .LBB2_14-.Ltmp9, $1  }
0x205: {  	_ =	sdelay $0x3  }
0x206: {  	s5 =	sadd.s32 s20, s23;
	s24 =	simm.s32 $0x1B700  }
0x207: {  	[tilespmem:s24], [sflag:$0x4] =	stream.linear.gather [hbm4b:s5+s4], $0x800, $0x38;
	[tilespmem:$0x1CD00] =	vst v63  }
0x208: {  	_ =	swait.ge [sflag:s30], $0x800  }
0x209: {  	[sflag:s30] =	ssyncset.done $0x0  }
0x20a: {  	[sflag:s30] =	ssyncadd.s32 $0xFFFFF800  }
0x20b: {  	[tilespmem:s31], [sflag:$0x4] =	stream.linear.gather [spmem:s1], $0x10, $0x38;
	[tilespmem:$0x1CD00] =	vst v63  }
0x20c: {  	_ =	swait.ge [sflag:s30], $0x10  }
0x20d: {  	[sflag:s30] =	ssyncset.done $0x0  }
0x20e: {  	[sflag:s30] =	ssyncadd.s32 $0xFFFFFFF0  }
0x20f: {  	v17 =	vld.msk [tilespmem:s31+$0x0], $0xffff  }
0x210: {  	v18 =	vld [tilespmem:$0x1B700]  }
0x211: {  	v19 =	vld [tilespmem:$0x1B710]  }
0x212: {  	v20 =	vld [tilespmem:$0x1B720]  }
0x213: {  	v21 =	vld [tilespmem:$0x1B730]  }
0x214: {  	v22 =	vld [tilespmem:$0x1B740]  }
0x215: {  	v23 =	vld [tilespmem:$0x1B750];
	v18 =	vmul.f32 v18, v17  }
0x216: {  	v24 =	vld [tilespmem:$0x1B760];
	v19 =	vmul.f32 v19, v17  }
0x217: {  	v46 =	vld [tilespmem:$0x1B770];
	[tilespmem:$0x1BF00] =	vst v18;
	v18 =	vmul.f32 v20, v17  }
0x218: {  	[tilespmem:$0x1BF10] =	vst v19;
	v19 =	vmul.f32 v21, v17  }
0x219: {  	[tilespmem:$0x1BF20] =	vst v18;
	v18 =	vmul.f32 v22, v17  }
0x21a: {  	[tilespmem:$0x1BF30] =	vst v19;
	v19 =	vmul.f32 v23, v17  }
0x21b: {  	[tilespmem:$0x1BF40] =	vst v18;
	v18 =	vmul.f32 v24, v17  }
0x21c: {  	[tilespmem:$0x1BF50] =	vst v19;
	v17 =	vmul.f32 v46, v17  }
0x21d: {  	[tilespmem:$0x1BF60] =	vst v18  }
0x21e: {  	[tilespmem:$0x1BF70] =	vst v17;
	v18 =	vld [tilespmem:$0x1B780]  }
0x21f: {  	v17 =	vld.idx.msk [tilespmem:v2+s31+$0x0], $0xffff  }
0x220: {  	v19 =	vld [tilespmem:$0x1B790]  }
0x221: {  	v47 =	vld [tilespmem:$0x1B7A0]  }
0x222: {  	v48 =	vld [tilespmem:$0x1B7B0]  }
0x223: {  	v49 =	vld [tilespmem:$0x1B7C0]  }
0x224: {  	v50 =	vld [tilespmem:$0x1B7D0];
	v18 =	vmul.f32 v18, v17  }
0x225: {  	v51 =	vld [tilespmem:$0x1B7E0];
	v19 =	vmul.f32 v19, v17  }
0x226: {  	v52 =	vld [tilespmem:$0x1B7F0];
	[tilespmem:$0x1BF80] =	vst v18;
	v18 =	vmul.f32 v47, v17  }
0x227: {  	[tilespmem:$0x1BF90] =	vst v19;
	v19 =	vmul.f32 v48, v17  }
0x228: {  	[tilespmem:$0x1BFA0] =	vst v18;
	v18 =	vmul.f32 v49, v17  }
0x229: {  	[tilespmem:$0x1BFB0] =	vst v19;
	v19 =	vmul.f32 v50, v17  }
0x22a: {  	[tilespmem:$0x1BFC0] =	vst v18;
	v18 =	vmul.f32 v51, v17  }
0x22b: {  	[tilespmem:$0x1BFD0] =	vst v19;
	v17 =	vmul.f32 v52, v17  }
0x22c: {  	[tilespmem:$0x1BFE0] =	vst v18  }
0x22d: {  	[tilespmem:$0x1BFF0] =	vst v17;
	v18 =	vld [tilespmem:$0x1B800]  }
0x22e: {  	v17 =	vld.idx.msk [tilespmem:v3+s31+$0x0], $0xffff  }
0x22f: {  	v19 =	vld [tilespmem:$0x1B810]  }
0x230: {  	v53 =	vld [tilespmem:$0x1B820]  }
0x231: {  	v54 =	vld [tilespmem:$0x1B830]  }
0x232: {  	v55 =	vld [tilespmem:$0x1B840]  }
0x233: {  	v56 =	vld [tilespmem:$0x1B850];
	v18 =	vmul.f32 v18, v17  }
0x234: {  	v57 =	vld [tilespmem:$0x1B860];
	v19 =	vmul.f32 v19, v17  }
0x235: {  	v58 =	vld [tilespmem:$0x1B870];
	[tilespmem:$0x1C000] =	vst v18;
	v18 =	vmul.f32 v53, v17  }
0x236: {  	[tilespmem:$0x1C010] =	vst v19;
	v19 =	vmul.f32 v54, v17  }
0x237: {  	[tilespmem:$0x1C020] =	vst v18;
	v18 =	vmul.f32 v55, v17  }
0x238: {  	[tilespmem:$0x1C030] =	vst v19;
	v19 =	vmul.f32 v56, v17  }
0x239: {  	[tilespmem:$0x1C040] =	vst v18;
	v18 =	vmul.f32 v57, v17  }
0x23a: {  	[tilespmem:$0x1C050] =	vst v19;
	v17 =	vmul.f32 v58, v17  }
0x23b: {  	[tilespmem:$0x1C060] =	vst v18  }
0x23c: {  	[tilespmem:$0x1C070] =	vst v17;
	v18 =	vld [tilespmem:$0x1B880]  }
0x23d: {  	v17 =	vld.idx.msk [tilespmem:v4+s31+$0x0], $0xffff  }
0x23e: {  	v19 =	vld [tilespmem:$0x1B890]  }
0x23f: {  	v59 =	vld [tilespmem:$0x1B8A0]  }
0x240: {  	v60 =	vld [tilespmem:$0x1B8B0]  }
0x241: {  	v61 =	vld [tilespmem:$0x1B8C0]  }
0x242: {  	v62 =	vld [tilespmem:$0x1B8D0];
	v18 =	vmul.f32 v18, v17  }
0x243: {  	v63 =	vld [tilespmem:$0x1B8E0];
	v19 =	vmul.f32 v19, v17  }
0x244: {  	v28 =	vld [tilespmem:$0x1B8F0];
	[tilespmem:$0x1C080] =	vst v18;
	v18 =	vmul.f32 v59, v17  }
0x245: {  	[tilespmem:$0x1C090] =	vst v19;
	v19 =	vmul.f32 v60, v17  }
0x246: {  	[tilespmem:$0x1C0A0] =	vst v18;
	v18 =	vmul.f32 v61, v17  }
0x247: {  	[tilespmem:$0x1C0B0] =	vst v19;
	v19 =	vmul.f32 v62, v17  }
0x248: {  	[tilespmem:$0x1C0C0] =	vst v18;
	v18 =	vmul.f32 v63, v17  }
0x249: {  	[tilespmem:$0x1C0D0] =	vst v19;
	v17 =	vmul.f32 v28, v17  }
0x24a: {  	[tilespmem:$0x1C0E0] =	vst v18  }
0x24b: {  	[tilespmem:$0x1C0F0] =	vst v17;
	v18 =	vld [tilespmem:$0x1B900]  }
0x24c: {  	v17 =	vld.idx.msk [tilespmem:v5+s31+$0x0], $0xffff  }
0x24d: {  	v19 =	vld [tilespmem:$0x1B910]  }
0x24e: {  	v29 =	vld [tilespmem:$0x1B920]  }
0x24f: {  	v30 =	vld [tilespmem:$0x1B930]  }
0x250: {  	v31 =	vld [tilespmem:$0x1B940]  }
0x251: {  	v32 =	vld [tilespmem:$0x1B950];
	v18 =	vmul.f32 v18, v17  }
0x252: {  	v33 =	vld [tilespmem:$0x1B960];
	v19 =	vmul.f32 v19, v17  }
0x253: {  	v34 =	vld [tilespmem:$0x1B970];
	[tilespmem:$0x1C100] =	vst v18;
	v18 =	vmul.f32 v29, v17  }
0x254: {  	[tilespmem:$0x1C110] =	vst v19;
	v19 =	vmul.f32 v30, v17  }
0x255: {  	[tilespmem:$0x1C120] =	vst v18;
	v18 =	vmul.f32 v31, v17  }
0x256: {  	[tilespmem:$0x1C130] =	vst v19;
	v19 =	vmul.f32 v32, v17  }
0x257: {  	[tilespmem:$0x1C140] =	vst v18;
	v18 =	vmul.f32 v33, v17  }
0x258: {  	[tilespmem:$0x1C150] =	vst v19;
	v17 =	vmul.f32 v34, v17  }
0x259: {  	[tilespmem:$0x1C160] =	vst v18  }
0x25a: {  	[tilespmem:$0x1C170] =	vst v17;
	v18 =	vld [tilespmem:$0x1B980]  }
0x25b: {  	v17 =	vld.idx.msk [tilespmem:v6+s31+$0x0], $0xffff  }
0x25c: {  	v19 =	vld [tilespmem:$0x1B990]  }
0x25d: {  	v35 =	vld [tilespmem:$0x1B9A0]  }
0x25e: {  	v36 =	vld [tilespmem:$0x1B9B0]  }
0x25f: {  	v37 =	vld [tilespmem:$0x1B9C0]  }
0x260: {  	v38 =	vld [tilespmem:$0x1B9D0];
	v18 =	vmul.f32 v18, v17  }
0x261: {  	v39 =	vld [tilespmem:$0x1B9E0];
	v19 =	vmul.f32 v19, v17  }
0x262: {  	v40 =	vld [tilespmem:$0x1B9F0];
	[tilespmem:$0x1C180] =	vst v18;
	v18 =	vmul.f32 v35, v17  }
0x263: {  	[tilespmem:$0x1C190] =	vst v19;
	v19 =	vmul.f32 v36, v17  }
0x264: {  	[tilespmem:$0x1C1A0] =	vst v18;
	v18 =	vmul.f32 v37, v17  }
0x265: {  	[tilespmem:$0x1C1B0] =	vst v19;
	v19 =	vmul.f32 v38, v17  }
0x266: {  	[tilespmem:$0x1C1C0] =	vst v18;
	v18 =	vmul.f32 v39, v17  }
0x267: {  	[tilespmem:$0x1C1D0] =	vst v19;
	v17 =	vmul.f32 v40, v17  }
0x268: {  	[tilespmem:$0x1C1E0] =	vst v18  }
0x269: {  	[tilespmem:$0x1C1F0] =	vst v17;
	v18 =	vld [tilespmem:$0x1BA00]  }
0x26a: {  	v17 =	vld.idx.msk [tilespmem:v7+s31+$0x0], $0xffff  }
0x26b: {  	v19 =	vld [tilespmem:$0x1BA10]  }
0x26c: {  	v41 =	vld [tilespmem:$0x1BA20]  }
0x26d: {  	v42 =	vld [tilespmem:$0x1BA30]  }
0x26e: {  	v43 =	vld [tilespmem:$0x1BA40]  }
0x26f: {  	v44 =	vld [tilespmem:$0x1BA50];
	v18 =	vmul.f32 v18, v17  }
0x270: {  	v45 =	vld [tilespmem:$0x1BA60];
	v19 =	vmul.f32 v19, v17  }
0x271: {  	v46 =	vld [tilespmem:$0x1BA70];
	[tilespmem:$0x1C200] =	vst v18;
	v18 =	vmul.f32 v41, v17  }
0x272: {  	[tilespmem:$0x1C210] =	vst v19;
	v19 =	vmul.f32 v42, v17  }
0x273: {  	[tilespmem:$0x1C220] =	vst v18;
	v18 =	vmul.f32 v43, v17  }
0x274: {  	[tilespmem:$0x1C230] =	vst v19;
	v19 =	vmul.f32 v44, v17  }
0x275: {  	[tilespmem:$0x1C240] =	vst v18;
	v18 =	vmul.f32 v45, v17  }
0x276: {  	[tilespmem:$0x1C250] =	vst v19;
	v17 =	vmul.f32 v46, v17  }
0x277: {  	[tilespmem:$0x1C260] =	vst v18  }
0x278: {  	[tilespmem:$0x1C270] =	vst v17;
	v18 =	vld [tilespmem:$0x1BA80]  }
0x279: {  	v17 =	vld.idx.msk [tilespmem:v8+s31+$0x0], $0xffff  }
0x27a: {  	v19 =	vld [tilespmem:$0x1BA90]  }
0x27b: {  	v47 =	vld [tilespmem:$0x1BAA0]  }
0x27c: {  	v48 =	vld [tilespmem:$0x1BAB0]  }
0x27d: {  	v49 =	vld [tilespmem:$0x1BAC0]  }
0x27e: {  	v50 =	vld [tilespmem:$0x1BAD0];
	v18 =	vmul.f32 v18, v17  }
0x27f: {  	v51 =	vld [tilespmem:$0x1BAE0];
	v19 =	vmul.f32 v19, v17  }
0x280: {  	v52 =	vld [tilespmem:$0x1BAF0];
	[tilespmem:$0x1C280] =	vst v18;
	v18 =	vmul.f32 v47, v17  }
0x281: {  	[tilespmem:$0x1C290] =	vst v19;
	v19 =	vmul.f32 v48, v17  }
0x282: {  	[tilespmem:$0x1C2A0] =	vst v18;
	v18 =	vmul.f32 v49, v17  }
0x283: {  	[tilespmem:$0x1C2B0] =	vst v19;
	v19 =	vmul.f32 v50, v17  }
0x284: {  	[tilespmem:$0x1C2C0] =	vst v18;
	v18 =	vmul.f32 v51, v17  }
0x285: {  	[tilespmem:$0x1C2D0] =	vst v19;
	v17 =	vmul.f32 v52, v17  }
0x286: {  	[tilespmem:$0x1C2E0] =	vst v18  }
0x287: {  	[tilespmem:$0x1C2F0] =	vst v17;
	v18 =	vld [tilespmem:$0x1BB00]  }
0x288: {  	v17 =	vld.idx.msk [tilespmem:v9+s31+$0x0], $0xffff  }
0x289: {  	v19 =	vld [tilespmem:$0x1BB10]  }
0x28a: {  	v53 =	vld [tilespmem:$0x1BB20]  }
0x28b: {  	v54 =	vld [tilespmem:$0x1BB30]  }
0x28c: {  	v55 =	vld [tilespmem:$0x1BB40]  }
0x28d: {  	v56 =	vld [tilespmem:$0x1BB50];
	v18 =	vmul.f32 v18, v17  }
0x28e: {  	v57 =	vld [tilespmem:$0x1BB60];
	v19 =	vmul.f32 v19, v17  }
0x28f: {  	v58 =	vld [tilespmem:$0x1BB70];
	[tilespmem:$0x1C300] =	vst v18;
	v18 =	vmul.f32 v53, v17  }
0x290: {  	[tilespmem:$0x1C310] =	vst v19;
	v19 =	vmul.f32 v54, v17  }
0x291: {  	[tilespmem:$0x1C320] =	vst v18;
	v18 =	vmul.f32 v55, v17  }
0x292: {  	[tilespmem:$0x1C330] =	vst v19;
	v19 =	vmul.f32 v56, v17  }
0x293: {  	[tilespmem:$0x1C340] =	vst v18;
	v18 =	vmul.f32 v57, v17  }
0x294: {  	[tilespmem:$0x1C350] =	vst v19;
	v17 =	vmul.f32 v58, v17  }
0x295: {  	[tilespmem:$0x1C360] =	vst v18  }
0x296: {  	[tilespmem:$0x1C370] =	vst v17;
	v18 =	vld [tilespmem:$0x1BB80]  }
0x297: {  	v17 =	vld.idx.msk [tilespmem:v10+s31+$0x0], $0xffff  }
0x298: {  	v19 =	vld [tilespmem:$0x1BB90]  }
0x299: {  	v59 =	vld [tilespmem:$0x1BBA0]  }
0x29a: {  	v60 =	vld [tilespmem:$0x1BBB0]  }
0x29b: {  	v61 =	vld [tilespmem:$0x1BBC0]  }
0x29c: {  	v62 =	vld [tilespmem:$0x1BBD0];
	v18 =	vmul.f32 v18, v17  }
0x29d: {  	v63 =	vld [tilespmem:$0x1BBE0];
	v19 =	vmul.f32 v19, v17  }
0x29e: {  	v27 =	vld [tilespmem:$0x1BBF0];
	[tilespmem:$0x1C380] =	vst v18;
	v18 =	vmul.f32 v59, v17  }
0x29f: {  	[tilespmem:$0x1C390] =	vst v19;
	v19 =	vmul.f32 v60, v17  }
0x2a0: {  	[tilespmem:$0x1C3A0] =	vst v18;
	v18 =	vmul.f32 v61, v17  }
0x2a1: {  	[tilespmem:$0x1C3B0] =	vst v19;
	v19 =	vmul.f32 v62, v17  }
0x2a2: {  	[tilespmem:$0x1C3C0] =	vst v18;
	v18 =	vmul.f32 v63, v17  }
0x2a3: {  	[tilespmem:$0x1C3D0] =	vst v19;
	v17 =	vmul.f32 v27, v17  }
0x2a4: {  	[tilespmem:$0x1C3E0] =	vst v18  }
0x2a5: {  	[tilespmem:$0x1C3F0] =	vst v17;
	v18 =	vld [tilespmem:$0x1BC00]  }
0x2a6: {  	v17 =	vld.idx.msk [tilespmem:v11+s31+$0x0], $0xffff  }
0x2a7: {  	v19 =	vld [tilespmem:$0x1BC10]  }
0x2a8: {  	v28 =	vld [tilespmem:$0x1BC20]  }
0x2a9: {  	v29 =	vld [tilespmem:$0x1BC30]  }
0x2aa: {  	v30 =	vld [tilespmem:$0x1BC40]  }
0x2ab: {  	v31 =	vld [tilespmem:$0x1BC50];
	v18 =	vmul.f32 v18, v17  }
0x2ac: {  	v32 =	vld [tilespmem:$0x1BC60];
	v19 =	vmul.f32 v19, v17  }
0x2ad: {  	v33 =	vld [tilespmem:$0x1BC70];
	[tilespmem:$0x1C400] =	vst v18;
	v18 =	vmul.f32 v28, v17  }
0x2ae: {  	[tilespmem:$0x1C410] =	vst v19;
	v19 =	vmul.f32 v29, v17  }
0x2af: {  	[tilespmem:$0x1C420] =	vst v18;
	v18 =	vmul.f32 v30, v17  }
0x2b0: {  	[tilespmem:$0x1C430] =	vst v19;
	v19 =	vmul.f32 v31, v17  }
0x2b1: {  	[tilespmem:$0x1C440] =	vst v18;
	v18 =	vmul.f32 v32, v17  }
0x2b2: {  	[tilespmem:$0x1C450] =	vst v19;
	v17 =	vmul.f32 v33, v17  }
0x2b3: {  	[tilespmem:$0x1C460] =	vst v18  }
0x2b4: {  	[tilespmem:$0x1C470] =	vst v17;
	v18 =	vld [tilespmem:$0x1BC80]  }
0x2b5: {  	v17 =	vld.idx.msk [tilespmem:v12+s31+$0x0], $0xffff  }
0x2b6: {  	v19 =	vld [tilespmem:$0x1BC90]  }
0x2b7: {  	v34 =	vld [tilespmem:$0x1BCA0]  }
0x2b8: {  	v35 =	vld [tilespmem:$0x1BCB0]  }
0x2b9: {  	v36 =	vld [tilespmem:$0x1BCC0]  }
0x2ba: {  	v37 =	vld [tilespmem:$0x1BCD0];
	v18 =	vmul.f32 v18, v17  }
0x2bb: {  	v38 =	vld [tilespmem:$0x1BCE0];
	v19 =	vmul.f32 v19, v17  }
0x2bc: {  	v39 =	vld [tilespmem:$0x1BCF0];
	[tilespmem:$0x1C480] =	vst v18;
	v18 =	vmul.f32 v34, v17  }
0x2bd: {  	[tilespmem:$0x1C490] =	vst v19;
	v19 =	vmul.f32 v35, v17  }
0x2be: {  	[tilespmem:$0x1C4A0] =	vst v18;
	v18 =	vmul.f32 v36, v17  }
0x2bf: {  	[tilespmem:$0x1C4B0] =	vst v19;
	v19 =	vmul.f32 v37, v17  }
0x2c0: {  	[tilespmem:$0x1C4C0] =	vst v18;
	v18 =	vmul.f32 v38, v17  }
0x2c1: {  	[tilespmem:$0x1C4D0] =	vst v19;
	v17 =	vmul.f32 v39, v17  }
0x2c2: {  	[tilespmem:$0x1C4E0] =	vst v18  }
0x2c3: {  	[tilespmem:$0x1C4F0] =	vst v17;
	v18 =	vld [tilespmem:$0x1BD00]  }
0x2c4: {  	v17 =	vld.idx.msk [tilespmem:v13+s31+$0x0], $0xffff  }
0x2c5: {  	v19 =	vld [tilespmem:$0x1BD10]  }
0x2c6: {  	v40 =	vld [tilespmem:$0x1BD20]  }
0x2c7: {  	v41 =	vld [tilespmem:$0x1BD30]  }
0x2c8: {  	v42 =	vld [tilespmem:$0x1BD40]  }
0x2c9: {  	v43 =	vld [tilespmem:$0x1BD50];
	v18 =	vmul.f32 v18, v17  }
0x2ca: {  	v44 =	vld [tilespmem:$0x1BD60];
	v19 =	vmul.f32 v19, v17  }
0x2cb: {  	v45 =	vld [tilespmem:$0x1BD70];
	[tilespmem:$0x1C500] =	vst v18;
	v18 =	vmul.f32 v40, v17  }
0x2cc: {  	[tilespmem:$0x1C510] =	vst v19;
	v19 =	vmul.f32 v41, v17  }
0x2cd: {  	[tilespmem:$0x1C520] =	vst v18;
	v18 =	vmul.f32 v42, v17  }
0x2ce: {  	[tilespmem:$0x1C530] =	vst v19;
	v19 =	vmul.f32 v43, v17  }
0x2cf: {  	[tilespmem:$0x1C540] =	vst v18;
	v18 =	vmul.f32 v44, v17  }
0x2d0: {  	[tilespmem:$0x1C550] =	vst v19;
	v17 =	vmul.f32 v45, v17  }
0x2d1: {  	[tilespmem:$0x1C560] =	vst v18  }
0x2d2: {  	[tilespmem:$0x1C570] =	vst v17;
	v18 =	vld [tilespmem:$0x1BD80]  }
0x2d3: {  	v17 =	vld.idx.msk [tilespmem:v14+s31+$0x0], $0xffff  }
0x2d4: {  	v19 =	vld [tilespmem:$0x1BD90]  }
0x2d5: {  	v46 =	vld [tilespmem:$0x1BDA0]  }
0x2d6: {  	v47 =	vld [tilespmem:$0x1BDB0]  }
0x2d7: {  	v48 =	vld [tilespmem:$0x1BDC0]  }
0x2d8: {  	v49 =	vld [tilespmem:$0x1BDD0];
	v18 =	vmul.f32 v18, v17  }
0x2d9: {  	v50 =	vld [tilespmem:$0x1BDE0];
	v19 =	vmul.f32 v19, v17  }
0x2da: {  	v51 =	vld [tilespmem:$0x1BDF0];
	[tilespmem:$0x1C580] =	vst v18;
	v18 =	vmul.f32 v46, v17  }
0x2db: {  	[tilespmem:$0x1C590] =	vst v19;
	v19 =	vmul.f32 v47, v17  }
0x2dc: {  	[tilespmem:$0x1C5A0] =	vst v18;
	v18 =	vmul.f32 v48, v17  }
0x2dd: {  	[tilespmem:$0x1C5B0] =	vst v19;
	v19 =	vmul.f32 v49, v17  }
0x2de: {  	[tilespmem:$0x1C5C0] =	vst v18;
	v18 =	vmul.f32 v50, v17  }
0x2df: {  	[tilespmem:$0x1C5D0] =	vst v19;
	v17 =	vmul.f32 v51, v17  }
0x2e0: {  	[tilespmem:$0x1C5E0] =	vst v18  }
0x2e1: {  	[tilespmem:$0x1C5F0] =	vst v17;
	v18 =	vld [tilespmem:$0x1BE00]  }
0x2e2: {  	v17 =	vld.idx.msk [tilespmem:v15+s31+$0x0], $0xffff  }
0x2e3: {  	v19 =	vld [tilespmem:$0x1BE10]  }
0x2e4: {  	v52 =	vld [tilespmem:$0x1BE20]  }
0x2e5: {  	v53 =	vld [tilespmem:$0x1BE30]  }
0x2e6: {  	v54 =	vld [tilespmem:$0x1BE40]  }
0x2e7: {  	v55 =	vld [tilespmem:$0x1BE50];
	v18 =	vmul.f32 v18, v17  }
0x2e8: {  	v56 =	vld [tilespmem:$0x1BE60];
	v19 =	vmul.f32 v19, v17  }
0x2e9: {  	v57 =	vld [tilespmem:$0x1BE70];
	[tilespmem:$0x1C600] =	vst v18;
	v18 =	vmul.f32 v52, v17  }
0x2ea: {  	[tilespmem:$0x1C610] =	vst v19;
	v19 =	vmul.f32 v53, v17  }
0x2eb: {  	[tilespmem:$0x1C620] =	vst v18;
	v18 =	vmul.f32 v54, v17  }
0x2ec: {  	[tilespmem:$0x1C630] =	vst v19;
	v19 =	vmul.f32 v55, v17  }
0x2ed: {  	[tilespmem:$0x1C640] =	vst v18;
	v18 =	vmul.f32 v56, v17  }
0x2ee: {  	[tilespmem:$0x1C650] =	vst v19;
	v17 =	vmul.f32 v57, v17  }
0x2ef: {  	[tilespmem:$0x1C660] =	vst v18  }
0x2f0: {  	[tilespmem:$0x1C670] =	vst v17;
	v18 =	vld [tilespmem:$0x1BE80]  }
0x2f1: {  	v17 =	vld.idx.msk [tilespmem:v16+s31+$0x0], $0xffff  }
0x2f2: {  	v19 =	vld [tilespmem:$0x1BE90]  }
0x2f3: {  	v58 =	vld [tilespmem:$0x1BEA0]  }
0x2f4: {  	v59 =	vld [tilespmem:$0x1BEB0]  }
0x2f5: {  	v60 =	vld [tilespmem:$0x1BEC0]  }
0x2f6: {  	v61 =	vld [tilespmem:$0x1BED0];
	v18 =	vmul.f32 v18, v17  }
0x2f7: {  	v62 =	vld [tilespmem:$0x1BEE0];
	v19 =	vmul.f32 v19, v17  }
0x2f8: {  	v63 =	vld [tilespmem:$0x1BEF0];
	[tilespmem:$0x1C680] =	vst v18;
	v18 =	vmul.f32 v58, v17  }
0x2f9: {  	[tilespmem:$0x1C690] =	vst v19;
	v19 =	vmul.f32 v59, v17  }
0x2fa: {  	[tilespmem:$0x1C6A0] =	vst v18;
	v18 =	vmul.f32 v60, v17  }
0x2fb: {  	[tilespmem:$0x1C6B0] =	vst v19;
	v19 =	vmul.f32 v61, v17  }
0x2fc: {  	[tilespmem:$0x1C6C0] =	vst v18;
	v18 =	vmul.f32 v62, v17  }
0x2fd: {  	[tilespmem:$0x1C6D0] =	vst v19;
	v17 =	vmul.f32 v63, v17  }
0x2fe: {  	s24 =	rddreg [dreg:$0x12];
	[tilespmem:$0x1C6E0] =	vst v18  }
.Ltmp10:
0x2ff: {  	s5 =	sadd.s32 s20, s24;
	s24 =	simm.s32 $0x1BF00;
	[tilespmem:$0x1C6F0] =	vst v17;
	(pc) =	sbr.rel .LBB2_14-.Ltmp10, $4  }
0x300: {  	[hbm4b:s5+s4] =	stream.linear.scatter [tilespmem:s24], [sflag:$0x3], $0x800, $0x38;
	[tilespmem:$0x1CD00] =	vst v63  }
0x301: {  	_ =	swait.ge [sflag:s12], $0x800  }
0x302: {  	[sflag:s12] =	ssyncset.done $0x0  }
0x303: {  	[sflag:s12] =	ssyncadd.s32 $0xFFFFF800  }
.LBB2_15:
0x304: {  	[bflag:$0x0] =	sbarrier.arrive $0xFFFF;
	s1 =	simm.s32 $0x0  }
.LBB2_16:
0x305: {  	p2 =	seq.s32 s1, $0x8  }
0x306: {  	s5 =	simm.s32 @p2 $0x0;
	s20 =	simm.s32 @p2 $0x14500  }
0x307: {  	[tilespmem:s20], [sflag:$0x3] =	stream.linear.gather @p2 [hbm4b:s14+s5], $0xC00, $0x38;
	[tilespmem:$0x1CD00] =	vst v63  }
0x308: {  	s5 =	simm.s32 @p2 $0x3;
	s20 =	smul.u32 @!p2 $0xC00, s1  }
0x309: {  	_ =	swait.ge @p2 [sflag:s5], $0xC00  }
0x30a: {  	[sflag:s5] =	ssyncset.done @p2 $0x0;
	s20 =	sadd.s32 @!p2 s20, s13  }
0x30b: {  	[sflag:s5] =	ssyncadd.s32 @p2 $0xFFFFF400;
	s5 =	sshrl.u32 @!p2 s20, $0x3  }
0x30c: {  	s23 =	simm.s32 @!p2 $0x0;
	s24 =	simm.s32 @!p2 $0x14500;
	s20 =	sadd.s32 @!p2 s6, s5  }
0x30d: {  	[tilespmem:s24], [sflag:$0x3] =	stream.linear.gather @!p2 [hbm4b:s20+s23], $0xC00, $0x38;
	[tilespmem:$0x1CD00] =	vst v63  }
0x30e: {  	s20 =	simm.s32 @!p2 $0x3  }
0x30f: {  	_ =	swait.ge @!p2 [sflag:s20], $0xC00  }
0x310: {  	s5 =	sadd.s32 @!p2 s7, s5;
	[sflag:s20] =	ssyncset.done @!p2 $0x0  }
0x311: {  	s5 =	smov.u32 @p2 s15;
	[sflag:s20] =	ssyncadd.s32 @!p2 $0xFFFFF400  }
0x312: {  	[tilespmem:s19], [sflag:$0x3] =	stream.linear.gather [hbm4b:s5+s4], $0xC00, $0x38;
	[tilespmem:$0x1CD00] =	vst v63  }
0x313: {  	_ =	swait.ge [sflag:s12], $0xC00  }
0x314: {  	[sflag:s12] =	ssyncset.done $0x0  }
0x315: {  	s24 =	simm.s32 $0xA0;
	[sflag:s12] =	ssyncadd.s32 $0xFFFFF400  }
0x316: {  	v17 =	vld [tilespmem:s24+$0x14460];
	_ =	sdelay $0x4  }
0x317: {  	[tilespmem:$0x15D00] =	vst v17  }
0x318: {  	v17 =	vld [tilespmem:s24+$0x15060];
	_ =	sdelay $0x4  }
0x319: {  	[tilespmem:$0x15D80] =	vst v17  }
0x31a: {  	v17 =	vld [tilespmem:s24+$0x144E0];
	_ =	sdelay $0x4  }
0x31b: {  	[tilespmem:$0x17600] =	vst v17  }
0x31c: {  	v17 =	vld [tilespmem:s24+$0x150E0];
	_ =	sdelay $0x4  }
0x31d: {  	[tilespmem:$0x17680] =	vst v17  }
0x31e: {  	v17 =	vld [tilespmem:s24+$0x14470];
	_ =	sdelay $0x4  }
0x31f: {  	[tilespmem:$0x15D10] =	vst v17  }
0x320: {  	v17 =	vld [tilespmem:s24+$0x15070];
	_ =	sdelay $0x4  }
0x321: {  	[tilespmem:$0x15D90] =	vst v17  }
0x322: {  	v17 =	vld [tilespmem:s24+$0x144F0];
	_ =	sdelay $0x4  }
0x323: {  	[tilespmem:$0x17610] =	vst v17  }
0x324: {  	v17 =	vld [tilespmem:s24+$0x150F0];
	_ =	sdelay $0x4  }
0x325: {  	[tilespmem:$0x17690] =	vst v17  }
0x326: {  	v17 =	vld [tilespmem:s24+$0x14480];
	_ =	sdelay $0x4  }
0x327: {  	[tilespmem:$0x15D20] =	vst v17  }
0x328: {  	v17 =	vld [tilespmem:s24+$0x15080];
	_ =	sdelay $0x4  }
0x329: {  	[tilespmem:$0x15DA0] =	vst v17  }
0x32a: {  	v17 =	vld [tilespmem:s24+$0x14500];
	_ =	sdelay $0x4  }
0x32b: {  	[tilespmem:$0x17620] =	vst v17  }
0x32c: {  	v17 =	vld [tilespmem:s24+$0x15100];
	_ =	sdelay $0x4  }
0x32d: {  	[tilespmem:$0x176A0] =	vst v17  }
0x32e: {  	[tilespmem:s21], [sflag:$0x1] =	stream.indirect.gather [hbm4b:s8+s22], $0x80, s2, s22, $0xb8;
	[tilespmem:$0x1CD00] =	vst v63  }
0x32f: {  	_ = 	snop  }
0x330: {  	[tilespmem:s25], [sflag:$0x2] =	stream.indirect.gather [hbm4b:s8+s22], $0x80, s18, s22, $0xb8;
	[tilespmem:$0x1CD00] =	vst v63  }
0x331: {  	_ =	swait.ge [sflag:s17], $0x1800  }
0x332: {  	[sflag:s17] =	ssyncset.done $0x0  }
0x333: {  	[sflag:s17] =	ssyncadd.s32 $0xFFFFE800  }
0x334: {  	[spmem:s0] =	stream.indirect.scatter.add.f32 [tilespmem:s21], [sflag:$0x3], $0x80, s26, s22, $0xb8;
	[tilespmem:$0x1CD00] =	vst v63  }
0x335: {  	_ =	swait.ge [sflag:s12], $0x1800  }
0x336: {  	[sflag:s12] =	ssyncset.done $0x0  }
0x337: {  	[sflag:s12] =	ssyncadd.s32 $0xFFFFE800  }
0x338: {  	_ =	swait.ge [sflag:s16], $0x1800  }
0x339: {  	[sflag:s16] =	ssyncset.done $0x0  }
0x33a: {  	[sflag:s16] =	ssyncadd.s32 $0xFFFFE800  }
0x33b: {  	[spmem:s0] =	stream.indirect.scatter.add.f32 [tilespmem:s25], [sflag:$0x3], $0x80, s10, s22, $0xb8;
	[tilespmem:$0x1CD00] =	vst v63  }
0x33c: {  	_ =	swait.ge [sflag:s12], $0x1800  }
0x33d: {  	s29 =	simm.s32 $0xA80;
	s20 =	simm.s32 $0x680;
	[sflag:s12] =	ssyncset.done $0x0  }
.LBB2_17:
0x33e: {  	s23 =	sshra.s32 s20, $0x2  }
0x33f: {  	[sflag:s12] =	ssyncadd.s32 $0xFFFFE800;
	s20 =	smov.u32 s29;
	s24 =	sadd.s32 $0x400, s29  }
0x340: {  	p2 =	sne.s32 s29, $0x2E80;
	v17 =	vld [tilespmem:s23+$0x14460];
	_ =	sdelay $0x4  }
0x341: {  	[tilespmem:$0x15D00] =	vst v17  }
0x342: {  	v17 =	vld [tilespmem:s23+$0x15060];
	_ =	sdelay $0x4  }
0x343: {  	[tilespmem:$0x15D80] =	vst v17  }
0x344: {  	v17 =	vld [tilespmem:s23+$0x144E0];
	_ =	sdelay $0x4  }
0x345: {  	[tilespmem:$0x17600] =	vst v17  }
0x346: {  	v17 =	vld [tilespmem:s23+$0x150E0];
	_ =	sdelay $0x4  }
0x347: {  	[tilespmem:$0x17680] =	vst v17  }
0x348: {  	v17 =	vld [tilespmem:s23+$0x14470];
	_ =	sdelay $0x4  }
0x349: {  	[tilespmem:$0x15D10] =	vst v17  }
0x34a: {  	v17 =	vld [tilespmem:s23+$0x15070];
	_ =	sdelay $0x4  }
0x34b: {  	[tilespmem:$0x15D90] =	vst v17  }
0x34c: {  	v17 =	vld [tilespmem:s23+$0x144F0];
	_ =	sdelay $0x4  }
0x34d: {  	[tilespmem:$0x17610] =	vst v17  }
0x34e: {  	v17 =	vld [tilespmem:s23+$0x150F0];
	_ =	sdelay $0x4  }
0x34f: {  	[tilespmem:$0x17690] =	vst v17  }
0x350: {  	v17 =	vld [tilespmem:s23+$0x14480];
	_ =	sdelay $0x4  }
0x351: {  	[tilespmem:$0x15D20] =	vst v17  }
0x352: {  	v17 =	vld [tilespmem:s23+$0x15080];
	_ =	sdelay $0x4  }
0x353: {  	[tilespmem:$0x15DA0] =	vst v17  }
0x354: {  	v17 =	vld [tilespmem:s23+$0x14500];
	_ =	sdelay $0x4  }
0x355: {  	[tilespmem:$0x17620] =	vst v17  }
0x356: {  	v17 =	vld [tilespmem:s23+$0x15100];
	_ =	sdelay $0x4  }
0x357: {  	[tilespmem:$0x176A0] =	vst v17  }
0x358: {  	[tilespmem:s21], [sflag:$0x1] =	stream.indirect.gather [hbm4b:s8+s22], $0x80, s2, s22, $0xb8;
	[tilespmem:$0x1CD00] =	vst v63  }
0x359: {  	_ = 	snop  }
0x35a: {  	[tilespmem:s25], [sflag:$0x2] =	stream.indirect.gather [hbm4b:s8+s22], $0x80, s18, s22, $0xb8;
	[tilespmem:$0x1CD00] =	vst v63  }
0x35b: {  	_ =	swait.ge [sflag:s17], $0x1800  }
0x35c: {  	[sflag:s17] =	ssyncset.done $0x0  }
0x35d: {  	[sflag:s17] =	ssyncadd.s32 $0xFFFFE800  }
0x35e: {  	[spmem:s0] =	stream.indirect.scatter.add.f32 [tilespmem:s21], [sflag:$0x3], $0x80, s26, s22, $0xb8;
	[tilespmem:$0x1CD00] =	vst v63  }
0x35f: {  	_ =	swait.ge [sflag:s12], $0x1800  }
0x360: {  	[sflag:s12] =	ssyncset.done $0x0  }
0x361: {  	[sflag:s12] =	ssyncadd.s32 $0xFFFFE800  }
0x362: {  	_ =	swait.ge [sflag:s16], $0x1800  }
.Ltmp11:
0x363: {  	[sflag:s16] =	ssyncset.done $0x0;
	(pc) =	sbr.rel @p2 .LBB2_17-.Ltmp11, $4  }
0x364: {  	[sflag:s16] =	ssyncadd.s32 $0xFFFFE800  }
0x365: {  	[spmem:s0] =	stream.indirect.scatter.add.f32 [tilespmem:s25], [sflag:$0x3], $0x80, s10, s22, $0xb8;
	[tilespmem:$0x1CD00] =	vst v63  }
0x366: {  	_ =	swait.ge [sflag:s12], $0x1800  }
0x367: {  	s29 =	smov.u32 s24;
	[sflag:s12] =	ssyncset.done $0x0  }
0x368: {  	s5 =	sshra.s32 s20, $0x2;
	[sflag:s12] =	ssyncadd.s32 $0xFFFFE800  }
0x369: {  	v17 =	vld [tilespmem:s5+$0x14460];
	_ =	sdelay $0x4  }
0x36a: {  	[tilespmem:$0x15D00] =	vst v17  }
0x36b: {  	v17 =	vld [tilespmem:s5+$0x15060];
	_ =	sdelay $0x4  }
0x36c: {  	[tilespmem:$0x15D80] =	vst v17  }
0x36d: {  	v17 =	vld [tilespmem:s5+$0x144E0];
	_ =	sdelay $0x4  }
0x36e: {  	[tilespmem:$0x17600] =	vst v17  }
0x36f: {  	v17 =	vld [tilespmem:s5+$0x150E0];
	_ =	sdelay $0x4  }
0x370: {  	[tilespmem:$0x17680] =	vst v17  }
0x371: {  	v17 =	vld [tilespmem:s5+$0x14470];
	_ =	sdelay $0x4  }
0x372: {  	[tilespmem:$0x15D10] =	vst v17  }
0x373: {  	v17 =	vld [tilespmem:s5+$0x15070];
	_ =	sdelay $0x4  }
0x374: {  	[tilespmem:$0x15D90] =	vst v17  }
0x375: {  	v17 =	vld [tilespmem:s5+$0x144F0];
	_ =	sdelay $0x4  }
0x376: {  	[tilespmem:$0x17610] =	vst v17  }
0x377: {  	v17 =	vld [tilespmem:s5+$0x150F0];
	_ =	sdelay $0x4  }
0x378: {  	[tilespmem:$0x17690] =	vst v17  }
0x379: {  	v17 =	vld [tilespmem:s5+$0x14480];
	_ =	sdelay $0x4  }
0x37a: {  	[tilespmem:$0x15D20] =	vst v17  }
0x37b: {  	v17 =	vld [tilespmem:s5+$0x15080];
	_ =	sdelay $0x4  }
0x37c: {  	[tilespmem:$0x15DA0] =	vst v17  }
0x37d: {  	v17 =	vld [tilespmem:s5+$0x14500];
	_ =	sdelay $0x4  }
0x37e: {  	[tilespmem:$0x17620] =	vst v17  }
0x37f: {  	v17 =	vld [tilespmem:s5+$0x15100];
	_ =	sdelay $0x4  }
0x380: {  	[tilespmem:$0x176A0] =	vst v17  }
0x381: {  	[tilespmem:s21], [sflag:$0x1] =	stream.indirect.gather [hbm4b:s8+s22], $0x80, s2, s22, $0xb8;
	[tilespmem:$0x1CD00] =	vst v63  }
0x382: {  	_ = 	snop  }
0x383: {  	[tilespmem:s25], [sflag:$0x2] =	stream.indirect.gather [hbm4b:s8+s22], $0x80, s18, s22, $0xb8;
	[tilespmem:$0x1CD00] =	vst v63  }
0x384: {  	_ =	swait.ge [sflag:s17], $0x1800  }
0x385: {  	[sflag:s17] =	ssyncset.done $0x0  }
0x386: {  	[sflag:s17] =	ssyncadd.s32 $0xFFFFE800  }
0x387: {  	[spmem:s0] =	stream.indirect.scatter.add.f32 [tilespmem:s21], [sflag:$0x3], $0x80, s26, s22, $0xb8;
	[tilespmem:$0x1CD00] =	vst v63  }
0x388: {  	_ =	swait.ge [sflag:s12], $0x1800  }
0x389: {  	[sflag:s12] =	ssyncset.done $0x0  }
0x38a: {  	[sflag:s12] =	ssyncadd.s32 $0xFFFFE800  }
0x38b: {  	s1 =	sadd.s32 $0x1, s1;
	_ =	swait.ge [sflag:s16], $0x1800  }
0x38c: {  	p2 =	sne.s32 s1, $0x9;
	[sflag:s16] =	ssyncset.done $0x0  }
.Ltmp12:
0x38d: {  	[sflag:s16] =	ssyncadd.s32 $0xFFFFE800;
	(pc) =	sbr.rel @p2 .LBB2_16-.Ltmp12, $4  }
0x38e: {  	[spmem:s0] =	stream.indirect.scatter.add.f32 [tilespmem:s25], [sflag:$0x3], $0x80, s10, s22, $0xb8;
	[tilespmem:$0x1CD00] =	vst v63  }
0x38f: {  	_ =	swait.ge [sflag:s12], $0x1800  }
0x390: {  	[sflag:s12] =	ssyncset.done $0x0  }
0x391: {  	[sflag:s12] =	ssyncadd.s32 $0xFFFFE800  }
.Ltmp13:
0x392: {  	(pc) =	sbr.rel @p1 .LBB2_23-.Ltmp13, $3  }
0x393: {  	_ =	sdelay $0x1  }
0x394: {  	[bflag:$0x0] =	sbarrier.arrive $0xFFFF  }
0x395: {  	s20 =	rddreg [dreg:$0x1b]  }
0x396: {  	s23 =	rddreg [dreg:$0xe]  }
0x397: {  	[tilespmem:s11], [sflag:$0x3] =	stream.linear.gather [spmem:s23], $0x2800, $0x38;
	[tilespmem:$0x1CD00] =	vst v63  }
0x398: {  	_ =	swait.ge [sflag:s12], $0x2800  }
0x399: {  	s1 =	rddreg [dreg:$0xb]  }
0x39a: {  	p2 =	sne.s32 s1, $0x1  }
.Ltmp14:
0x39b: {  	[sflag:s12] =	ssyncset.done $0x0;
	(pc) =	sbr.rel @!p2 .LBB2_22-.Ltmp14, $4  }
0x39c: {  	s20 =	rddreg [dreg:$0x13];
	[sflag:s12] =	ssyncadd.s32 $0xFFFFD800  }
0x39d: {  	[hbm4b:s20+s4] =	stream.linear.scatter [tilespmem:s11], [sflag:$0x3], $0x2800, $0x38;
	[tilespmem:$0x1CD00] =	vst v63  }
0x39e: {  	_ =	swait.ge [sflag:s12], $0x2800  }
0x39f: {  	s1 =	sadd.s32 $0xFFFFFFFF, s1;
	[sflag:s12] =	ssyncset.done $0x0  }
.LBB2_21:
0x3a0: {  	[sflag:s12] =	ssyncadd.s32 $0xFFFFD800;
	s20 =	sadd.s32 $0x500, s20;
	s23 =	sadd.s32 $0x2800, s23  }
0x3a1: {  	[tilespmem:s11], [sflag:$0x3] =	stream.linear.gather [spmem:s23], $0x2800, $0x38;
	[tilespmem:$0x1CD00] =	vst v63  }
0x3a2: {  	p2 =	sne.s32 s1, $0x1;
	s1 =	sadd.s32 $0xFFFFFFFF, s1;
	_ =	swait.ge [sflag:s12], $0x2800  }
.Ltmp15:
0x3a3: {  	[sflag:s12] =	ssyncset.done $0x0;
	(pc) =	sbr.rel @p2 .LBB2_21-.Ltmp15, $4  }
0x3a4: {  	[sflag:s12] =	ssyncadd.s32 $0xFFFFD800  }
0x3a5: {  	[hbm4b:s20+s4] =	stream.linear.scatter [tilespmem:s11], [sflag:$0x3], $0x2800, $0x38;
	[tilespmem:$0x1CD00] =	vst v63  }
0x3a6: {  	_ =	swait.ge [sflag:s12], $0x2800  }
0x3a7: {  	[sflag:s12] =	ssyncset.done $0x0  }
.Ltmp16:
0x3a8: {  	_ = 	snop;
	(pc) =	sbr.rel .LBB2_22-.Ltmp16, $1  }
0x3a9: {  	_ =	sdelay $0x3  }
.LBB2_24:
0x3aa: {  	_ =	sfence.sel $0x180000  }
0x3ab: {  	[bflag:$0x0] =	sbarrier.arrive $0xFFFF  }
0x3ac: {  	_ =	strace $0x90000047  }
0x3ad: {  	s0 =	stileid.u32;
	[bflag:$0x2] =	sbarrier.arrive $0xFFFF  }
0x3ae: {  	p0 =	sne.s32 s0, $0x0;
	s0 =	rddreg [dreg:$0x6]  }
0x3af: {  	s0 =	sadd.s32 @!p0 $0x100000, s0  }
0x3b0: {  	[sflag:s0] =	ssyncadd.tile.s32 @!p0 $0x1;
	_ =	shalt  }
.Lfunc_end2:
_tile_overlayer_lowered:
.L_overlay_start_2:
0x3b1: {  	(tag) =	ssettag $0x2  }
0x3b2: {  	s0 =	rddreg [dreg:$0x0];
	s2 =	stileid.u32  }
0x3b3: {  	s1 =	rddreg [dreg:$0x1];
	p0 =	sne.s32 s2, $0x0  }
0x3b4: {  	s3 =	rddreg [dreg:$0x2];
	[bflag:$0x3] =	sbarrier.arrive $0xFFFF;
	s2 =	simm.s32 @!p0 $0x1C03  }
0x3b5: {  	[timem:s3], [sflag:s2] =	dma.local @!p0 [hbm:s0], s1  }
0x3b6: {  	s0 =	simm.s32 @!p0 $0x3  }
0x3b7: {  	_ =	swait.ge @!p0 [sflag:s0], s1  }
0x3b8: {  	s1 =	ssub.s32 @!p0 $0x0, s1;
	[sflag:s0] =	ssyncset.done @!p0 $0x0  }
0x3b9: {  	[sflag:s0] =	ssyncadd.s32 @!p0 s1  }
0x3ba: {  	[bflag:$0x3] =	sbarrier.arrive $0xFFFF  }
0x3bb: {  	_ =	shalt  }

// kernel: kernel.9.cloned.1.call-start
scs
__scs_entry_jumppad:
0x0: {  	(pc) =	sbr.rel $0x88, $3  }
0x1: {  	(tag) =	ssettag $0x0;
	lr =	simm.s32 $0x1  }
0x2: {  	[smem:$0x3F9A] =	sst lr;
	_ =	strace $0xD0000000  }
0x3: {  	_ = 	snop  }
0x4: {  	_ = 	snop  }
0x5: {  	_ = 	snop  }
0x6: {  	_ = 	snop  }
0x7: {  	_ = 	snop  }
__scs_overlays_trampoline_lowered:
0x8: {  	[smem:$0x3FA9] =	sst s0  }
0x9: {  	[smem:$0x3FAA] =	sst s1  }
0xa: {  	[smem:$0x3FAB] =	sst s2  }
0xb: {  	[smem:$0x3FAC] =	sst s3  }
0xc: {  	[smem:$0x3FAD] =	sst s4  }
0xd: {  	[smem:$0x3FAE] =	sst s5  }
0xe: {  	[smem:$0x3FAF] =	sst s6  }
0xf: {  	[smem:$0x3FB0] =	sst s7  }
0x10: {  	[smem:$0x3FB1] =	sst s8  }
0x11: {  	[smem:$0x3FB2] =	sst s9;
	s0 =	simm.s32 @!p0 $0x0  }
0x12: {  	s1 =	sld [smem:$0x3F98];
	s0 =	simm.s32 @p0 $0x1  }
0x13: {  	[smem:$0x3FB3] =	sst s0;
	s0 =	simm.s32 @!p1 $0x0  }
0x14: {  	s2 =	sld [smem:$0x3F97];
	s0 =	simm.s32 @p1 $0x1  }
0x15: {  	[smem:$0x3FB4] =	sst s0;
	s0 =	simm.s32 @!p2 $0x0  }
0x16: {  	s3 =	sld [smem:$0x3FDB];
	s0 =	simm.s32 @p2 $0x1  }
0x17: {  	s4 =	simm.s32 $0x1BF5;
	[smem:$0x3FB6] =	sst s0  }
0x18: {  	s0 =	sld [smem:$0x3F99];
	_ =	swait.ge [sflag:s4], $0x0  }
0x19: {  	s7 =	sld [smem:$0x3F9A]  }
0x1a: {  	s8 =	sadd.s32 $0xFFFFE003, lr  }
0x1b: {  	s9 =	sadd.s32 $0xFFFFFEF7, lr;
	s5 =	simm.s32 $0xFFFFFFFF;
	p2 =	slt.u32 s8, $0xFFFFF086  }
0x1c: {  	p1 =	slt.u32 s9, $0xF7A;
	s5 =	simm.s32 @!p2 $0x0  }
0x1d: {  	s5 =	simm.s32 @p1 $0x1;
	p0 =	seq.s32 s7, s2  }
0x1e: {  	s7 =	smul.u32 @!p0 $0xF7A, s2;
	p2 =	seq.s32 @!p0 s5, $0x0  }
0x1f: {  	s9 =	smul.u32 $0xF7A, s1;
	s8 =	simm.s32 @!p0 $0x1BF5;
	p2 =	por !p2, p0  }
0x20: {  	[sflag:s8] =	ssyncset.s32 @!p0 $0xFFFFF086;
	s6 =	sadd.s32 @!p0 s3, s7;
	s7 =	simm.s32 @!p0 $0x108  }
0x21: {  	s3 =	sadd.s32 s3, s9;
	s6 =	sadd.s32 @!p0 $0x88, s6;
	s7 =	simm.s32 @p2 $0x1082  }
0x22: {  	[simem:s7], [sflag:s8] =	dma.local @!p0 [hbm:s6], $0xF7A  }
0x23: {  	s9 =	sor.u32 $0xD0000000, s2;
	s6 =	simm.s32 $0x108;
	_ =	swait.ge @!p0 [sflag:s8], $0x0  }
0x24: {  	s3 =	sadd.s32 $0x88, s3;
	s6 =	simm.s32 @!p1 $0x1082;
	[sflag:s4] =	ssyncset.s32 $0xFFFFF086  }
0x25: {  	[simem:s6], [sflag:s4] =	dma.local [hbm:s3], $0xF7A  }
0x26: {  	[smem:$0x3F9A] =	sst s1;
	(tag) =	ssettag s2;
	_ =	strace s9  }
0x27: {  	s1 =	sld [smem:$0x3FAA]  }
0x28: {  	s2 =	sld [smem:$0x3FAB]  }
0x29: {  	s4 =	sld [smem:$0x3FAD]  }
0x2a: {  	p0 =	seq.s32 s5, $0x0;
	s5 =	sld [smem:$0x3FAE]  }
0x2b: {  	s6 =	sld [smem:$0x3FAF]  }
0x2c: {  	s7 =	sld [smem:$0x3FB0]  }
0x2d: {  	s3 =	simm.s32 $0x108;
	s8 =	sld [smem:$0x3FB1]  }
0x2e: {  	s3 =	simm.s32 @!p0 $0x1082;
	s9 =	sld [smem:$0x3FB2]  }
0x2f: {  	lr =	sadd.s32 s0, s3;
	s0 =	sld [smem:$0x3FA9]  }
0x30: {  	s3 =	sld [smem:$0x3FAC]  }
0x31: {  	[smem:$0x3FB5] =	sst s10  }
0x32: {  	s10 =	sld [smem:$0x3FB3];
	_ =	sdelay $0x3  }
0x33: {  	p0 =	seq.s32 s10, $0x1;
	s10 =	sld [smem:$0x3FB5];
	_ =	sdelay $0x3  }
0x34: {  	[smem:$0x3FB5] =	sst s10  }
0x35: {  	s10 =	sld [smem:$0x3FB4];
	_ =	sdelay $0x3  }
0x36: {  	p1 =	seq.s32 s10, $0x1;
	s10 =	sld [smem:$0x3FB5];
	_ =	sdelay $0x3  }
0x37: {  	[smem:$0x3FB5] =	sst s10  }
0x38: {  	s10 =	sld [smem:$0x3FB6]  }
0x39: {  	_ = 	snop;
	(pc) =	sbr.ind lr, $3  }
0x3a: {  	_ = 	snop  }
0x3b: {  	_ = 	snop  }
0x3c: {  	p2 =	seq.s32 s10, $0x1;
	s10 =	sld [smem:$0x3FB5]  }
0x3d: {  	_ =	shalt  }
0x3e: {  	_ =	shalt  }
0x3f: {  	_ =	shalt  }
0x40: {  	_ =	shalt  }
0x41: {  	_ =	shalt  }
0x42: {  	_ =	shalt  }
0x43: {  	_ =	shalt  }
0x44: {  	_ =	shalt  }
0x45: {  	_ =	shalt  }
0x46: {  	_ =	shalt  }
0x47: {  	_ =	shalt  }
0x48: {  	_ =	shalt  }
0x49: {  	_ =	shalt  }
0x4a: {  	_ =	shalt  }
0x4b: {  	_ =	shalt  }
0x4c: {  	_ =	shalt  }
0x4d: {  	_ =	shalt  }
0x4e: {  	_ =	shalt  }
0x4f: {  	_ =	shalt  }
0x50: {  	_ =	shalt  }
0x51: {  	_ =	shalt  }
0x52: {  	_ =	shalt  }
0x53: {  	_ =	shalt  }
0x54: {  	_ =	shalt  }
0x55: {  	_ =	shalt  }
0x56: {  	_ =	shalt  }
0x57: {  	_ =	shalt  }
0x58: {  	_ =	shalt  }
0x59: {  	_ =	shalt  }
0x5a: {  	_ =	shalt  }
0x5b: {  	_ =	shalt  }
0x5c: {  	_ =	shalt  }
0x5d: {  	_ =	shalt  }
0x5e: {  	_ =	shalt  }
0x5f: {  	_ =	shalt  }
0x60: {  	_ =	shalt  }
0x61: {  	_ =	shalt  }
0x62: {  	_ =	shalt  }
0x63: {  	_ =	shalt  }
0x64: {  	_ =	shalt  }
0x65: {  	_ =	shalt  }
0x66: {  	_ =	shalt  }
0x67: {  	_ =	shalt  }
0x68: {  	_ =	shalt  }
0x69: {  	_ =	shalt  }
0x6a: {  	_ =	shalt  }
0x6b: {  	_ =	shalt  }
0x6c: {  	_ =	shalt  }
0x6d: {  	_ =	shalt  }
0x6e: {  	_ =	shalt  }
0x6f: {  	_ =	shalt  }
0x70: {  	_ =	shalt  }
0x71: {  	_ =	shalt  }
0x72: {  	_ =	shalt  }
0x73: {  	_ =	shalt  }
0x74: {  	_ =	shalt  }
0x75: {  	_ =	shalt  }
0x76: {  	_ =	shalt  }
0x77: {  	_ =	shalt  }
0x78: {  	_ =	shalt  }
0x79: {  	_ =	shalt  }
0x7a: {  	_ =	shalt  }
0x7b: {  	_ =	shalt  }
0x7c: {  	_ =	shalt  }
0x7d: {  	_ =	shalt  }
0x7e: {  	_ =	shalt  }
0x7f: {  	_ =	shalt  }
0x80: {  	_ =	shalt  }
0x81: {  	_ =	shalt  }
0x82: {  	_ =	shalt  }
0x83: {  	_ =	shalt  }
0x84: {  	_ =	shalt  }
0x85: {  	_ =	shalt  }
0x86: {  	_ =	shalt  }
0x87: {  	_ =	shalt  }
.Lfunc_end0:
.L_simem_size_0:
called_computation.1_lowered:
.L_overlay_start_0:
0x88: {  	s2 =	sld [smem:$0x3FD9]  }
0x89: {  	s3 =	sld [smem:$0x3FFE];
	_ =	sdelay $0x1  }
0x8a: {  	s1 =	srdreg.scid  }
0x8b: {  	s0 =	sand.u32 $0x1, s1  }
0x8c: {  	s16 =	sshll.u32 s0, $0xA;
	s2 =	sadd.s32 s3, s2  }
0x8d: {  	s2 =	sadd.s32 s2, s16  }
0x8e: {  	[smem:$0x3FC1] =	sst s2  }
0x8f: {  	_ = 	snop  }
0x90: {  	(tm) =	ssettm $0x1  }
0x91: {  	s17 =	sld [smem:$0x3FFB];
	_ =	sdelay $0x3  }
0x92: {  	_ =	strace s17  }
0x93: {  	s2 =	sld [smem:$0x3FFC];
	_ =	sdelay $0x3  }
0x94: {  	_ =	strace s2  }
0x95: {  	s2 =	sld [smem:$0x3FFD];
	_ =	sdelay $0x3  }
0x96: {  	_ =	strace s2  }
0x97: {  	_ =	strace $0x8FFFFFFF  }
0x98: {  	s18 =	sld [smem:$0x3FDB];
	_ =	sdelay $0x1  }
0x99: {  	s19 =	simm.s32 $_scs_section_size  }
0x9a: {  	s4 =	simm.s32 $_size__tile_overlayer_lowered;
	s5 =	simm.s32 $_tile_overlayer_lowered  }
0x9b: {  	s22 =	simm.s32 $0x1BFF;
	s21 =	sshll.u32 s5, $0x1;
	s2 =	sadd.s32 s19, s18  }
0x9c: {  	s6 =	simm.s32 $0x0;
	s20 =	sshll.u32 s4, $0x1;
	s4 =	sadd.s32 s21, s2  }
0x9d: {  	[timem:s6], [sflag:s22] =	dma.local [hbm:s4], s20  }
0x9e: {  	_ =	swait.ge [sflag:s22], s20  }
0x9f: {  	s3 =	ssub.s32 $0x0, s20;
	[sflag:s22] =	ssyncset.done $0x0  }
0xa0: {  	[sflag:s22] =	ssyncadd.s32 s3;
	_ =	sdelay $0x1  }
0xa1: {  	s23 =	simm.s32 $0x1B8B  }
0xa2: {  	_ =	swait.ge [sflag:s23], $0x1  }
0xa3: {  	[sflag:s23] =	ssyncset.done $0x0  }
0xa4: {  	s25 =	simm.s32 $0x1B8E;
	s24 =	sld [smem:$0x3FFE];
	[sflag:s23] =	ssyncadd.s32 $0xFFFFFFFF  }
0xa5: {  	s26 =	simm.s32 $execute0_lowered;
	[smem:$0x3FD2] =	sst s25  }
0xa6: {  	s4 =	sshll.u32 s26, $0x1;
	_ =	strace $0x80000049;
	[dreg:$0x1] =	wrdreg $0xFFFFFFFF  }
0xa7: {  	s28 =	simm.s32 $_size_execute0_lowered;
	s2 =	sadd.s32 s2, s4;
	[dreg:$0x0] =	wrdreg $0x0  }
0xa8: {  	s4 =	sshll.u32 s28, $0x1;
	[dreg:$0x2] =	wrdreg s2  }
0xa9: {  	[dreg:$0x3] =	wrdreg s4  }
0xaa: {  	[dreg:$0x4] =	wrdreg $0xC0  }
0xab: {  	_ =	task [dreg:s6], $0x5FFFF  }
0xac: {  	[dreg:$0x1] =	wrdreg $0xFFFFFFFF  }
0xad: {  	[dreg:$0x0] =	wrdreg $0x60  }
0xae: {  	[dreg:$0x2] =	wrdreg s24  }
0xaf: {  	[dreg:$0x3] =	wrdreg $0x0  }
0xb0: {  	[dreg:$0x4] =	wrdreg $0x9  }
0xb1: {  	_ =	task.clear_ibuf [dreg:s6], $0x5FFFF;
	_ =	strace $0x90000049  }
0xb2: {  	s29 =	simm.s32 $0x9;
	_ =	strace $0x8000004B  }
0xb3: {  	_ =	swait.ge [sflag:s29], $0x1  }
0xb4: {  	[sflag:s29] =	ssyncadd.s32 $0xFFFFFFFF  }
0xb5: {  	_ =	strace $0x9000004B  }
0xb6: {  	_ =	sfence  }
0xb7: {  	s30 =	sld [smem:$0x0];
	_ =	sdelay $0x2  }
0xb8: {  	s31 =	sshll.u32 s1, $0xD;
	s1 =	sshrl.u32 s1, $0x2  }
0xb9: {  	s3 =	sand.u32 $0x4000, s31;
	s1 =	sadd.s32 s1, s30  }
0xba: {  	s0 =	sor.u32 s3, s0;
	s1 =	sshll.u32 s1, $0x11  }
0xbb: {  	s0 =	sor.u32 s1, s0  }
0xbc: {  	s0 =	sadd.s32 $0x8F2B, s0  }
0xbd: {  	[sflag:s0] =	ssyncadd.remote.s32 $0x1  }
0xbe: {  	_ =	sfence.sel $0xFFFF  }
0xbf: {  	[dreg:$0x0] =	wrdreg $0xFFFFFFFF;
	(pc) =	sbr.abs _section_cstart, $3  }
0xc0: {  	[dreg:$0x1] =	wrdreg $0xFFFFFFFF  }
0xc1: {  	_ =	task.clear_ibuf [dreg:s6], $0x2FFFF;
	_ =	strace $0x9FFFFFFF  }
0xc2: {  	(tm) =	ssettm $0x7FFFFFFF  }
0xc3: {  	_ =	shalt  }
tec
execute0_lowered:
.L_overlay_start_1:
0x0: {  	(tag) =	ssettag $0x1  }
0x1: {  	s15 =	stileid.u32  }
0x2: {  	s0 =	rddreg [dreg:$0x0];
	s6 =	smul.u32 $0xC00, s15  }
0x3: {  	s1 =	srdreg.scid;
	s8 =	smul.u32 $0x14000, s15  }
0x4: {  	s2 =	rddreg [dreg:$0x1];
	s10 =	smul.u32 $0x280, s15  }
0x5: {  	s3 =	simm.s32 $0x0;
	s28 =	simm.s32 $0x15900;
	s24 =	smul.u32 $0x6000, s15  }
0x6: {  	s29 =	simm.s32 $0x17100;
	s1 =	sand.u32 $0x1, s1;
	s19 =	smul.u32 $0x50000, s15  }
0x7: {  	s30 =	simm.s32 $0x17200;
	s31 =	simm.s32 $0x15880;
	s5 =	smul.u32 $0xC000, s1  }
0x8: {  	[smem:$0x7FF] =	sst s3;
	s4 =	sadd.s32 $0x76800, s0;
	s7 =	smul.u32 $0x138800, s1  }
0x9: {  	_ =	strace $0x8000004A;
	s11 =	smul.u32 $0x60000, s1;
	s1 =	ssub.s32 $0x2, s1  }
0xa: {  	s23 =	smin.u32 s10, $0x2490;
	s25 =	sshrl.u32 s1, $0x1;
	s21 =	sshrl.u32 s19, $0x2  }
0xb: {  	s9 =	sadd.s32 s6, s5;
	s5 =	sadd.s32 $0x34600, s0;
	s6 =	sadd.s32 $0x1600, s0  }
0xc: {  	s7 =	sadd.s32 s8, s7;
	s12 =	sadd.s32 $0x280, s23;
	s1 =	ssub.s32 s1, s25  }
0xd: {  	s9 =	sshrl.u32 s9, $0x3;
	s7 =	sshrl.u32 s7, $0x3;
	s13 =	ssub.s32 s12, s10  }
0xe: {  	p0 =	sne.s32 s12, s10;
	s12 =	simm.s32 $0x1;
	s14 =	smul.u32 $0xFFFFCCCD, s13  }
0xf: {  	s1 =	smax.u32 s1, $0x1;
	s9 =	sadd.s32 s9, s0;
	s0 =	sadd.s32 s7, s0  }
0x10: {  	s7 =	sadd.s32 s24, s11;
	s26 =	sshll.u32 s13, $0x10;
	s14 =	sadd.s32 $0x1990, s14  }
0x11: {  	s13 =	sshra.s32 s13, $0x1F;
	s12 =	simm.s32 @!p0 $0x0;
	s16 =	sand.u32 $0xFFF0, s14  }
0x12: {  	[dreg:$0x3] =	wrdreg s1;
	s14 =	sshll.u32 s14, $0xC;
	s10 =	sshrl.u32 s16, $0x4  }
0x13: {  	s1 =	simm.s32 $0x17180;
	s8 =	sadd.s32 $0x4C600, s9;
	s10 =	sor.u32 s14, s10  }
0x14: {  	s11 =	sshra.s32 s26, $0x10;
	s12 =	sor.u32 s12, s13;
	s10 =	sand.u32 $0xFFFF, s10  }
0x15: {  	s11 =	smul.u32 $0x6667, s11;
	p6 =	sne.s32 s12, $0x1;
	p1 =	sgt.u32 s10, $0x332  }
0x16: {  	s9 =	sadd.s32 $0x31600, s9;
	s13 =	simm.s32 $0x1;
	p0 =	por !p1, !p6  }
0x17: {  	s17 =	sshrl.u32 s11, $0x1F;
	s18 =	sshra.s32 s11, $0x15;
	p0 =	por !p0, !p0  }
0x18: {  	s12 =	simm.s32 $0x0;
	s20 =	sadd.s32 s17, s18;
	s13 =	simm.s32 @!p0 $0x0  }
0x19: {  	s10 =	simm.s32 $0x1;
	s11 =	ssub.s32 s20, s13;
	s13 =	sadd.s32 s21, s2  }
0x1a: {  	s21 =	sadd.s32 $0x9DA00, s0;
	s0 =	simm.s32 $0x2;
	s22 =	sadd.s32 $0x2800, s13  }
0x1b: {  	s23 =	sadd.s32 $0x5000, s13;
	s24 =	sadd.s32 $0x7800, s13;
	[dreg:$0x4] =	wrdreg s22  }
.Ltmp0:
0x1c: {  	s25 =	sadd.s32 $0xA000, s13;
	[dreg:$0x5] =	wrdreg s23;
	(pc) =	sbr.rel .LBB2_1-.Ltmp0, $4  }
0x1d: {  	s26 =	sadd.s32 $0xC800, s13;
	s19 =	sadd.s32 $0xF000, s13;
	[dreg:$0x6] =	wrdreg s24  }
0x1e: {  	s20 =	sadd.s32 $0x11800, s13;
	p0 =	slt.s32 s11, $0x1;
	[dreg:$0x7] =	wrdreg s25  }
0x1f: {  	[dreg:$0x8] =	wrdreg s26;
	s22 =	simm.s32 $0x18A00;
	s23 =	simm.s32 $0x3  }
0x20: {  	v0 =	vimm.f32 $0.0e+00;
	s24 =	simm.s32 $0x14C00;
	s25 =	simm.s32 $0x30;
	s26 =	simm.s32 $0x15800  }
.LBB2_10:
0x21: {  	[sflag:s23] =	ssyncadd.s32 $0xFFFFD800  }
.LBB2_11:
0x22: {  	s12 =	sadd.s32 $0x1, s12;
	s14 =	rddreg [dreg:$0x3]  }
0x23: {  	p1 =	sne.s32 s12, s14  }
.Ltmp1:
0x24: {  	_ = 	snop;
	(pc) =	sbr.rel @!p1 .LBB2_12-.Ltmp1, $1  }
0x25: {  	_ =	sdelay $0x3  }
.LBB2_1:
0x26: {  	s14 =	simm.s32 $0x0;
	s15 =	simm.s32 $0x200  }
.LBB2_2:
0x27: {  	p1 =	sne.s32 s15, $0x9E00;
	[tilespmem:s14+$0x18A70] =	vst v0  }
0x28: {  	[tilespmem:s14+$0x18A00] =	vst v0  }
0x29: {  	[tilespmem:s14+$0x18A10] =	vst v0  }
.Ltmp2:
0x2a: {  	[tilespmem:s14+$0x18A20] =	vst v0;
	(pc) =	sbr.rel @p1 .LBB2_2-.Ltmp2, $4  }
0x2b: {  	[tilespmem:s14+$0x18A30] =	vst v0  }
0x2c: {  	[tilespmem:s14+$0x18A40] =	vst v0  }
0x2d: {  	[tilespmem:s14+$0x18A50] =	vst v0  }
0x2e: {  	[tilespmem:s14+$0x18A60] =	vst v0;
	s14 =	sshra.s32 s15, $0x2;
	s15 =	sadd.s32 $0x200, s15  }
0x2f: {  	[tilespmem:s14+$0x18A70] =	vst v0  }
0x30: {  	[tilespmem:s14+$0x18A00] =	vst v0  }
0x31: {  	[tilespmem:s14+$0x18A10] =	vst v0  }
0x32: {  	[tilespmem:s14+$0x18A20] =	vst v0  }
0x33: {  	[tilespmem:s14+$0x18A30] =	vst v0  }
0x34: {  	[tilespmem:s14+$0x18A40] =	vst v0  }
0x35: {  	[tilespmem:s14+$0x18A50] =	vst v0  }
0x36: {  	[tilespmem:s14+$0x18A60] =	vst v0  }
0x37: {  	[spmem:s13] =	stream.linear.scatter [tilespmem:s22], [sflag:$0x3], $0x2800, $0x38;
	[tilespmem:$0x1B200] =	vst v63  }
0x38: {  	_ =	swait.ge [sflag:s23], $0x2800  }
0x39: {  	[sflag:s23] =	ssyncset.done $0x0  }
0x3a: {  	s18 =	rddreg [dreg:$0x4];
	[sflag:s23] =	ssyncadd.s32 $0xFFFFD800  }
0x3b: {  	[spmem:s18] =	stream.linear.scatter [tilespmem:s22], [sflag:$0x3], $0x2800, $0x38;
	[tilespmem:$0x1B200] =	vst v63  }
0x3c: {  	_ =	swait.ge [sflag:s23], $0x2800  }
0x3d: {  	[sflag:s23] =	ssyncset.done $0x0  }
0x3e: {  	s15 =	rddreg [dreg:$0x5];
	[sflag:s23] =	ssyncadd.s32 $0xFFFFD800  }
0x3f: {  	[spmem:s15] =	stream.linear.scatter [tilespmem:s22], [sflag:$0x3], $0x2800, $0x38;
	[tilespmem:$0x1B200] =	vst v63  }
0x40: {  	_ =	swait.ge [sflag:s23], $0x2800  }
0x41: {  	[sflag:s23] =	ssyncset.done $0x0  }
0x42: {  	s16 =	rddreg [dreg:$0x6];
	[sflag:s23] =	ssyncadd.s32 $0xFFFFD800  }
0x43: {  	[spmem:s16] =	stream.linear.scatter [tilespmem:s22], [sflag:$0x3], $0x2800, $0x38;
	[tilespmem:$0x1B200] =	vst v63  }
0x44: {  	_ =	swait.ge [sflag:s23], $0x2800  }
0x45: {  	[sflag:s23] =	ssyncset.done $0x0  }
0x46: {  	s17 =	rddreg [dreg:$0x7];
	[sflag:s23] =	ssyncadd.s32 $0xFFFFD800  }
0x47: {  	[spmem:s17] =	stream.linear.scatter [tilespmem:s22], [sflag:$0x3], $0x2800, $0x38;
	[tilespmem:$0x1B200] =	vst v63  }
0x48: {  	_ =	swait.ge [sflag:s23], $0x2800  }
0x49: {  	[sflag:s23] =	ssyncset.done $0x0  }
0x4a: {  	s18 =	rddreg [dreg:$0x8];
	[sflag:s23] =	ssyncadd.s32 $0xFFFFD800  }
0x4b: {  	[spmem:s18] =	stream.linear.scatter [tilespmem:s22], [sflag:$0x3], $0x2800, $0x38;
	[tilespmem:$0x1B200] =	vst v63  }
0x4c: {  	_ =	swait.ge [sflag:s23], $0x2800  }
0x4d: {  	[sflag:s23] =	ssyncset.done $0x0  }
0x4e: {  	[sflag:s23] =	ssyncadd.s32 $0xFFFFD800  }
0x4f: {  	[spmem:s19] =	stream.linear.scatter [tilespmem:s22], [sflag:$0x3], $0x2800, $0x38;
	[tilespmem:$0x1B200] =	vst v63  }
0x50: {  	_ =	swait.ge [sflag:s23], $0x2800  }
0x51: {  	[sflag:s23] =	ssyncset.done $0x0  }
0x52: {  	[sflag:s23] =	ssyncadd.s32 $0xFFFFD800  }
0x53: {  	[spmem:s20] =	stream.linear.scatter [tilespmem:s22], [sflag:$0x3], $0x2800, $0x38;
	[tilespmem:$0x1B200] =	vst v63  }
0x54: {  	_ =	swait.ge [sflag:s23], $0x2800  }
0x55: {  	[sflag:s23] =	ssyncset.done $0x0  }
0x56: {  	[sflag:s23] =	ssyncadd.s32 $0xFFFFD800  }
0x57: {  	s14 =	simm.s32 $0x0;
	[bflag:$0x0] =	sbarrier.arrive $0xFFFF  }
.LBB2_4:
0x58: {  	p1 =	seq.s32 s14, $0x8  }
0x59: {  	s15 =	simm.s32 @p1 $0x0;
	s16 =	simm.s32 @p1 $0x14000  }
0x5a: {  	[tilespmem:s16], [sflag:$0x3] =	stream.linear.gather @p1 [hbm4b:s8+s15], $0xC00, $0x38;
	[tilespmem:$0x1B200] =	vst v63  }
0x5b: {  	s15 =	simm.s32 @p1 $0x3;
	s16 =	smul.u32 @!p1 $0xC00, s14  }
0x5c: {  	_ =	swait.ge @p1 [sflag:s15], $0xC00  }
0x5d: {  	[sflag:s15] =	ssyncset.done @p1 $0x0;
	s16 =	sadd.s32 @!p1 s16, s7  }
0x5e: {  	[sflag:s15] =	ssyncadd.s32 @p1 $0xFFFFF400;
	s15 =	sshrl.u32 @!p1 s16, $0x3  }
0x5f: {  	s17 =	simm.s32 @!p1 $0x0;
	s18 =	simm.s32 @!p1 $0x14000;
	s16 =	sadd.s32 @!p1 s5, s15  }
0x60: {  	[tilespmem:s18], [sflag:$0x3] =	stream.linear.gather @!p1 [hbm4b:s16+s17], $0xC00, $0x38;
	[tilespmem:$0x1B200] =	vst v63  }
0x61: {  	s16 =	simm.s32 @!p1 $0x3  }
0x62: {  	_ =	swait.ge @!p1 [sflag:s16], $0xC00  }
0x63: {  	s15 =	sadd.s32 @!p1 s6, s15;
	[sflag:s16] =	ssyncset.done @!p1 $0x0  }
0x64: {  	s15 =	smov.u32 @p1 s9;
	[sflag:s16] =	ssyncadd.s32 @!p1 $0xFFFFF400  }
0x65: {  	[tilespmem:s24], [sflag:$0x3] =	stream.linear.gather [hbm4b:s15+s3], $0xC00, $0x38;
	[tilespmem:$0x1B200] =	vst v63  }
0x66: {  	_ =	swait.ge [sflag:s23], $0xC00  }
0x67: {  	[sflag:s23] =	ssyncset.done $0x0  }
0x68: {  	s18 =	simm.s32 $0xA0;
	[sflag:s23] =	ssyncadd.s32 $0xFFFFF400  }
0x69: {  	v1 =	vld [tilespmem:s18+$0x13F60];
	_ =	sdelay $0x4  }
0x6a: {  	[tilespmem:$0x15800] =	vst v1  }
0x6b: {  	v1 =	vld [tilespmem:s18+$0x14B60];
	_ =	sdelay $0x4  }
0x6c: {  	[tilespmem:$0x15880] =	vst v1  }
0x6d: {  	v1 =	vld [tilespmem:s18+$0x13FE0];
	_ =	sdelay $0x4  }
0x6e: {  	[tilespmem:$0x17100] =	vst v1  }
0x6f: {  	v1 =	vld [tilespmem:s18+$0x14BE0];
	_ =	sdelay $0x4  }
0x70: {  	[tilespmem:$0x17180] =	vst v1  }
0x71: {  	v1 =	vld [tilespmem:s18+$0x13F70];
	_ =	sdelay $0x4  }
0x72: {  	[tilespmem:$0x15810] =	vst v1  }
0x73: {  	v1 =	vld [tilespmem:s18+$0x14B70];
	_ =	sdelay $0x4  }
0x74: {  	[tilespmem:$0x15890] =	vst v1  }
0x75: {  	v1 =	vld [tilespmem:s18+$0x13FF0];
	_ =	sdelay $0x4  }
0x76: {  	[tilespmem:$0x17110] =	vst v1  }
0x77: {  	v1 =	vld [tilespmem:s18+$0x14BF0];
	_ =	sdelay $0x4  }
0x78: {  	[tilespmem:$0x17190] =	vst v1  }
0x79: {  	v1 =	vld [tilespmem:s18+$0x13F80];
	_ =	sdelay $0x4  }
0x7a: {  	[tilespmem:$0x15820] =	vst v1  }
0x7b: {  	v1 =	vld [tilespmem:s18+$0x14B80];
	_ =	sdelay $0x4  }
0x7c: {  	[tilespmem:$0x158A0] =	vst v1  }
0x7d: {  	v1 =	vld [tilespmem:s18+$0x14000];
	_ =	sdelay $0x4  }
0x7e: {  	[tilespmem:$0x17120] =	vst v1  }
0x7f: {  	v1 =	vld [tilespmem:s18+$0x14C00];
	_ =	sdelay $0x4  }
0x80: {  	[tilespmem:$0x171A0] =	vst v1  }
0x81: {  	[tilespmem:s28], [sflag:$0x1] =	stream.indirect.gather [hbm4b:s4+s25], $0x80, s26, s25, $0xb8;
	[tilespmem:$0x1B200] =	vst v63  }
0x82: {  	_ = 	snop  }
0x83: {  	[tilespmem:s30], [sflag:$0x2] =	stream.indirect.gather [hbm4b:s4+s25], $0x80, s29, s25, $0xb8;
	[tilespmem:$0x1B200] =	vst v63  }
0x84: {  	_ =	swait.ge [sflag:s10], $0x1800  }
0x85: {  	[sflag:s10] =	ssyncset.done $0x0  }
0x86: {  	[sflag:s10] =	ssyncadd.s32 $0xFFFFE800  }
0x87: {  	[spmem:s2] =	stream.indirect.scatter.add.f32 [tilespmem:s28], [sflag:$0x3], $0x80, s31, s25, $0xb8;
	[tilespmem:$0x1B200] =	vst v63  }
0x88: {  	_ =	swait.ge [sflag:s23], $0x1800  }
0x89: {  	[sflag:s23] =	ssyncset.done $0x0  }
0x8a: {  	[sflag:s23] =	ssyncadd.s32 $0xFFFFE800  }
0x8b: {  	_ =	swait.ge [sflag:s0], $0x1800  }
0x8c: {  	[sflag:s0] =	ssyncset.done $0x0  }
0x8d: {  	[sflag:s0] =	ssyncadd.s32 $0xFFFFE800  }
0x8e: {  	[spmem:s2] =	stream.indirect.scatter.add.f32 [tilespmem:s30], [sflag:$0x3], $0x80, s1, s25, $0xb8;
	[tilespmem:$0x1B200] =	vst v63  }
0x8f: {  	_ =	swait.ge [sflag:s23], $0x1800  }
0x90: {  	s16 =	simm.s32 $0xA80;
	s15 =	simm.s32 $0x680;
	[sflag:s23] =	ssyncset.done $0x0  }
.LBB2_5:
0x91: {  	s17 =	sshra.s32 s15, $0x2  }
0x92: {  	[sflag:s23] =	ssyncadd.s32 $0xFFFFE800;
	s15 =	smov.u32 s16;
	s18 =	sadd.s32 $0x400, s16  }
0x93: {  	p1 =	sne.s32 s16, $0x2E80;
	v1 =	vld [tilespmem:s17+$0x13F60];
	_ =	sdelay $0x4  }
0x94: {  	[tilespmem:$0x15800] =	vst v1  }
0x95: {  	v1 =	vld [tilespmem:s17+$0x14B60];
	_ =	sdelay $0x4  }
0x96: {  	[tilespmem:$0x15880] =	vst v1  }
0x97: {  	v1 =	vld [tilespmem:s17+$0x13FE0];
	_ =	sdelay $0x4  }
0x98: {  	[tilespmem:$0x17100] =	vst v1  }
0x99: {  	v1 =	vld [tilespmem:s17+$0x14BE0];
	_ =	sdelay $0x4  }
0x9a: {  	[tilespmem:$0x17180] =	vst v1  }
0x9b: {  	v1 =	vld [tilespmem:s17+$0x13F70];
	_ =	sdelay $0x4  }
0x9c: {  	[tilespmem:$0x15810] =	vst v1  }
0x9d: {  	v1 =	vld [tilespmem:s17+$0x14B70];
	_ =	sdelay $0x4  }
0x9e: {  	[tilespmem:$0x15890] =	vst v1  }
0x9f: {  	v1 =	vld [tilespmem:s17+$0x13FF0];
	_ =	sdelay $0x4  }
0xa0: {  	[tilespmem:$0x17110] =	vst v1  }
0xa1: {  	v1 =	vld [tilespmem:s17+$0x14BF0];
	_ =	sdelay $0x4  }
0xa2: {  	[tilespmem:$0x17190] =	vst v1  }
0xa3: {  	v1 =	vld [tilespmem:s17+$0x13F80];
	_ =	sdelay $0x4  }
0xa4: {  	[tilespmem:$0x15820] =	vst v1  }
0xa5: {  	v1 =	vld [tilespmem:s17+$0x14B80];
	_ =	sdelay $0x4  }
0xa6: {  	[tilespmem:$0x158A0] =	vst v1  }
0xa7: {  	v1 =	vld [tilespmem:s17+$0x14000];
	_ =	sdelay $0x4  }
0xa8: {  	[tilespmem:$0x17120] =	vst v1  }
0xa9: {  	v1 =	vld [tilespmem:s17+$0x14C00];
	_ =	sdelay $0x4  }
0xaa: {  	[tilespmem:$0x171A0] =	vst v1  }
0xab: {  	[tilespmem:s28], [sflag:$0x1] =	stream.indirect.gather [hbm4b:s4+s25], $0x80, s26, s25, $0xb8;
	[tilespmem:$0x1B200] =	vst v63  }
0xac: {  	_ = 	snop  }
0xad: {  	[tilespmem:s30], [sflag:$0x2] =	stream.indirect.gather [hbm4b:s4+s25], $0x80, s29, s25, $0xb8;
	[tilespmem:$0x1B200] =	vst v63  }
0xae: {  	_ =	swait.ge [sflag:s10], $0x1800  }
0xaf: {  	[sflag:s10] =	ssyncset.done $0x0  }
0xb0: {  	[sflag:s10] =	ssyncadd.s32 $0xFFFFE800  }
0xb1: {  	[spmem:s2] =	stream.indirect.scatter.add.f32 [tilespmem:s28], [sflag:$0x3], $0x80, s31, s25, $0xb8;
	[tilespmem:$0x1B200] =	vst v63  }
0xb2: {  	_ =	swait.ge [sflag:s23], $0x1800  }
0xb3: {  	[sflag:s23] =	ssyncset.done $0x0  }
0xb4: {  	[sflag:s23] =	ssyncadd.s32 $0xFFFFE800  }
0xb5: {  	_ =	swait.ge [sflag:s0], $0x1800  }
.Ltmp3:
0xb6: {  	[sflag:s0] =	ssyncset.done $0x0;
	(pc) =	sbr.rel @p1 .LBB2_5-.Ltmp3, $4  }
0xb7: {  	[sflag:s0] =	ssyncadd.s32 $0xFFFFE800  }
0xb8: {  	[spmem:s2] =	stream.indirect.scatter.add.f32 [tilespmem:s30], [sflag:$0x3], $0x80, s1, s25, $0xb8;
	[tilespmem:$0x1B200] =	vst v63  }
0xb9: {  	_ =	swait.ge [sflag:s23], $0x1800  }
0xba: {  	s16 =	smov.u32 s18;
	[sflag:s23] =	ssyncset.done $0x0  }
0xbb: {  	s15 =	sshra.s32 s15, $0x2;
	[sflag:s23] =	ssyncadd.s32 $0xFFFFE800  }
0xbc: {  	v1 =	vld [tilespmem:s15+$0x13F60];
	_ =	sdelay $0x4  }
0xbd: {  	[tilespmem:$0x15800] =	vst v1  }
0xbe: {  	v1 =	vld [tilespmem:s15+$0x14B60];
	_ =	sdelay $0x4  }
0xbf: {  	[tilespmem:$0x15880] =	vst v1  }
0xc0: {  	v1 =	vld [tilespmem:s15+$0x13FE0];
	_ =	sdelay $0x4  }
0xc1: {  	[tilespmem:$0x17100] =	vst v1  }
0xc2: {  	v1 =	vld [tilespmem:s15+$0x14BE0];
	_ =	sdelay $0x4  }
0xc3: {  	[tilespmem:$0x17180] =	vst v1  }
0xc4: {  	v1 =	vld [tilespmem:s15+$0x13F70];
	_ =	sdelay $0x4  }
0xc5: {  	[tilespmem:$0x15810] =	vst v1  }
0xc6: {  	v1 =	vld [tilespmem:s15+$0x14B70];
	_ =	sdelay $0x4  }
0xc7: {  	[tilespmem:$0x15890] =	vst v1  }
0xc8: {  	v1 =	vld [tilespmem:s15+$0x13FF0];
	_ =	sdelay $0x4  }
0xc9: {  	[tilespmem:$0x17110] =	vst v1  }
0xca: {  	v1 =	vld [tilespmem:s15+$0x14BF0];
	_ =	sdelay $0x4  }
0xcb: {  	[tilespmem:$0x17190] =	vst v1  }
0xcc: {  	v1 =	vld [tilespmem:s15+$0x13F80];
	_ =	sdelay $0x4  }
0xcd: {  	[tilespmem:$0x15820] =	vst v1  }
0xce: {  	v1 =	vld [tilespmem:s15+$0x14B80];
	_ =	sdelay $0x4  }
0xcf: {  	[tilespmem:$0x158A0] =	vst v1  }
0xd0: {  	v1 =	vld [tilespmem:s15+$0x14000];
	_ =	sdelay $0x4  }
0xd1: {  	[tilespmem:$0x17120] =	vst v1  }
0xd2: {  	v1 =	vld [tilespmem:s15+$0x14C00];
	_ =	sdelay $0x4  }
0xd3: {  	[tilespmem:$0x171A0] =	vst v1  }
0xd4: {  	[tilespmem:s28], [sflag:$0x1] =	stream.indirect.gather [hbm4b:s4+s25], $0x80, s26, s25, $0xb8;
	[tilespmem:$0x1B200] =	vst v63  }
0xd5: {  	_ = 	snop  }
0xd6: {  	[tilespmem:s30], [sflag:$0x2] =	stream.indirect.gather [hbm4b:s4+s25], $0x80, s29, s25, $0xb8;
	[tilespmem:$0x1B200] =	vst v63  }
0xd7: {  	_ =	swait.ge [sflag:s10], $0x1800  }
0xd8: {  	[sflag:s10] =	ssyncset.done $0x0  }
0xd9: {  	[sflag:s10] =	ssyncadd.s32 $0xFFFFE800  }
0xda: {  	[spmem:s2] =	stream.indirect.scatter.add.f32 [tilespmem:s28], [sflag:$0x3], $0x80, s31, s25, $0xb8;
	[tilespmem:$0x1B200] =	vst v63  }
0xdb: {  	_ =	swait.ge [sflag:s23], $0x1800  }
0xdc: {  	[sflag:s23] =	ssyncset.done $0x0  }
0xdd: {  	[sflag:s23] =	ssyncadd.s32 $0xFFFFE800  }
0xde: {  	s14 =	sadd.s32 $0x1, s14;
	_ =	swait.ge [sflag:s0], $0x1800  }
0xdf: {  	p1 =	sne.s32 s14, $0x9;
	[sflag:s0] =	ssyncset.done $0x0  }
.Ltmp4:
0xe0: {  	[sflag:s0] =	ssyncadd.s32 $0xFFFFE800;
	(pc) =	sbr.rel @p1 .LBB2_4-.Ltmp4, $4  }
0xe1: {  	[spmem:s2] =	stream.indirect.scatter.add.f32 [tilespmem:s30], [sflag:$0x3], $0x80, s1, s25, $0xb8;
	[tilespmem:$0x1B200] =	vst v63  }
0xe2: {  	_ =	swait.ge [sflag:s23], $0x1800  }
0xe3: {  	[sflag:s23] =	ssyncset.done $0x0  }
0xe4: {  	[sflag:s23] =	ssyncadd.s32 $0xFFFFE800  }
.Ltmp5:
0xe5: {  	(pc) =	sbr.rel @p0 .LBB2_11-.Ltmp5, $2  }
0xe6: {  	_ =	sdelay $0x1  }
0xe7: {  	[bflag:$0x0] =	sbarrier.arrive $0xFFFF;
	_ =	sdelay $0x1  }
0xe8: {  	[tilespmem:s22], [sflag:$0x3] =	stream.linear.gather [spmem:s13], $0x2800, $0x38;
	[tilespmem:$0x1B200] =	vst v63  }
0xe9: {  	p1 =	sne.s32 s11, $0x1;
	_ =	swait.ge [sflag:s23], $0x2800  }
.Ltmp6:
0xea: {  	[sflag:s23] =	ssyncset.done $0x0;
	(pc) =	sbr.rel @!p1 .LBB2_10-.Ltmp6, $4  }
0xeb: {  	[sflag:s23] =	ssyncadd.s32 $0xFFFFD800  }
0xec: {  	[hbm4b:s21+s3] =	stream.linear.scatter [tilespmem:s22], [sflag:$0x3], $0x2800, $0x38;
	[tilespmem:$0x1B200] =	vst v63  }
0xed: {  	s14 =	sadd.s32 $0xFFFFFFFF, s11;
	_ =	swait.ge [sflag:s23], $0x2800  }
0xee: {  	s15 =	smov.u32 s21;
	s16 =	smov.u32 s13;
	[sflag:s23] =	ssyncset.done $0x0  }
.LBB2_9:
0xef: {  	[sflag:s23] =	ssyncadd.s32 $0xFFFFD800;
	s15 =	sadd.s32 $0x500, s15;
	s16 =	sadd.s32 $0x2800, s16  }
0xf0: {  	[tilespmem:s22], [sflag:$0x3] =	stream.linear.gather [spmem:s16], $0x2800, $0x38;
	[tilespmem:$0x1B200] =	vst v63  }
0xf1: {  	p1 =	sne.s32 s14, $0x1;
	s14 =	sadd.s32 $0xFFFFFFFF, s14;
	_ =	swait.ge [sflag:s23], $0x2800  }
.Ltmp7:
0xf2: {  	[sflag:s23] =	ssyncset.done $0x0;
	(pc) =	sbr.rel @p1 .LBB2_9-.Ltmp7, $4  }
0xf3: {  	[sflag:s23] =	ssyncadd.s32 $0xFFFFD800  }
0xf4: {  	[hbm4b:s15+s3] =	stream.linear.scatter [tilespmem:s22], [sflag:$0x3], $0x2800, $0x38;
	[tilespmem:$0x1B200] =	vst v63  }
0xf5: {  	_ =	swait.ge [sflag:s23], $0x2800  }
0xf6: {  	[sflag:s23] =	ssyncset.done $0x0  }
.Ltmp8:
0xf7: {  	_ = 	snop;
	(pc) =	sbr.rel .LBB2_10-.Ltmp8, $1  }
0xf8: {  	_ =	sdelay $0x3  }
.LBB2_12:
0xf9: {  	_ =	sfence.sel $0x180000  }
0xfa: {  	[bflag:$0x0] =	sbarrier.arrive $0xFFFF  }
0xfb: {  	_ =	strace $0x9000004A  }
0xfc: {  	s0 =	stileid.u32;
	[bflag:$0x2] =	sbarrier.arrive $0xFFFF  }
0xfd: {  	p0 =	sne.s32 s0, $0x0;
	s0 =	rddreg [dreg:$0x2]  }
0xfe: {  	s0 =	sadd.s32 @!p0 $0x100000, s0  }
0xff: {  	[sflag:s0] =	ssyncadd.tile.s32 @!p0 $0x1;
	_ =	shalt  }
.Lfunc_end2:
_tile_overlayer_lowered:
.L_overlay_start_2:
0x100: {  	(tag) =	ssettag $0x2  }
0x101: {  	s0 =	rddreg [dreg:$0x0];
	s2 =	stileid.u32  }
0x102: {  	s1 =	rddreg [dreg:$0x1];
	p0 =	sne.s32 s2, $0x0  }
0x103: {  	s3 =	rddreg [dreg:$0x2];
	[bflag:$0x3] =	sbarrier.arrive $0xFFFF;
	s2 =	simm.s32 @!p0 $0x1C03  }
0x104: {  	[timem:s3], [sflag:s2] =	dma.local @!p0 [hbm:s0], s1  }
0x105: {  	s0 =	simm.s32 @!p0 $0x3  }
0x106: {  	_ =	swait.ge @!p0 [sflag:s0], s1  }
0x107: {  	s1 =	ssub.s32 @!p0 $0x0, s1;
	[sflag:s0] =	ssyncset.done @!p0 $0x0  }
0x108: {  	[sflag:s0] =	ssyncadd.s32 @!p0 s1  }
0x109: {  	[bflag:$0x3] =	sbarrier.arrive $0xFFFF  }
0x10a: {  	_ =	shalt  }

</sc_bundles>
